<compile_context>
chip_gen: v7x
topology: tpu7x:2x2x1
jax: 0.10.2.dev20260603
libtpu: 0.0.44.dev20260713+nightly
codegen_flags: <defaults>
</compile_context>

<pallas_src>
import functools

import jax
import jax.numpy as jnp
from jax import lax
from jax.experimental import pallas as pl
from jax.experimental.pallas import tpu as pltpu
from jax.experimental.pallas import tpu_sc as plsc

_B, _S, _L, _V, _D = 4096, 16, 200, 1000, 128
_VP = 1008
_NC, _NS = 2, 16
_NW = _NC * _NS
_BPW = _B // _NW
_NR = _B * _S
_RB = 256


def _sc_body(tok_hbm, span_hbm, bow_hbm, tokv, spanv,
             buf0, buf1, buf2, buf3, sem0, sem1, sem2, sem3):
  bufs = (buf0, buf1, buf2, buf3)
  sems = (sem0, sem1, sem2, sem3)
  wid = lax.axis_index("s") * _NC + lax.axis_index("c")
  b0 = wid * _BPW

  pltpu.sync_copy(tok_hbm.at[pl.ds(b0, _BPW)], tokv)
  pltpu.sync_copy(span_hbm.at[pl.ds(b0, _BPW)], spanv)

  neg1 = jnp.full((16,), -1, jnp.int32)
  for buf in bufs:
    for c in range(_VP // 16):
      buf[pl.ds(c * 16, 16)] = neg1

  iota16 = lax.broadcasted_iota(jnp.int32, (16,), 0)

  def bloop(i, _):
    sp_a = spanv[i, pl.ds(0, 16)]
    sp_b = spanv[i, pl.ds(16, 16)]
    for s in range(_S):
      k = s % 4
      buf = bufs[k]
      sem = sems[k]
      row = (b0 + i) * _S + s

      if s >= 4:
        pltpu.make_async_copy(buf, bow_hbm.at[0], sem).wait()
      else:
        @pl.when(i > 0)
        def _():
          pltpu.make_async_copy(buf, bow_hbm.at[0], sem).wait()

      sp = sp_a if s < 8 else sp_b
      lo = sp[(2 * s) % 16]
      hi = sp[(2 * s) % 16 + 1]
      sid = jnp.full((16,), row, jnp.int32)
      for c in range(13):
        off = 184 if c == 12 else c * 16
        tokc = tokv[i, pl.ds(off, 16)]
        pos = iota16 + off
        msk = (pos >= lo) & (pos < hi)
        plsc.store_scatter(buf, [tokc], sid, mask=msk)

      pltpu.async_copy(buf, bow_hbm.at[row], sem)
    return _

  lax.fori_loop(0, _BPW, bloop, None)
  for k in range(4):
    pltpu.make_async_copy(bufs[k], bow_hbm.at[0], sems[k]).wait()


@jax.jit
def _sc_scatter(tok, span2):
  mesh = plsc.VectorSubcoreMesh(core_axis_name="c", subcore_axis_name="s")
  return pl.kernel(
      _sc_body,
      out_type=jax.ShapeDtypeStruct((_NR, _VP), jnp.int32),
      mesh=mesh,
      compiler_params=pltpu.CompilerParams(needs_layout_passes=False),
      scratch_types=[
          pltpu.VMEM((_BPW, _L), jnp.int32),
          pltpu.VMEM((_BPW, 2 * _S), jnp.int32),
          pltpu.VMEM((_VP,), jnp.int32),
          pltpu.VMEM((_VP,), jnp.int32),
          pltpu.VMEM((_VP,), jnp.int32),
          pltpu.VMEM((_VP,), jnp.int32),
          pltpu.SemaphoreType.DMA,
          pltpu.SemaphoreType.DMA,
          pltpu.SemaphoreType.DMA,
          pltpu.SemaphoreType.DMA,
      ],
  )(tok, span2)


def _mm_body(bow_ref, wt_ref, b_ref, o_ref):
  rid = pl.program_id(0) * _RB + lax.broadcasted_iota(jnp.int32, (_RB, 1), 0)
  bow = (bow_ref[...] == rid).astype(jnp.float32)
  o_ref[...] = (
      jnp.dot(bow, wt_ref[...], preferred_element_type=jnp.float32)
      + b_ref[...]
  )


@jax.jit
def _mm(bow, wt, bias):
  return pl.pallas_call(
      _mm_body,
      grid=(_NR // _RB,),
      in_specs=[
          pl.BlockSpec((_RB, _VP), lambda i: (i, 0)),
          pl.BlockSpec((_VP, _D), lambda i: (0, 0)),
          pl.BlockSpec((1, _D), lambda i: (0, 0)),
      ],
      out_specs=pl.BlockSpec((_RB, _D), lambda i: (i, 0)),
      out_shape=jax.ShapeDtypeStruct((_NR, _D), jnp.float32),
  )(bow, wt, bias)


def kernel(input, span_idxs, W, b):
  span2 = span_idxs.reshape(_B, 2 * _S)
  bow = _sc_scatter(input, span2)
  wt = jnp.concatenate(
      [W.T, jnp.zeros((_VP - _V, _D), jnp.float32)], axis=0)
  out = _mm(bow, wt, b.reshape(1, _D))
  return out.reshape(_B, _S, _D)

# --- scband reference (transcript-rebuilt; emitter-appended) ---
"""Pipeline reference for scband-bow-30631706755077 (READ-ONLY COPY).

The authoritative reference and input builder live on the scoring server;
editing this copy changes nothing except your own understanding.
"""

import jax, jax.numpy as jnp
import numpy as np

B, S, L, V, D = 4096, 16, 200, 1000, 128


def setup_inputs(seed: int = 0) -> dict:
    key = jax.random.key(seed)
    k1, k2, k3 = jax.random.split(key, 3)
    inp = jax.random.randint(k1, (B, L), 0, V, dtype=jnp.int32)
    span_idxs = jnp.sort(jax.random.randint(k2, (B, S, 2), 0, L, dtype=jnp.int32), axis=-1)
    W = jax.random.normal(k3, (D, V), dtype=jnp.float32) * 0.02
    b = jnp.zeros((D,), dtype=jnp.float32)
    return {"input": inp, "span_idxs": span_idxs, "W": W, "b": b}


def reference(input, span_idxs, W, b):
    # vocab is the identity mapping: token id -> vocab index (len(vocab) == V)
    positions = jnp.arange(L)
    lo = span_idxs[..., 0:1]  # [B, S, 1]
    hi = span_idxs[..., 1:2]  # [B, S, 1]
    mask = (positions[None, None, :] >= lo) & (positions[None, None, :] < hi)  # [B, S, L]
    mask_f = mask.astype(jnp.float32)
    b_idx = jnp.arange(B)[:, None, None]
    s_idx = jnp.arange(S)[None, :, None]
    tok = input[:, None, :]  # [B, 1, L] -> broadcasts to [B, S, L]
    # batch_bow[k][s][token_ids] = 1 for tokens inside span [i, j)
    bow = jnp.zeros((B, S, V), dtype=jnp.float32).at[b_idx, s_idx, tok].max(mask_f)
    # nn.Linear(V, D): out = bow @ W.T + b
    out = jnp.einsum('bsv,dv->bsd', bow, W) + b
    return out

if __name__ == "__main__":
    import jax
    _d = setup_inputs()
    print(jax.jit(kernel)(*tuple(_d.values())))

</pallas_src>

<mosaic_0001>
#map = affine_map<(d0, d1) -> (0, 0)>
module attributes {stable_mosaic.version = 14 : i64} {
  func.func @_sc_body(%arg0: i32, %arg1: i32, %arg2: memref<4096x200xi32, #tpu.memory_space<hbm>>, %arg3: memref<4096x32xi32, #tpu.memory_space<hbm>>, %arg4: memref<65536x1008xi32, #tpu.memory_space<hbm>>, %arg5: memref<128x200xi32, #tpu.memory_space<vmem>>, %arg6: memref<128x32xi32, #tpu.memory_space<vmem>>, %arg7: memref<1008xi32, #tpu.memory_space<vmem>>, %arg8: memref<1008xi32, #tpu.memory_space<vmem>>, %arg9: memref<1008xi32, #tpu.memory_space<vmem>>, %arg10: memref<1008xi32, #tpu.memory_space<vmem>>, %arg11: memref<!tpu.dma_semaphore, #tpu.memory_space<semaphore_mem>>, %arg12: memref<!tpu.dma_semaphore, #tpu.memory_space<semaphore_mem>>, %arg13: memref<!tpu.dma_semaphore, #tpu.memory_space<semaphore_mem>>, %arg14: memref<!tpu.dma_semaphore, #tpu.memory_space<semaphore_mem>>) attributes {dimension_semantics = [#tpu.dimension_semantics<core_parallel>, #tpu.dimension_semantics<subcore_parallel>], iteration_bounds = array<i64: 2, 16>, scalar_prefetch = 0 : i64, scratch_operands = 10 : i64, tpu.core_type = #tpu.core_type<sc_vector_subcore>, window_params = [{transform_indices = #map}, {transform_indices = #map}, {transform_indices = #map}]} {
    %mul3A = arith.constant 2 : i32
    %mul3A_0 = arith.muli %arg1, %mul3A : i32
    %add3A = arith.addi %mul3A_0, %arg0 : i32
    %mul3A_1 = arith.constant 128 : i32
    %mul3A_2 = arith.muli %add3A, %mul3A_1 : i32
    "tpu.region"() ({
      %run_scoped3A = tpu.sem_alloc : memref<!tpu.dma_semaphore, #tpu.memory_space<semaphore_mem>>
      %dma_start3A = arith.constant 0 : i32
      %dma_start3A_538 = tpu.memref_slice %arg2[%mul3A_2, %dma_start3A] : memref<4096x200xi32, #tpu.memory_space<hbm>> -> memref<128x200xi32, #tpu.memory_space<hbm>>
      %dma_start3A_539 = arith.constant 0 : i32
      %dma_start3A_540 = tpu.memref_slice %arg2[%mul3A_2, %dma_start3A_539] : memref<4096x200xi32, #tpu.memory_space<hbm>> -> memref<128x200xi32, #tpu.memory_space<hbm>>
      tpu.enqueue_dma source(%dma_start3A_540 : memref<128x200xi32, #tpu.memory_space<hbm>>) target(%arg5 : memref<128x200xi32, #tpu.memory_space<vmem>>) target_semaphore(%run_scoped3A : memref<!tpu.dma_semaphore, #tpu.memory_space<semaphore_mem>>)
      %dma_wait3A_541 = arith.constant 0 : i32
      %dma_wait3A_542 = tpu.memref_slice %arg2[%mul3A_2, %dma_wait3A_541] : memref<4096x200xi32, #tpu.memory_space<hbm>> -> memref<128x200xi32, #tpu.memory_space<hbm>>
      %dma_wait3A_543 = arith.constant 0 : i32
      %dma_wait3A_544 = tpu.memref_slice %arg2[%mul3A_2, %dma_wait3A_543] : memref<4096x200xi32, #tpu.memory_space<hbm>> -> memref<128x200xi32, #tpu.memory_space<hbm>>
      tpu.wait_dma2 semaphore(%run_scoped3A : memref<!tpu.dma_semaphore, #tpu.memory_space<semaphore_mem>>) src(%dma_wait3A_544 : memref<128x200xi32, #tpu.memory_space<hbm>>) dst(%arg5 : memref<128x200xi32, #tpu.memory_space<vmem>>)
      tpu.yield
    }) : () -> ()
    "tpu.region"() ({
      %run_scoped3A = tpu.sem_alloc : memref<!tpu.dma_semaphore, #tpu.memory_space<semaphore_mem>>
      %dma_start3A = arith.constant 0 : i32
      %dma_start3A_538 = tpu.memref_slice %arg3[%mul3A_2, %dma_start3A] : memref<4096x32xi32, #tpu.memory_space<hbm>> -> memref<128x32xi32, #tpu.memory_space<hbm>>
      %dma_start3A_539 = arith.constant 0 : i32
      %dma_start3A_540 = tpu.memref_slice %arg3[%mul3A_2, %dma_start3A_539] : memref<4096x32xi32, #tpu.memory_space<hbm>> -> memref<128x32xi32, #tpu.memory_space<hbm>>
      tpu.enqueue_dma source(%dma_start3A_540 : memref<128x32xi32, #tpu.memory_space<hbm>>) target(%arg6 : memref<128x32xi32, #tpu.memory_space<vmem>>) target_semaphore(%run_scoped3A : memref<!tpu.dma_semaphore, #tpu.memory_space<semaphore_mem>>)
      %dma_wait3A_541 = arith.constant 0 : i32
      %dma_wait3A_542 = tpu.memref_slice %arg3[%mul3A_2, %dma_wait3A_541] : memref<4096x32xi32, #tpu.memory_space<hbm>> -> memref<128x32xi32, #tpu.memory_space<hbm>>
      %dma_wait3A_543 = arith.constant 0 : i32
      %dma_wait3A_544 = tpu.memref_slice %arg3[%mul3A_2, %dma_wait3A_543] : memref<4096x32xi32, #tpu.memory_space<hbm>> -> memref<128x32xi32, #tpu.memory_space<hbm>>
      tpu.wait_dma2 semaphore(%run_scoped3A : memref<!tpu.dma_semaphore, #tpu.memory_space<semaphore_mem>>) src(%dma_wait3A_544 : memref<128x32xi32, #tpu.memory_space<hbm>>) dst(%arg6 : memref<128x32xi32, #tpu.memory_space<vmem>>)
      tpu.yield
    }) : () -> ()
    %broadcast_in_dim3A = arith.constant -1 : i32
    %broadcast_in_dim3A_3 = vector.broadcast %broadcast_in_dim3A : i32 to vector<16xi32>
    %swap3A = arith.constant 0 : index
    %swap3A_4 = tpu.vector_load %arg7[%swap3A] {strides = array<i32>} : memref<1008xi32, #tpu.memory_space<vmem>>, vector<16xi32>,
    tpu.vector_store %arg7[%swap3A], %broadcast_in_dim3A_3 {strides = array<i32>} : memref<1008xi32, #tpu.memory_space<vmem>>, vector<16xi32>,
    %swap3A_5 = arith.constant 16 : index
    %swap3A_6 = tpu.vector_load %arg7[%swap3A_5] {strides = array<i32>} : memref<1008xi32, #tpu.memory_space<vmem>>, vector<16xi32>,
    tpu.vector_store %arg7[%swap3A_5], %broadcast_in_dim3A_3 {strides = array<i32>} : memref<1008xi32, #tpu.memory_space<vmem>>, vector<16xi32>,
    %swap3A_7 = arith.constant 32 : index
    %swap3A_8 = tpu.vector_load %arg7[%swap3A_7] {strides = array<i32>} : memref<1008xi32, #tpu.memory_space<vmem>>, vector<16xi32>,
    tpu.vector_store %arg7[%swap3A_7], %broadcast_in_dim3A_3 {strides = array<i32>} : memref<1008xi32, #tpu.memory_space<vmem>>, vector<16xi32>,
    %swap3A_9 = arith.constant 48 : index
    %swap3A_10 = tpu.vector_load %arg7[%swap3A_9] {strides = array<i32>} : memref<1008xi32, #tpu.memory_space<vmem>>, vector<16xi32>,
    tpu.vector_store %arg7[%swap3A_9], %broadcast_in_dim3A_3 {strides = array<i32>} : memref<1008xi32, #tpu.memory_space<vmem>>, vector<16xi32>,
    %swap3A_11 = arith.constant 64 : index
    %swap3A_12 = tpu.vector_load %arg7[%swap3A_11] {strides = array<i32>} : memref<1008xi32, #tpu.memory_space<vmem>>, vector<16xi32>,
    tpu.vector_store %arg7[%swap3A_11], %broadcast_in_dim3A_3 {strides = array<i32>} : memref<1008xi32, #tpu.memory_space<vmem>>, vector<16xi32>,
    %swap3A_13 = arith.constant 80 : index
    %swap3A_14 = tpu.vector_load %arg7[%swap3A_13] {strides = array<i32>} : memref<1008xi32, #tpu.memory_space<vmem>>, vector<16xi32>,
    tpu.vector_store %arg7[%swap3A_13], %broadcast_in_dim3A_3 {strides = array<i32>} : memref<1008xi32, #tpu.memory_space<vmem>>, vector<16xi32>,
    %swap3A_15 = arith.constant 96 : index
    %swap3A_16 = tpu.vector_load %arg7[%swap3A_15] {strides = array<i32>} : memref<1008xi32, #tpu.memory_space<vmem>>, vector<16xi32>,
    tpu.vector_store %arg7[%swap3A_15], %broadcast_in_dim3A_3 {strides = array<i32>} : memref<1008xi32, #tpu.memory_space<vmem>>, vector<16xi32>,
    %swap3A_17 = arith.constant 112 : index
    %swap3A_18 = tpu.vector_load %arg7[%swap3A_17] {strides = array<i32>} : memref<1008xi32, #tpu.memory_space<vmem>>, vector<16xi32>,
    tpu.vector_store %arg7[%swap3A_17], %broadcast_in_dim3A_3 {strides = array<i32>} : memref<1008xi32, #tpu.memory_space<vmem>>, vector<16xi32>,
    %swap3A_19 = arith.constant 128 : index
    %swap3A_20 = tpu.vector_load %arg7[%swap3A_19] {strides = array<i32>} : memref<1008xi32, #tpu.memory_space<vmem>>, vector<16xi32>,
    tpu.vector_store %arg7[%swap3A_19], %broadcast_in_dim3A_3 {strides = array<i32>} : memref<1008xi32, #tpu.memory_space<vmem>>, vector<16xi32>,
    %swap3A_21 = arith.constant 144 : index
    %swap3A_22 = tpu.vector_load %arg7[%swap3A_21] {strides = array<i32>} : memref<1008xi32, #tpu.memory_space<vmem>>, vector<16xi32>,
    tpu.vector_store %arg7[%swap3A_21], %broadcast_in_dim3A_3 {strides = array<i32>} : memref<1008xi32, #tpu.memory_space<vmem>>, vector<16xi32>,
    %swap3A_23 = arith.constant 160 : index
    %swap3A_24 = tpu.vector_load %arg7[%swap3A_23] {strides = array<i32>} : memref<1008xi32, #tpu.memory_space<vmem>>, vector<16xi32>,
    tpu.vector_store %arg7[%swap3A_23], %broadcast_in_dim3A_3 {strides = array<i32>} : memref<1008xi32, #tpu.memory_space<vmem>>, vector<16xi32>,
    %swap3A_25 = arith.constant 176 : index
    %swap3A_26 = tpu.vector_load %arg7[%swap3A_25] {strides = array<i32>} : memref<1008xi32, #tpu.memory_space<vmem>>, vector<16xi32>,
    tpu.vector_store %arg7[%swap3A_25], %broadcast_in_dim3A_3 {strides = array<i32>} : memref<1008xi32, #tpu.memory_space<vmem>>, vector<16xi32>,
    %swap3A_27 = arith.constant 192 : index
    %swap3A_28 = tpu.vector_load %arg7[%swap3A_27] {strides = array<i32>} : memref<1008xi32, #tpu.memory_space<vmem>>, vector<16xi32>,
    tpu.vector_store %arg7[%swap3A_27], %broadcast_in_dim3A_3 {strides = array<i32>} : memref<1008xi32, #tpu.memory_space<vmem>>, vector<16xi32>,
    %swap3A_29 = arith.constant 208 : index
    %swap3A_30 = tpu.vector_load %arg7[%swap3A_29] {strides = array<i32>} : memref<1008xi32, #tpu.memory_space<vmem>>, vector<16xi32>,
    tpu.vector_store %arg7[%swap3A_29], %broadcast_in_dim3A_3 {strides = array<i32>} : memref<1008xi32, #tpu.memory_space<vmem>>, vector<16xi32>,
    %swap3A_31 = arith.constant 224 : index
    %swap3A_32 = tpu.vector_load %arg7[%swap3A_31] {strides = array<i32>} : memref<1008xi32, #tpu.memory_space<vmem>>, vector<16xi32>,
    tpu.vector_store %arg7[%swap3A_31], %broadcast_in_dim3A_3 {strides = array<i32>} : memref<1008xi32, #tpu.memory_space<vmem>>, vector<16xi32>,
    %swap3A_33 = arith.constant 240 : index
    %swap3A_34 = tpu.vector_load %arg7[%swap3A_33] {strides = array<i32>} : memref<1008xi32, #tpu.memory_space<vmem>>, vector<16xi32>,
    tpu.vector_store %arg7[%swap3A_33], %broadcast_in_dim3A_3 {strides = array<i32>} : memref<1008xi32, #tpu.memory_space<vmem>>, vector<16xi32>,
    %swap3A_35 = arith.constant 256 : index
    %swap3A_36 = tpu.vector_load %arg7[%swap3A_35] {strides = array<i32>} : memref<1008xi32, #tpu.memory_space<vmem>>, vector<16xi32>,
    tpu.vector_store %arg7[%swap3A_35], %broadcast_in_dim3A_3 {strides = array<i32>} : memref<1008xi32, #tpu.memory_space<vmem>>, vector<16xi32>,
    %swap3A_37 = arith.constant 272 : index
    %swap3A_38 = tpu.vector_load %arg7[%swap3A_37] {strides = array<i32>} : memref<1008xi32, #tpu.memory_space<vmem>>, vector<16xi32>,
    tpu.vector_store %arg7[%swap3A_37], %broadcast_in_dim3A_3 {strides = array<i32>} : memref<1008xi32, #tpu.memory_space<vmem>>, vector<16xi32>,
    %swap3A_39 = arith.constant 288 : index
    %swap3A_40 = tpu.vector_load %arg7[%swap3A_39] {strides = array<i32>} : memref<1008xi32, #tpu.memory_space<vmem>>, vector<16xi32>,
    tpu.vector_store %arg7[%swap3A_39], %broadcast_in_dim3A_3 {strides = array<i32>} : memref<1008xi32, #tpu.memory_space<vmem>>, vector<16xi32>,
    %swap3A_41 = arith.constant 304 : index
    %swap3A_42 = tpu.vector_load %arg7[%swap3A_41] {strides = array<i32>} : memref<1008xi32, #tpu.memory_space<vmem>>, vector<16xi32>,
    tpu.vector_store %arg7[%swap3A_41], %broadcast_in_dim3A_3 {strides = array<i32>} : memref<1008xi32, #tpu.memory_space<vmem>>, vector<16xi32>,
    %swap3A_43 = arith.constant 320 : index
    %swap3A_44 = tpu.vector_load %arg7[%swap3A_43] {strides = array<i32>} : memref<1008xi32, #tpu.memory_space<vmem>>, vector<16xi32>,
    tpu.vector_store %arg7[%swap3A_43], %broadcast_in_dim3A_3 {strides = array<i32>} : memref<1008xi32, #tpu.memory_space<vmem>>, vector<16xi32>,
    %swap3A_45 = arith.constant 336 : index
    %swap3A_46 = tpu.vector_load %arg7[%swap3A_45] {strides = array<i32>} : memref<1008xi32, #tpu.memory_space<vmem>>, vector<16xi32>,
    tpu.vector_store %arg7[%swap3A_45], %broadcast_in_dim3A_3 {strides = array<i32>} : memref<1008xi32, #tpu.memory_space<vmem>>, vector<16xi32>,
    %swap3A_47 = arith.constant 352 : index
    %swap3A_48 = tpu.vector_load %arg7[%swap3A_47] {strides = array<i32>} : memref<1008xi32, #tpu.memory_space<vmem>>, vector<16xi32>,
    tpu.vector_store %arg7[%swap3A_47], %broadcast_in_dim3A_3 {strides = array<i32>} : memref<1008xi32, #tpu.memory_space<vmem>>, vector<16xi32>,
    %swap3A_49 = arith.constant 368 : index
    %swap3A_50 = tpu.vector_load %arg7[%swap3A_49] {strides = array<i32>} : memref<1008xi32, #tpu.memory_space<vmem>>, vector<16xi32>,
    tpu.vector_store %arg7[%swap3A_49], %broadcast_in_dim3A_3 {strides = array<i32>} : memref<1008xi32, #tpu.memory_space<vmem>>, vector<16xi32>,
    %swap3A_51 = arith.constant 384 : index
    %swap3A_52 = tpu.vector_load %arg7[%swap3A_51] {strides = array<i32>} : memref<1008xi32, #tpu.memory_space<vmem>>, vector<16xi32>,
    tpu.vector_store %arg7[%swap3A_51], %broadcast_in_dim3A_3 {strides = array<i32>} : memref<1008xi32, #tpu.memory_space<vmem>>, vector<16xi32>,
    %swap3A_53 = arith.constant 400 : index
    %swap3A_54 = tpu.vector_load %arg7[%swap3A_53] {strides = array<i32>} : memref<1008xi32, #tpu.memory_space<vmem>>, vector<16xi32>,
    tpu.vector_store %arg7[%swap3A_53], %broadcast_in_dim3A_3 {strides = array<i32>} : memref<1008xi32, #tpu.memory_space<vmem>>, vector<16xi32>,
    %swap3A_55 = arith.constant 416 : index
    %swap3A_56 = tpu.vector_load %arg7[%swap3A_55] {strides = array<i32>} : memref<1008xi32, #tpu.memory_space<vmem>>, vector<16xi32>,
    tpu.vector_store %arg7[%swap3A_55], %broadcast_in_dim3A_3 {strides = array<i32>} : memref<1008xi32, #tpu.memory_space<vmem>>, vector<16xi32>,
    %swap3A_57 = arith.constant 432 : index
    %swap3A_58 = tpu.vector_load %arg7[%swap3A_57] {strides = array<i32>} : memref<1008xi32, #tpu.memory_space<vmem>>, vector<16xi32>,
    tpu.vector_store %arg7[%swap3A_57], %broadcast_in_dim3A_3 {strides = array<i32>} : memref<1008xi32, #tpu.memory_space<vmem>>, vector<16xi32>,
    %swap3A_59 = arith.constant 448 : index
    %swap3A_60 = tpu.vector_load %arg7[%swap3A_59] {strides = array<i32>} : memref<1008xi32, #tpu.memory_space<vmem>>, vector<16xi32>,
    tpu.vector_store %arg7[%swap3A_59], %broadcast_in_dim3A_3 {strides = array<i32>} : memref<1008xi32, #tpu.memory_space<vmem>>, vector<16xi32>,
    %swap3A_61 = arith.constant 464 : index
    %swap3A_62 = tpu.vector_load %arg7[%swap3A_61] {strides = array<i32>} : memref<1008xi32, #tpu.memory_space<vmem>>, vector<16xi32>,
    tpu.vector_store %arg7[%swap3A_61], %broadcast_in_dim3A_3 {strides = array<i32>} : memref<1008xi32, #tpu.memory_space<vmem>>, vector<16xi32>,
    %swap3A_63 = arith.constant 480 : index
    %swap3A_64 = tpu.vector_load %arg7[%swap3A_63] {strides = array<i32>} : memref<1008xi32, #tpu.memory_space<vmem>>, vector<16xi32>,
    tpu.vector_store %arg7[%swap3A_63], %broadcast_in_dim3A_3 {strides = array<i32>} : memref<1008xi32, #tpu.memory_space<vmem>>, vector<16xi32>,
    %swap3A_65 = arith.constant 496 : index
    %swap3A_66 = tpu.vector_load %arg7[%swap3A_65] {strides = array<i32>} : memref<1008xi32, #tpu.memory_space<vmem>>, vector<16xi32>,
    tpu.vector_store %arg7[%swap3A_65], %broadcast_in_dim3A_3 {strides = array<i32>} : memref<1008xi32, #tpu.memory_space<vmem>>, vector<16xi32>,
    %swap3A_67 = arith.constant 512 : index
    %swap3A_68 = tpu.vector_load %arg7[%swap3A_67] {strides = array<i32>} : memref<1008xi32, #tpu.memory_space<vmem>>, vector<16xi32>,
    tpu.vector_store %arg7[%swap3A_67], %broadcast_in_dim3A_3 {strides = array<i32>} : memref<1008xi32, #tpu.memory_space<vmem>>, vector<16xi32>,
    %swap3A_69 = arith.constant 528 : index
    %swap3A_70 = tpu.vector_load %arg7[%swap3A_69] {strides = array<i32>} : memref<1008xi32, #tpu.memory_space<vmem>>, vector<16xi32>,
    tpu.vector_store %arg7[%swap3A_69], %broadcast_in_dim3A_3 {strides = array<i32>} : memref<1008xi32, #tpu.memory_space<vmem>>, vector<16xi32>,
    %swap3A_71 = arith.constant 544 : index
    %swap3A_72 = tpu.vector_load %arg7[%swap3A_71] {strides = array<i32>} : memref<1008xi32, #tpu.memory_space<vmem>>, vector<16xi32>,
    tpu.vector_store %arg7[%swap3A_71], %broadcast_in_dim3A_3 {strides = array<i32>} : memref<1008xi32, #tpu.memory_space<vmem>>, vector<16xi32>,
    %swap3A_73 = arith.constant 560 : index
    %swap3A_74 = tpu.vector_load %arg7[%swap3A_73] {strides = array<i32>} : memref<1008xi32, #tpu.memory_space<vmem>>, vector<16xi32>,
    tpu.vector_store %arg7[%swap3A_73], %broadcast_in_dim3A_3 {strides = array<i32>} : memref<1008xi32, #tpu.memory_space<vmem>>, vector<16xi32>,
    %swap3A_75 = arith.constant 576 : index
    %swap3A_76 = tpu.vector_load %arg7[%swap3A_75] {strides = array<i32>} : memref<1008xi32, #tpu.memory_space<vmem>>, vector<16xi32>,
    tpu.vector_store %arg7[%swap3A_75], %broadcast_in_dim3A_3 {strides = array<i32>} : memref<1008xi32, #tpu.memory_space<vmem>>, vector<16xi32>,
    %swap3A_77 = arith.constant 592 : index
    %swap3A_78 = tpu.vector_load %arg7[%swap3A_77] {strides = array<i32>} : memref<1008xi32, #tpu.memory_space<vmem>>, vector<16xi32>,
    tpu.vector_store %arg7[%swap3A_77], %broadcast_in_dim3A_3 {strides = array<i32>} : memref<1008xi32, #tpu.memory_space<vmem>>, vector<16xi32>,
    %swap3A_79 = arith.constant 608 : index
    %swap3A_80 = tpu.vector_load %arg7[%swap3A_79] {strides = array<i32>} : memref<1008xi32, #tpu.memory_space<vmem>>, vector<16xi32>,
    tpu.vector_store %arg7[%swap3A_79], %broadcast_in_dim3A_3 {strides = array<i32>} : memref<1008xi32, #tpu.memory_space<vmem>>, vector<16xi32>,
    %swap3A_81 = arith.constant 624 : index
    %swap3A_82 = tpu.vector_load %arg7[%swap3A_81] {strides = array<i32>} : memref<1008xi32, #tpu.memory_space<vmem>>, vector<16xi32>,
    tpu.vector_store %arg7[%swap3A_81], %broadcast_in_dim3A_3 {strides = array<i32>} : memref<1008xi32, #tpu.memory_space<vmem>>, vector<16xi32>,
    %swap3A_83 = arith.constant 640 : index
    %swap3A_84 = tpu.vector_load %arg7[%swap3A_83] {strides = array<i32>} : memref<1008xi32, #tpu.memory_space<vmem>>, vector<16xi32>,
    tpu.vector_store %arg7[%swap3A_83], %broadcast_in_dim3A_3 {strides = array<i32>} : memref<1008xi32, #tpu.memory_space<vmem>>, vector<16xi32>,
    %swap3A_85 = arith.constant 656 : index
    %swap3A_86 = tpu.vector_load %arg7[%swap3A_85] {strides = array<i32>} : memref<1008xi32, #tpu.memory_space<vmem>>, vector<16xi32>,
    tpu.vector_store %arg7[%swap3A_85], %broadcast_in_dim3A_3 {strides = array<i32>} : memref<1008xi32, #tpu.memory_space<vmem>>, vector<16xi32>,
    %swap3A_87 = arith.constant 672 : index
    %swap3A_88 = tpu.vector_load %arg7[%swap3A_87] {strides = array<i32>} : memref<1008xi32, #tpu.memory_space<vmem>>, vector<16xi32>,
    tpu.vector_store %arg7[%swap3A_87], %broadcast_in_dim3A_3 {strides = array<i32>} : memref<1008xi32, #tpu.memory_space<vmem>>, vector<16xi32>,
    %swap3A_89 = arith.constant 688 : index
    %swap3A_90 = tpu.vector_load %arg7[%swap3A_89] {strides = array<i32>} : memref<1008xi32, #tpu.memory_space<vmem>>, vector<16xi32>,
    tpu.vector_store %arg7[%swap3A_89], %broadcast_in_dim3A_3 {strides = array<i32>} : memref<1008xi32, #tpu.memory_space<vmem>>, vector<16xi32>,
    %swap3A_91 = arith.constant 704 : index
    %swap3A_92 = tpu.vector_load %arg7[%swap3A_91] {strides = array<i32>} : memref<1008xi32, #tpu.memory_space<vmem>>, vector<16xi32>,
    tpu.vector_store %arg7[%swap3A_91], %broadcast_in_dim3A_3 {strides = array<i32>} : memref<1008xi32, #tpu.memory_space<vmem>>, vector<16xi32>,
    %swap3A_93 = arith.constant 720 : index
    %swap3A_94 = tpu.vector_load %arg7[%swap3A_93] {strides = array<i32>} : memref<1008xi32, #tpu.memory_space<vmem>>, vector<16xi32>,
    tpu.vector_store %arg7[%swap3A_93], %broadcast_in_dim3A_3 {strides = array<i32>} : memref<1008xi32, #tpu.memory_space<vmem>>, vector<16xi32>,
    %swap3A_95 = arith.constant 736 : index
    %swap3A_96 = tpu.vector_load %arg7[%swap3A_95] {strides = array<i32>} : memref<1008xi32, #tpu.memory_space<vmem>>, vector<16xi32>,
    tpu.vector_store %arg7[%swap3A_95], %broadcast_in_dim3A_3 {strides = array<i32>} : memref<1008xi32, #tpu.memory_space<vmem>>, vector<16xi32>,
    %swap3A_97 = arith.constant 752 : index
    %swap3A_98 = tpu.vector_load %arg7[%swap3A_97] {strides = array<i32>} : memref<1008xi32, #tpu.memory_space<vmem>>, vector<16xi32>,
    tpu.vector_store %arg7[%swap3A_97], %broadcast_in_dim3A_3 {strides = array<i32>} : memref<1008xi32, #tpu.memory_space<vmem>>, vector<16xi32>,
    %swap3A_99 = arith.constant 768 : index
    %swap3A_100 = tpu.vector_load %arg7[%swap3A_99] {strides = array<i32>} : memref<1008xi32, #tpu.memory_space<vmem>>, vector<16xi32>,
    tpu.vector_store %arg7[%swap3A_99], %broadcast_in_dim3A_3 {strides = array<i32>} : memref<1008xi32, #tpu.memory_space<vmem>>, vector<16xi32>,
    %swap3A_101 = arith.constant 784 : index
    %swap3A_102 = tpu.vector_load %arg7[%swap3A_101] {strides = array<i32>} : memref<1008xi32, #tpu.memory_space<vmem>>, vector<16xi32>,
    tpu.vector_store %arg7[%swap3A_101], %broadcast_in_dim3A_3 {strides = array<i32>} : memref<1008xi32, #tpu.memory_space<vmem>>, vector<16xi32>,
    %swap3A_103 = arith.constant 800 : index
    %swap3A_104 = tpu.vector_load %arg7[%swap3A_103] {strides = array<i32>} : memref<1008xi32, #tpu.memory_space<vmem>>, vector<16xi32>,
    tpu.vector_store %arg7[%swap3A_103], %broadcast_in_dim3A_3 {strides = array<i32>} : memref<1008xi32, #tpu.memory_space<vmem>>, vector<16xi32>,
    %swap3A_105 = arith.constant 816 : index
    %swap3A_106 = tpu.vector_load %arg7[%swap3A_105] {strides = array<i32>} : memref<1008xi32, #tpu.memory_space<vmem>>, vector<16xi32>,
    tpu.vector_store %arg7[%swap3A_105], %broadcast_in_dim3A_3 {strides = array<i32>} : memref<1008xi32, #tpu.memory_space<vmem>>, vector<16xi32>,
    %swap3A_107 = arith.constant 832 : index
    %swap3A_108 = tpu.vector_load %arg7[%swap3A_107] {strides = array<i32>} : memref<1008xi32, #tpu.memory_space<vmem>>, vector<16xi32>,
    tpu.vector_store %arg7[%swap3A_107], %broadcast_in_dim3A_3 {strides = array<i32>} : memref<1008xi32, #tpu.memory_space<vmem>>, vector<16xi32>,
    %swap3A_109 = arith.constant 848 : index
    %swap3A_110 = tpu.vector_load %arg7[%swap3A_109] {strides = array<i32>} : memref<1008xi32, #tpu.memory_space<vmem>>, vector<16xi32>,
    tpu.vector_store %arg7[%swap3A_109], %broadcast_in_dim3A_3 {strides = array<i32>} : memref<1008xi32, #tpu.memory_space<vmem>>, vector<16xi32>,
    %swap3A_111 = arith.constant 864 : index
    %swap3A_112 = tpu.vector_load %arg7[%swap3A_111] {strides = array<i32>} : memref<1008xi32, #tpu.memory_space<vmem>>, vector<16xi32>,
    tpu.vector_store %arg7[%swap3A_111], %broadcast_in_dim3A_3 {strides = array<i32>} : memref<1008xi32, #tpu.memory_space<vmem>>, vector<16xi32>,
    %swap3A_113 = arith.constant 880 : index
    %swap3A_114 = tpu.vector_load %arg7[%swap3A_113] {strides = array<i32>} : memref<1008xi32, #tpu.memory_space<vmem>>, vector<16xi32>,
    tpu.vector_store %arg7[%swap3A_113], %broadcast_in_dim3A_3 {strides = array<i32>} : memref<1008xi32, #tpu.memory_space<vmem>>, vector<16xi32>,
    %swap3A_115 = arith.constant 896 : index
    %swap3A_116 = tpu.vector_load %arg7[%swap3A_115] {strides = array<i32>} : memref<1008xi32, #tpu.memory_space<vmem>>, vector<16xi32>,
    tpu.vector_store %arg7[%swap3A_115], %broadcast_in_dim3A_3 {strides = array<i32>} : memref<1008xi32, #tpu.memory_space<vmem>>, vector<16xi32>,
    %swap3A_117 = arith.constant 912 : index
    %swap3A_118 = tpu.vector_load %arg7[%swap3A_117] {strides = array<i32>} : memref<1008xi32, #tpu.memory_space<vmem>>, vector<16xi32>,
    tpu.vector_store %arg7[%swap3A_117], %broadcast_in_dim3A_3 {strides = array<i32>} : memref<1008xi32, #tpu.memory_space<vmem>>, vector<16xi32>,
    %swap3A_119 = arith.constant 928 : index
    %swap3A_120 = tpu.vector_load %arg7[%swap3A_119] {strides = array<i32>} : memref<1008xi32, #tpu.memory_space<vmem>>, vector<16xi32>,
    tpu.vector_store %arg7[%swap3A_119], %broadcast_in_dim3A_3 {strides = array<i32>} : memref<1008xi32, #tpu.memory_space<vmem>>, vector<16xi32>,
    %swap3A_121 = arith.constant 944 : index
    %swap3A_122 = tpu.vector_load %arg7[%swap3A_121] {strides = array<i32>} : memref<1008xi32, #tpu.memory_space<vmem>>, vector<16xi32>,
    tpu.vector_store %arg7[%swap3A_121], %broadcast_in_dim3A_3 {strides = array<i32>} : memref<1008xi32, #tpu.memory_space<vmem>>, vector<16xi32>,
    %swap3A_123 = arith.constant 960 : index
    %swap3A_124 = tpu.vector_load %arg7[%swap3A_123] {strides = array<i32>} : memref<1008xi32, #tpu.memory_space<vmem>>, vector<16xi32>,
    tpu.vector_store %arg7[%swap3A_123], %broadcast_in_dim3A_3 {strides = array<i32>} : memref<1008xi32, #tpu.memory_space<vmem>>, vector<16xi32>,
    %swap3A_125 = arith.constant 976 : index
    %swap3A_126 = tpu.vector_load %arg7[%swap3A_125] {strides = array<i32>} : memref<1008xi32, #tpu.memory_space<vmem>>, vector<16xi32>,
    tpu.vector_store %arg7[%swap3A_125], %broadcast_in_dim3A_3 {strides = array<i32>} : memref<1008xi32, #tpu.memory_space<vmem>>, vector<16xi32>,
    %swap3A_127 = arith.constant 992 : index
    %swap3A_128 = tpu.vector_load %arg7[%swap3A_127] {strides = array<i32>} : memref<1008xi32, #tpu.memory_space<vmem>>, vector<16xi32>,
    tpu.vector_store %arg7[%swap3A_127], %broadcast_in_dim3A_3 {strides = array<i32>} : memref<1008xi32, #tpu.memory_space<vmem>>, vector<16xi32>,
    %swap3A_129 = arith.constant 0 : index
    %swap3A_130 = tpu.vector_load %arg8[%swap3A_129] {strides = array<i32>} : memref<1008xi32, #tpu.memory_space<vmem>>, vector<16xi32>,
    tpu.vector_store %arg8[%swap3A_129], %broadcast_in_dim3A_3 {strides = array<i32>} : memref<1008xi32, #tpu.memory_space<vmem>>, vector<16xi32>,
    %swap3A_131 = arith.constant 16 : index
    %swap3A_132 = tpu.vector_load %arg8[%swap3A_131] {strides = array<i32>} : memref<1008xi32, #tpu.memory_space<vmem>>, vector<16xi32>,
    tpu.vector_store %arg8[%swap3A_131], %broadcast_in_dim3A_3 {strides = array<i32>} : memref<1008xi32, #tpu.memory_space<vmem>>, vector<16xi32>,
    %swap3A_133 = arith.constant 32 : index
    %swap3A_134 = tpu.vector_load %arg8[%swap3A_133] {strides = array<i32>} : memref<1008xi32, #tpu.memory_space<vmem>>, vector<16xi32>,
    tpu.vector_store %arg8[%swap3A_133], %broadcast_in_dim3A_3 {strides = array<i32>} : memref<1008xi32, #tpu.memory_space<vmem>>, vector<16xi32>,
    %swap3A_135 = arith.constant 48 : index
    %swap3A_136 = tpu.vector_load %arg8[%swap3A_135] {strides = array<i32>} : memref<1008xi32, #tpu.memory_space<vmem>>, vector<16xi32>,
    tpu.vector_store %arg8[%swap3A_135], %broadcast_in_dim3A_3 {strides = array<i32>} : memref<1008xi32, #tpu.memory_space<vmem>>, vector<16xi32>,
    %swap3A_137 = arith.constant 64 : index
    %swap3A_138 = tpu.vector_load %arg8[%swap3A_137] {strides = array<i32>} : memref<1008xi32, #tpu.memory_space<vmem>>, vector<16xi32>,
    tpu.vector_store %arg8[%swap3A_137], %broadcast_in_dim3A_3 {strides = array<i32>} : memref<1008xi32, #tpu.memory_space<vmem>>, vector<16xi32>,
    %swap3A_139 = arith.constant 80 : index
    %swap3A_140 = tpu.vector_load %arg8[%swap3A_139] {strides = array<i32>} : memref<1008xi32, #tpu.memory_space<vmem>>, vector<16xi32>,
    tpu.vector_store %arg8[%swap3A_139], %broadcast_in_dim3A_3 {strides = array<i32>} : memref<1008xi32, #tpu.memory_space<vmem>>, vector<16xi32>,
    %swap3A_141 = arith.constant 96 : index
    %swap3A_142 = tpu.vector_load %arg8[%swap3A_141] {strides = array<i32>} : memref<1008xi32, #tpu.memory_space<vmem>>, vector<16xi32>,
    tpu.vector_store %arg8[%swap3A_141], %broadcast_in_dim3A_3 {strides = array<i32>} : memref<1008xi32, #tpu.memory_space<vmem>>, vector<16xi32>,
    %swap3A_143 = arith.constant 112 : index
    %swap3A_144 = tpu.vector_load %arg8[%swap3A_143] {strides = array<i32>} : memref<1008xi32, #tpu.memory_space<vmem>>, vector<16xi32>,
    tpu.vector_store %arg8[%swap3A_143], %broadcast_in_dim3A_3 {strides = array<i32>} : memref<1008xi32, #tpu.memory_space<vmem>>, vector<16xi32>,
    %swap3A_145 = arith.constant 128 : index
    %swap3A_146 = tpu.vector_load %arg8[%swap3A_145] {strides = array<i32>} : memref<1008xi32, #tpu.memory_space<vmem>>, vector<16xi32>,
    tpu.vector_store %arg8[%swap3A_145], %broadcast_in_dim3A_3 {strides = array<i32>} : memref<1008xi32, #tpu.memory_space<vmem>>, vector<16xi32>,
    %swap3A_147 = arith.constant 144 : index
    %swap3A_148 = tpu.vector_load %arg8[%swap3A_147] {strides = array<i32>} : memref<1008xi32, #tpu.memory_space<vmem>>, vector<16xi32>,
    tpu.vector_store %arg8[%swap3A_147], %broadcast_in_dim3A_3 {strides = array<i32>} : memref<1008xi32, #tpu.memory_space<vmem>>, vector<16xi32>,
    %swap3A_149 = arith.constant 160 : index
    %swap3A_150 = tpu.vector_load %arg8[%swap3A_149] {strides = array<i32>} : memref<1008xi32, #tpu.memory_space<vmem>>, vector<16xi32>,
    tpu.vector_store %arg8[%swap3A_149], %broadcast_in_dim3A_3 {strides = array<i32>} : memref<1008xi32, #tpu.memory_space<vmem>>, vector<16xi32>,
    %swap3A_151 = arith.constant 176 : index
    %swap3A_152 = tpu.vector_load %arg8[%swap3A_151] {strides = array<i32>} : memref<1008xi32, #tpu.memory_space<vmem>>, vector<16xi32>,
    tpu.vector_store %arg8[%swap3A_151], %broadcast_in_dim3A_3 {strides = array<i32>} : memref<1008xi32, #tpu.memory_space<vmem>>, vector<16xi32>,
    %swap3A_153 = arith.constant 192 : index
    %swap3A_154 = tpu.vector_load %arg8[%swap3A_153] {strides = array<i32>} : memref<1008xi32, #tpu.memory_space<vmem>>, vector<16xi32>,
    tpu.vector_store %arg8[%swap3A_153], %broadcast_in_dim3A_3 {strides = array<i32>} : memref<1008xi32, #tpu.memory_space<vmem>>, vector<16xi32>,
    %swap3A_155 = arith.constant 208 : index
    %swap3A_156 = tpu.vector_load %arg8[%swap3A_155] {strides = array<i32>} : memref<1008xi32, #tpu.memory_space<vmem>>, vector<16xi32>,
    tpu.vector_store %arg8[%swap3A_155], %broadcast_in_dim3A_3 {strides = array<i32>} : memref<1008xi32, #tpu.memory_space<vmem>>, vector<16xi32>,
    %swap3A_157 = arith.constant 224 : index
    %swap3A_158 = tpu.vector_load %arg8[%swap3A_157] {strides = array<i32>} : memref<1008xi32, #tpu.memory_space<vmem>>, vector<16xi32>,
    tpu.vector_store %arg8[%swap3A_157], %broadcast_in_dim3A_3 {strides = array<i32>} : memref<1008xi32, #tpu.memory_space<vmem>>, vector<16xi32>,
    %swap3A_159 = arith.constant 240 : index
    %swap3A_160 = tpu.vector_load %arg8[%swap3A_159] {strides = array<i32>} : memref<1008xi32, #tpu.memory_space<vmem>>, vector<16xi32>,
    tpu.vector_store %arg8[%swap3A_159], %broadcast_in_dim3A_3 {strides = array<i32>} : memref<1008xi32, #tpu.memory_space<vmem>>, vector<16xi32>,
    %swap3A_161 = arith.constant 256 : index
    %swap3A_162 = tpu.vector_load %arg8[%swap3A_161] {strides = array<i32>} : memref<1008xi32, #tpu.memory_space<vmem>>, vector<16xi32>,
    tpu.vector_store %arg8[%swap3A_161], %broadcast_in_dim3A_3 {strides = array<i32>} : memref<1008xi32, #tpu.memory_space<vmem>>, vector<16xi32>,
    %swap3A_163 = arith.constant 272 : index
    %swap3A_164 = tpu.vector_load %arg8[%swap3A_163] {strides = array<i32>} : memref<1008xi32, #tpu.memory_space<vmem>>, vector<16xi32>,
    tpu.vector_store %arg8[%swap3A_163], %broadcast_in_dim3A_3 {strides = array<i32>} : memref<1008xi32, #tpu.memory_space<vmem>>, vector<16xi32>,
    %swap3A_165 = arith.constant 288 : index
    %swap3A_166 = tpu.vector_load %arg8[%swap3A_165] {strides = array<i32>} : memref<1008xi32, #tpu.memory_space<vmem>>, vector<16xi32>,
    tpu.vector_store %arg8[%swap3A_165], %broadcast_in_dim3A_3 {strides = array<i32>} : memref<1008xi32, #tpu.memory_space<vmem>>, vector<16xi32>,
    %swap3A_167 = arith.constant 304 : index
    %swap3A_168 = tpu.vector_load %arg8[%swap3A_167] {strides = array<i32>} : memref<1008xi32, #tpu.memory_space<vmem>>, vector<16xi32>,
    tpu.vector_store %arg8[%swap3A_167], %broadcast_in_dim3A_3 {strides = array<i32>} : memref<1008xi32, #tpu.memory_space<vmem>>, vector<16xi32>,
    %swap3A_169 = arith.constant 320 : index
    %swap3A_170 = tpu.vector_load %arg8[%swap3A_169] {strides = array<i32>} : memref<1008xi32, #tpu.memory_space<vmem>>, vector<16xi32>,
    tpu.vector_store %arg8[%swap3A_169], %broadcast_in_dim3A_3 {strides = array<i32>} : memref<1008xi32, #tpu.memory_space<vmem>>, vector<16xi32>,
    %swap3A_171 = arith.constant 336 : index
    %swap3A_172 = tpu.vector_load %arg8[%swap3A_171] {strides = array<i32>} : memref<1008xi32, #tpu.memory_space<vmem>>, vector<16xi32>,
    tpu.vector_store %arg8[%swap3A_171], %broadcast_in_dim3A_3 {strides = array<i32>} : memref<1008xi32, #tpu.memory_space<vmem>>, vector<16xi32>,
    %swap3A_173 = arith.constant 352 : index
    %swap3A_174 = tpu.vector_load %arg8[%swap3A_173] {strides = array<i32>} : memref<1008xi32, #tpu.memory_space<vmem>>, vector<16xi32>,
    tpu.vector_store %arg8[%swap3A_173], %broadcast_in_dim3A_3 {strides = array<i32>} : memref<1008xi32, #tpu.memory_space<vmem>>, vector<16xi32>,
    %swap3A_175 = arith.constant 368 : index
    %swap3A_176 = tpu.vector_load %arg8[%swap3A_175] {strides = array<i32>} : memref<1008xi32, #tpu.memory_space<vmem>>, vector<16xi32>,
    tpu.vector_store %arg8[%swap3A_175], %broadcast_in_dim3A_3 {strides = array<i32>} : memref<1008xi32, #tpu.memory_space<vmem>>, vector<16xi32>,
    %swap3A_177 = arith.constant 384 : index
    %swap3A_178 = tpu.vector_load %arg8[%swap3A_177] {strides = array<i32>} : memref<1008xi32, #tpu.memory_space<vmem>>, vector<16xi32>,
    tpu.vector_store %arg8[%swap3A_177], %broadcast_in_dim3A_3 {strides = array<i32>} : memref<1008xi32, #tpu.memory_space<vmem>>, vector<16xi32>,
    %swap3A_179 = arith.constant 400 : index
    %swap3A_180 = tpu.vector_load %arg8[%swap3A_179] {strides = array<i32>} : memref<1008xi32, #tpu.memory_space<vmem>>, vector<16xi32>,
    tpu.vector_store %arg8[%swap3A_179], %broadcast_in_dim3A_3 {strides = array<i32>} : memref<1008xi32, #tpu.memory_space<vmem>>, vector<16xi32>,
    %swap3A_181 = arith.constant 416 : index
    %swap3A_182 = tpu.vector_load %arg8[%swap3A_181] {strides = array<i32>} : memref<1008xi32, #tpu.memory_space<vmem>>, vector<16xi32>,
    tpu.vector_store %arg8[%swap3A_181], %broadcast_in_dim3A_3 {strides = array<i32>} : memref<1008xi32, #tpu.memory_space<vmem>>, vector<16xi32>,
    %swap3A_183 = arith.constant 432 : index
    %swap3A_184 = tpu.vector_load %arg8[%swap3A_183] {strides = array<i32>} : memref<1008xi32, #tpu.memory_space<vmem>>, vector<16xi32>,
    tpu.vector_store %arg8[%swap3A_183], %broadcast_in_dim3A_3 {strides = array<i32>} : memref<1008xi32, #tpu.memory_space<vmem>>, vector<16xi32>,
    %swap3A_185 = arith.constant 448 : index
    %swap3A_186 = tpu.vector_load %arg8[%swap3A_185] {strides = array<i32>} : memref<1008xi32, #tpu.memory_space<vmem>>, vector<16xi32>,
    tpu.vector_store %arg8[%swap3A_185], %broadcast_in_dim3A_3 {strides = array<i32>} : memref<1008xi32, #tpu.memory_space<vmem>>, vector<16xi32>,
    %swap3A_187 = arith.constant 464 : index
    %swap3A_188 = tpu.vector_load %arg8[%swap3A_187] {strides = array<i32>} : memref<1008xi32, #tpu.memory_space<vmem>>, vector<16xi32>,
    tpu.vector_store %arg8[%swap3A_187], %broadcast_in_dim3A_3 {strides = array<i32>} : memref<1008xi32, #tpu.memory_space<vmem>>, vector<16xi32>,
    %swap3A_189 = arith.constant 480 : index
    %swap3A_190 = tpu.vector_load %arg8[%swap3A_189] {strides = array<i32>} : memref<1008xi32, #tpu.memory_space<vmem>>, vector<16xi32>,
    tpu.vector_store %arg8[%swap3A_189], %broadcast_in_dim3A_3 {strides = array<i32>} : memref<1008xi32, #tpu.memory_space<vmem>>, vector<16xi32>,
    %swap3A_191 = arith.constant 496 : index
    %swap3A_192 = tpu.vector_load %arg8[%swap3A_191] {strides = array<i32>} : memref<1008xi32, #tpu.memory_space<vmem>>, vector<16xi32>,
    tpu.vector_store %arg8[%swap3A_191], %broadcast_in_dim3A_3 {strides = array<i32>} : memref<1008xi32, #tpu.memory_space<vmem>>, vector<16xi32>,
    %swap3A_193 = arith.constant 512 : index
    %swap3A_194 = tpu.vector_load %arg8[%swap3A_193] {strides = array<i32>} : memref<1008xi32, #tpu.memory_space<vmem>>, vector<16xi32>,
    tpu.vector_store %arg8[%swap3A_193], %broadcast_in_dim3A_3 {strides = array<i32>} : memref<1008xi32, #tpu.memory_space<vmem>>, vector<16xi32>,
    %swap3A_195 = arith.constant 528 : index
    %swap3A_196 = tpu.vector_load %arg8[%swap3A_195] {strides = array<i32>} : memref<1008xi32, #tpu.memory_space<vmem>>, vector<16xi32>,
    tpu.vector_store %arg8[%swap3A_195], %broadcast_in_dim3A_3 {strides = array<i32>} : memref<1008xi32, #tpu.memory_space<vmem>>, vector<16xi32>,
    %swap3A_197 = arith.constant 544 : index
    %swap3A_198 = tpu.vector_load %arg8[%swap3A_197] {strides = array<i32>} : memref<1008xi32, #tpu.memory_space<vmem>>, vector<16xi32>,
    tpu.vector_store %arg8[%swap3A_197], %broadcast_in_dim3A_3 {strides = array<i32>} : memref<1008xi32, #tpu.memory_space<vmem>>, vector<16xi32>,
    %swap3A_199 = arith.constant 560 : index
    %swap3A_200 = tpu.vector_load %arg8[%swap3A_199] {strides = array<i32>} : memref<1008xi32, #tpu.memory_space<vmem>>, vector<16xi32>,
    tpu.vector_store %arg8[%swap3A_199], %broadcast_in_dim3A_3 {strides = array<i32>} : memref<1008xi32, #tpu.memory_space<vmem>>, vector<16xi32>,
    %swap3A_201 = arith.constant 576 : index
    %swap3A_202 = tpu.vector_load %arg8[%swap3A_201] {strides = array<i32>} : memref<1008xi32, #tpu.memory_space<vmem>>, vector<16xi32>,
    tpu.vector_store %arg8[%swap3A_201], %broadcast_in_dim3A_3 {strides = array<i32>} : memref<1008xi32, #tpu.memory_space<vmem>>, vector<16xi32>,
    %swap3A_203 = arith.constant 592 : index
    %swap3A_204 = tpu.vector_load %arg8[%swap3A_203] {strides = array<i32>} : memref<1008xi32, #tpu.memory_space<vmem>>, vector<16xi32>,
    tpu.vector_store %arg8[%swap3A_203], %broadcast_in_dim3A_3 {strides = array<i32>} : memref<1008xi32, #tpu.memory_space<vmem>>, vector<16xi32>,
    %swap3A_205 = arith.constant 608 : index
    %swap3A_206 = tpu.vector_load %arg8[%swap3A_205] {strides = array<i32>} : memref<1008xi32, #tpu.memory_space<vmem>>, vector<16xi32>,
    tpu.vector_store %arg8[%swap3A_205], %broadcast_in_dim3A_3 {strides = array<i32>} : memref<1008xi32, #tpu.memory_space<vmem>>, vector<16xi32>,
    %swap3A_207 = arith.constant 624 : index
    %swap3A_208 = tpu.vector_load %arg8[%swap3A_207] {strides = array<i32>} : memref<1008xi32, #tpu.memory_space<vmem>>, vector<16xi32>,
    tpu.vector_store %arg8[%swap3A_207], %broadcast_in_dim3A_3 {strides = array<i32>} : memref<1008xi32, #tpu.memory_space<vmem>>, vector<16xi32>,
    %swap3A_209 = arith.constant 640 : index
    %swap3A_210 = tpu.vector_load %arg8[%swap3A_209] {strides = array<i32>} : memref<1008xi32, #tpu.memory_space<vmem>>, vector<16xi32>,
    tpu.vector_store %arg8[%swap3A_209], %broadcast_in_dim3A_3 {strides = array<i32>} : memref<1008xi32, #tpu.memory_space<vmem>>, vector<16xi32>,
    %swap3A_211 = arith.constant 656 : index
    %swap3A_212 = tpu.vector_load %arg8[%swap3A_211] {strides = array<i32>} : memref<1008xi32, #tpu.memory_space<vmem>>, vector<16xi32>,
    tpu.vector_store %arg8[%swap3A_211], %broadcast_in_dim3A_3 {strides = array<i32>} : memref<1008xi32, #tpu.memory_space<vmem>>, vector<16xi32>,
    %swap3A_213 = arith.constant 672 : index
    %swap3A_214 = tpu.vector_load %arg8[%swap3A_213] {strides = array<i32>} : memref<1008xi32, #tpu.memory_space<vmem>>, vector<16xi32>,
    tpu.vector_store %arg8[%swap3A_213], %broadcast_in_dim3A_3 {strides = array<i32>} : memref<1008xi32, #tpu.memory_space<vmem>>, vector<16xi32>,
    %swap3A_215 = arith.constant 688 : index
    %swap3A_216 = tpu.vector_load %arg8[%swap3A_215] {strides = array<i32>} : memref<1008xi32, #tpu.memory_space<vmem>>, vector<16xi32>,
    tpu.vector_store %arg8[%swap3A_215], %broadcast_in_dim3A_3 {strides = array<i32>} : memref<1008xi32, #tpu.memory_space<vmem>>, vector<16xi32>,
    %swap3A_217 = arith.constant 704 : index
    %swap3A_218 = tpu.vector_load %arg8[%swap3A_217] {strides = array<i32>} : memref<1008xi32, #tpu.memory_space<vmem>>, vector<16xi32>,
    tpu.vector_store %arg8[%swap3A_217], %broadcast_in_dim3A_3 {strides = array<i32>} : memref<1008xi32, #tpu.memory_space<vmem>>, vector<16xi32>,
    %swap3A_219 = arith.constant 720 : index
    %swap3A_220 = tpu.vector_load %arg8[%swap3A_219] {strides = array<i32>} : memref<1008xi32, #tpu.memory_space<vmem>>, vector<16xi32>,
    tpu.vector_store %arg8[%swap3A_219], %broadcast_in_dim3A_3 {strides = array<i32>} : memref<1008xi32, #tpu.memory_space<vmem>>, vector<16xi32>,
    %swap3A_221 = arith.constant 736 : index
    %swap3A_222 = tpu.vector_load %arg8[%swap3A_221] {strides = array<i32>} : memref<1008xi32, #tpu.memory_space<vmem>>, vector<16xi32>,
    tpu.vector_store %arg8[%swap3A_221], %broadcast_in_dim3A_3 {strides = array<i32>} : memref<1008xi32, #tpu.memory_space<vmem>>, vector<16xi32>,
    %swap3A_223 = arith.constant 752 : index
    %swap3A_224 = tpu.vector_load %arg8[%swap3A_223] {strides = array<i32>} : memref<1008xi32, #tpu.memory_space<vmem>>, vector<16xi32>,
    tpu.vector_store %arg8[%swap3A_223], %broadcast_in_dim3A_3 {strides = array<i32>} : memref<1008xi32, #tpu.memory_space<vmem>>, vector<16xi32>,
    %swap3A_225 = arith.constant 768 : index
    %swap3A_226 = tpu.vector_load %arg8[%swap3A_225] {strides = array<i32>} : memref<1008xi32, #tpu.memory_space<vmem>>, vector<16xi32>,
    tpu.vector_store %arg8[%swap3A_225], %broadcast_in_dim3A_3 {strides = array<i32>} : memref<1008xi32, #tpu.memory_space<vmem>>, vector<16xi32>,
    %swap3A_227 = arith.constant 784 : index
    %swap3A_228 = tpu.vector_load %arg8[%swap3A_227] {strides = array<i32>} : memref<1008xi32, #tpu.memory_space<vmem>>, vector<16xi32>,
    tpu.vector_store %arg8[%swap3A_227], %broadcast_in_dim3A_3 {strides = array<i32>} : memref<1008xi32, #tpu.memory_space<vmem>>, vector<16xi32>,
    %swap3A_229 = arith.constant 800 : index
    %swap3A_230 = tpu.vector_load %arg8[%swap3A_229] {strides = array<i32>} : memref<1008xi32, #tpu.memory_space<vmem>>, vector<16xi32>,
    tpu.vector_store %arg8[%swap3A_229], %broadcast_in_dim3A_3 {strides = array<i32>} : memref<1008xi32, #tpu.memory_space<vmem>>, vector<16xi32>,
    %swap3A_231 = arith.constant 816 : index
    %swap3A_232 = tpu.vector_load %arg8[%swap3A_231] {strides = array<i32>} : memref<1008xi32, #tpu.memory_space<vmem>>, vector<16xi32>,
    tpu.vector_store %arg8[%swap3A_231], %broadcast_in_dim3A_3 {strides = array<i32>} : memref<1008xi32, #tpu.memory_space<vmem>>, vector<16xi32>,
    %swap3A_233 = arith.constant 832 : index
    %swap3A_234 = tpu.vector_load %arg8[%swap3A_233] {strides = array<i32>} : memref<1008xi32, #tpu.memory_space<vmem>>, vector<16xi32>,
    tpu.vector_store %arg8[%swap3A_233], %broadcast_in_dim3A_3 {strides = array<i32>} : memref<1008xi32, #tpu.memory_space<vmem>>, vector<16xi32>,
    %swap3A_235 = arith.constant 848 : index
    %swap3A_236 = tpu.vector_load %arg8[%swap3A_235] {strides = array<i32>} : memref<1008xi32, #tpu.memory_space<vmem>>, vector<16xi32>,
    tpu.vector_store %arg8[%swap3A_235], %broadcast_in_dim3A_3 {strides = array<i32>} : memref<1008xi32, #tpu.memory_space<vmem>>, vector<16xi32>,
    %swap3A_237 = arith.constant 864 : index
    %swap3A_238 = tpu.vector_load %arg8[%swap3A_237] {strides = array<i32>} : memref<1008xi32, #tpu.memory_space<vmem>>, vector<16xi32>,
    tpu.vector_store %arg8[%swap3A_237], %broadcast_in_dim3A_3 {strides = array<i32>} : memref<1008xi32, #tpu.memory_space<vmem>>, vector<16xi32>,
    %swap3A_239 = arith.constant 880 : index
    %swap3A_240 = tpu.vector_load %arg8[%swap3A_239] {strides = array<i32>} : memref<1008xi32, #tpu.memory_space<vmem>>, vector<16xi32>,
    tpu.vector_store %arg8[%swap3A_239], %broadcast_in_dim3A_3 {strides = array<i32>} : memref<1008xi32, #tpu.memory_space<vmem>>, vector<16xi32>,
    %swap3A_241 = arith.constant 896 : index
    %swap3A_242 = tpu.vector_load %arg8[%swap3A_241] {strides = array<i32>} : memref<1008xi32, #tpu.memory_space<vmem>>, vector<16xi32>,
    tpu.vector_store %arg8[%swap3A_241], %broadcast_in_dim3A_3 {strides = array<i32>} : memref<1008xi32, #tpu.memory_space<vmem>>, vector<16xi32>,
    %swap3A_243 = arith.constant 912 : index
    %swap3A_244 = tpu.vector_load %arg8[%swap3A_243] {strides = array<i32>} : memref<1008xi32, #tpu.memory_space<vmem>>, vector<16xi32>,
    tpu.vector_store %arg8[%swap3A_243], %broadcast_in_dim3A_3 {strides = array<i32>} : memref<1008xi32, #tpu.memory_space<vmem>>, vector<16xi32>,
    %swap3A_245 = arith.constant 928 : index
    %swap3A_246 = tpu.vector_load %arg8[%swap3A_245] {strides = array<i32>} : memref<1008xi32, #tpu.memory_space<vmem>>, vector<16xi32>,
    tpu.vector_store %arg8[%swap3A_245], %broadcast_in_dim3A_3 {strides = array<i32>} : memref<1008xi32, #tpu.memory_space<vmem>>, vector<16xi32>,
    %swap3A_247 = arith.constant 944 : index
    %swap3A_248 = tpu.vector_load %arg8[%swap3A_247] {strides = array<i32>} : memref<1008xi32, #tpu.memory_space<vmem>>, vector<16xi32>,
    tpu.vector_store %arg8[%swap3A_247], %broadcast_in_dim3A_3 {strides = array<i32>} : memref<1008xi32, #tpu.memory_space<vmem>>, vector<16xi32>,
    %swap3A_249 = arith.constant 960 : index
    %swap3A_250 = tpu.vector_load %arg8[%swap3A_249] {strides = array<i32>} : memref<1008xi32, #tpu.memory_space<vmem>>, vector<16xi32>,
    tpu.vector_store %arg8[%swap3A_249], %broadcast_in_dim3A_3 {strides = array<i32>} : memref<1008xi32, #tpu.memory_space<vmem>>, vector<16xi32>,
    %swap3A_251 = arith.constant 976 : index
    %swap3A_252 = tpu.vector_load %arg8[%swap3A_251] {strides = array<i32>} : memref<1008xi32, #tpu.memory_space<vmem>>, vector<16xi32>,
    tpu.vector_store %arg8[%swap3A_251], %broadcast_in_dim3A_3 {strides = array<i32>} : memref<1008xi32, #tpu.memory_space<vmem>>, vector<16xi32>,
    %swap3A_253 = arith.constant 992 : index
    %swap3A_254 = tpu.vector_load %arg8[%swap3A_253] {strides = array<i32>} : memref<1008xi32, #tpu.memory_space<vmem>>, vector<16xi32>,
    tpu.vector_store %arg8[%swap3A_253], %broadcast_in_dim3A_3 {strides = array<i32>} : memref<1008xi32, #tpu.memory_space<vmem>>, vector<16xi32>,
    %swap3A_255 = arith.constant 0 : index
    %swap3A_256 = tpu.vector_load %arg9[%swap3A_255] {strides = array<i32>} : memref<1008xi32, #tpu.memory_space<vmem>>, vector<16xi32>,
    tpu.vector_store %arg9[%swap3A_255], %broadcast_in_dim3A_3 {strides = array<i32>} : memref<1008xi32, #tpu.memory_space<vmem>>, vector<16xi32>,
    %swap3A_257 = arith.constant 16 : index
    %swap3A_258 = tpu.vector_load %arg9[%swap3A_257] {strides = array<i32>} : memref<1008xi32, #tpu.memory_space<vmem>>, vector<16xi32>,
    tpu.vector_store %arg9[%swap3A_257], %broadcast_in_dim3A_3 {strides = array<i32>} : memref<1008xi32, #tpu.memory_space<vmem>>, vector<16xi32>,
    %swap3A_259 = arith.constant 32 : index
    %swap3A_260 = tpu.vector_load %arg9[%swap3A_259] {strides = array<i32>} : memref<1008xi32, #tpu.memory_space<vmem>>, vector<16xi32>,
    tpu.vector_store %arg9[%swap3A_259], %broadcast_in_dim3A_3 {strides = array<i32>} : memref<1008xi32, #tpu.memory_space<vmem>>, vector<16xi32>,
    %swap3A_261 = arith.constant 48 : index
    %swap3A_262 = tpu.vector_load %arg9[%swap3A_261] {strides = array<i32>} : memref<1008xi32, #tpu.memory_space<vmem>>, vector<16xi32>,
    tpu.vector_store %arg9[%swap3A_261], %broadcast_in_dim3A_3 {strides = array<i32>} : memref<1008xi32, #tpu.memory_space<vmem>>, vector<16xi32>,
    %swap3A_263 = arith.constant 64 : index
    %swap3A_264 = tpu.vector_load %arg9[%swap3A_263] {strides = array<i32>} : memref<1008xi32, #tpu.memory_space<vmem>>, vector<16xi32>,
    tpu.vector_store %arg9[%swap3A_263], %broadcast_in_dim3A_3 {strides = array<i32>} : memref<1008xi32, #tpu.memory_space<vmem>>, vector<16xi32>,
    %swap3A_265 = arith.constant 80 : index
    %swap3A_266 = tpu.vector_load %arg9[%swap3A_265] {strides = array<i32>} : memref<1008xi32, #tpu.memory_space<vmem>>, vector<16xi32>,
    tpu.vector_store %arg9[%swap3A_265], %broadcast_in_dim3A_3 {strides = array<i32>} : memref<1008xi32, #tpu.memory_space<vmem>>, vector<16xi32>,
    %swap3A_267 = arith.constant 96 : index
    %swap3A_268 = tpu.vector_load %arg9[%swap3A_267] {strides = array<i32>} : memref<1008xi32, #tpu.memory_space<vmem>>, vector<16xi32>,
    tpu.vector_store %arg9[%swap3A_267], %broadcast_in_dim3A_3 {strides = array<i32>} : memref<1008xi32, #tpu.memory_space<vmem>>, vector<16xi32>,
    %swap3A_269 = arith.constant 112 : index
    %swap3A_270 = tpu.vector_load %arg9[%swap3A_269] {strides = array<i32>} : memref<1008xi32, #tpu.memory_space<vmem>>, vector<16xi32>,
    tpu.vector_store %arg9[%swap3A_269], %broadcast_in_dim3A_3 {strides = array<i32>} : memref<1008xi32, #tpu.memory_space<vmem>>, vector<16xi32>,
    %swap3A_271 = arith.constant 128 : index
    %swap3A_272 = tpu.vector_load %arg9[%swap3A_271] {strides = array<i32>} : memref<1008xi32, #tpu.memory_space<vmem>>, vector<16xi32>,
    tpu.vector_store %arg9[%swap3A_271], %broadcast_in_dim3A_3 {strides = array<i32>} : memref<1008xi32, #tpu.memory_space<vmem>>, vector<16xi32>,
    %swap3A_273 = arith.constant 144 : index
    %swap3A_274 = tpu.vector_load %arg9[%swap3A_273] {strides = array<i32>} : memref<1008xi32, #tpu.memory_space<vmem>>, vector<16xi32>,
    tpu.vector_store %arg9[%swap3A_273], %broadcast_in_dim3A_3 {strides = array<i32>} : memref<1008xi32, #tpu.memory_space<vmem>>, vector<16xi32>,
    %swap3A_275 = arith.constant 160 : index
    %swap3A_276 = tpu.vector_load %arg9[%swap3A_275] {strides = array<i32>} : memref<1008xi32, #tpu.memory_space<vmem>>, vector<16xi32>,
    tpu.vector_store %arg9[%swap3A_275], %broadcast_in_dim3A_3 {strides = array<i32>} : memref<1008xi32, #tpu.memory_space<vmem>>, vector<16xi32>,
    %swap3A_277 = arith.constant 176 : index
    %swap3A_278 = tpu.vector_load %arg9[%swap3A_277] {strides = array<i32>} : memref<1008xi32, #tpu.memory_space<vmem>>, vector<16xi32>,
    tpu.vector_store %arg9[%swap3A_277], %broadcast_in_dim3A_3 {strides = array<i32>} : memref<1008xi32, #tpu.memory_space<vmem>>, vector<16xi32>,
    %swap3A_279 = arith.constant 192 : index
    %swap3A_280 = tpu.vector_load %arg9[%swap3A_279] {strides = array<i32>} : memref<1008xi32, #tpu.memory_space<vmem>>, vector<16xi32>,
    tpu.vector_store %arg9[%swap3A_279], %broadcast_in_dim3A_3 {strides = array<i32>} : memref<1008xi32, #tpu.memory_space<vmem>>, vector<16xi32>,
    %swap3A_281 = arith.constant 208 : index
    %swap3A_282 = tpu.vector_load %arg9[%swap3A_281] {strides = array<i32>} : memref<1008xi32, #tpu.memory_space<vmem>>, vector<16xi32>,
    tpu.vector_store %arg9[%swap3A_281], %broadcast_in_dim3A_3 {strides = array<i32>} : memref<1008xi32, #tpu.memory_space<vmem>>, vector<16xi32>,
    %swap3A_283 = arith.constant 224 : index
    %swap3A_284 = tpu.vector_load %arg9[%swap3A_283] {strides = array<i32>} : memref<1008xi32, #tpu.memory_space<vmem>>, vector<16xi32>,
    tpu.vector_store %arg9[%swap3A_283], %broadcast_in_dim3A_3 {strides = array<i32>} : memref<1008xi32, #tpu.memory_space<vmem>>, vector<16xi32>,
    %swap3A_285 = arith.constant 240 : index
    %swap3A_286 = tpu.vector_load %arg9[%swap3A_285] {strides = array<i32>} : memref<1008xi32, #tpu.memory_space<vmem>>, vector<16xi32>,
    tpu.vector_store %arg9[%swap3A_285], %broadcast_in_dim3A_3 {strides = array<i32>} : memref<1008xi32, #tpu.memory_space<vmem>>, vector<16xi32>,
    %swap3A_287 = arith.constant 256 : index
    %swap3A_288 = tpu.vector_load %arg9[%swap3A_287] {strides = array<i32>} : memref<1008xi32, #tpu.memory_space<vmem>>, vector<16xi32>,
    tpu.vector_store %arg9[%swap3A_287], %broadcast_in_dim3A_3 {strides = array<i32>} : memref<1008xi32, #tpu.memory_space<vmem>>, vector<16xi32>,
    %swap3A_289 = arith.constant 272 : index
    %swap3A_290 = tpu.vector_load %arg9[%swap3A_289] {strides = array<i32>} : memref<1008xi32, #tpu.memory_space<vmem>>, vector<16xi32>,
    tpu.vector_store %arg9[%swap3A_289], %broadcast_in_dim3A_3 {strides = array<i32>} : memref<1008xi32, #tpu.memory_space<vmem>>, vector<16xi32>,
    %swap3A_291 = arith.constant 288 : index
    %swap3A_292 = tpu.vector_load %arg9[%swap3A_291] {strides = array<i32>} : memref<1008xi32, #tpu.memory_space<vmem>>, vector<16xi32>,
    tpu.vector_store %arg9[%swap3A_291], %broadcast_in_dim3A_3 {strides = array<i32>} : memref<1008xi32, #tpu.memory_space<vmem>>, vector<16xi32>,
    %swap3A_293 = arith.constant 304 : index
    %swap3A_294 = tpu.vector_load %arg9[%swap3A_293] {strides = array<i32>} : memref<1008xi32, #tpu.memory_space<vmem>>, vector<16xi32>,
    tpu.vector_store %arg9[%swap3A_293], %broadcast_in_dim3A_3 {strides = array<i32>} : memref<1008xi32, #tpu.memory_space<vmem>>, vector<16xi32>,
    %swap3A_295 = arith.constant 320 : index
    %swap3A_296 = tpu.vector_load %arg9[%swap3A_295] {strides = array<i32>} : memref<1008xi32, #tpu.memory_space<vmem>>, vector<16xi32>,
    tpu.vector_store %arg9[%swap3A_295], %broadcast_in_dim3A_3 {strides = array<i32>} : memref<1008xi32, #tpu.memory_space<vmem>>, vector<16xi32>,
    %swap3A_297 = arith.constant 336 : index
    %swap3A_298 = tpu.vector_load %arg9[%swap3A_297] {strides = array<i32>} : memref<1008xi32, #tpu.memory_space<vmem>>, vector<16xi32>,
    tpu.vector_store %arg9[%swap3A_297], %broadcast_in_dim3A_3 {strides = array<i32>} : memref<1008xi32, #tpu.memory_space<vmem>>, vector<16xi32>,
    %swap3A_299 = arith.constant 352 : index
    %swap3A_300 = tpu.vector_load %arg9[%swap3A_299] {strides = array<i32>} : memref<1008xi32, #tpu.memory_space<vmem>>, vector<16xi32>,
    tpu.vector_store %arg9[%swap3A_299], %broadcast_in_dim3A_3 {strides = array<i32>} : memref<1008xi32, #tpu.memory_space<vmem>>, vector<16xi32>,
    %swap3A_301 = arith.constant 368 : index
    %swap3A_302 = tpu.vector_load %arg9[%swap3A_301] {strides = array<i32>} : memref<1008xi32, #tpu.memory_space<vmem>>, vector<16xi32>,
    tpu.vector_store %arg9[%swap3A_301], %broadcast_in_dim3A_3 {strides = array<i32>} : memref<1008xi32, #tpu.memory_space<vmem>>, vector<16xi32>,
    %swap3A_303 = arith.constant 384 : index
    %swap3A_304 = tpu.vector_load %arg9[%swap3A_303] {strides = array<i32>} : memref<1008xi32, #tpu.memory_space<vmem>>, vector<16xi32>,
    tpu.vector_store %arg9[%swap3A_303], %broadcast_in_dim3A_3 {strides = array<i32>} : memref<1008xi32, #tpu.memory_space<vmem>>, vector<16xi32>,
    %swap3A_305 = arith.constant 400 : index
    %swap3A_306 = tpu.vector_load %arg9[%swap3A_305] {strides = array<i32>} : memref<1008xi32, #tpu.memory_space<vmem>>, vector<16xi32>,
    tpu.vector_store %arg9[%swap3A_305], %broadcast_in_dim3A_3 {strides = array<i32>} : memref<1008xi32, #tpu.memory_space<vmem>>, vector<16xi32>,
    %swap3A_307 = arith.constant 416 : index
    %swap3A_308 = tpu.vector_load %arg9[%swap3A_307] {strides = array<i32>} : memref<1008xi32, #tpu.memory_space<vmem>>, vector<16xi32>,
    tpu.vector_store %arg9[%swap3A_307], %broadcast_in_dim3A_3 {strides = array<i32>} : memref<1008xi32, #tpu.memory_space<vmem>>, vector<16xi32>,
    %swap3A_309 = arith.constant 432 : index
    %swap3A_310 = tpu.vector_load %arg9[%swap3A_309] {strides = array<i32>} : memref<1008xi32, #tpu.memory_space<vmem>>, vector<16xi32>,
    tpu.vector_store %arg9[%swap3A_309], %broadcast_in_dim3A_3 {strides = array<i32>} : memref<1008xi32, #tpu.memory_space<vmem>>, vector<16xi32>,
    %swap3A_311 = arith.constant 448 : index
    %swap3A_312 = tpu.vector_load %arg9[%swap3A_311] {strides = array<i32>} : memref<1008xi32, #tpu.memory_space<vmem>>, vector<16xi32>,
    tpu.vector_store %arg9[%swap3A_311], %broadcast_in_dim3A_3 {strides = array<i32>} : memref<1008xi32, #tpu.memory_space<vmem>>, vector<16xi32>,
    %swap3A_313 = arith.constant 464 : index
    %swap3A_314 = tpu.vector_load %arg9[%swap3A_313] {strides = array<i32>} : memref<1008xi32, #tpu.memory_space<vmem>>, vector<16xi32>,
    tpu.vector_store %arg9[%swap3A_313], %broadcast_in_dim3A_3 {strides = array<i32>} : memref<1008xi32, #tpu.memory_space<vmem>>, vector<16xi32>,
    %swap3A_315 = arith.constant 480 : index
    %swap3A_316 = tpu.vector_load %arg9[%swap3A_315] {strides = array<i32>} : memref<1008xi32, #tpu.memory_space<vmem>>, vector<16xi32>,
    tpu.vector_store %arg9[%swap3A_315], %broadcast_in_dim3A_3 {strides = array<i32>} : memref<1008xi32, #tpu.memory_space<vmem>>, vector<16xi32>,
    %swap3A_317 = arith.constant 496 : index
    %swap3A_318 = tpu.vector_load %arg9[%swap3A_317] {strides = array<i32>} : memref<1008xi32, #tpu.memory_space<vmem>>, vector<16xi32>,
    tpu.vector_store %arg9[%swap3A_317], %broadcast_in_dim3A_3 {strides = array<i32>} : memref<1008xi32, #tpu.memory_space<vmem>>, vector<16xi32>,
    %swap3A_319 = arith.constant 512 : index
    %swap3A_320 = tpu.vector_load %arg9[%swap3A_319] {strides = array<i32>} : memref<1008xi32, #tpu.memory_space<vmem>>, vector<16xi32>,
    tpu.vector_store %arg9[%swap3A_319], %broadcast_in_dim3A_3 {strides = array<i32>} : memref<1008xi32, #tpu.memory_space<vmem>>, vector<16xi32>,
    %swap3A_321 = arith.constant 528 : index
    %swap3A_322 = tpu.vector_load %arg9[%swap3A_321] {strides = array<i32>} : memref<1008xi32, #tpu.memory_space<vmem>>, vector<16xi32>,
    tpu.vector_store %arg9[%swap3A_321], %broadcast_in_dim3A_3 {strides = array<i32>} : memref<1008xi32, #tpu.memory_space<vmem>>, vector<16xi32>,
    %swap3A_323 = arith.constant 544 : index
    %swap3A_324 = tpu.vector_load %arg9[%swap3A_323] {strides = array<i32>} : memref<1008xi32, #tpu.memory_space<vmem>>, vector<16xi32>,
    tpu.vector_store %arg9[%swap3A_323], %broadcast_in_dim3A_3 {strides = array<i32>} : memref<1008xi32, #tpu.memory_space<vmem>>, vector<16xi32>,
    %swap3A_325 = arith.constant 560 : index
    %swap3A_326 = tpu.vector_load %arg9[%swap3A_325] {strides = array<i32>} : memref<1008xi32, #tpu.memory_space<vmem>>, vector<16xi32>,
    tpu.vector_store %arg9[%swap3A_325], %broadcast_in_dim3A_3 {strides = array<i32>} : memref<1008xi32, #tpu.memory_space<vmem>>, vector<16xi32>,
    %swap3A_327 = arith.constant 576 : index
    %swap3A_328 = tpu.vector_load %arg9[%swap3A_327] {strides = array<i32>} : memref<1008xi32, #tpu.memory_space<vmem>>, vector<16xi32>,
    tpu.vector_store %arg9[%swap3A_327], %broadcast_in_dim3A_3 {strides = array<i32>} : memref<1008xi32, #tpu.memory_space<vmem>>, vector<16xi32>,
    %swap3A_329 = arith.constant 592 : index
    %swap3A_330 = tpu.vector_load %arg9[%swap3A_329] {strides = array<i32>} : memref<1008xi32, #tpu.memory_space<vmem>>, vector<16xi32>,
    tpu.vector_store %arg9[%swap3A_329], %broadcast_in_dim3A_3 {strides = array<i32>} : memref<1008xi32, #tpu.memory_space<vmem>>, vector<16xi32>,
    %swap3A_331 = arith.constant 608 : index
    %swap3A_332 = tpu.vector_load %arg9[%swap3A_331] {strides = array<i32>} : memref<1008xi32, #tpu.memory_space<vmem>>, vector<16xi32>,
    tpu.vector_store %arg9[%swap3A_331], %broadcast_in_dim3A_3 {strides = array<i32>} : memref<1008xi32, #tpu.memory_space<vmem>>, vector<16xi32>,
    %swap3A_333 = arith.constant 624 : index
    %swap3A_334 = tpu.vector_load %arg9[%swap3A_333] {strides = array<i32>} : memref<1008xi32, #tpu.memory_space<vmem>>, vector<16xi32>,
    tpu.vector_store %arg9[%swap3A_333], %broadcast_in_dim3A_3 {strides = array<i32>} : memref<1008xi32, #tpu.memory_space<vmem>>, vector<16xi32>,
    %swap3A_335 = arith.constant 640 : index
    %swap3A_336 = tpu.vector_load %arg9[%swap3A_335] {strides = array<i32>} : memref<1008xi32, #tpu.memory_space<vmem>>, vector<16xi32>,
    tpu.vector_store %arg9[%swap3A_335], %broadcast_in_dim3A_3 {strides = array<i32>} : memref<1008xi32, #tpu.memory_space<vmem>>, vector<16xi32>,
    %swap3A_337 = arith.constant 656 : index
    %swap3A_338 = tpu.vector_load %arg9[%swap3A_337] {strides = array<i32>} : memref<1008xi32, #tpu.memory_space<vmem>>, vector<16xi32>,
    tpu.vector_store %arg9[%swap3A_337], %broadcast_in_dim3A_3 {strides = array<i32>} : memref<1008xi32, #tpu.memory_space<vmem>>, vector<16xi32>,
    %swap3A_339 = arith.constant 672 : index
    %swap3A_340 = tpu.vector_load %arg9[%swap3A_339] {strides = array<i32>} : memref<1008xi32, #tpu.memory_space<vmem>>, vector<16xi32>,
    tpu.vector_store %arg9[%swap3A_339], %broadcast_in_dim3A_3 {strides = array<i32>} : memref<1008xi32, #tpu.memory_space<vmem>>, vector<16xi32>,
    %swap3A_341 = arith.constant 688 : index
    %swap3A_342 = tpu.vector_load %arg9[%swap3A_341] {strides = array<i32>} : memref<1008xi32, #tpu.memory_space<vmem>>, vector<16xi32>,
    tpu.vector_store %arg9[%swap3A_341], %broadcast_in_dim3A_3 {strides = array<i32>} : memref<1008xi32, #tpu.memory_space<vmem>>, vector<16xi32>,
    %swap3A_343 = arith.constant 704 : index
    %swap3A_344 = tpu.vector_load %arg9[%swap3A_343] {strides = array<i32>} : memref<1008xi32, #tpu.memory_space<vmem>>, vector<16xi32>,
    tpu.vector_store %arg9[%swap3A_343], %broadcast_in_dim3A_3 {strides = array<i32>} : memref<1008xi32, #tpu.memory_space<vmem>>, vector<16xi32>,
    %swap3A_345 = arith.constant 720 : index
    %swap3A_346 = tpu.vector_load %arg9[%swap3A_345] {strides = array<i32>} : memref<1008xi32, #tpu.memory_space<vmem>>, vector<16xi32>,
    tpu.vector_store %arg9[%swap3A_345], %broadcast_in_dim3A_3 {strides = array<i32>} : memref<1008xi32, #tpu.memory_space<vmem>>, vector<16xi32>,
    %swap3A_347 = arith.constant 736 : index
    %swap3A_348 = tpu.vector_load %arg9[%swap3A_347] {strides = array<i32>} : memref<1008xi32, #tpu.memory_space<vmem>>, vector<16xi32>,
    tpu.vector_store %arg9[%swap3A_347], %broadcast_in_dim3A_3 {strides = array<i32>} : memref<1008xi32, #tpu.memory_space<vmem>>, vector<16xi32>,
    %swap3A_349 = arith.constant 752 : index
    %swap3A_350 = tpu.vector_load %arg9[%swap3A_349] {strides = array<i32>} : memref<1008xi32, #tpu.memory_space<vmem>>, vector<16xi32>,
    tpu.vector_store %arg9[%swap3A_349], %broadcast_in_dim3A_3 {strides = array<i32>} : memref<1008xi32, #tpu.memory_space<vmem>>, vector<16xi32>,
    %swap3A_351 = arith.constant 768 : index
    %swap3A_352 = tpu.vector_load %arg9[%swap3A_351] {strides = array<i32>} : memref<1008xi32, #tpu.memory_space<vmem>>, vector<16xi32>,
    tpu.vector_store %arg9[%swap3A_351], %broadcast_in_dim3A_3 {strides = array<i32>} : memref<1008xi32, #tpu.memory_space<vmem>>, vector<16xi32>,
    %swap3A_353 = arith.constant 784 : index
    %swap3A_354 = tpu.vector_load %arg9[%swap3A_353] {strides = array<i32>} : memref<1008xi32, #tpu.memory_space<vmem>>, vector<16xi32>,
    tpu.vector_store %arg9[%swap3A_353], %broadcast_in_dim3A_3 {strides = array<i32>} : memref<1008xi32, #tpu.memory_space<vmem>>, vector<16xi32>,
    %swap3A_355 = arith.constant 800 : index
    %swap3A_356 = tpu.vector_load %arg9[%swap3A_355] {strides = array<i32>} : memref<1008xi32, #tpu.memory_space<vmem>>, vector<16xi32>,
    tpu.vector_store %arg9[%swap3A_355], %broadcast_in_dim3A_3 {strides = array<i32>} : memref<1008xi32, #tpu.memory_space<vmem>>, vector<16xi32>,
    %swap3A_357 = arith.constant 816 : index
    %swap3A_358 = tpu.vector_load %arg9[%swap3A_357] {strides = array<i32>} : memref<1008xi32, #tpu.memory_space<vmem>>, vector<16xi32>,
    tpu.vector_store %arg9[%swap3A_357], %broadcast_in_dim3A_3 {strides = array<i32>} : memref<1008xi32, #tpu.memory_space<vmem>>, vector<16xi32>,
    %swap3A_359 = arith.constant 832 : index
    %swap3A_360 = tpu.vector_load %arg9[%swap3A_359] {strides = array<i32>} : memref<1008xi32, #tpu.memory_space<vmem>>, vector<16xi32>,
    tpu.vector_store %arg9[%swap3A_359], %broadcast_in_dim3A_3 {strides = array<i32>} : memref<1008xi32, #tpu.memory_space<vmem>>, vector<16xi32>,
    %swap3A_361 = arith.constant 848 : index
    %swap3A_362 = tpu.vector_load %arg9[%swap3A_361] {strides = array<i32>} : memref<1008xi32, #tpu.memory_space<vmem>>, vector<16xi32>,
    tpu.vector_store %arg9[%swap3A_361], %broadcast_in_dim3A_3 {strides = array<i32>} : memref<1008xi32, #tpu.memory_space<vmem>>, vector<16xi32>,
    %swap3A_363 = arith.constant 864 : index
    %swap3A_364 = tpu.vector_load %arg9[%swap3A_363] {strides = array<i32>} : memref<1008xi32, #tpu.memory_space<vmem>>, vector<16xi32>,
    tpu.vector_store %arg9[%swap3A_363], %broadcast_in_dim3A_3 {strides = array<i32>} : memref<1008xi32, #tpu.memory_space<vmem>>, vector<16xi32>,
    %swap3A_365 = arith.constant 880 : index
    %swap3A_366 = tpu.vector_load %arg9[%swap3A_365] {strides = array<i32>} : memref<1008xi32, #tpu.memory_space<vmem>>, vector<16xi32>,
    tpu.vector_store %arg9[%swap3A_365], %broadcast_in_dim3A_3 {strides = array<i32>} : memref<1008xi32, #tpu.memory_space<vmem>>, vector<16xi32>,
    %swap3A_367 = arith.constant 896 : index
    %swap3A_368 = tpu.vector_load %arg9[%swap3A_367] {strides = array<i32>} : memref<1008xi32, #tpu.memory_space<vmem>>, vector<16xi32>,
    tpu.vector_store %arg9[%swap3A_367], %broadcast_in_dim3A_3 {strides = array<i32>} : memref<1008xi32, #tpu.memory_space<vmem>>, vector<16xi32>,
    %swap3A_369 = arith.constant 912 : index
    %swap3A_370 = tpu.vector_load %arg9[%swap3A_369] {strides = array<i32>} : memref<1008xi32, #tpu.memory_space<vmem>>, vector<16xi32>,
    tpu.vector_store %arg9[%swap3A_369], %broadcast_in_dim3A_3 {strides = array<i32>} : memref<1008xi32, #tpu.memory_space<vmem>>, vector<16xi32>,
    %swap3A_371 = arith.constant 928 : index
    %swap3A_372 = tpu.vector_load %arg9[%swap3A_371] {strides = array<i32>} : memref<1008xi32, #tpu.memory_space<vmem>>, vector<16xi32>,
    tpu.vector_store %arg9[%swap3A_371], %broadcast_in_dim3A_3 {strides = array<i32>} : memref<1008xi32, #tpu.memory_space<vmem>>, vector<16xi32>,
    %swap3A_373 = arith.constant 944 : index
    %swap3A_374 = tpu.vector_load %arg9[%swap3A_373] {strides = array<i32>} : memref<1008xi32, #tpu.memory_space<vmem>>, vector<16xi32>,
    tpu.vector_store %arg9[%swap3A_373], %broadcast_in_dim3A_3 {strides = array<i32>} : memref<1008xi32, #tpu.memory_space<vmem>>, vector<16xi32>,
    %swap3A_375 = arith.constant 960 : index
    %swap3A_376 = tpu.vector_load %arg9[%swap3A_375] {strides = array<i32>} : memref<1008xi32, #tpu.memory_space<vmem>>, vector<16xi32>,
    tpu.vector_store %arg9[%swap3A_375], %broadcast_in_dim3A_3 {strides = array<i32>} : memref<1008xi32, #tpu.memory_space<vmem>>, vector<16xi32>,
    %swap3A_377 = arith.constant 976 : index
    %swap3A_378 = tpu.vector_load %arg9[%swap3A_377] {strides = array<i32>} : memref<1008xi32, #tpu.memory_space<vmem>>, vector<16xi32>,
    tpu.vector_store %arg9[%swap3A_377], %broadcast_in_dim3A_3 {strides = array<i32>} : memref<1008xi32, #tpu.memory_space<vmem>>, vector<16xi32>,
    %swap3A_379 = arith.constant 992 : index
    %swap3A_380 = tpu.vector_load %arg9[%swap3A_379] {strides = array<i32>} : memref<1008xi32, #tpu.memory_space<vmem>>, vector<16xi32>,
    tpu.vector_store %arg9[%swap3A_379], %broadcast_in_dim3A_3 {strides = array<i32>} : memref<1008xi32, #tpu.memory_space<vmem>>, vector<16xi32>,
    %swap3A_381 = arith.constant 0 : index
    %swap3A_382 = tpu.vector_load %arg10[%swap3A_381] {strides = array<i32>} : memref<1008xi32, #tpu.memory_space<vmem>>, vector<16xi32>,
    tpu.vector_store %arg10[%swap3A_381], %broadcast_in_dim3A_3 {strides = array<i32>} : memref<1008xi32, #tpu.memory_space<vmem>>, vector<16xi32>,
    %swap3A_383 = arith.constant 16 : index
    %swap3A_384 = tpu.vector_load %arg10[%swap3A_383] {strides = array<i32>} : memref<1008xi32, #tpu.memory_space<vmem>>, vector<16xi32>,
    tpu.vector_store %arg10[%swap3A_383], %broadcast_in_dim3A_3 {strides = array<i32>} : memref<1008xi32, #tpu.memory_space<vmem>>, vector<16xi32>,
    %swap3A_385 = arith.constant 32 : index
    %swap3A_386 = tpu.vector_load %arg10[%swap3A_385] {strides = array<i32>} : memref<1008xi32, #tpu.memory_space<vmem>>, vector<16xi32>,
    tpu.vector_store %arg10[%swap3A_385], %broadcast_in_dim3A_3 {strides = array<i32>} : memref<1008xi32, #tpu.memory_space<vmem>>, vector<16xi32>,
    %swap3A_387 = arith.constant 48 : index
    %swap3A_388 = tpu.vector_load %arg10[%swap3A_387] {strides = array<i32>} : memref<1008xi32, #tpu.memory_space<vmem>>, vector<16xi32>,
    tpu.vector_store %arg10[%swap3A_387], %broadcast_in_dim3A_3 {strides = array<i32>} : memref<1008xi32, #tpu.memory_space<vmem>>, vector<16xi32>,
    %swap3A_389 = arith.constant 64 : index
    %swap3A_390 = tpu.vector_load %arg10[%swap3A_389] {strides = array<i32>} : memref<1008xi32, #tpu.memory_space<vmem>>, vector<16xi32>,
    tpu.vector_store %arg10[%swap3A_389], %broadcast_in_dim3A_3 {strides = array<i32>} : memref<1008xi32, #tpu.memory_space<vmem>>, vector<16xi32>,
    %swap3A_391 = arith.constant 80 : index
    %swap3A_392 = tpu.vector_load %arg10[%swap3A_391] {strides = array<i32>} : memref<1008xi32, #tpu.memory_space<vmem>>, vector<16xi32>,
    tpu.vector_store %arg10[%swap3A_391], %broadcast_in_dim3A_3 {strides = array<i32>} : memref<1008xi32, #tpu.memory_space<vmem>>, vector<16xi32>,
    %swap3A_393 = arith.constant 96 : index
    %swap3A_394 = tpu.vector_load %arg10[%swap3A_393] {strides = array<i32>} : memref<1008xi32, #tpu.memory_space<vmem>>, vector<16xi32>,
    tpu.vector_store %arg10[%swap3A_393], %broadcast_in_dim3A_3 {strides = array<i32>} : memref<1008xi32, #tpu.memory_space<vmem>>, vector<16xi32>,
    %swap3A_395 = arith.constant 112 : index
    %swap3A_396 = tpu.vector_load %arg10[%swap3A_395] {strides = array<i32>} : memref<1008xi32, #tpu.memory_space<vmem>>, vector<16xi32>,
    tpu.vector_store %arg10[%swap3A_395], %broadcast_in_dim3A_3 {strides = array<i32>} : memref<1008xi32, #tpu.memory_space<vmem>>, vector<16xi32>,
    %swap3A_397 = arith.constant 128 : index
    %swap3A_398 = tpu.vector_load %arg10[%swap3A_397] {strides = array<i32>} : memref<1008xi32, #tpu.memory_space<vmem>>, vector<16xi32>,
    tpu.vector_store %arg10[%swap3A_397], %broadcast_in_dim3A_3 {strides = array<i32>} : memref<1008xi32, #tpu.memory_space<vmem>>, vector<16xi32>,
    %swap3A_399 = arith.constant 144 : index
    %swap3A_400 = tpu.vector_load %arg10[%swap3A_399] {strides = array<i32>} : memref<1008xi32, #tpu.memory_space<vmem>>, vector<16xi32>,
    tpu.vector_store %arg10[%swap3A_399], %broadcast_in_dim3A_3 {strides = array<i32>} : memref<1008xi32, #tpu.memory_space<vmem>>, vector<16xi32>,
    %swap3A_401 = arith.constant 160 : index
    %swap3A_402 = tpu.vector_load %arg10[%swap3A_401] {strides = array<i32>} : memref<1008xi32, #tpu.memory_space<vmem>>, vector<16xi32>,
    tpu.vector_store %arg10[%swap3A_401], %broadcast_in_dim3A_3 {strides = array<i32>} : memref<1008xi32, #tpu.memory_space<vmem>>, vector<16xi32>,
    %swap3A_403 = arith.constant 176 : index
    %swap3A_404 = tpu.vector_load %arg10[%swap3A_403] {strides = array<i32>} : memref<1008xi32, #tpu.memory_space<vmem>>, vector<16xi32>,
    tpu.vector_store %arg10[%swap3A_403], %broadcast_in_dim3A_3 {strides = array<i32>} : memref<1008xi32, #tpu.memory_space<vmem>>, vector<16xi32>,
    %swap3A_405 = arith.constant 192 : index
    %swap3A_406 = tpu.vector_load %arg10[%swap3A_405] {strides = array<i32>} : memref<1008xi32, #tpu.memory_space<vmem>>, vector<16xi32>,
    tpu.vector_store %arg10[%swap3A_405], %broadcast_in_dim3A_3 {strides = array<i32>} : memref<1008xi32, #tpu.memory_space<vmem>>, vector<16xi32>,
    %swap3A_407 = arith.constant 208 : index
    %swap3A_408 = tpu.vector_load %arg10[%swap3A_407] {strides = array<i32>} : memref<1008xi32, #tpu.memory_space<vmem>>, vector<16xi32>,
    tpu.vector_store %arg10[%swap3A_407], %broadcast_in_dim3A_3 {strides = array<i32>} : memref<1008xi32, #tpu.memory_space<vmem>>, vector<16xi32>,
    %swap3A_409 = arith.constant 224 : index
    %swap3A_410 = tpu.vector_load %arg10[%swap3A_409] {strides = array<i32>} : memref<1008xi32, #tpu.memory_space<vmem>>, vector<16xi32>,
    tpu.vector_store %arg10[%swap3A_409], %broadcast_in_dim3A_3 {strides = array<i32>} : memref<1008xi32, #tpu.memory_space<vmem>>, vector<16xi32>,
    %swap3A_411 = arith.constant 240 : index
    %swap3A_412 = tpu.vector_load %arg10[%swap3A_411] {strides = array<i32>} : memref<1008xi32, #tpu.memory_space<vmem>>, vector<16xi32>,
    tpu.vector_store %arg10[%swap3A_411], %broadcast_in_dim3A_3 {strides = array<i32>} : memref<1008xi32, #tpu.memory_space<vmem>>, vector<16xi32>,
    %swap3A_413 = arith.constant 256 : index
    %swap3A_414 = tpu.vector_load %arg10[%swap3A_413] {strides = array<i32>} : memref<1008xi32, #tpu.memory_space<vmem>>, vector<16xi32>,
    tpu.vector_store %arg10[%swap3A_413], %broadcast_in_dim3A_3 {strides = array<i32>} : memref<1008xi32, #tpu.memory_space<vmem>>, vector<16xi32>,
    %swap3A_415 = arith.constant 272 : index
    %swap3A_416 = tpu.vector_load %arg10[%swap3A_415] {strides = array<i32>} : memref<1008xi32, #tpu.memory_space<vmem>>, vector<16xi32>,
    tpu.vector_store %arg10[%swap3A_415], %broadcast_in_dim3A_3 {strides = array<i32>} : memref<1008xi32, #tpu.memory_space<vmem>>, vector<16xi32>,
    %swap3A_417 = arith.constant 288 : index
    %swap3A_418 = tpu.vector_load %arg10[%swap3A_417] {strides = array<i32>} : memref<1008xi32, #tpu.memory_space<vmem>>, vector<16xi32>,
    tpu.vector_store %arg10[%swap3A_417], %broadcast_in_dim3A_3 {strides = array<i32>} : memref<1008xi32, #tpu.memory_space<vmem>>, vector<16xi32>,
    %swap3A_419 = arith.constant 304 : index
    %swap3A_420 = tpu.vector_load %arg10[%swap3A_419] {strides = array<i32>} : memref<1008xi32, #tpu.memory_space<vmem>>, vector<16xi32>,
    tpu.vector_store %arg10[%swap3A_419], %broadcast_in_dim3A_3 {strides = array<i32>} : memref<1008xi32, #tpu.memory_space<vmem>>, vector<16xi32>,
    %swap3A_421 = arith.constant 320 : index
    %swap3A_422 = tpu.vector_load %arg10[%swap3A_421] {strides = array<i32>} : memref<1008xi32, #tpu.memory_space<vmem>>, vector<16xi32>,
    tpu.vector_store %arg10[%swap3A_421], %broadcast_in_dim3A_3 {strides = array<i32>} : memref<1008xi32, #tpu.memory_space<vmem>>, vector<16xi32>,
    %swap3A_423 = arith.constant 336 : index
    %swap3A_424 = tpu.vector_load %arg10[%swap3A_423] {strides = array<i32>} : memref<1008xi32, #tpu.memory_space<vmem>>, vector<16xi32>,
    tpu.vector_store %arg10[%swap3A_423], %broadcast_in_dim3A_3 {strides = array<i32>} : memref<1008xi32, #tpu.memory_space<vmem>>, vector<16xi32>,
    %swap3A_425 = arith.constant 352 : index
    %swap3A_426 = tpu.vector_load %arg10[%swap3A_425] {strides = array<i32>} : memref<1008xi32, #tpu.memory_space<vmem>>, vector<16xi32>,
    tpu.vector_store %arg10[%swap3A_425], %broadcast_in_dim3A_3 {strides = array<i32>} : memref<1008xi32, #tpu.memory_space<vmem>>, vector<16xi32>,
    %swap3A_427 = arith.constant 368 : index
    %swap3A_428 = tpu.vector_load %arg10[%swap3A_427] {strides = array<i32>} : memref<1008xi32, #tpu.memory_space<vmem>>, vector<16xi32>,
    tpu.vector_store %arg10[%swap3A_427], %broadcast_in_dim3A_3 {strides = array<i32>} : memref<1008xi32, #tpu.memory_space<vmem>>, vector<16xi32>,
    %swap3A_429 = arith.constant 384 : index
    %swap3A_430 = tpu.vector_load %arg10[%swap3A_429] {strides = array<i32>} : memref<1008xi32, #tpu.memory_space<vmem>>, vector<16xi32>,
    tpu.vector_store %arg10[%swap3A_429], %broadcast_in_dim3A_3 {strides = array<i32>} : memref<1008xi32, #tpu.memory_space<vmem>>, vector<16xi32>,
    %swap3A_431 = arith.constant 400 : index
    %swap3A_432 = tpu.vector_load %arg10[%swap3A_431] {strides = array<i32>} : memref<1008xi32, #tpu.memory_space<vmem>>, vector<16xi32>,
    tpu.vector_store %arg10[%swap3A_431], %broadcast_in_dim3A_3 {strides = array<i32>} : memref<1008xi32, #tpu.memory_space<vmem>>, vector<16xi32>,
    %swap3A_433 = arith.constant 416 : index
    %swap3A_434 = tpu.vector_load %arg10[%swap3A_433] {strides = array<i32>} : memref<1008xi32, #tpu.memory_space<vmem>>, vector<16xi32>,
    tpu.vector_store %arg10[%swap3A_433], %broadcast_in_dim3A_3 {strides = array<i32>} : memref<1008xi32, #tpu.memory_space<vmem>>, vector<16xi32>,
    %swap3A_435 = arith.constant 432 : index
    %swap3A_436 = tpu.vector_load %arg10[%swap3A_435] {strides = array<i32>} : memref<1008xi32, #tpu.memory_space<vmem>>, vector<16xi32>,
    tpu.vector_store %arg10[%swap3A_435], %broadcast_in_dim3A_3 {strides = array<i32>} : memref<1008xi32, #tpu.memory_space<vmem>>, vector<16xi32>,
    %swap3A_437 = arith.constant 448 : index
    %swap3A_438 = tpu.vector_load %arg10[%swap3A_437] {strides = array<i32>} : memref<1008xi32, #tpu.memory_space<vmem>>, vector<16xi32>,
    tpu.vector_store %arg10[%swap3A_437], %broadcast_in_dim3A_3 {strides = array<i32>} : memref<1008xi32, #tpu.memory_space<vmem>>, vector<16xi32>,
    %swap3A_439 = arith.constant 464 : index
    %swap3A_440 = tpu.vector_load %arg10[%swap3A_439] {strides = array<i32>} : memref<1008xi32, #tpu.memory_space<vmem>>, vector<16xi32>,
    tpu.vector_store %arg10[%swap3A_439], %broadcast_in_dim3A_3 {strides = array<i32>} : memref<1008xi32, #tpu.memory_space<vmem>>, vector<16xi32>,
    %swap3A_441 = arith.constant 480 : index
    %swap3A_442 = tpu.vector_load %arg10[%swap3A_441] {strides = array<i32>} : memref<1008xi32, #tpu.memory_space<vmem>>, vector<16xi32>,
    tpu.vector_store %arg10[%swap3A_441], %broadcast_in_dim3A_3 {strides = array<i32>} : memref<1008xi32, #tpu.memory_space<vmem>>, vector<16xi32>,
    %swap3A_443 = arith.constant 496 : index
    %swap3A_444 = tpu.vector_load %arg10[%swap3A_443] {strides = array<i32>} : memref<1008xi32, #tpu.memory_space<vmem>>, vector<16xi32>,
    tpu.vector_store %arg10[%swap3A_443], %broadcast_in_dim3A_3 {strides = array<i32>} : memref<1008xi32, #tpu.memory_space<vmem>>, vector<16xi32>,
    %swap3A_445 = arith.constant 512 : index
    %swap3A_446 = tpu.vector_load %arg10[%swap3A_445] {strides = array<i32>} : memref<1008xi32, #tpu.memory_space<vmem>>, vector<16xi32>,
    tpu.vector_store %arg10[%swap3A_445], %broadcast_in_dim3A_3 {strides = array<i32>} : memref<1008xi32, #tpu.memory_space<vmem>>, vector<16xi32>,
    %swap3A_447 = arith.constant 528 : index
    %swap3A_448 = tpu.vector_load %arg10[%swap3A_447] {strides = array<i32>} : memref<1008xi32, #tpu.memory_space<vmem>>, vector<16xi32>,
    tpu.vector_store %arg10[%swap3A_447], %broadcast_in_dim3A_3 {strides = array<i32>} : memref<1008xi32, #tpu.memory_space<vmem>>, vector<16xi32>,
    %swap3A_449 = arith.constant 544 : index
    %swap3A_450 = tpu.vector_load %arg10[%swap3A_449] {strides = array<i32>} : memref<1008xi32, #tpu.memory_space<vmem>>, vector<16xi32>,
    tpu.vector_store %arg10[%swap3A_449], %broadcast_in_dim3A_3 {strides = array<i32>} : memref<1008xi32, #tpu.memory_space<vmem>>, vector<16xi32>,
    %swap3A_451 = arith.constant 560 : index
    %swap3A_452 = tpu.vector_load %arg10[%swap3A_451] {strides = array<i32>} : memref<1008xi32, #tpu.memory_space<vmem>>, vector<16xi32>,
    tpu.vector_store %arg10[%swap3A_451], %broadcast_in_dim3A_3 {strides = array<i32>} : memref<1008xi32, #tpu.memory_space<vmem>>, vector<16xi32>,
    %swap3A_453 = arith.constant 576 : index
    %swap3A_454 = tpu.vector_load %arg10[%swap3A_453] {strides = array<i32>} : memref<1008xi32, #tpu.memory_space<vmem>>, vector<16xi32>,
    tpu.vector_store %arg10[%swap3A_453], %broadcast_in_dim3A_3 {strides = array<i32>} : memref<1008xi32, #tpu.memory_space<vmem>>, vector<16xi32>,
    %swap3A_455 = arith.constant 592 : index
    %swap3A_456 = tpu.vector_load %arg10[%swap3A_455] {strides = array<i32>} : memref<1008xi32, #tpu.memory_space<vmem>>, vector<16xi32>,
    tpu.vector_store %arg10[%swap3A_455], %broadcast_in_dim3A_3 {strides = array<i32>} : memref<1008xi32, #tpu.memory_space<vmem>>, vector<16xi32>,
    %swap3A_457 = arith.constant 608 : index
    %swap3A_458 = tpu.vector_load %arg10[%swap3A_457] {strides = array<i32>} : memref<1008xi32, #tpu.memory_space<vmem>>, vector<16xi32>,
    tpu.vector_store %arg10[%swap3A_457], %broadcast_in_dim3A_3 {strides = array<i32>} : memref<1008xi32, #tpu.memory_space<vmem>>, vector<16xi32>,
    %swap3A_459 = arith.constant 624 : index
    %swap3A_460 = tpu.vector_load %arg10[%swap3A_459] {strides = array<i32>} : memref<1008xi32, #tpu.memory_space<vmem>>, vector<16xi32>,
    tpu.vector_store %arg10[%swap3A_459], %broadcast_in_dim3A_3 {strides = array<i32>} : memref<1008xi32, #tpu.memory_space<vmem>>, vector<16xi32>,
    %swap3A_461 = arith.constant 640 : index
    %swap3A_462 = tpu.vector_load %arg10[%swap3A_461] {strides = array<i32>} : memref<1008xi32, #tpu.memory_space<vmem>>, vector<16xi32>,
    tpu.vector_store %arg10[%swap3A_461], %broadcast_in_dim3A_3 {strides = array<i32>} : memref<1008xi32, #tpu.memory_space<vmem>>, vector<16xi32>,
    %swap3A_463 = arith.constant 656 : index
    %swap3A_464 = tpu.vector_load %arg10[%swap3A_463] {strides = array<i32>} : memref<1008xi32, #tpu.memory_space<vmem>>, vector<16xi32>,
    tpu.vector_store %arg10[%swap3A_463], %broadcast_in_dim3A_3 {strides = array<i32>} : memref<1008xi32, #tpu.memory_space<vmem>>, vector<16xi32>,
    %swap3A_465 = arith.constant 672 : index
    %swap3A_466 = tpu.vector_load %arg10[%swap3A_465] {strides = array<i32>} : memref<1008xi32, #tpu.memory_space<vmem>>, vector<16xi32>,
    tpu.vector_store %arg10[%swap3A_465], %broadcast_in_dim3A_3 {strides = array<i32>} : memref<1008xi32, #tpu.memory_space<vmem>>, vector<16xi32>,
    %swap3A_467 = arith.constant 688 : index
    %swap3A_468 = tpu.vector_load %arg10[%swap3A_467] {strides = array<i32>} : memref<1008xi32, #tpu.memory_space<vmem>>, vector<16xi32>,
    tpu.vector_store %arg10[%swap3A_467], %broadcast_in_dim3A_3 {strides = array<i32>} : memref<1008xi32, #tpu.memory_space<vmem>>, vector<16xi32>,
    %swap3A_469 = arith.constant 704 : index
    %swap3A_470 = tpu.vector_load %arg10[%swap3A_469] {strides = array<i32>} : memref<1008xi32, #tpu.memory_space<vmem>>, vector<16xi32>,
    tpu.vector_store %arg10[%swap3A_469], %broadcast_in_dim3A_3 {strides = array<i32>} : memref<1008xi32, #tpu.memory_space<vmem>>, vector<16xi32>,
    %swap3A_471 = arith.constant 720 : index
    %swap3A_472 = tpu.vector_load %arg10[%swap3A_471] {strides = array<i32>} : memref<1008xi32, #tpu.memory_space<vmem>>, vector<16xi32>,
    tpu.vector_store %arg10[%swap3A_471], %broadcast_in_dim3A_3 {strides = array<i32>} : memref<1008xi32, #tpu.memory_space<vmem>>, vector<16xi32>,
    %swap3A_473 = arith.constant 736 : index
    %swap3A_474 = tpu.vector_load %arg10[%swap3A_473] {strides = array<i32>} : memref<1008xi32, #tpu.memory_space<vmem>>, vector<16xi32>,
    tpu.vector_store %arg10[%swap3A_473], %broadcast_in_dim3A_3 {strides = array<i32>} : memref<1008xi32, #tpu.memory_space<vmem>>, vector<16xi32>,
    %swap3A_475 = arith.constant 752 : index
    %swap3A_476 = tpu.vector_load %arg10[%swap3A_475] {strides = array<i32>} : memref<1008xi32, #tpu.memory_space<vmem>>, vector<16xi32>,
    tpu.vector_store %arg10[%swap3A_475], %broadcast_in_dim3A_3 {strides = array<i32>} : memref<1008xi32, #tpu.memory_space<vmem>>, vector<16xi32>,
    %swap3A_477 = arith.constant 768 : index
    %swap3A_478 = tpu.vector_load %arg10[%swap3A_477] {strides = array<i32>} : memref<1008xi32, #tpu.memory_space<vmem>>, vector<16xi32>,
    tpu.vector_store %arg10[%swap3A_477], %broadcast_in_dim3A_3 {strides = array<i32>} : memref<1008xi32, #tpu.memory_space<vmem>>, vector<16xi32>,
    %swap3A_479 = arith.constant 784 : index
    %swap3A_480 = tpu.vector_load %arg10[%swap3A_479] {strides = array<i32>} : memref<1008xi32, #tpu.memory_space<vmem>>, vector<16xi32>,
    tpu.vector_store %arg10[%swap3A_479], %broadcast_in_dim3A_3 {strides = array<i32>} : memref<1008xi32, #tpu.memory_space<vmem>>, vector<16xi32>,
    %swap3A_481 = arith.constant 800 : index
    %swap3A_482 = tpu.vector_load %arg10[%swap3A_481] {strides = array<i32>} : memref<1008xi32, #tpu.memory_space<vmem>>, vector<16xi32>,
    tpu.vector_store %arg10[%swap3A_481], %broadcast_in_dim3A_3 {strides = array<i32>} : memref<1008xi32, #tpu.memory_space<vmem>>, vector<16xi32>,
    %swap3A_483 = arith.constant 816 : index
    %swap3A_484 = tpu.vector_load %arg10[%swap3A_483] {strides = array<i32>} : memref<1008xi32, #tpu.memory_space<vmem>>, vector<16xi32>,
    tpu.vector_store %arg10[%swap3A_483], %broadcast_in_dim3A_3 {strides = array<i32>} : memref<1008xi32, #tpu.memory_space<vmem>>, vector<16xi32>,
    %swap3A_485 = arith.constant 832 : index
    %swap3A_486 = tpu.vector_load %arg10[%swap3A_485] {strides = array<i32>} : memref<1008xi32, #tpu.memory_space<vmem>>, vector<16xi32>,
    tpu.vector_store %arg10[%swap3A_485], %broadcast_in_dim3A_3 {strides = array<i32>} : memref<1008xi32, #tpu.memory_space<vmem>>, vector<16xi32>,
    %swap3A_487 = arith.constant 848 : index
    %swap3A_488 = tpu.vector_load %arg10[%swap3A_487] {strides = array<i32>} : memref<1008xi32, #tpu.memory_space<vmem>>, vector<16xi32>,
    tpu.vector_store %arg10[%swap3A_487], %broadcast_in_dim3A_3 {strides = array<i32>} : memref<1008xi32, #tpu.memory_space<vmem>>, vector<16xi32>,
    %swap3A_489 = arith.constant 864 : index
    %swap3A_490 = tpu.vector_load %arg10[%swap3A_489] {strides = array<i32>} : memref<1008xi32, #tpu.memory_space<vmem>>, vector<16xi32>,
    tpu.vector_store %arg10[%swap3A_489], %broadcast_in_dim3A_3 {strides = array<i32>} : memref<1008xi32, #tpu.memory_space<vmem>>, vector<16xi32>,
    %swap3A_491 = arith.constant 880 : index
    %swap3A_492 = tpu.vector_load %arg10[%swap3A_491] {strides = array<i32>} : memref<1008xi32, #tpu.memory_space<vmem>>, vector<16xi32>,
    tpu.vector_store %arg10[%swap3A_491], %broadcast_in_dim3A_3 {strides = array<i32>} : memref<1008xi32, #tpu.memory_space<vmem>>, vector<16xi32>,
    %swap3A_493 = arith.constant 896 : index
    %swap3A_494 = tpu.vector_load %arg10[%swap3A_493] {strides = array<i32>} : memref<1008xi32, #tpu.memory_space<vmem>>, vector<16xi32>,
    tpu.vector_store %arg10[%swap3A_493], %broadcast_in_dim3A_3 {strides = array<i32>} : memref<1008xi32, #tpu.memory_space<vmem>>, vector<16xi32>,
    %swap3A_495 = arith.constant 912 : index
    %swap3A_496 = tpu.vector_load %arg10[%swap3A_495] {strides = array<i32>} : memref<1008xi32, #tpu.memory_space<vmem>>, vector<16xi32>,
    tpu.vector_store %arg10[%swap3A_495], %broadcast_in_dim3A_3 {strides = array<i32>} : memref<1008xi32, #tpu.memory_space<vmem>>, vector<16xi32>,
    %swap3A_497 = arith.constant 928 : index
    %swap3A_498 = tpu.vector_load %arg10[%swap3A_497] {strides = array<i32>} : memref<1008xi32, #tpu.memory_space<vmem>>, vector<16xi32>,
    tpu.vector_store %arg10[%swap3A_497], %broadcast_in_dim3A_3 {strides = array<i32>} : memref<1008xi32, #tpu.memory_space<vmem>>, vector<16xi32>,
    %swap3A_499 = arith.constant 944 : index
    %swap3A_500 = tpu.vector_load %arg10[%swap3A_499] {strides = array<i32>} : memref<1008xi32, #tpu.memory_space<vmem>>, vector<16xi32>,
    tpu.vector_store %arg10[%swap3A_499], %broadcast_in_dim3A_3 {strides = array<i32>} : memref<1008xi32, #tpu.memory_space<vmem>>, vector<16xi32>,
    %swap3A_501 = arith.constant 960 : index
    %swap3A_502 = tpu.vector_load %arg10[%swap3A_501] {strides = array<i32>} : memref<1008xi32, #tpu.memory_space<vmem>>, vector<16xi32>,
    tpu.vector_store %arg10[%swap3A_501], %broadcast_in_dim3A_3 {strides = array<i32>} : memref<1008xi32, #tpu.memory_space<vmem>>, vector<16xi32>,
    %swap3A_503 = arith.constant 976 : index
    %swap3A_504 = tpu.vector_load %arg10[%swap3A_503] {strides = array<i32>} : memref<1008xi32, #tpu.memory_space<vmem>>, vector<16xi32>,
    tpu.vector_store %arg10[%swap3A_503], %broadcast_in_dim3A_3 {strides = array<i32>} : memref<1008xi32, #tpu.memory_space<vmem>>, vector<16xi32>,
    %swap3A_505 = arith.constant 992 : index
    %swap3A_506 = tpu.vector_load %arg10[%swap3A_505] {strides = array<i32>} : memref<1008xi32, #tpu.memory_space<vmem>>, vector<16xi32>,
    tpu.vector_store %arg10[%swap3A_505], %broadcast_in_dim3A_3 {strides = array<i32>} : memref<1008xi32, #tpu.memory_space<vmem>>, vector<16xi32>,
    %iota3A = tpu.iota {dimensions = array<i32: 0>} : vector<16xi32>
    %scan3A = arith.constant 0 : i32
    %scan3A_507 = arith.constant 128 : i32
    %scan3A_508 = arith.addi %scan3A, %scan3A_507 : i32
    %scan3A_509 = arith.constant 1 : i32
    scf.for %scan3A_538 = %scan3A to %scan3A_508 step %scan3A_509  : i32 {
      %get3A = arith.index_cast %scan3A_538 : i32 to index
      %get3A_539 = arith.constant 0 : index
      %get3A_540 = tpu.vector_load %arg6[%get3A, %get3A_539] {strides = array<i32>} : memref<128x32xi32, #tpu.memory_space<vmem>>, vector<16xi32>,
      %get3A_541 = arith.index_cast %scan3A_538 : i32 to index
      %get3A_542 = arith.constant 16 : index
      %get3A_543 = tpu.vector_load %arg6[%get3A_541, %get3A_542] {strides = array<i32>} : memref<128x32xi32, #tpu.memory_space<vmem>>, vector<16xi32>,
      %add3A_544 = arith.addi %mul3A_2, %scan3A_538 : i32
      %mul3A_545 = arith.constant 16 : i32
      %mul3A_546 = arith.muli %add3A_544, %mul3A_545 : i32
      %add3A_547 = arith.constant 0 : i32
      %add3A_548 = arith.addi %mul3A_546, %add3A_547 : i32
      %gt3A = arith.constant 0 : i32
      %gt3A_549 = arith.cmpi sgt, %scan3A_538, %gt3A : i32
      %convert_element_type3A = arith.extui %gt3A_549 : i1 to i32
      %cond3A = arith.constant 0 : i32
      %cond3A_550 = arith.cmpi ne, %convert_element_type3A, %cond3A : i32
      scf.if %cond3A_550 {
        %dma_wait3A_3183 = arith.constant 0 : i32
        %dma_wait3A_3184 = arith.constant 0 : i32
        %dma_wait3A_3185 = tpu.memref_slice %arg4[%dma_wait3A_3183, %dma_wait3A_3184] : memref<65536x1008xi32, #tpu.memory_space<hbm>> -> memref<1x1008xi32, #tpu.memory_space<hbm>>
        %dma_wait3A_3186 = tpu.memref_squeeze %dma_wait3A_3185 : memref<1x1008xi32, #tpu.memory_space<hbm>> -> memref<1008xi32, #tpu.memory_space<hbm>>
        %dma_wait3A_3187 = arith.constant 0 : i32
        %dma_wait3A_3188 = tpu.memref_slice %arg4[%dma_wait3A_3183, %dma_wait3A_3187] : memref<65536x1008xi32, #tpu.memory_space<hbm>> -> memref<1x1008xi32, #tpu.memory_space<hbm>>
        %dma_wait3A_3189 = tpu.memref_squeeze %dma_wait3A_3188 : memref<1x1008xi32, #tpu.memory_space<hbm>> -> memref<1008xi32, #tpu.memory_space<hbm>>
        tpu.wait_dma2 semaphore(%arg11 : memref<!tpu.dma_semaphore, #tpu.memory_space<semaphore_mem>>) src(%arg7 : memref<1008xi32, #tpu.memory_space<vmem>>) dst(%dma_wait3A_3189 : memref<1008xi32, #tpu.memory_space<hbm>>)
      } else {
      }
      %slice3A = vector.extract_strided_slice %get3A_540 {offsets = [0], sizes = [1], strides = [1]} : vector<16xi32> to vector<1xi32>
      %squeeze3A = vector.extract %slice3A[0] : i32 from vector<1xi32>
      %slice3A_551 = vector.extract_strided_slice %get3A_540 {offsets = [1], sizes = [1], strides = [1]} : vector<16xi32> to vector<1xi32>
      %squeeze3A_552 = vector.extract %slice3A_551[0] : i32 from vector<1xi32>
      %broadcast_in_dim3A_553 = vector.broadcast %add3A_548 : i32 to vector<16xi32>
      %get3A_554 = arith.index_cast %scan3A_538 : i32 to index
      %get3A_555 = arith.constant 0 : index
      %get3A_556 = tpu.vector_load %arg5[%get3A_554, %get3A_555] {strides = array<i32>} : memref<128x200xi32, #tpu.memory_space<vmem>>, vector<16xi32>,
      %add3A_557 = arith.constant 0 : i32
      %add3A_558 = vector.broadcast %add3A_557 : i32 to vector<16xi32>
      %add3A_559 = arith.addi %iota3A, %add3A_558 : vector<16xi32>
      %ge3A = vector.broadcast %squeeze3A : i32 to vector<16xi32>
      %ge3A_560 = arith.cmpi sge, %add3A_559, %ge3A : vector<16xi32>
      %lt3A = vector.broadcast %squeeze3A_552 : i32 to vector<16xi32>
      %lt3A_561 = arith.cmpi slt, %add3A_559, %lt3A : vector<16xi32>
      %and3A = arith.andi %ge3A_560, %lt3A_561 : vector<16xi1>
      tpu.vector_store_idx %arg7[%get3A_556], %broadcast_in_dim3A_553 masked %and3A : memref<1008xi32, #tpu.memory_space<vmem>>[vector<16xi32>], vector<16xi32>, vector<16xi1>
      %get3A_562 = arith.index_cast %scan3A_538 : i32 to index
      %get3A_563 = arith.constant 16 : index
      %get3A_564 = tpu.vector_load %arg5[%get3A_562, %get3A_563] {strides = array<i32>} : memref<128x200xi32, #tpu.memory_space<vmem>>, vector<16xi32>,
      %add3A_565 = arith.constant 16 : i32
      %add3A_566 = vector.broadcast %add3A_565 : i32 to vector<16xi32>
      %add3A_567 = arith.addi %iota3A, %add3A_566 : vector<16xi32>
      %ge3A_568 = vector.broadcast %squeeze3A : i32 to vector<16xi32>
      %ge3A_569 = arith.cmpi sge, %add3A_567, %ge3A_568 : vector<16xi32>
      %lt3A_570 = vector.broadcast %squeeze3A_552 : i32 to vector<16xi32>
      %lt3A_571 = arith.cmpi slt, %add3A_567, %lt3A_570 : vector<16xi32>
      %and3A_572 = arith.andi %ge3A_569, %lt3A_571 : vector<16xi1>
      tpu.vector_store_idx %arg7[%get3A_564], %broadcast_in_dim3A_553 masked %and3A_572 : memref<1008xi32, #tpu.memory_space<vmem>>[vector<16xi32>], vector<16xi32>, vector<16xi1>
      %get3A_573 = arith.index_cast %scan3A_538 : i32 to index
      %get3A_574 = arith.constant 32 : index
      %get3A_575 = tpu.vector_load %arg5[%get3A_573, %get3A_574] {strides = array<i32>} : memref<128x200xi32, #tpu.memory_space<vmem>>, vector<16xi32>,
      %add3A_576 = arith.constant 32 : i32
      %add3A_577 = vector.broadcast %add3A_576 : i32 to vector<16xi32>
      %add3A_578 = arith.addi %iota3A, %add3A_577 : vector<16xi32>
      %ge3A_579 = vector.broadcast %squeeze3A : i32 to vector<16xi32>
      %ge3A_580 = arith.cmpi sge, %add3A_578, %ge3A_579 : vector<16xi32>
      %lt3A_581 = vector.broadcast %squeeze3A_552 : i32 to vector<16xi32>
      %lt3A_582 = arith.cmpi slt, %add3A_578, %lt3A_581 : vector<16xi32>
      %and3A_583 = arith.andi %ge3A_580, %lt3A_582 : vector<16xi1>
      tpu.vector_store_idx %arg7[%get3A_575], %broadcast_in_dim3A_553 masked %and3A_583 : memref<1008xi32, #tpu.memory_space<vmem>>[vector<16xi32>], vector<16xi32>, vector<16xi1>
      %get3A_584 = arith.index_cast %scan3A_538 : i32 to index
      %get3A_585 = arith.constant 48 : index
      %get3A_586 = tpu.vector_load %arg5[%get3A_584, %get3A_585] {strides = array<i32>} : memref<128x200xi32, #tpu.memory_space<vmem>>, vector<16xi32>,
      %add3A_587 = arith.constant 48 : i32
      %add3A_588 = vector.broadcast %add3A_587 : i32 to vector<16xi32>
      %add3A_589 = arith.addi %iota3A, %add3A_588 : vector<16xi32>
      %ge3A_590 = vector.broadcast %squeeze3A : i32 to vector<16xi32>
      %ge3A_591 = arith.cmpi sge, %add3A_589, %ge3A_590 : vector<16xi32>
      %lt3A_592 = vector.broadcast %squeeze3A_552 : i32 to vector<16xi32>
      %lt3A_593 = arith.cmpi slt, %add3A_589, %lt3A_592 : vector<16xi32>
      %and3A_594 = arith.andi %ge3A_591, %lt3A_593 : vector<16xi1>
      tpu.vector_store_idx %arg7[%get3A_586], %broadcast_in_dim3A_553 masked %and3A_594 : memref<1008xi32, #tpu.memory_space<vmem>>[vector<16xi32>], vector<16xi32>, vector<16xi1>
      %get3A_595 = arith.index_cast %scan3A_538 : i32 to index
      %get3A_596 = arith.constant 64 : index
      %get3A_597 = tpu.vector_load %arg5[%get3A_595, %get3A_596] {strides = array<i32>} : memref<128x200xi32, #tpu.memory_space<vmem>>, vector<16xi32>,
      %add3A_598 = arith.constant 64 : i32
      %add3A_599 = vector.broadcast %add3A_598 : i32 to vector<16xi32>
      %add3A_600 = arith.addi %iota3A, %add3A_599 : vector<16xi32>
      %ge3A_601 = vector.broadcast %squeeze3A : i32 to vector<16xi32>
      %ge3A_602 = arith.cmpi sge, %add3A_600, %ge3A_601 : vector<16xi32>
      %lt3A_603 = vector.broadcast %squeeze3A_552 : i32 to vector<16xi32>
      %lt3A_604 = arith.cmpi slt, %add3A_600, %lt3A_603 : vector<16xi32>
      %and3A_605 = arith.andi %ge3A_602, %lt3A_604 : vector<16xi1>
      tpu.vector_store_idx %arg7[%get3A_597], %broadcast_in_dim3A_553 masked %and3A_605 : memref<1008xi32, #tpu.memory_space<vmem>>[vector<16xi32>], vector<16xi32>, vector<16xi1>
      %get3A_606 = arith.index_cast %scan3A_538 : i32 to index
      %get3A_607 = arith.constant 80 : index
      %get3A_608 = tpu.vector_load %arg5[%get3A_606, %get3A_607] {strides = array<i32>} : memref<128x200xi32, #tpu.memory_space<vmem>>, vector<16xi32>,
      %add3A_609 = arith.constant 80 : i32
      %add3A_610 = vector.broadcast %add3A_609 : i32 to vector<16xi32>
      %add3A_611 = arith.addi %iota3A, %add3A_610 : vector<16xi32>
      %ge3A_612 = vector.broadcast %squeeze3A : i32 to vector<16xi32>
      %ge3A_613 = arith.cmpi sge, %add3A_611, %ge3A_612 : vector<16xi32>
      %lt3A_614 = vector.broadcast %squeeze3A_552 : i32 to vector<16xi32>
      %lt3A_615 = arith.cmpi slt, %add3A_611, %lt3A_614 : vector<16xi32>
      %and3A_616 = arith.andi %ge3A_613, %lt3A_615 : vector<16xi1>
      tpu.vector_store_idx %arg7[%get3A_608], %broadcast_in_dim3A_553 masked %and3A_616 : memref<1008xi32, #tpu.memory_space<vmem>>[vector<16xi32>], vector<16xi32>, vector<16xi1>
      %get3A_617 = arith.index_cast %scan3A_538 : i32 to index
      %get3A_618 = arith.constant 96 : index
      %get3A_619 = tpu.vector_load %arg5[%get3A_617, %get3A_618] {strides = array<i32>} : memref<128x200xi32, #tpu.memory_space<vmem>>, vector<16xi32>,
      %add3A_620 = arith.constant 96 : i32
      %add3A_621 = vector.broadcast %add3A_620 : i32 to vector<16xi32>
      %add3A_622 = arith.addi %iota3A, %add3A_621 : vector<16xi32>
      %ge3A_623 = vector.broadcast %squeeze3A : i32 to vector<16xi32>
      %ge3A_624 = arith.cmpi sge, %add3A_622, %ge3A_623 : vector<16xi32>
      %lt3A_625 = vector.broadcast %squeeze3A_552 : i32 to vector<16xi32>
      %lt3A_626 = arith.cmpi slt, %add3A_622, %lt3A_625 : vector<16xi32>
      %and3A_627 = arith.andi %ge3A_624, %lt3A_626 : vector<16xi1>
      tpu.vector_store_idx %arg7[%get3A_619], %broadcast_in_dim3A_553 masked %and3A_627 : memref<1008xi32, #tpu.memory_space<vmem>>[vector<16xi32>], vector<16xi32>, vector<16xi1>
      %get3A_628 = arith.index_cast %scan3A_538 : i32 to index
      %get3A_629 = arith.constant 112 : index
      %get3A_630 = tpu.vector_load %arg5[%get3A_628, %get3A_629] {strides = array<i32>} : memref<128x200xi32, #tpu.memory_space<vmem>>, vector<16xi32>,
      %add3A_631 = arith.constant 112 : i32
      %add3A_632 = vector.broadcast %add3A_631 : i32 to vector<16xi32>
      %add3A_633 = arith.addi %iota3A, %add3A_632 : vector<16xi32>
      %ge3A_634 = vector.broadcast %squeeze3A : i32 to vector<16xi32>
      %ge3A_635 = arith.cmpi sge, %add3A_633, %ge3A_634 : vector<16xi32>
      %lt3A_636 = vector.broadcast %squeeze3A_552 : i32 to vector<16xi32>
      %lt3A_637 = arith.cmpi slt, %add3A_633, %lt3A_636 : vector<16xi32>
      %and3A_638 = arith.andi %ge3A_635, %lt3A_637 : vector<16xi1>
      tpu.vector_store_idx %arg7[%get3A_630], %broadcast_in_dim3A_553 masked %and3A_638 : memref<1008xi32, #tpu.memory_space<vmem>>[vector<16xi32>], vector<16xi32>, vector<16xi1>
      %get3A_639 = arith.index_cast %scan3A_538 : i32 to index
      %get3A_640 = arith.constant 128 : index
      %get3A_641 = tpu.vector_load %arg5[%get3A_639, %get3A_640] {strides = array<i32>} : memref<128x200xi32, #tpu.memory_space<vmem>>, vector<16xi32>,
      %add3A_642 = arith.constant 128 : i32
      %add3A_643 = vector.broadcast %add3A_642 : i32 to vector<16xi32>
      %add3A_644 = arith.addi %iota3A, %add3A_643 : vector<16xi32>
      %ge3A_645 = vector.broadcast %squeeze3A : i32 to vector<16xi32>
      %ge3A_646 = arith.cmpi sge, %add3A_644, %ge3A_645 : vector<16xi32>
      %lt3A_647 = vector.broadcast %squeeze3A_552 : i32 to vector<16xi32>
      %lt3A_648 = arith.cmpi slt, %add3A_644, %lt3A_647 : vector<16xi32>
      %and3A_649 = arith.andi %ge3A_646, %lt3A_648 : vector<16xi1>
      tpu.vector_store_idx %arg7[%get3A_641], %broadcast_in_dim3A_553 masked %and3A_649 : memref<1008xi32, #tpu.memory_space<vmem>>[vector<16xi32>], vector<16xi32>, vector<16xi1>
      %get3A_650 = arith.index_cast %scan3A_538 : i32 to index
      %get3A_651 = arith.constant 144 : index
      %get3A_652 = tpu.vector_load %arg5[%get3A_650, %get3A_651] {strides = array<i32>} : memref<128x200xi32, #tpu.memory_space<vmem>>, vector<16xi32>,
      %add3A_653 = arith.constant 144 : i32
      %add3A_654 = vector.broadcast %add3A_653 : i32 to vector<16xi32>
      %add3A_655 = arith.addi %iota3A, %add3A_654 : vector<16xi32>
      %ge3A_656 = vector.broadcast %squeeze3A : i32 to vector<16xi32>
      %ge3A_657 = arith.cmpi sge, %add3A_655, %ge3A_656 : vector<16xi32>
      %lt3A_658 = vector.broadcast %squeeze3A_552 : i32 to vector<16xi32>
      %lt3A_659 = arith.cmpi slt, %add3A_655, %lt3A_658 : vector<16xi32>
      %and3A_660 = arith.andi %ge3A_657, %lt3A_659 : vector<16xi1>
      tpu.vector_store_idx %arg7[%get3A_652], %broadcast_in_dim3A_553 masked %and3A_660 : memref<1008xi32, #tpu.memory_space<vmem>>[vector<16xi32>], vector<16xi32>, vector<16xi1>
      %get3A_661 = arith.index_cast %scan3A_538 : i32 to index
      %get3A_662 = arith.constant 160 : index
      %get3A_663 = tpu.vector_load %arg5[%get3A_661, %get3A_662] {strides = array<i32>} : memref<128x200xi32, #tpu.memory_space<vmem>>, vector<16xi32>,
      %add3A_664 = arith.constant 160 : i32
      %add3A_665 = vector.broadcast %add3A_664 : i32 to vector<16xi32>
      %add3A_666 = arith.addi %iota3A, %add3A_665 : vector<16xi32>
      %ge3A_667 = vector.broadcast %squeeze3A : i32 to vector<16xi32>
      %ge3A_668 = arith.cmpi sge, %add3A_666, %ge3A_667 : vector<16xi32>
      %lt3A_669 = vector.broadcast %squeeze3A_552 : i32 to vector<16xi32>
      %lt3A_670 = arith.cmpi slt, %add3A_666, %lt3A_669 : vector<16xi32>
      %and3A_671 = arith.andi %ge3A_668, %lt3A_670 : vector<16xi1>
      tpu.vector_store_idx %arg7[%get3A_663], %broadcast_in_dim3A_553 masked %and3A_671 : memref<1008xi32, #tpu.memory_space<vmem>>[vector<16xi32>], vector<16xi32>, vector<16xi1>
      %get3A_672 = arith.index_cast %scan3A_538 : i32 to index
      %get3A_673 = arith.constant 176 : index
      %get3A_674 = tpu.vector_load %arg5[%get3A_672, %get3A_673] {strides = array<i32>} : memref<128x200xi32, #tpu.memory_space<vmem>>, vector<16xi32>,
      %add3A_675 = arith.constant 176 : i32
      %add3A_676 = vector.broadcast %add3A_675 : i32 to vector<16xi32>
      %add3A_677 = arith.addi %iota3A, %add3A_676 : vector<16xi32>
      %ge3A_678 = vector.broadcast %squeeze3A : i32 to vector<16xi32>
      %ge3A_679 = arith.cmpi sge, %add3A_677, %ge3A_678 : vector<16xi32>
      %lt3A_680 = vector.broadcast %squeeze3A_552 : i32 to vector<16xi32>
      %lt3A_681 = arith.cmpi slt, %add3A_677, %lt3A_680 : vector<16xi32>
      %and3A_682 = arith.andi %ge3A_679, %lt3A_681 : vector<16xi1>
      tpu.vector_store_idx %arg7[%get3A_674], %broadcast_in_dim3A_553 masked %and3A_682 : memref<1008xi32, #tpu.memory_space<vmem>>[vector<16xi32>], vector<16xi32>, vector<16xi1>
      %get3A_683 = arith.index_cast %scan3A_538 : i32 to index
      %get3A_684 = arith.constant 184 : index
      %get3A_685 = tpu.vector_load %arg5[%get3A_683, %get3A_684] {strides = array<i32>} : memref<128x200xi32, #tpu.memory_space<vmem>>, vector<16xi32>,
      %add3A_686 = arith.constant 184 : i32
      %add3A_687 = vector.broadcast %add3A_686 : i32 to vector<16xi32>
      %add3A_688 = arith.addi %iota3A, %add3A_687 : vector<16xi32>
      %ge3A_689 = vector.broadcast %squeeze3A : i32 to vector<16xi32>
      %ge3A_690 = arith.cmpi sge, %add3A_688, %ge3A_689 : vector<16xi32>
      %lt3A_691 = vector.broadcast %squeeze3A_552 : i32 to vector<16xi32>
      %lt3A_692 = arith.cmpi slt, %add3A_688, %lt3A_691 : vector<16xi32>
      %and3A_693 = arith.andi %ge3A_690, %lt3A_692 : vector<16xi1>
      tpu.vector_store_idx %arg7[%get3A_685], %broadcast_in_dim3A_553 masked %and3A_693 : memref<1008xi32, #tpu.memory_space<vmem>>[vector<16xi32>], vector<16xi32>, vector<16xi1>
      %dma_start3A = arith.constant 0 : i32
      %dma_start3A_694 = tpu.memref_slice %arg4[%add3A_548, %dma_start3A] : memref<65536x1008xi32, #tpu.memory_space<hbm>> -> memref<1x1008xi32, #tpu.memory_space<hbm>>
      %dma_start3A_695 = tpu.memref_squeeze %dma_start3A_694 : memref<1x1008xi32, #tpu.memory_space<hbm>> -> memref<1008xi32, #tpu.memory_space<hbm>>
      %dma_start3A_696 = arith.constant 0 : i32
      %dma_start3A_697 = tpu.memref_slice %arg4[%add3A_548, %dma_start3A_696] : memref<65536x1008xi32, #tpu.memory_space<hbm>> -> memref<1x1008xi32, #tpu.memory_space<hbm>>
      %dma_start3A_698 = tpu.memref_squeeze %dma_start3A_697 : memref<1x1008xi32, #tpu.memory_space<hbm>> -> memref<1008xi32, #tpu.memory_space<hbm>>
      tpu.enqueue_dma source(%arg7 : memref<1008xi32, #tpu.memory_space<vmem>>) target(%dma_start3A_698 : memref<1008xi32, #tpu.memory_space<hbm>>) target_semaphore(%arg11 : memref<!tpu.dma_semaphore, #tpu.memory_space<semaphore_mem>>)
      %add3A_699 = arith.addi %mul3A_2, %scan3A_538 : i32
      %mul3A_700 = arith.constant 16 : i32
      %mul3A_701 = arith.muli %add3A_699, %mul3A_700 : i32
      %add3A_702 = arith.constant 1 : i32
      %add3A_703 = arith.addi %mul3A_701, %add3A_702 : i32
      %gt3A_704 = arith.constant 0 : i32
      %gt3A_705 = arith.cmpi sgt, %scan3A_538, %gt3A_704 : i32
      %convert_element_type3A_706 = arith.extui %gt3A_705 : i1 to i32
      %cond3A_707 = arith.constant 0 : i32
      %cond3A_708 = arith.cmpi ne, %convert_element_type3A_706, %cond3A_707 : i32
      scf.if %cond3A_708 {
        %dma_wait3A_3183 = arith.constant 0 : i32
        %dma_wait3A_3184 = arith.constant 0 : i32
        %dma_wait3A_3185 = tpu.memref_slice %arg4[%dma_wait3A_3183, %dma_wait3A_3184] : memref<65536x1008xi32, #tpu.memory_space<hbm>> -> memref<1x1008xi32, #tpu.memory_space<hbm>>
        %dma_wait3A_3186 = tpu.memref_squeeze %dma_wait3A_3185 : memref<1x1008xi32, #tpu.memory_space<hbm>> -> memref<1008xi32, #tpu.memory_space<hbm>>
        %dma_wait3A_3187 = arith.constant 0 : i32
        %dma_wait3A_3188 = tpu.memref_slice %arg4[%dma_wait3A_3183, %dma_wait3A_3187] : memref<65536x1008xi32, #tpu.memory_space<hbm>> -> memref<1x1008xi32, #tpu.memory_space<hbm>>
        %dma_wait3A_3189 = tpu.memref_squeeze %dma_wait3A_3188 : memref<1x1008xi32, #tpu.memory_space<hbm>> -> memref<1008xi32, #tpu.memory_space<hbm>>
        tpu.wait_dma2 semaphore(%arg12 : memref<!tpu.dma_semaphore, #tpu.memory_space<semaphore_mem>>) src(%arg8 : memref<1008xi32, #tpu.memory_space<vmem>>) dst(%dma_wait3A_3189 : memref<1008xi32, #tpu.memory_space<hbm>>)
      } else {
      }
      %slice3A_709 = vector.extract_strided_slice %get3A_540 {offsets = [2], sizes = [1], strides = [1]} : vector<16xi32> to vector<1xi32>
      %squeeze3A_710 = vector.extract %slice3A_709[0] : i32 from vector<1xi32>
      %slice3A_711 = vector.extract_strided_slice %get3A_540 {offsets = [3], sizes = [1], strides = [1]} : vector<16xi32> to vector<1xi32>
      %squeeze3A_712 = vector.extract %slice3A_711[0] : i32 from vector<1xi32>
      %broadcast_in_dim3A_713 = vector.broadcast %add3A_703 : i32 to vector<16xi32>
      %get3A_714 = arith.index_cast %scan3A_538 : i32 to index
      %get3A_715 = arith.constant 0 : index
      %get3A_716 = tpu.vector_load %arg5[%get3A_714, %get3A_715] {strides = array<i32>} : memref<128x200xi32, #tpu.memory_space<vmem>>, vector<16xi32>,
      %add3A_717 = arith.constant 0 : i32
      %add3A_718 = vector.broadcast %add3A_717 : i32 to vector<16xi32>
      %add3A_719 = arith.addi %iota3A, %add3A_718 : vector<16xi32>
      %ge3A_720 = vector.broadcast %squeeze3A_710 : i32 to vector<16xi32>
      %ge3A_721 = arith.cmpi sge, %add3A_719, %ge3A_720 : vector<16xi32>
      %lt3A_722 = vector.broadcast %squeeze3A_712 : i32 to vector<16xi32>
      %lt3A_723 = arith.cmpi slt, %add3A_719, %lt3A_722 : vector<16xi32>
      %and3A_724 = arith.andi %ge3A_721, %lt3A_723 : vector<16xi1>
      tpu.vector_store_idx %arg8[%get3A_716], %broadcast_in_dim3A_713 masked %and3A_724 : memref<1008xi32, #tpu.memory_space<vmem>>[vector<16xi32>], vector<16xi32>, vector<16xi1>
      %get3A_725 = arith.index_cast %scan3A_538 : i32 to index
      %get3A_726 = arith.constant 16 : index
      %get3A_727 = tpu.vector_load %arg5[%get3A_725, %get3A_726] {strides = array<i32>} : memref<128x200xi32, #tpu.memory_space<vmem>>, vector<16xi32>,
      %add3A_728 = arith.constant 16 : i32
      %add3A_729 = vector.broadcast %add3A_728 : i32 to vector<16xi32>
      %add3A_730 = arith.addi %iota3A, %add3A_729 : vector<16xi32>
      %ge3A_731 = vector.broadcast %squeeze3A_710 : i32 to vector<16xi32>
      %ge3A_732 = arith.cmpi sge, %add3A_730, %ge3A_731 : vector<16xi32>
      %lt3A_733 = vector.broadcast %squeeze3A_712 : i32 to vector<16xi32>
      %lt3A_734 = arith.cmpi slt, %add3A_730, %lt3A_733 : vector<16xi32>
      %and3A_735 = arith.andi %ge3A_732, %lt3A_734 : vector<16xi1>
      tpu.vector_store_idx %arg8[%get3A_727], %broadcast_in_dim3A_713 masked %and3A_735 : memref<1008xi32, #tpu.memory_space<vmem>>[vector<16xi32>], vector<16xi32>, vector<16xi1>
      %get3A_736 = arith.index_cast %scan3A_538 : i32 to index
      %get3A_737 = arith.constant 32 : index
      %get3A_738 = tpu.vector_load %arg5[%get3A_736, %get3A_737] {strides = array<i32>} : memref<128x200xi32, #tpu.memory_space<vmem>>, vector<16xi32>,
      %add3A_739 = arith.constant 32 : i32
      %add3A_740 = vector.broadcast %add3A_739 : i32 to vector<16xi32>
      %add3A_741 = arith.addi %iota3A, %add3A_740 : vector<16xi32>
      %ge3A_742 = vector.broadcast %squeeze3A_710 : i32 to vector<16xi32>
      %ge3A_743 = arith.cmpi sge, %add3A_741, %ge3A_742 : vector<16xi32>
      %lt3A_744 = vector.broadcast %squeeze3A_712 : i32 to vector<16xi32>
      %lt3A_745 = arith.cmpi slt, %add3A_741, %lt3A_744 : vector<16xi32>
      %and3A_746 = arith.andi %ge3A_743, %lt3A_745 : vector<16xi1>
      tpu.vector_store_idx %arg8[%get3A_738], %broadcast_in_dim3A_713 masked %and3A_746 : memref<1008xi32, #tpu.memory_space<vmem>>[vector<16xi32>], vector<16xi32>, vector<16xi1>
      %get3A_747 = arith.index_cast %scan3A_538 : i32 to index
      %get3A_748 = arith.constant 48 : index
      %get3A_749 = tpu.vector_load %arg5[%get3A_747, %get3A_748] {strides = array<i32>} : memref<128x200xi32, #tpu.memory_space<vmem>>, vector<16xi32>,
      %add3A_750 = arith.constant 48 : i32
      %add3A_751 = vector.broadcast %add3A_750 : i32 to vector<16xi32>
      %add3A_752 = arith.addi %iota3A, %add3A_751 : vector<16xi32>
      %ge3A_753 = vector.broadcast %squeeze3A_710 : i32 to vector<16xi32>
      %ge3A_754 = arith.cmpi sge, %add3A_752, %ge3A_753 : vector<16xi32>
      %lt3A_755 = vector.broadcast %squeeze3A_712 : i32 to vector<16xi32>
      %lt3A_756 = arith.cmpi slt, %add3A_752, %lt3A_755 : vector<16xi32>
      %and3A_757 = arith.andi %ge3A_754, %lt3A_756 : vector<16xi1>
      tpu.vector_store_idx %arg8[%get3A_749], %broadcast_in_dim3A_713 masked %and3A_757 : memref<1008xi32, #tpu.memory_space<vmem>>[vector<16xi32>], vector<16xi32>, vector<16xi1>
      %get3A_758 = arith.index_cast %scan3A_538 : i32 to index
      %get3A_759 = arith.constant 64 : index
      %get3A_760 = tpu.vector_load %arg5[%get3A_758, %get3A_759] {strides = array<i32>} : memref<128x200xi32, #tpu.memory_space<vmem>>, vector<16xi32>,
      %add3A_761 = arith.constant 64 : i32
      %add3A_762 = vector.broadcast %add3A_761 : i32 to vector<16xi32>
      %add3A_763 = arith.addi %iota3A, %add3A_762 : vector<16xi32>
      %ge3A_764 = vector.broadcast %squeeze3A_710 : i32 to vector<16xi32>
      %ge3A_765 = arith.cmpi sge, %add3A_763, %ge3A_764 : vector<16xi32>
      %lt3A_766 = vector.broadcast %squeeze3A_712 : i32 to vector<16xi32>
      %lt3A_767 = arith.cmpi slt, %add3A_763, %lt3A_766 : vector<16xi32>
      %and3A_768 = arith.andi %ge3A_765, %lt3A_767 : vector<16xi1>
      tpu.vector_store_idx %arg8[%get3A_760], %broadcast_in_dim3A_713 masked %and3A_768 : memref<1008xi32, #tpu.memory_space<vmem>>[vector<16xi32>], vector<16xi32>, vector<16xi1>
      %get3A_769 = arith.index_cast %scan3A_538 : i32 to index
      %get3A_770 = arith.constant 80 : index
      %get3A_771 = tpu.vector_load %arg5[%get3A_769, %get3A_770] {strides = array<i32>} : memref<128x200xi32, #tpu.memory_space<vmem>>, vector<16xi32>,
      %add3A_772 = arith.constant 80 : i32
      %add3A_773 = vector.broadcast %add3A_772 : i32 to vector<16xi32>
      %add3A_774 = arith.addi %iota3A, %add3A_773 : vector<16xi32>
      %ge3A_775 = vector.broadcast %squeeze3A_710 : i32 to vector<16xi32>
      %ge3A_776 = arith.cmpi sge, %add3A_774, %ge3A_775 : vector<16xi32>
      %lt3A_777 = vector.broadcast %squeeze3A_712 : i32 to vector<16xi32>
      %lt3A_778 = arith.cmpi slt, %add3A_774, %lt3A_777 : vector<16xi32>
      %and3A_779 = arith.andi %ge3A_776, %lt3A_778 : vector<16xi1>
      tpu.vector_store_idx %arg8[%get3A_771], %broadcast_in_dim3A_713 masked %and3A_779 : memref<1008xi32, #tpu.memory_space<vmem>>[vector<16xi32>], vector<16xi32>, vector<16xi1>
      %get3A_780 = arith.index_cast %scan3A_538 : i32 to index
      %get3A_781 = arith.constant 96 : index
      %get3A_782 = tpu.vector_load %arg5[%get3A_780, %get3A_781] {strides = array<i32>} : memref<128x200xi32, #tpu.memory_space<vmem>>, vector<16xi32>,
      %add3A_783 = arith.constant 96 : i32
      %add3A_784 = vector.broadcast %add3A_783 : i32 to vector<16xi32>
      %add3A_785 = arith.addi %iota3A, %add3A_784 : vector<16xi32>
      %ge3A_786 = vector.broadcast %squeeze3A_710 : i32 to vector<16xi32>
      %ge3A_787 = arith.cmpi sge, %add3A_785, %ge3A_786 : vector<16xi32>
      %lt3A_788 = vector.broadcast %squeeze3A_712 : i32 to vector<16xi32>
      %lt3A_789 = arith.cmpi slt, %add3A_785, %lt3A_788 : vector<16xi32>
      %and3A_790 = arith.andi %ge3A_787, %lt3A_789 : vector<16xi1>
      tpu.vector_store_idx %arg8[%get3A_782], %broadcast_in_dim3A_713 masked %and3A_790 : memref<1008xi32, #tpu.memory_space<vmem>>[vector<16xi32>], vector<16xi32>, vector<16xi1>
      %get3A_791 = arith.index_cast %scan3A_538 : i32 to index
      %get3A_792 = arith.constant 112 : index
      %get3A_793 = tpu.vector_load %arg5[%get3A_791, %get3A_792] {strides = array<i32>} : memref<128x200xi32, #tpu.memory_space<vmem>>, vector<16xi32>,
      %add3A_794 = arith.constant 112 : i32
      %add3A_795 = vector.broadcast %add3A_794 : i32 to vector<16xi32>
      %add3A_796 = arith.addi %iota3A, %add3A_795 : vector<16xi32>
      %ge3A_797 = vector.broadcast %squeeze3A_710 : i32 to vector<16xi32>
      %ge3A_798 = arith.cmpi sge, %add3A_796, %ge3A_797 : vector<16xi32>
      %lt3A_799 = vector.broadcast %squeeze3A_712 : i32 to vector<16xi32>
      %lt3A_800 = arith.cmpi slt, %add3A_796, %lt3A_799 : vector<16xi32>
      %and3A_801 = arith.andi %ge3A_798, %lt3A_800 : vector<16xi1>
      tpu.vector_store_idx %arg8[%get3A_793], %broadcast_in_dim3A_713 masked %and3A_801 : memref<1008xi32, #tpu.memory_space<vmem>>[vector<16xi32>], vector<16xi32>, vector<16xi1>
      %get3A_802 = arith.index_cast %scan3A_538 : i32 to index
      %get3A_803 = arith.constant 128 : index
      %get3A_804 = tpu.vector_load %arg5[%get3A_802, %get3A_803] {strides = array<i32>} : memref<128x200xi32, #tpu.memory_space<vmem>>, vector<16xi32>,
      %add3A_805 = arith.constant 128 : i32
      %add3A_806 = vector.broadcast %add3A_805 : i32 to vector<16xi32>
      %add3A_807 = arith.addi %iota3A, %add3A_806 : vector<16xi32>
      %ge3A_808 = vector.broadcast %squeeze3A_710 : i32 to vector<16xi32>
      %ge3A_809 = arith.cmpi sge, %add3A_807, %ge3A_808 : vector<16xi32>
      %lt3A_810 = vector.broadcast %squeeze3A_712 : i32 to vector<16xi32>
      %lt3A_811 = arith.cmpi slt, %add3A_807, %lt3A_810 : vector<16xi32>
      %and3A_812 = arith.andi %ge3A_809, %lt3A_811 : vector<16xi1>
      tpu.vector_store_idx %arg8[%get3A_804], %broadcast_in_dim3A_713 masked %and3A_812 : memref<1008xi32, #tpu.memory_space<vmem>>[vector<16xi32>], vector<16xi32>, vector<16xi1>
      %get3A_813 = arith.index_cast %scan3A_538 : i32 to index
      %get3A_814 = arith.constant 144 : index
      %get3A_815 = tpu.vector_load %arg5[%get3A_813, %get3A_814] {strides = array<i32>} : memref<128x200xi32, #tpu.memory_space<vmem>>, vector<16xi32>,
      %add3A_816 = arith.constant 144 : i32
      %add3A_817 = vector.broadcast %add3A_816 : i32 to vector<16xi32>
      %add3A_818 = arith.addi %iota3A, %add3A_817 : vector<16xi32>
      %ge3A_819 = vector.broadcast %squeeze3A_710 : i32 to vector<16xi32>
      %ge3A_820 = arith.cmpi sge, %add3A_818, %ge3A_819 : vector<16xi32>
      %lt3A_821 = vector.broadcast %squeeze3A_712 : i32 to vector<16xi32>
      %lt3A_822 = arith.cmpi slt, %add3A_818, %lt3A_821 : vector<16xi32>
      %and3A_823 = arith.andi %ge3A_820, %lt3A_822 : vector<16xi1>
      tpu.vector_store_idx %arg8[%get3A_815], %broadcast_in_dim3A_713 masked %and3A_823 : memref<1008xi32, #tpu.memory_space<vmem>>[vector<16xi32>], vector<16xi32>, vector<16xi1>
      %get3A_824 = arith.index_cast %scan3A_538 : i32 to index
      %get3A_825 = arith.constant 160 : index
      %get3A_826 = tpu.vector_load %arg5[%get3A_824, %get3A_825] {strides = array<i32>} : memref<128x200xi32, #tpu.memory_space<vmem>>, vector<16xi32>,
      %add3A_827 = arith.constant 160 : i32
      %add3A_828 = vector.broadcast %add3A_827 : i32 to vector<16xi32>
      %add3A_829 = arith.addi %iota3A, %add3A_828 : vector<16xi32>
      %ge3A_830 = vector.broadcast %squeeze3A_710 : i32 to vector<16xi32>
      %ge3A_831 = arith.cmpi sge, %add3A_829, %ge3A_830 : vector<16xi32>
      %lt3A_832 = vector.broadcast %squeeze3A_712 : i32 to vector<16xi32>
      %lt3A_833 = arith.cmpi slt, %add3A_829, %lt3A_832 : vector<16xi32>
      %and3A_834 = arith.andi %ge3A_831, %lt3A_833 : vector<16xi1>
      tpu.vector_store_idx %arg8[%get3A_826], %broadcast_in_dim3A_713 masked %and3A_834 : memref<1008xi32, #tpu.memory_space<vmem>>[vector<16xi32>], vector<16xi32>, vector<16xi1>
      %get3A_835 = arith.index_cast %scan3A_538 : i32 to index
      %get3A_836 = arith.constant 176 : index
      %get3A_837 = tpu.vector_load %arg5[%get3A_835, %get3A_836] {strides = array<i32>} : memref<128x200xi32, #tpu.memory_space<vmem>>, vector<16xi32>,
      %add3A_838 = arith.constant 176 : i32
      %add3A_839 = vector.broadcast %add3A_838 : i32 to vector<16xi32>
      %add3A_840 = arith.addi %iota3A, %add3A_839 : vector<16xi32>
      %ge3A_841 = vector.broadcast %squeeze3A_710 : i32 to vector<16xi32>
      %ge3A_842 = arith.cmpi sge, %add3A_840, %ge3A_841 : vector<16xi32>
      %lt3A_843 = vector.broadcast %squeeze3A_712 : i32 to vector<16xi32>
      %lt3A_844 = arith.cmpi slt, %add3A_840, %lt3A_843 : vector<16xi32>
      %and3A_845 = arith.andi %ge3A_842, %lt3A_844 : vector<16xi1>
      tpu.vector_store_idx %arg8[%get3A_837], %broadcast_in_dim3A_713 masked %and3A_845 : memref<1008xi32, #tpu.memory_space<vmem>>[vector<16xi32>], vector<16xi32>, vector<16xi1>
      %get3A_846 = arith.index_cast %scan3A_538 : i32 to index
      %get3A_847 = arith.constant 184 : index
      %get3A_848 = tpu.vector_load %arg5[%get3A_846, %get3A_847] {strides = array<i32>} : memref<128x200xi32, #tpu.memory_space<vmem>>, vector<16xi32>,
      %add3A_849 = arith.constant 184 : i32
      %add3A_850 = vector.broadcast %add3A_849 : i32 to vector<16xi32>
      %add3A_851 = arith.addi %iota3A, %add3A_850 : vector<16xi32>
      %ge3A_852 = vector.broadcast %squeeze3A_710 : i32 to vector<16xi32>
      %ge3A_853 = arith.cmpi sge, %add3A_851, %ge3A_852 : vector<16xi32>
      %lt3A_854 = vector.broadcast %squeeze3A_712 : i32 to vector<16xi32>
      %lt3A_855 = arith.cmpi slt, %add3A_851, %lt3A_854 : vector<16xi32>
      %and3A_856 = arith.andi %ge3A_853, %lt3A_855 : vector<16xi1>
      tpu.vector_store_idx %arg8[%get3A_848], %broadcast_in_dim3A_713 masked %and3A_856 : memref<1008xi32, #tpu.memory_space<vmem>>[vector<16xi32>], vector<16xi32>, vector<16xi1>
      %dma_start3A_857 = arith.constant 0 : i32
      %dma_start3A_858 = tpu.memref_slice %arg4[%add3A_703, %dma_start3A_857] : memref<65536x1008xi32, #tpu.memory_space<hbm>> -> memref<1x1008xi32, #tpu.memory_space<hbm>>
      %dma_start3A_859 = tpu.memref_squeeze %dma_start3A_858 : memref<1x1008xi32, #tpu.memory_space<hbm>> -> memref<1008xi32, #tpu.memory_space<hbm>>
      %dma_start3A_860 = arith.constant 0 : i32
      %dma_start3A_861 = tpu.memref_slice %arg4[%add3A_703, %dma_start3A_860] : memref<65536x1008xi32, #tpu.memory_space<hbm>> -> memref<1x1008xi32, #tpu.memory_space<hbm>>
      %dma_start3A_862 = tpu.memref_squeeze %dma_start3A_861 : memref<1x1008xi32, #tpu.memory_space<hbm>> -> memref<1008xi32, #tpu.memory_space<hbm>>
      tpu.enqueue_dma source(%arg8 : memref<1008xi32, #tpu.memory_space<vmem>>) target(%dma_start3A_862 : memref<1008xi32, #tpu.memory_space<hbm>>) target_semaphore(%arg12 : memref<!tpu.dma_semaphore, #tpu.memory_space<semaphore_mem>>)
      %add3A_863 = arith.addi %mul3A_2, %scan3A_538 : i32
      %mul3A_864 = arith.constant 16 : i32
      %mul3A_865 = arith.muli %add3A_863, %mul3A_864 : i32
      %add3A_866 = arith.constant 2 : i32
      %add3A_867 = arith.addi %mul3A_865, %add3A_866 : i32
      %gt3A_868 = arith.constant 0 : i32
      %gt3A_869 = arith.cmpi sgt, %scan3A_538, %gt3A_868 : i32
      %convert_element_type3A_870 = arith.extui %gt3A_869 : i1 to i32
      %cond3A_871 = arith.constant 0 : i32
      %cond3A_872 = arith.cmpi ne, %convert_element_type3A_870, %cond3A_871 : i32
      scf.if %cond3A_872 {
        %dma_wait3A_3183 = arith.constant 0 : i32
        %dma_wait3A_3184 = arith.constant 0 : i32
        %dma_wait3A_3185 = tpu.memref_slice %arg4[%dma_wait3A_3183, %dma_wait3A_3184] : memref<65536x1008xi32, #tpu.memory_space<hbm>> -> memref<1x1008xi32, #tpu.memory_space<hbm>>
        %dma_wait3A_3186 = tpu.memref_squeeze %dma_wait3A_3185 : memref<1x1008xi32, #tpu.memory_space<hbm>> -> memref<1008xi32, #tpu.memory_space<hbm>>
        %dma_wait3A_3187 = arith.constant 0 : i32
        %dma_wait3A_3188 = tpu.memref_slice %arg4[%dma_wait3A_3183, %dma_wait3A_3187] : memref<65536x1008xi32, #tpu.memory_space<hbm>> -> memref<1x1008xi32, #tpu.memory_space<hbm>>
        %dma_wait3A_3189 = tpu.memref_squeeze %dma_wait3A_3188 : memref<1x1008xi32, #tpu.memory_space<hbm>> -> memref<1008xi32, #tpu.memory_space<hbm>>
        tpu.wait_dma2 semaphore(%arg13 : memref<!tpu.dma_semaphore, #tpu.memory_space<semaphore_mem>>) src(%arg9 : memref<1008xi32, #tpu.memory_space<vmem>>) dst(%dma_wait3A_3189 : memref<1008xi32, #tpu.memory_space<hbm>>)
      } else {
      }
      %slice3A_873 = vector.extract_strided_slice %get3A_540 {offsets = [4], sizes = [1], strides = [1]} : vector<16xi32> to vector<1xi32>
      %squeeze3A_874 = vector.extract %slice3A_873[0] : i32 from vector<1xi32>
      %slice3A_875 = vector.extract_strided_slice %get3A_540 {offsets = [5], sizes = [1], strides = [1]} : vector<16xi32> to vector<1xi32>
      %squeeze3A_876 = vector.extract %slice3A_875[0] : i32 from vector<1xi32>
      %broadcast_in_dim3A_877 = vector.broadcast %add3A_867 : i32 to vector<16xi32>
      %get3A_878 = arith.index_cast %scan3A_538 : i32 to index
      %get3A_879 = arith.constant 0 : index
      %get3A_880 = tpu.vector_load %arg5[%get3A_878, %get3A_879] {strides = array<i32>} : memref<128x200xi32, #tpu.memory_space<vmem>>, vector<16xi32>,
      %add3A_881 = arith.constant 0 : i32
      %add3A_882 = vector.broadcast %add3A_881 : i32 to vector<16xi32>
      %add3A_883 = arith.addi %iota3A, %add3A_882 : vector<16xi32>
      %ge3A_884 = vector.broadcast %squeeze3A_874 : i32 to vector<16xi32>
      %ge3A_885 = arith.cmpi sge, %add3A_883, %ge3A_884 : vector<16xi32>
      %lt3A_886 = vector.broadcast %squeeze3A_876 : i32 to vector<16xi32>
      %lt3A_887 = arith.cmpi slt, %add3A_883, %lt3A_886 : vector<16xi32>
      %and3A_888 = arith.andi %ge3A_885, %lt3A_887 : vector<16xi1>
      tpu.vector_store_idx %arg9[%get3A_880], %broadcast_in_dim3A_877 masked %and3A_888 : memref<1008xi32, #tpu.memory_space<vmem>>[vector<16xi32>], vector<16xi32>, vector<16xi1>
      %get3A_889 = arith.index_cast %scan3A_538 : i32 to index
      %get3A_890 = arith.constant 16 : index
      %get3A_891 = tpu.vector_load %arg5[%get3A_889, %get3A_890] {strides = array<i32>} : memref<128x200xi32, #tpu.memory_space<vmem>>, vector<16xi32>,
      %add3A_892 = arith.constant 16 : i32
      %add3A_893 = vector.broadcast %add3A_892 : i32 to vector<16xi32>
      %add3A_894 = arith.addi %iota3A, %add3A_893 : vector<16xi32>
      %ge3A_895 = vector.broadcast %squeeze3A_874 : i32 to vector<16xi32>
      %ge3A_896 = arith.cmpi sge, %add3A_894, %ge3A_895 : vector<16xi32>
      %lt3A_897 = vector.broadcast %squeeze3A_876 : i32 to vector<16xi32>
      %lt3A_898 = arith.cmpi slt, %add3A_894, %lt3A_897 : vector<16xi32>
      %and3A_899 = arith.andi %ge3A_896, %lt3A_898 : vector<16xi1>
      tpu.vector_store_idx %arg9[%get3A_891], %broadcast_in_dim3A_877 masked %and3A_899 : memref<1008xi32, #tpu.memory_space<vmem>>[vector<16xi32>], vector<16xi32>, vector<16xi1>
      %get3A_900 = arith.index_cast %scan3A_538 : i32 to index
      %get3A_901 = arith.constant 32 : index
      %get3A_902 = tpu.vector_load %arg5[%get3A_900, %get3A_901] {strides = array<i32>} : memref<128x200xi32, #tpu.memory_space<vmem>>, vector<16xi32>,
      %add3A_903 = arith.constant 32 : i32
      %add3A_904 = vector.broadcast %add3A_903 : i32 to vector<16xi32>
      %add3A_905 = arith.addi %iota3A, %add3A_904 : vector<16xi32>
      %ge3A_906 = vector.broadcast %squeeze3A_874 : i32 to vector<16xi32>
      %ge3A_907 = arith.cmpi sge, %add3A_905, %ge3A_906 : vector<16xi32>
      %lt3A_908 = vector.broadcast %squeeze3A_876 : i32 to vector<16xi32>
      %lt3A_909 = arith.cmpi slt, %add3A_905, %lt3A_908 : vector<16xi32>
      %and3A_910 = arith.andi %ge3A_907, %lt3A_909 : vector<16xi1>
      tpu.vector_store_idx %arg9[%get3A_902], %broadcast_in_dim3A_877 masked %and3A_910 : memref<1008xi32, #tpu.memory_space<vmem>>[vector<16xi32>], vector<16xi32>, vector<16xi1>
      %get3A_911 = arith.index_cast %scan3A_538 : i32 to index
      %get3A_912 = arith.constant 48 : index
      %get3A_913 = tpu.vector_load %arg5[%get3A_911, %get3A_912] {strides = array<i32>} : memref<128x200xi32, #tpu.memory_space<vmem>>, vector<16xi32>,
      %add3A_914 = arith.constant 48 : i32
      %add3A_915 = vector.broadcast %add3A_914 : i32 to vector<16xi32>
      %add3A_916 = arith.addi %iota3A, %add3A_915 : vector<16xi32>
      %ge3A_917 = vector.broadcast %squeeze3A_874 : i32 to vector<16xi32>
      %ge3A_918 = arith.cmpi sge, %add3A_916, %ge3A_917 : vector<16xi32>
      %lt3A_919 = vector.broadcast %squeeze3A_876 : i32 to vector<16xi32>
      %lt3A_920 = arith.cmpi slt, %add3A_916, %lt3A_919 : vector<16xi32>
      %and3A_921 = arith.andi %ge3A_918, %lt3A_920 : vector<16xi1>
      tpu.vector_store_idx %arg9[%get3A_913], %broadcast_in_dim3A_877 masked %and3A_921 : memref<1008xi32, #tpu.memory_space<vmem>>[vector<16xi32>], vector<16xi32>, vector<16xi1>
      %get3A_922 = arith.index_cast %scan3A_538 : i32 to index
      %get3A_923 = arith.constant 64 : index
      %get3A_924 = tpu.vector_load %arg5[%get3A_922, %get3A_923] {strides = array<i32>} : memref<128x200xi32, #tpu.memory_space<vmem>>, vector<16xi32>,
      %add3A_925 = arith.constant 64 : i32
      %add3A_926 = vector.broadcast %add3A_925 : i32 to vector<16xi32>
      %add3A_927 = arith.addi %iota3A, %add3A_926 : vector<16xi32>
      %ge3A_928 = vector.broadcast %squeeze3A_874 : i32 to vector<16xi32>
      %ge3A_929 = arith.cmpi sge, %add3A_927, %ge3A_928 : vector<16xi32>
      %lt3A_930 = vector.broadcast %squeeze3A_876 : i32 to vector<16xi32>
      %lt3A_931 = arith.cmpi slt, %add3A_927, %lt3A_930 : vector<16xi32>
      %and3A_932 = arith.andi %ge3A_929, %lt3A_931 : vector<16xi1>
      tpu.vector_store_idx %arg9[%get3A_924], %broadcast_in_dim3A_877 masked %and3A_932 : memref<1008xi32, #tpu.memory_space<vmem>>[vector<16xi32>], vector<16xi32>, vector<16xi1>
      %get3A_933 = arith.index_cast %scan3A_538 : i32 to index
      %get3A_934 = arith.constant 80 : index
      %get3A_935 = tpu.vector_load %arg5[%get3A_933, %get3A_934] {strides = array<i32>} : memref<128x200xi32, #tpu.memory_space<vmem>>, vector<16xi32>,
      %add3A_936 = arith.constant 80 : i32
      %add3A_937 = vector.broadcast %add3A_936 : i32 to vector<16xi32>
      %add3A_938 = arith.addi %iota3A, %add3A_937 : vector<16xi32>
      %ge3A_939 = vector.broadcast %squeeze3A_874 : i32 to vector<16xi32>
      %ge3A_940 = arith.cmpi sge, %add3A_938, %ge3A_939 : vector<16xi32>
      %lt3A_941 = vector.broadcast %squeeze3A_876 : i32 to vector<16xi32>
      %lt3A_942 = arith.cmpi slt, %add3A_938, %lt3A_941 : vector<16xi32>
      %and3A_943 = arith.andi %ge3A_940, %lt3A_942 : vector<16xi1>
      tpu.vector_store_idx %arg9[%get3A_935], %broadcast_in_dim3A_877 masked %and3A_943 : memref<1008xi32, #tpu.memory_space<vmem>>[vector<16xi32>], vector<16xi32>, vector<16xi1>
      %get3A_944 = arith.index_cast %scan3A_538 : i32 to index
      %get3A_945 = arith.constant 96 : index
      %get3A_946 = tpu.vector_load %arg5[%get3A_944, %get3A_945] {strides = array<i32>} : memref<128x200xi32, #tpu.memory_space<vmem>>, vector<16xi32>,
      %add3A_947 = arith.constant 96 : i32
      %add3A_948 = vector.broadcast %add3A_947 : i32 to vector<16xi32>
      %add3A_949 = arith.addi %iota3A, %add3A_948 : vector<16xi32>
      %ge3A_950 = vector.broadcast %squeeze3A_874 : i32 to vector<16xi32>
      %ge3A_951 = arith.cmpi sge, %add3A_949, %ge3A_950 : vector<16xi32>
      %lt3A_952 = vector.broadcast %squeeze3A_876 : i32 to vector<16xi32>
      %lt3A_953 = arith.cmpi slt, %add3A_949, %lt3A_952 : vector<16xi32>
      %and3A_954 = arith.andi %ge3A_951, %lt3A_953 : vector<16xi1>
      tpu.vector_store_idx %arg9[%get3A_946], %broadcast_in_dim3A_877 masked %and3A_954 : memref<1008xi32, #tpu.memory_space<vmem>>[vector<16xi32>], vector<16xi32>, vector<16xi1>
      %get3A_955 = arith.index_cast %scan3A_538 : i32 to index
      %get3A_956 = arith.constant 112 : index
      %get3A_957 = tpu.vector_load %arg5[%get3A_955, %get3A_956] {strides = array<i32>} : memref<128x200xi32, #tpu.memory_space<vmem>>, vector<16xi32>,
      %add3A_958 = arith.constant 112 : i32
      %add3A_959 = vector.broadcast %add3A_958 : i32 to vector<16xi32>
      %add3A_960 = arith.addi %iota3A, %add3A_959 : vector<16xi32>
      %ge3A_961 = vector.broadcast %squeeze3A_874 : i32 to vector<16xi32>
      %ge3A_962 = arith.cmpi sge, %add3A_960, %ge3A_961 : vector<16xi32>
      %lt3A_963 = vector.broadcast %squeeze3A_876 : i32 to vector<16xi32>
      %lt3A_964 = arith.cmpi slt, %add3A_960, %lt3A_963 : vector<16xi32>
      %and3A_965 = arith.andi %ge3A_962, %lt3A_964 : vector<16xi1>
      tpu.vector_store_idx %arg9[%get3A_957], %broadcast_in_dim3A_877 masked %and3A_965 : memref<1008xi32, #tpu.memory_space<vmem>>[vector<16xi32>], vector<16xi32>, vector<16xi1>
      %get3A_966 = arith.index_cast %scan3A_538 : i32 to index
      %get3A_967 = arith.constant 128 : index
      %get3A_968 = tpu.vector_load %arg5[%get3A_966, %get3A_967] {strides = array<i32>} : memref<128x200xi32, #tpu.memory_space<vmem>>, vector<16xi32>,
      %add3A_969 = arith.constant 128 : i32
      %add3A_970 = vector.broadcast %add3A_969 : i32 to vector<16xi32>
      %add3A_971 = arith.addi %iota3A, %add3A_970 : vector<16xi32>
      %ge3A_972 = vector.broadcast %squeeze3A_874 : i32 to vector<16xi32>
      %ge3A_973 = arith.cmpi sge, %add3A_971, %ge3A_972 : vector<16xi32>
      %lt3A_974 = vector.broadcast %squeeze3A_876 : i32 to vector<16xi32>
      %lt3A_975 = arith.cmpi slt, %add3A_971, %lt3A_974 : vector<16xi32>
      %and3A_976 = arith.andi %ge3A_973, %lt3A_975 : vector<16xi1>
      tpu.vector_store_idx %arg9[%get3A_968], %broadcast_in_dim3A_877 masked %and3A_976 : memref<1008xi32, #tpu.memory_space<vmem>>[vector<16xi32>], vector<16xi32>, vector<16xi1>
      %get3A_977 = arith.index_cast %scan3A_538 : i32 to index
      %get3A_978 = arith.constant 144 : index
      %get3A_979 = tpu.vector_load %arg5[%get3A_977, %get3A_978] {strides = array<i32>} : memref<128x200xi32, #tpu.memory_space<vmem>>, vector<16xi32>,
      %add3A_980 = arith.constant 144 : i32
      %add3A_981 = vector.broadcast %add3A_980 : i32 to vector<16xi32>
      %add3A_982 = arith.addi %iota3A, %add3A_981 : vector<16xi32>
      %ge3A_983 = vector.broadcast %squeeze3A_874 : i32 to vector<16xi32>
      %ge3A_984 = arith.cmpi sge, %add3A_982, %ge3A_983 : vector<16xi32>
      %lt3A_985 = vector.broadcast %squeeze3A_876 : i32 to vector<16xi32>
      %lt3A_986 = arith.cmpi slt, %add3A_982, %lt3A_985 : vector<16xi32>
      %and3A_987 = arith.andi %ge3A_984, %lt3A_986 : vector<16xi1>
      tpu.vector_store_idx %arg9[%get3A_979], %broadcast_in_dim3A_877 masked %and3A_987 : memref<1008xi32, #tpu.memory_space<vmem>>[vector<16xi32>], vector<16xi32>, vector<16xi1>
      %get3A_988 = arith.index_cast %scan3A_538 : i32 to index
      %get3A_989 = arith.constant 160 : index
      %get3A_990 = tpu.vector_load %arg5[%get3A_988, %get3A_989] {strides = array<i32>} : memref<128x200xi32, #tpu.memory_space<vmem>>, vector<16xi32>,
      %add3A_991 = arith.constant 160 : i32
      %add3A_992 = vector.broadcast %add3A_991 : i32 to vector<16xi32>
      %add3A_993 = arith.addi %iota3A, %add3A_992 : vector<16xi32>
      %ge3A_994 = vector.broadcast %squeeze3A_874 : i32 to vector<16xi32>
      %ge3A_995 = arith.cmpi sge, %add3A_993, %ge3A_994 : vector<16xi32>
      %lt3A_996 = vector.broadcast %squeeze3A_876 : i32 to vector<16xi32>
      %lt3A_997 = arith.cmpi slt, %add3A_993, %lt3A_996 : vector<16xi32>
      %and3A_998 = arith.andi %ge3A_995, %lt3A_997 : vector<16xi1>
      tpu.vector_store_idx %arg9[%get3A_990], %broadcast_in_dim3A_877 masked %and3A_998 : memref<1008xi32, #tpu.memory_space<vmem>>[vector<16xi32>], vector<16xi32>, vector<16xi1>
      %get3A_999 = arith.index_cast %scan3A_538 : i32 to index
      %get3A_1000 = arith.constant 176 : index
      %get3A_1001 = tpu.vector_load %arg5[%get3A_999, %get3A_1000] {strides = array<i32>} : memref<128x200xi32, #tpu.memory_space<vmem>>, vector<16xi32>,
      %add3A_1002 = arith.constant 176 : i32
      %add3A_1003 = vector.broadcast %add3A_1002 : i32 to vector<16xi32>
      %add3A_1004 = arith.addi %iota3A, %add3A_1003 : vector<16xi32>
      %ge3A_1005 = vector.broadcast %squeeze3A_874 : i32 to vector<16xi32>
      %ge3A_1006 = arith.cmpi sge, %add3A_1004, %ge3A_1005 : vector<16xi32>
      %lt3A_1007 = vector.broadcast %squeeze3A_876 : i32 to vector<16xi32>
      %lt3A_1008 = arith.cmpi slt, %add3A_1004, %lt3A_1007 : vector<16xi32>
      %and3A_1009 = arith.andi %ge3A_1006, %lt3A_1008 : vector<16xi1>
      tpu.vector_store_idx %arg9[%get3A_1001], %broadcast_in_dim3A_877 masked %and3A_1009 : memref<1008xi32, #tpu.memory_space<vmem>>[vector<16xi32>], vector<16xi32>, vector<16xi1>
      %get3A_1010 = arith.index_cast %scan3A_538 : i32 to index
      %get3A_1011 = arith.constant 184 : index
      %get3A_1012 = tpu.vector_load %arg5[%get3A_1010, %get3A_1011] {strides = array<i32>} : memref<128x200xi32, #tpu.memory_space<vmem>>, vector<16xi32>,
      %add3A_1013 = arith.constant 184 : i32
      %add3A_1014 = vector.broadcast %add3A_1013 : i32 to vector<16xi32>
      %add3A_1015 = arith.addi %iota3A, %add3A_1014 : vector<16xi32>
      %ge3A_1016 = vector.broadcast %squeeze3A_874 : i32 to vector<16xi32>
      %ge3A_1017 = arith.cmpi sge, %add3A_1015, %ge3A_1016 : vector<16xi32>
      %lt3A_1018 = vector.broadcast %squeeze3A_876 : i32 to vector<16xi32>
      %lt3A_1019 = arith.cmpi slt, %add3A_1015, %lt3A_1018 : vector<16xi32>
      %and3A_1020 = arith.andi %ge3A_1017, %lt3A_1019 : vector<16xi1>
      tpu.vector_store_idx %arg9[%get3A_1012], %broadcast_in_dim3A_877 masked %and3A_1020 : memref<1008xi32, #tpu.memory_space<vmem>>[vector<16xi32>], vector<16xi32>, vector<16xi1>
      %dma_start3A_1021 = arith.constant 0 : i32
      %dma_start3A_1022 = tpu.memref_slice %arg4[%add3A_867, %dma_start3A_1021] : memref<65536x1008xi32, #tpu.memory_space<hbm>> -> memref<1x1008xi32, #tpu.memory_space<hbm>>
      %dma_start3A_1023 = tpu.memref_squeeze %dma_start3A_1022 : memref<1x1008xi32, #tpu.memory_space<hbm>> -> memref<1008xi32, #tpu.memory_space<hbm>>
      %dma_start3A_1024 = arith.constant 0 : i32
      %dma_start3A_1025 = tpu.memref_slice %arg4[%add3A_867, %dma_start3A_1024] : memref<65536x1008xi32, #tpu.memory_space<hbm>> -> memref<1x1008xi32, #tpu.memory_space<hbm>>
      %dma_start3A_1026 = tpu.memref_squeeze %dma_start3A_1025 : memref<1x1008xi32, #tpu.memory_space<hbm>> -> memref<1008xi32, #tpu.memory_space<hbm>>
      tpu.enqueue_dma source(%arg9 : memref<1008xi32, #tpu.memory_space<vmem>>) target(%dma_start3A_1026 : memref<1008xi32, #tpu.memory_space<hbm>>) target_semaphore(%arg13 : memref<!tpu.dma_semaphore, #tpu.memory_space<semaphore_mem>>)
      %add3A_1027 = arith.addi %mul3A_2, %scan3A_538 : i32
      %mul3A_1028 = arith.constant 16 : i32
      %mul3A_1029 = arith.muli %add3A_1027, %mul3A_1028 : i32
      %add3A_1030 = arith.constant 3 : i32
      %add3A_1031 = arith.addi %mul3A_1029, %add3A_1030 : i32
      %gt3A_1032 = arith.constant 0 : i32
      %gt3A_1033 = arith.cmpi sgt, %scan3A_538, %gt3A_1032 : i32
      %convert_element_type3A_1034 = arith.extui %gt3A_1033 : i1 to i32
      %cond3A_1035 = arith.constant 0 : i32
      %cond3A_1036 = arith.cmpi ne, %convert_element_type3A_1034, %cond3A_1035 : i32
      scf.if %cond3A_1036 {
        %dma_wait3A_3183 = arith.constant 0 : i32
        %dma_wait3A_3184 = arith.constant 0 : i32
        %dma_wait3A_3185 = tpu.memref_slice %arg4[%dma_wait3A_3183, %dma_wait3A_3184] : memref<65536x1008xi32, #tpu.memory_space<hbm>> -> memref<1x1008xi32, #tpu.memory_space<hbm>>
        %dma_wait3A_3186 = tpu.memref_squeeze %dma_wait3A_3185 : memref<1x1008xi32, #tpu.memory_space<hbm>> -> memref<1008xi32, #tpu.memory_space<hbm>>
        %dma_wait3A_3187 = arith.constant 0 : i32
        %dma_wait3A_3188 = tpu.memref_slice %arg4[%dma_wait3A_3183, %dma_wait3A_3187] : memref<65536x1008xi32, #tpu.memory_space<hbm>> -> memref<1x1008xi32, #tpu.memory_space<hbm>>
        %dma_wait3A_3189 = tpu.memref_squeeze %dma_wait3A_3188 : memref<1x1008xi32, #tpu.memory_space<hbm>> -> memref<1008xi32, #tpu.memory_space<hbm>>
        tpu.wait_dma2 semaphore(%arg14 : memref<!tpu.dma_semaphore, #tpu.memory_space<semaphore_mem>>) src(%arg10 : memref<1008xi32, #tpu.memory_space<vmem>>) dst(%dma_wait3A_3189 : memref<1008xi32, #tpu.memory_space<hbm>>)
      } else {
      }
      %slice3A_1037 = vector.extract_strided_slice %get3A_540 {offsets = [6], sizes = [1], strides = [1]} : vector<16xi32> to vector<1xi32>
      %squeeze3A_1038 = vector.extract %slice3A_1037[0] : i32 from vector<1xi32>
      %slice3A_1039 = vector.extract_strided_slice %get3A_540 {offsets = [7], sizes = [1], strides = [1]} : vector<16xi32> to vector<1xi32>
      %squeeze3A_1040 = vector.extract %slice3A_1039[0] : i32 from vector<1xi32>
      %broadcast_in_dim3A_1041 = vector.broadcast %add3A_1031 : i32 to vector<16xi32>
      %get3A_1042 = arith.index_cast %scan3A_538 : i32 to index
      %get3A_1043 = arith.constant 0 : index
      %get3A_1044 = tpu.vector_load %arg5[%get3A_1042, %get3A_1043] {strides = array<i32>} : memref<128x200xi32, #tpu.memory_space<vmem>>, vector<16xi32>,
      %add3A_1045 = arith.constant 0 : i32
      %add3A_1046 = vector.broadcast %add3A_1045 : i32 to vector<16xi32>
      %add3A_1047 = arith.addi %iota3A, %add3A_1046 : vector<16xi32>
      %ge3A_1048 = vector.broadcast %squeeze3A_1038 : i32 to vector<16xi32>
      %ge3A_1049 = arith.cmpi sge, %add3A_1047, %ge3A_1048 : vector<16xi32>
      %lt3A_1050 = vector.broadcast %squeeze3A_1040 : i32 to vector<16xi32>
      %lt3A_1051 = arith.cmpi slt, %add3A_1047, %lt3A_1050 : vector<16xi32>
      %and3A_1052 = arith.andi %ge3A_1049, %lt3A_1051 : vector<16xi1>
      tpu.vector_store_idx %arg10[%get3A_1044], %broadcast_in_dim3A_1041 masked %and3A_1052 : memref<1008xi32, #tpu.memory_space<vmem>>[vector<16xi32>], vector<16xi32>, vector<16xi1>
      %get3A_1053 = arith.index_cast %scan3A_538 : i32 to index
      %get3A_1054 = arith.constant 16 : index
      %get3A_1055 = tpu.vector_load %arg5[%get3A_1053, %get3A_1054] {strides = array<i32>} : memref<128x200xi32, #tpu.memory_space<vmem>>, vector<16xi32>,
      %add3A_1056 = arith.constant 16 : i32
      %add3A_1057 = vector.broadcast %add3A_1056 : i32 to vector<16xi32>
      %add3A_1058 = arith.addi %iota3A, %add3A_1057 : vector<16xi32>
      %ge3A_1059 = vector.broadcast %squeeze3A_1038 : i32 to vector<16xi32>
      %ge3A_1060 = arith.cmpi sge, %add3A_1058, %ge3A_1059 : vector<16xi32>
      %lt3A_1061 = vector.broadcast %squeeze3A_1040 : i32 to vector<16xi32>
      %lt3A_1062 = arith.cmpi slt, %add3A_1058, %lt3A_1061 : vector<16xi32>
      %and3A_1063 = arith.andi %ge3A_1060, %lt3A_1062 : vector<16xi1>
      tpu.vector_store_idx %arg10[%get3A_1055], %broadcast_in_dim3A_1041 masked %and3A_1063 : memref<1008xi32, #tpu.memory_space<vmem>>[vector<16xi32>], vector<16xi32>, vector<16xi1>
      %get3A_1064 = arith.index_cast %scan3A_538 : i32 to index
      %get3A_1065 = arith.constant 32 : index
      %get3A_1066 = tpu.vector_load %arg5[%get3A_1064, %get3A_1065] {strides = array<i32>} : memref<128x200xi32, #tpu.memory_space<vmem>>, vector<16xi32>,
      %add3A_1067 = arith.constant 32 : i32
      %add3A_1068 = vector.broadcast %add3A_1067 : i32 to vector<16xi32>
      %add3A_1069 = arith.addi %iota3A, %add3A_1068 : vector<16xi32>
      %ge3A_1070 = vector.broadcast %squeeze3A_1038 : i32 to vector<16xi32>
      %ge3A_1071 = arith.cmpi sge, %add3A_1069, %ge3A_1070 : vector<16xi32>
      %lt3A_1072 = vector.broadcast %squeeze3A_1040 : i32 to vector<16xi32>
      %lt3A_1073 = arith.cmpi slt, %add3A_1069, %lt3A_1072 : vector<16xi32>
      %and3A_1074 = arith.andi %ge3A_1071, %lt3A_1073 : vector<16xi1>
      tpu.vector_store_idx %arg10[%get3A_1066], %broadcast_in_dim3A_1041 masked %and3A_1074 : memref<1008xi32, #tpu.memory_space<vmem>>[vector<16xi32>], vector<16xi32>, vector<16xi1>
      %get3A_1075 = arith.index_cast %scan3A_538 : i32 to index
      %get3A_1076 = arith.constant 48 : index
      %get3A_1077 = tpu.vector_load %arg5[%get3A_1075, %get3A_1076] {strides = array<i32>} : memref<128x200xi32, #tpu.memory_space<vmem>>, vector<16xi32>,
      %add3A_1078 = arith.constant 48 : i32
      %add3A_1079 = vector.broadcast %add3A_1078 : i32 to vector<16xi32>
      %add3A_1080 = arith.addi %iota3A, %add3A_1079 : vector<16xi32>
      %ge3A_1081 = vector.broadcast %squeeze3A_1038 : i32 to vector<16xi32>
      %ge3A_1082 = arith.cmpi sge, %add3A_1080, %ge3A_1081 : vector<16xi32>
      %lt3A_1083 = vector.broadcast %squeeze3A_1040 : i32 to vector<16xi32>
      %lt3A_1084 = arith.cmpi slt, %add3A_1080, %lt3A_1083 : vector<16xi32>
      %and3A_1085 = arith.andi %ge3A_1082, %lt3A_1084 : vector<16xi1>
      tpu.vector_store_idx %arg10[%get3A_1077], %broadcast_in_dim3A_1041 masked %and3A_1085 : memref<1008xi32, #tpu.memory_space<vmem>>[vector<16xi32>], vector<16xi32>, vector<16xi1>
      %get3A_1086 = arith.index_cast %scan3A_538 : i32 to index
      %get3A_1087 = arith.constant 64 : index
      %get3A_1088 = tpu.vector_load %arg5[%get3A_1086, %get3A_1087] {strides = array<i32>} : memref<128x200xi32, #tpu.memory_space<vmem>>, vector<16xi32>,
      %add3A_1089 = arith.constant 64 : i32
      %add3A_1090 = vector.broadcast %add3A_1089 : i32 to vector<16xi32>
      %add3A_1091 = arith.addi %iota3A, %add3A_1090 : vector<16xi32>
      %ge3A_1092 = vector.broadcast %squeeze3A_1038 : i32 to vector<16xi32>
      %ge3A_1093 = arith.cmpi sge, %add3A_1091, %ge3A_1092 : vector<16xi32>
      %lt3A_1094 = vector.broadcast %squeeze3A_1040 : i32 to vector<16xi32>
      %lt3A_1095 = arith.cmpi slt, %add3A_1091, %lt3A_1094 : vector<16xi32>
      %and3A_1096 = arith.andi %ge3A_1093, %lt3A_1095 : vector<16xi1>
      tpu.vector_store_idx %arg10[%get3A_1088], %broadcast_in_dim3A_1041 masked %and3A_1096 : memref<1008xi32, #tpu.memory_space<vmem>>[vector<16xi32>], vector<16xi32>, vector<16xi1>
      %get3A_1097 = arith.index_cast %scan3A_538 : i32 to index
      %get3A_1098 = arith.constant 80 : index
      %get3A_1099 = tpu.vector_load %arg5[%get3A_1097, %get3A_1098] {strides = array<i32>} : memref<128x200xi32, #tpu.memory_space<vmem>>, vector<16xi32>,
      %add3A_1100 = arith.constant 80 : i32
      %add3A_1101 = vector.broadcast %add3A_1100 : i32 to vector<16xi32>
      %add3A_1102 = arith.addi %iota3A, %add3A_1101 : vector<16xi32>
      %ge3A_1103 = vector.broadcast %squeeze3A_1038 : i32 to vector<16xi32>
      %ge3A_1104 = arith.cmpi sge, %add3A_1102, %ge3A_1103 : vector<16xi32>
      %lt3A_1105 = vector.broadcast %squeeze3A_1040 : i32 to vector<16xi32>
      %lt3A_1106 = arith.cmpi slt, %add3A_1102, %lt3A_1105 : vector<16xi32>
      %and3A_1107 = arith.andi %ge3A_1104, %lt3A_1106 : vector<16xi1>
      tpu.vector_store_idx %arg10[%get3A_1099], %broadcast_in_dim3A_1041 masked %and3A_1107 : memref<1008xi32, #tpu.memory_space<vmem>>[vector<16xi32>], vector<16xi32>, vector<16xi1>
      %get3A_1108 = arith.index_cast %scan3A_538 : i32 to index
      %get3A_1109 = arith.constant 96 : index
      %get3A_1110 = tpu.vector_load %arg5[%get3A_1108, %get3A_1109] {strides = array<i32>} : memref<128x200xi32, #tpu.memory_space<vmem>>, vector<16xi32>,
      %add3A_1111 = arith.constant 96 : i32
      %add3A_1112 = vector.broadcast %add3A_1111 : i32 to vector<16xi32>
      %add3A_1113 = arith.addi %iota3A, %add3A_1112 : vector<16xi32>
      %ge3A_1114 = vector.broadcast %squeeze3A_1038 : i32 to vector<16xi32>
      %ge3A_1115 = arith.cmpi sge, %add3A_1113, %ge3A_1114 : vector<16xi32>
      %lt3A_1116 = vector.broadcast %squeeze3A_1040 : i32 to vector<16xi32>
      %lt3A_1117 = arith.cmpi slt, %add3A_1113, %lt3A_1116 : vector<16xi32>
      %and3A_1118 = arith.andi %ge3A_1115, %lt3A_1117 : vector<16xi1>
      tpu.vector_store_idx %arg10[%get3A_1110], %broadcast_in_dim3A_1041 masked %and3A_1118 : memref<1008xi32, #tpu.memory_space<vmem>>[vector<16xi32>], vector<16xi32>, vector<16xi1>
      %get3A_1119 = arith.index_cast %scan3A_538 : i32 to index
      %get3A_1120 = arith.constant 112 : index
      %get3A_1121 = tpu.vector_load %arg5[%get3A_1119, %get3A_1120] {strides = array<i32>} : memref<128x200xi32, #tpu.memory_space<vmem>>, vector<16xi32>,
      %add3A_1122 = arith.constant 112 : i32
      %add3A_1123 = vector.broadcast %add3A_1122 : i32 to vector<16xi32>
      %add3A_1124 = arith.addi %iota3A, %add3A_1123 : vector<16xi32>
      %ge3A_1125 = vector.broadcast %squeeze3A_1038 : i32 to vector<16xi32>
      %ge3A_1126 = arith.cmpi sge, %add3A_1124, %ge3A_1125 : vector<16xi32>
      %lt3A_1127 = vector.broadcast %squeeze3A_1040 : i32 to vector<16xi32>
      %lt3A_1128 = arith.cmpi slt, %add3A_1124, %lt3A_1127 : vector<16xi32>
      %and3A_1129 = arith.andi %ge3A_1126, %lt3A_1128 : vector<16xi1>
      tpu.vector_store_idx %arg10[%get3A_1121], %broadcast_in_dim3A_1041 masked %and3A_1129 : memref<1008xi32, #tpu.memory_space<vmem>>[vector<16xi32>], vector<16xi32>, vector<16xi1>
      %get3A_1130 = arith.index_cast %scan3A_538 : i32 to index
      %get3A_1131 = arith.constant 128 : index
      %get3A_1132 = tpu.vector_load %arg5[%get3A_1130, %get3A_1131] {strides = array<i32>} : memref<128x200xi32, #tpu.memory_space<vmem>>, vector<16xi32>,
      %add3A_1133 = arith.constant 128 : i32
      %add3A_1134 = vector.broadcast %add3A_1133 : i32 to vector<16xi32>
      %add3A_1135 = arith.addi %iota3A, %add3A_1134 : vector<16xi32>
      %ge3A_1136 = vector.broadcast %squeeze3A_1038 : i32 to vector<16xi32>
      %ge3A_1137 = arith.cmpi sge, %add3A_1135, %ge3A_1136 : vector<16xi32>
      %lt3A_1138 = vector.broadcast %squeeze3A_1040 : i32 to vector<16xi32>
      %lt3A_1139 = arith.cmpi slt, %add3A_1135, %lt3A_1138 : vector<16xi32>
      %and3A_1140 = arith.andi %ge3A_1137, %lt3A_1139 : vector<16xi1>
      tpu.vector_store_idx %arg10[%get3A_1132], %broadcast_in_dim3A_1041 masked %and3A_1140 : memref<1008xi32, #tpu.memory_space<vmem>>[vector<16xi32>], vector<16xi32>, vector<16xi1>
      %get3A_1141 = arith.index_cast %scan3A_538 : i32 to index
      %get3A_1142 = arith.constant 144 : index
      %get3A_1143 = tpu.vector_load %arg5[%get3A_1141, %get3A_1142] {strides = array<i32>} : memref<128x200xi32, #tpu.memory_space<vmem>>, vector<16xi32>,
      %add3A_1144 = arith.constant 144 : i32
      %add3A_1145 = vector.broadcast %add3A_1144 : i32 to vector<16xi32>
      %add3A_1146 = arith.addi %iota3A, %add3A_1145 : vector<16xi32>
      %ge3A_1147 = vector.broadcast %squeeze3A_1038 : i32 to vector<16xi32>
      %ge3A_1148 = arith.cmpi sge, %add3A_1146, %ge3A_1147 : vector<16xi32>
      %lt3A_1149 = vector.broadcast %squeeze3A_1040 : i32 to vector<16xi32>
      %lt3A_1150 = arith.cmpi slt, %add3A_1146, %lt3A_1149 : vector<16xi32>
      %and3A_1151 = arith.andi %ge3A_1148, %lt3A_1150 : vector<16xi1>
      tpu.vector_store_idx %arg10[%get3A_1143], %broadcast_in_dim3A_1041 masked %and3A_1151 : memref<1008xi32, #tpu.memory_space<vmem>>[vector<16xi32>], vector<16xi32>, vector<16xi1>
      %get3A_1152 = arith.index_cast %scan3A_538 : i32 to index
      %get3A_1153 = arith.constant 160 : index
      %get3A_1154 = tpu.vector_load %arg5[%get3A_1152, %get3A_1153] {strides = array<i32>} : memref<128x200xi32, #tpu.memory_space<vmem>>, vector<16xi32>,
      %add3A_1155 = arith.constant 160 : i32
      %add3A_1156 = vector.broadcast %add3A_1155 : i32 to vector<16xi32>
      %add3A_1157 = arith.addi %iota3A, %add3A_1156 : vector<16xi32>
      %ge3A_1158 = vector.broadcast %squeeze3A_1038 : i32 to vector<16xi32>
      %ge3A_1159 = arith.cmpi sge, %add3A_1157, %ge3A_1158 : vector<16xi32>
      %lt3A_1160 = vector.broadcast %squeeze3A_1040 : i32 to vector<16xi32>
      %lt3A_1161 = arith.cmpi slt, %add3A_1157, %lt3A_1160 : vector<16xi32>
      %and3A_1162 = arith.andi %ge3A_1159, %lt3A_1161 : vector<16xi1>
      tpu.vector_store_idx %arg10[%get3A_1154], %broadcast_in_dim3A_1041 masked %and3A_1162 : memref<1008xi32, #tpu.memory_space<vmem>>[vector<16xi32>], vector<16xi32>, vector<16xi1>
      %get3A_1163 = arith.index_cast %scan3A_538 : i32 to index
      %get3A_1164 = arith.constant 176 : index
      %get3A_1165 = tpu.vector_load %arg5[%get3A_1163, %get3A_1164] {strides = array<i32>} : memref<128x200xi32, #tpu.memory_space<vmem>>, vector<16xi32>,
      %add3A_1166 = arith.constant 176 : i32
      %add3A_1167 = vector.broadcast %add3A_1166 : i32 to vector<16xi32>
      %add3A_1168 = arith.addi %iota3A, %add3A_1167 : vector<16xi32>
      %ge3A_1169 = vector.broadcast %squeeze3A_1038 : i32 to vector<16xi32>
      %ge3A_1170 = arith.cmpi sge, %add3A_1168, %ge3A_1169 : vector<16xi32>
      %lt3A_1171 = vector.broadcast %squeeze3A_1040 : i32 to vector<16xi32>
      %lt3A_1172 = arith.cmpi slt, %add3A_1168, %lt3A_1171 : vector<16xi32>
      %and3A_1173 = arith.andi %ge3A_1170, %lt3A_1172 : vector<16xi1>
      tpu.vector_store_idx %arg10[%get3A_1165], %broadcast_in_dim3A_1041 masked %and3A_1173 : memref<1008xi32, #tpu.memory_space<vmem>>[vector<16xi32>], vector<16xi32>, vector<16xi1>
      %get3A_1174 = arith.index_cast %scan3A_538 : i32 to index
      %get3A_1175 = arith.constant 184 : index
      %get3A_1176 = tpu.vector_load %arg5[%get3A_1174, %get3A_1175] {strides = array<i32>} : memref<128x200xi32, #tpu.memory_space<vmem>>, vector<16xi32>,
      %add3A_1177 = arith.constant 184 : i32
      %add3A_1178 = vector.broadcast %add3A_1177 : i32 to vector<16xi32>
      %add3A_1179 = arith.addi %iota3A, %add3A_1178 : vector<16xi32>
      %ge3A_1180 = vector.broadcast %squeeze3A_1038 : i32 to vector<16xi32>
      %ge3A_1181 = arith.cmpi sge, %add3A_1179, %ge3A_1180 : vector<16xi32>
      %lt3A_1182 = vector.broadcast %squeeze3A_1040 : i32 to vector<16xi32>
      %lt3A_1183 = arith.cmpi slt, %add3A_1179, %lt3A_1182 : vector<16xi32>
      %and3A_1184 = arith.andi %ge3A_1181, %lt3A_1183 : vector<16xi1>
      tpu.vector_store_idx %arg10[%get3A_1176], %broadcast_in_dim3A_1041 masked %and3A_1184 : memref<1008xi32, #tpu.memory_space<vmem>>[vector<16xi32>], vector<16xi32>, vector<16xi1>
      %dma_start3A_1185 = arith.constant 0 : i32
      %dma_start3A_1186 = tpu.memref_slice %arg4[%add3A_1031, %dma_start3A_1185] : memref<65536x1008xi32, #tpu.memory_space<hbm>> -> memref<1x1008xi32, #tpu.memory_space<hbm>>
      %dma_start3A_1187 = tpu.memref_squeeze %dma_start3A_1186 : memref<1x1008xi32, #tpu.memory_space<hbm>> -> memref<1008xi32, #tpu.memory_space<hbm>>
      %dma_start3A_1188 = arith.constant 0 : i32
      %dma_start3A_1189 = tpu.memref_slice %arg4[%add3A_1031, %dma_start3A_1188] : memref<65536x1008xi32, #tpu.memory_space<hbm>> -> memref<1x1008xi32, #tpu.memory_space<hbm>>
      %dma_start3A_1190 = tpu.memref_squeeze %dma_start3A_1189 : memref<1x1008xi32, #tpu.memory_space<hbm>> -> memref<1008xi32, #tpu.memory_space<hbm>>
      tpu.enqueue_dma source(%arg10 : memref<1008xi32, #tpu.memory_space<vmem>>) target(%dma_start3A_1190 : memref<1008xi32, #tpu.memory_space<hbm>>) target_semaphore(%arg14 : memref<!tpu.dma_semaphore, #tpu.memory_space<semaphore_mem>>)
      %add3A_1191 = arith.addi %mul3A_2, %scan3A_538 : i32
      %mul3A_1192 = arith.constant 16 : i32
      %mul3A_1193 = arith.muli %add3A_1191, %mul3A_1192 : i32
      %add3A_1194 = arith.constant 4 : i32
      %add3A_1195 = arith.addi %mul3A_1193, %add3A_1194 : i32
      %dma_wait3A_1196 = arith.constant 0 : i32
      %dma_wait3A_1197 = arith.constant 0 : i32
      %dma_wait3A_1198 = tpu.memref_slice %arg4[%dma_wait3A_1196, %dma_wait3A_1197] : memref<65536x1008xi32, #tpu.memory_space<hbm>> -> memref<1x1008xi32, #tpu.memory_space<hbm>>
      %dma_wait3A_1199 = tpu.memref_squeeze %dma_wait3A_1198 : memref<1x1008xi32, #tpu.memory_space<hbm>> -> memref<1008xi32, #tpu.memory_space<hbm>>
      %dma_wait3A_1200 = arith.constant 0 : i32
      %dma_wait3A_1201 = tpu.memref_slice %arg4[%dma_wait3A_1196, %dma_wait3A_1200] : memref<65536x1008xi32, #tpu.memory_space<hbm>> -> memref<1x1008xi32, #tpu.memory_space<hbm>>
      %dma_wait3A_1202 = tpu.memref_squeeze %dma_wait3A_1201 : memref<1x1008xi32, #tpu.memory_space<hbm>> -> memref<1008xi32, #tpu.memory_space<hbm>>
      tpu.wait_dma2 semaphore(%arg11 : memref<!tpu.dma_semaphore, #tpu.memory_space<semaphore_mem>>) src(%arg7 : memref<1008xi32, #tpu.memory_space<vmem>>) dst(%dma_wait3A_1202 : memref<1008xi32, #tpu.memory_space<hbm>>)
      %slice3A_1203 = vector.extract_strided_slice %get3A_540 {offsets = [8], sizes = [1], strides = [1]} : vector<16xi32> to vector<1xi32>
      %squeeze3A_1204 = vector.extract %slice3A_1203[0] : i32 from vector<1xi32>
      %slice3A_1205 = vector.extract_strided_slice %get3A_540 {offsets = [9], sizes = [1], strides = [1]} : vector<16xi32> to vector<1xi32>
      %squeeze3A_1206 = vector.extract %slice3A_1205[0] : i32 from vector<1xi32>
      %broadcast_in_dim3A_1207 = vector.broadcast %add3A_1195 : i32 to vector<16xi32>
      %get3A_1208 = arith.index_cast %scan3A_538 : i32 to index
      %get3A_1209 = arith.constant 0 : index
      %get3A_1210 = tpu.vector_load %arg5[%get3A_1208, %get3A_1209] {strides = array<i32>} : memref<128x200xi32, #tpu.memory_space<vmem>>, vector<16xi32>,
      %add3A_1211 = arith.constant 0 : i32
      %add3A_1212 = vector.broadcast %add3A_1211 : i32 to vector<16xi32>
      %add3A_1213 = arith.addi %iota3A, %add3A_1212 : vector<16xi32>
      %ge3A_1214 = vector.broadcast %squeeze3A_1204 : i32 to vector<16xi32>
      %ge3A_1215 = arith.cmpi sge, %add3A_1213, %ge3A_1214 : vector<16xi32>
      %lt3A_1216 = vector.broadcast %squeeze3A_1206 : i32 to vector<16xi32>
      %lt3A_1217 = arith.cmpi slt, %add3A_1213, %lt3A_1216 : vector<16xi32>
      %and3A_1218 = arith.andi %ge3A_1215, %lt3A_1217 : vector<16xi1>
      tpu.vector_store_idx %arg7[%get3A_1210], %broadcast_in_dim3A_1207 masked %and3A_1218 : memref<1008xi32, #tpu.memory_space<vmem>>[vector<16xi32>], vector<16xi32>, vector<16xi1>
      %get3A_1219 = arith.index_cast %scan3A_538 : i32 to index
      %get3A_1220 = arith.constant 16 : index
      %get3A_1221 = tpu.vector_load %arg5[%get3A_1219, %get3A_1220] {strides = array<i32>} : memref<128x200xi32, #tpu.memory_space<vmem>>, vector<16xi32>,
      %add3A_1222 = arith.constant 16 : i32
      %add3A_1223 = vector.broadcast %add3A_1222 : i32 to vector<16xi32>
      %add3A_1224 = arith.addi %iota3A, %add3A_1223 : vector<16xi32>
      %ge3A_1225 = vector.broadcast %squeeze3A_1204 : i32 to vector<16xi32>
      %ge3A_1226 = arith.cmpi sge, %add3A_1224, %ge3A_1225 : vector<16xi32>
      %lt3A_1227 = vector.broadcast %squeeze3A_1206 : i32 to vector<16xi32>
      %lt3A_1228 = arith.cmpi slt, %add3A_1224, %lt3A_1227 : vector<16xi32>
      %and3A_1229 = arith.andi %ge3A_1226, %lt3A_1228 : vector<16xi1>
      tpu.vector_store_idx %arg7[%get3A_1221], %broadcast_in_dim3A_1207 masked %and3A_1229 : memref<1008xi32, #tpu.memory_space<vmem>>[vector<16xi32>], vector<16xi32>, vector<16xi1>
      %get3A_1230 = arith.index_cast %scan3A_538 : i32 to index
      %get3A_1231 = arith.constant 32 : index
      %get3A_1232 = tpu.vector_load %arg5[%get3A_1230, %get3A_1231] {strides = array<i32>} : memref<128x200xi32, #tpu.memory_space<vmem>>, vector<16xi32>,
      %add3A_1233 = arith.constant 32 : i32
      %add3A_1234 = vector.broadcast %add3A_1233 : i32 to vector<16xi32>
      %add3A_1235 = arith.addi %iota3A, %add3A_1234 : vector<16xi32>
      %ge3A_1236 = vector.broadcast %squeeze3A_1204 : i32 to vector<16xi32>
      %ge3A_1237 = arith.cmpi sge, %add3A_1235, %ge3A_1236 : vector<16xi32>
      %lt3A_1238 = vector.broadcast %squeeze3A_1206 : i32 to vector<16xi32>
      %lt3A_1239 = arith.cmpi slt, %add3A_1235, %lt3A_1238 : vector<16xi32>
      %and3A_1240 = arith.andi %ge3A_1237, %lt3A_1239 : vector<16xi1>
      tpu.vector_store_idx %arg7[%get3A_1232], %broadcast_in_dim3A_1207 masked %and3A_1240 : memref<1008xi32, #tpu.memory_space<vmem>>[vector<16xi32>], vector<16xi32>, vector<16xi1>
      %get3A_1241 = arith.index_cast %scan3A_538 : i32 to index
      %get3A_1242 = arith.constant 48 : index
      %get3A_1243 = tpu.vector_load %arg5[%get3A_1241, %get3A_1242] {strides = array<i32>} : memref<128x200xi32, #tpu.memory_space<vmem>>, vector<16xi32>,
      %add3A_1244 = arith.constant 48 : i32
      %add3A_1245 = vector.broadcast %add3A_1244 : i32 to vector<16xi32>
      %add3A_1246 = arith.addi %iota3A, %add3A_1245 : vector<16xi32>
      %ge3A_1247 = vector.broadcast %squeeze3A_1204 : i32 to vector<16xi32>
      %ge3A_1248 = arith.cmpi sge, %add3A_1246, %ge3A_1247 : vector<16xi32>
      %lt3A_1249 = vector.broadcast %squeeze3A_1206 : i32 to vector<16xi32>
      %lt3A_1250 = arith.cmpi slt, %add3A_1246, %lt3A_1249 : vector<16xi32>
      %and3A_1251 = arith.andi %ge3A_1248, %lt3A_1250 : vector<16xi1>
      tpu.vector_store_idx %arg7[%get3A_1243], %broadcast_in_dim3A_1207 masked %and3A_1251 : memref<1008xi32, #tpu.memory_space<vmem>>[vector<16xi32>], vector<16xi32>, vector<16xi1>
      %get3A_1252 = arith.index_cast %scan3A_538 : i32 to index
      %get3A_1253 = arith.constant 64 : index
      %get3A_1254 = tpu.vector_load %arg5[%get3A_1252, %get3A_1253] {strides = array<i32>} : memref<128x200xi32, #tpu.memory_space<vmem>>, vector<16xi32>,
      %add3A_1255 = arith.constant 64 : i32
      %add3A_1256 = vector.broadcast %add3A_1255 : i32 to vector<16xi32>
      %add3A_1257 = arith.addi %iota3A, %add3A_1256 : vector<16xi32>
      %ge3A_1258 = vector.broadcast %squeeze3A_1204 : i32 to vector<16xi32>
      %ge3A_1259 = arith.cmpi sge, %add3A_1257, %ge3A_1258 : vector<16xi32>
      %lt3A_1260 = vector.broadcast %squeeze3A_1206 : i32 to vector<16xi32>
      %lt3A_1261 = arith.cmpi slt, %add3A_1257, %lt3A_1260 : vector<16xi32>
      %and3A_1262 = arith.andi %ge3A_1259, %lt3A_1261 : vector<16xi1>
      tpu.vector_store_idx %arg7[%get3A_1254], %broadcast_in_dim3A_1207 masked %and3A_1262 : memref<1008xi32, #tpu.memory_space<vmem>>[vector<16xi32>], vector<16xi32>, vector<16xi1>
      %get3A_1263 = arith.index_cast %scan3A_538 : i32 to index
      %get3A_1264 = arith.constant 80 : index
      %get3A_1265 = tpu.vector_load %arg5[%get3A_1263, %get3A_1264] {strides = array<i32>} : memref<128x200xi32, #tpu.memory_space<vmem>>, vector<16xi32>,
      %add3A_1266 = arith.constant 80 : i32
      %add3A_1267 = vector.broadcast %add3A_1266 : i32 to vector<16xi32>
      %add3A_1268 = arith.addi %iota3A, %add3A_1267 : vector<16xi32>
      %ge3A_1269 = vector.broadcast %squeeze3A_1204 : i32 to vector<16xi32>
      %ge3A_1270 = arith.cmpi sge, %add3A_1268, %ge3A_1269 : vector<16xi32>
      %lt3A_1271 = vector.broadcast %squeeze3A_1206 : i32 to vector<16xi32>
      %lt3A_1272 = arith.cmpi slt, %add3A_1268, %lt3A_1271 : vector<16xi32>
      %and3A_1273 = arith.andi %ge3A_1270, %lt3A_1272 : vector<16xi1>
      tpu.vector_store_idx %arg7[%get3A_1265], %broadcast_in_dim3A_1207 masked %and3A_1273 : memref<1008xi32, #tpu.memory_space<vmem>>[vector<16xi32>], vector<16xi32>, vector<16xi1>
      %get3A_1274 = arith.index_cast %scan3A_538 : i32 to index
      %get3A_1275 = arith.constant 96 : index
      %get3A_1276 = tpu.vector_load %arg5[%get3A_1274, %get3A_1275] {strides = array<i32>} : memref<128x200xi32, #tpu.memory_space<vmem>>, vector<16xi32>,
      %add3A_1277 = arith.constant 96 : i32
      %add3A_1278 = vector.broadcast %add3A_1277 : i32 to vector<16xi32>
      %add3A_1279 = arith.addi %iota3A, %add3A_1278 : vector<16xi32>
      %ge3A_1280 = vector.broadcast %squeeze3A_1204 : i32 to vector<16xi32>
      %ge3A_1281 = arith.cmpi sge, %add3A_1279, %ge3A_1280 : vector<16xi32>
      %lt3A_1282 = vector.broadcast %squeeze3A_1206 : i32 to vector<16xi32>
      %lt3A_1283 = arith.cmpi slt, %add3A_1279, %lt3A_1282 : vector<16xi32>
      %and3A_1284 = arith.andi %ge3A_1281, %lt3A_1283 : vector<16xi1>
      tpu.vector_store_idx %arg7[%get3A_1276], %broadcast_in_dim3A_1207 masked %and3A_1284 : memref<1008xi32, #tpu.memory_space<vmem>>[vector<16xi32>], vector<16xi32>, vector<16xi1>
      %get3A_1285 = arith.index_cast %scan3A_538 : i32 to index
      %get3A_1286 = arith.constant 112 : index
      %get3A_1287 = tpu.vector_load %arg5[%get3A_1285, %get3A_1286] {strides = array<i32>} : memref<128x200xi32, #tpu.memory_space<vmem>>, vector<16xi32>,
      %add3A_1288 = arith.constant 112 : i32
      %add3A_1289 = vector.broadcast %add3A_1288 : i32 to vector<16xi32>
      %add3A_1290 = arith.addi %iota3A, %add3A_1289 : vector<16xi32>
      %ge3A_1291 = vector.broadcast %squeeze3A_1204 : i32 to vector<16xi32>
      %ge3A_1292 = arith.cmpi sge, %add3A_1290, %ge3A_1291 : vector<16xi32>
      %lt3A_1293 = vector.broadcast %squeeze3A_1206 : i32 to vector<16xi32>
      %lt3A_1294 = arith.cmpi slt, %add3A_1290, %lt3A_1293 : vector<16xi32>
      %and3A_1295 = arith.andi %ge3A_1292, %lt3A_1294 : vector<16xi1>
      tpu.vector_store_idx %arg7[%get3A_1287], %broadcast_in_dim3A_1207 masked %and3A_1295 : memref<1008xi32, #tpu.memory_space<vmem>>[vector<16xi32>], vector<16xi32>, vector<16xi1>
      %get3A_1296 = arith.index_cast %scan3A_538 : i32 to index
      %get3A_1297 = arith.constant 128 : index
      %get3A_1298 = tpu.vector_load %arg5[%get3A_1296, %get3A_1297] {strides = array<i32>} : memref<128x200xi32, #tpu.memory_space<vmem>>, vector<16xi32>,
      %add3A_1299 = arith.constant 128 : i32
      %add3A_1300 = vector.broadcast %add3A_1299 : i32 to vector<16xi32>
      %add3A_1301 = arith.addi %iota3A, %add3A_1300 : vector<16xi32>
      %ge3A_1302 = vector.broadcast %squeeze3A_1204 : i32 to vector<16xi32>
      %ge3A_1303 = arith.cmpi sge, %add3A_1301, %ge3A_1302 : vector<16xi32>
      %lt3A_1304 = vector.broadcast %squeeze3A_1206 : i32 to vector<16xi32>
      %lt3A_1305 = arith.cmpi slt, %add3A_1301, %lt3A_1304 : vector<16xi32>
      %and3A_1306 = arith.andi %ge3A_1303, %lt3A_1305 : vector<16xi1>
      tpu.vector_store_idx %arg7[%get3A_1298], %broadcast_in_dim3A_1207 masked %and3A_1306 : memref<1008xi32, #tpu.memory_space<vmem>>[vector<16xi32>], vector<16xi32>, vector<16xi1>
      %get3A_1307 = arith.index_cast %scan3A_538 : i32 to index
      %get3A_1308 = arith.constant 144 : index
      %get3A_1309 = tpu.vector_load %arg5[%get3A_1307, %get3A_1308] {strides = array<i32>} : memref<128x200xi32, #tpu.memory_space<vmem>>, vector<16xi32>,
      %add3A_1310 = arith.constant 144 : i32
      %add3A_1311 = vector.broadcast %add3A_1310 : i32 to vector<16xi32>
      %add3A_1312 = arith.addi %iota3A, %add3A_1311 : vector<16xi32>
      %ge3A_1313 = vector.broadcast %squeeze3A_1204 : i32 to vector<16xi32>
      %ge3A_1314 = arith.cmpi sge, %add3A_1312, %ge3A_1313 : vector<16xi32>
      %lt3A_1315 = vector.broadcast %squeeze3A_1206 : i32 to vector<16xi32>
      %lt3A_1316 = arith.cmpi slt, %add3A_1312, %lt3A_1315 : vector<16xi32>
      %and3A_1317 = arith.andi %ge3A_1314, %lt3A_1316 : vector<16xi1>
      tpu.vector_store_idx %arg7[%get3A_1309], %broadcast_in_dim3A_1207 masked %and3A_1317 : memref<1008xi32, #tpu.memory_space<vmem>>[vector<16xi32>], vector<16xi32>, vector<16xi1>
      %get3A_1318 = arith.index_cast %scan3A_538 : i32 to index
      %get3A_1319 = arith.constant 160 : index
      %get3A_1320 = tpu.vector_load %arg5[%get3A_1318, %get3A_1319] {strides = array<i32>} : memref<128x200xi32, #tpu.memory_space<vmem>>, vector<16xi32>,
      %add3A_1321 = arith.constant 160 : i32
      %add3A_1322 = vector.broadcast %add3A_1321 : i32 to vector<16xi32>
      %add3A_1323 = arith.addi %iota3A, %add3A_1322 : vector<16xi32>
      %ge3A_1324 = vector.broadcast %squeeze3A_1204 : i32 to vector<16xi32>
      %ge3A_1325 = arith.cmpi sge, %add3A_1323, %ge3A_1324 : vector<16xi32>
      %lt3A_1326 = vector.broadcast %squeeze3A_1206 : i32 to vector<16xi32>
      %lt3A_1327 = arith.cmpi slt, %add3A_1323, %lt3A_1326 : vector<16xi32>
      %and3A_1328 = arith.andi %ge3A_1325, %lt3A_1327 : vector<16xi1>
      tpu.vector_store_idx %arg7[%get3A_1320], %broadcast_in_dim3A_1207 masked %and3A_1328 : memref<1008xi32, #tpu.memory_space<vmem>>[vector<16xi32>], vector<16xi32>, vector<16xi1>
      %get3A_1329 = arith.index_cast %scan3A_538 : i32 to index
      %get3A_1330 = arith.constant 176 : index
      %get3A_1331 = tpu.vector_load %arg5[%get3A_1329, %get3A_1330] {strides = array<i32>} : memref<128x200xi32, #tpu.memory_space<vmem>>, vector<16xi32>,
      %add3A_1332 = arith.constant 176 : i32
      %add3A_1333 = vector.broadcast %add3A_1332 : i32 to vector<16xi32>
      %add3A_1334 = arith.addi %iota3A, %add3A_1333 : vector<16xi32>
      %ge3A_1335 = vector.broadcast %squeeze3A_1204 : i32 to vector<16xi32>
      %ge3A_1336 = arith.cmpi sge, %add3A_1334, %ge3A_1335 : vector<16xi32>
      %lt3A_1337 = vector.broadcast %squeeze3A_1206 : i32 to vector<16xi32>
      %lt3A_1338 = arith.cmpi slt, %add3A_1334, %lt3A_1337 : vector<16xi32>
      %and3A_1339 = arith.andi %ge3A_1336, %lt3A_1338 : vector<16xi1>
      tpu.vector_store_idx %arg7[%get3A_1331], %broadcast_in_dim3A_1207 masked %and3A_1339 : memref<1008xi32, #tpu.memory_space<vmem>>[vector<16xi32>], vector<16xi32>, vector<16xi1>
      %get3A_1340 = arith.index_cast %scan3A_538 : i32 to index
      %get3A_1341 = arith.constant 184 : index
      %get3A_1342 = tpu.vector_load %arg5[%get3A_1340, %get3A_1341] {strides = array<i32>} : memref<128x200xi32, #tpu.memory_space<vmem>>, vector<16xi32>,
      %add3A_1343 = arith.constant 184 : i32
      %add3A_1344 = vector.broadcast %add3A_1343 : i32 to vector<16xi32>
      %add3A_1345 = arith.addi %iota3A, %add3A_1344 : vector<16xi32>
      %ge3A_1346 = vector.broadcast %squeeze3A_1204 : i32 to vector<16xi32>
      %ge3A_1347 = arith.cmpi sge, %add3A_1345, %ge3A_1346 : vector<16xi32>
      %lt3A_1348 = vector.broadcast %squeeze3A_1206 : i32 to vector<16xi32>
      %lt3A_1349 = arith.cmpi slt, %add3A_1345, %lt3A_1348 : vector<16xi32>
      %and3A_1350 = arith.andi %ge3A_1347, %lt3A_1349 : vector<16xi1>
      tpu.vector_store_idx %arg7[%get3A_1342], %broadcast_in_dim3A_1207 masked %and3A_1350 : memref<1008xi32, #tpu.memory_space<vmem>>[vector<16xi32>], vector<16xi32>, vector<16xi1>
      %dma_start3A_1351 = arith.constant 0 : i32
      %dma_start3A_1352 = tpu.memref_slice %arg4[%add3A_1195, %dma_start3A_1351] : memref<65536x1008xi32, #tpu.memory_space<hbm>> -> memref<1x1008xi32, #tpu.memory_space<hbm>>
      %dma_start3A_1353 = tpu.memref_squeeze %dma_start3A_1352 : memref<1x1008xi32, #tpu.memory_space<hbm>> -> memref<1008xi32, #tpu.memory_space<hbm>>
      %dma_start3A_1354 = arith.constant 0 : i32
      %dma_start3A_1355 = tpu.memref_slice %arg4[%add3A_1195, %dma_start3A_1354] : memref<65536x1008xi32, #tpu.memory_space<hbm>> -> memref<1x1008xi32, #tpu.memory_space<hbm>>
      %dma_start3A_1356 = tpu.memref_squeeze %dma_start3A_1355 : memref<1x1008xi32, #tpu.memory_space<hbm>> -> memref<1008xi32, #tpu.memory_space<hbm>>
      tpu.enqueue_dma source(%arg7 : memref<1008xi32, #tpu.memory_space<vmem>>) target(%dma_start3A_1356 : memref<1008xi32, #tpu.memory_space<hbm>>) target_semaphore(%arg11 : memref<!tpu.dma_semaphore, #tpu.memory_space<semaphore_mem>>)
      %add3A_1357 = arith.addi %mul3A_2, %scan3A_538 : i32
      %mul3A_1358 = arith.constant 16 : i32
      %mul3A_1359 = arith.muli %add3A_1357, %mul3A_1358 : i32
      %add3A_1360 = arith.constant 5 : i32
      %add3A_1361 = arith.addi %mul3A_1359, %add3A_1360 : i32
      %dma_wait3A_1362 = arith.constant 0 : i32
      %dma_wait3A_1363 = arith.constant 0 : i32
      %dma_wait3A_1364 = tpu.memref_slice %arg4[%dma_wait3A_1362, %dma_wait3A_1363] : memref<65536x1008xi32, #tpu.memory_space<hbm>> -> memref<1x1008xi32, #tpu.memory_space<hbm>>
      %dma_wait3A_1365 = tpu.memref_squeeze %dma_wait3A_1364 : memref<1x1008xi32, #tpu.memory_space<hbm>> -> memref<1008xi32, #tpu.memory_space<hbm>>
      %dma_wait3A_1366 = arith.constant 0 : i32
      %dma_wait3A_1367 = tpu.memref_slice %arg4[%dma_wait3A_1362, %dma_wait3A_1366] : memref<65536x1008xi32, #tpu.memory_space<hbm>> -> memref<1x1008xi32, #tpu.memory_space<hbm>>
      %dma_wait3A_1368 = tpu.memref_squeeze %dma_wait3A_1367 : memref<1x1008xi32, #tpu.memory_space<hbm>> -> memref<1008xi32, #tpu.memory_space<hbm>>
      tpu.wait_dma2 semaphore(%arg12 : memref<!tpu.dma_semaphore, #tpu.memory_space<semaphore_mem>>) src(%arg8 : memref<1008xi32, #tpu.memory_space<vmem>>) dst(%dma_wait3A_1368 : memref<1008xi32, #tpu.memory_space<hbm>>)
      %slice3A_1369 = vector.extract_strided_slice %get3A_540 {offsets = [10], sizes = [1], strides = [1]} : vector<16xi32> to vector<1xi32>
      %squeeze3A_1370 = vector.extract %slice3A_1369[0] : i32 from vector<1xi32>
      %slice3A_1371 = vector.extract_strided_slice %get3A_540 {offsets = [11], sizes = [1], strides = [1]} : vector<16xi32> to vector<1xi32>
      %squeeze3A_1372 = vector.extract %slice3A_1371[0] : i32 from vector<1xi32>
      %broadcast_in_dim3A_1373 = vector.broadcast %add3A_1361 : i32 to vector<16xi32>
      %get3A_1374 = arith.index_cast %scan3A_538 : i32 to index
      %get3A_1375 = arith.constant 0 : index
      %get3A_1376 = tpu.vector_load %arg5[%get3A_1374, %get3A_1375] {strides = array<i32>} : memref<128x200xi32, #tpu.memory_space<vmem>>, vector<16xi32>,
      %add3A_1377 = arith.constant 0 : i32
      %add3A_1378 = vector.broadcast %add3A_1377 : i32 to vector<16xi32>
      %add3A_1379 = arith.addi %iota3A, %add3A_1378 : vector<16xi32>
      %ge3A_1380 = vector.broadcast %squeeze3A_1370 : i32 to vector<16xi32>
      %ge3A_1381 = arith.cmpi sge, %add3A_1379, %ge3A_1380 : vector<16xi32>
      %lt3A_1382 = vector.broadcast %squeeze3A_1372 : i32 to vector<16xi32>
      %lt3A_1383 = arith.cmpi slt, %add3A_1379, %lt3A_1382 : vector<16xi32>
      %and3A_1384 = arith.andi %ge3A_1381, %lt3A_1383 : vector<16xi1>
      tpu.vector_store_idx %arg8[%get3A_1376], %broadcast_in_dim3A_1373 masked %and3A_1384 : memref<1008xi32, #tpu.memory_space<vmem>>[vector<16xi32>], vector<16xi32>, vector<16xi1>
      %get3A_1385 = arith.index_cast %scan3A_538 : i32 to index
      %get3A_1386 = arith.constant 16 : index
      %get3A_1387 = tpu.vector_load %arg5[%get3A_1385, %get3A_1386] {strides = array<i32>} : memref<128x200xi32, #tpu.memory_space<vmem>>, vector<16xi32>,
      %add3A_1388 = arith.constant 16 : i32
      %add3A_1389 = vector.broadcast %add3A_1388 : i32 to vector<16xi32>
      %add3A_1390 = arith.addi %iota3A, %add3A_1389 : vector<16xi32>
      %ge3A_1391 = vector.broadcast %squeeze3A_1370 : i32 to vector<16xi32>
      %ge3A_1392 = arith.cmpi sge, %add3A_1390, %ge3A_1391 : vector<16xi32>
      %lt3A_1393 = vector.broadcast %squeeze3A_1372 : i32 to vector<16xi32>
      %lt3A_1394 = arith.cmpi slt, %add3A_1390, %lt3A_1393 : vector<16xi32>
      %and3A_1395 = arith.andi %ge3A_1392, %lt3A_1394 : vector<16xi1>
      tpu.vector_store_idx %arg8[%get3A_1387], %broadcast_in_dim3A_1373 masked %and3A_1395 : memref<1008xi32, #tpu.memory_space<vmem>>[vector<16xi32>], vector<16xi32>, vector<16xi1>
      %get3A_1396 = arith.index_cast %scan3A_538 : i32 to index
      %get3A_1397 = arith.constant 32 : index
      %get3A_1398 = tpu.vector_load %arg5[%get3A_1396, %get3A_1397] {strides = array<i32>} : memref<128x200xi32, #tpu.memory_space<vmem>>, vector<16xi32>,
      %add3A_1399 = arith.constant 32 : i32
      %add3A_1400 = vector.broadcast %add3A_1399 : i32 to vector<16xi32>
      %add3A_1401 = arith.addi %iota3A, %add3A_1400 : vector<16xi32>
      %ge3A_1402 = vector.broadcast %squeeze3A_1370 : i32 to vector<16xi32>
      %ge3A_1403 = arith.cmpi sge, %add3A_1401, %ge3A_1402 : vector<16xi32>
      %lt3A_1404 = vector.broadcast %squeeze3A_1372 : i32 to vector<16xi32>
      %lt3A_1405 = arith.cmpi slt, %add3A_1401, %lt3A_1404 : vector<16xi32>
      %and3A_1406 = arith.andi %ge3A_1403, %lt3A_1405 : vector<16xi1>
      tpu.vector_store_idx %arg8[%get3A_1398], %broadcast_in_dim3A_1373 masked %and3A_1406 : memref<1008xi32, #tpu.memory_space<vmem>>[vector<16xi32>], vector<16xi32>, vector<16xi1>
      %get3A_1407 = arith.index_cast %scan3A_538 : i32 to index
      %get3A_1408 = arith.constant 48 : index
      %get3A_1409 = tpu.vector_load %arg5[%get3A_1407, %get3A_1408] {strides = array<i32>} : memref<128x200xi32, #tpu.memory_space<vmem>>, vector<16xi32>,
      %add3A_1410 = arith.constant 48 : i32
      %add3A_1411 = vector.broadcast %add3A_1410 : i32 to vector<16xi32>
      %add3A_1412 = arith.addi %iota3A, %add3A_1411 : vector<16xi32>
      %ge3A_1413 = vector.broadcast %squeeze3A_1370 : i32 to vector<16xi32>
      %ge3A_1414 = arith.cmpi sge, %add3A_1412, %ge3A_1413 : vector<16xi32>
      %lt3A_1415 = vector.broadcast %squeeze3A_1372 : i32 to vector<16xi32>
      %lt3A_1416 = arith.cmpi slt, %add3A_1412, %lt3A_1415 : vector<16xi32>
      %and3A_1417 = arith.andi %ge3A_1414, %lt3A_1416 : vector<16xi1>
      tpu.vector_store_idx %arg8[%get3A_1409], %broadcast_in_dim3A_1373 masked %and3A_1417 : memref<1008xi32, #tpu.memory_space<vmem>>[vector<16xi32>], vector<16xi32>, vector<16xi1>
      %get3A_1418 = arith.index_cast %scan3A_538 : i32 to index
      %get3A_1419 = arith.constant 64 : index
      %get3A_1420 = tpu.vector_load %arg5[%get3A_1418, %get3A_1419] {strides = array<i32>} : memref<128x200xi32, #tpu.memory_space<vmem>>, vector<16xi32>,
      %add3A_1421 = arith.constant 64 : i32
      %add3A_1422 = vector.broadcast %add3A_1421 : i32 to vector<16xi32>
      %add3A_1423 = arith.addi %iota3A, %add3A_1422 : vector<16xi32>
      %ge3A_1424 = vector.broadcast %squeeze3A_1370 : i32 to vector<16xi32>
      %ge3A_1425 = arith.cmpi sge, %add3A_1423, %ge3A_1424 : vector<16xi32>
      %lt3A_1426 = vector.broadcast %squeeze3A_1372 : i32 to vector<16xi32>
      %lt3A_1427 = arith.cmpi slt, %add3A_1423, %lt3A_1426 : vector<16xi32>
      %and3A_1428 = arith.andi %ge3A_1425, %lt3A_1427 : vector<16xi1>
      tpu.vector_store_idx %arg8[%get3A_1420], %broadcast_in_dim3A_1373 masked %and3A_1428 : memref<1008xi32, #tpu.memory_space<vmem>>[vector<16xi32>], vector<16xi32>, vector<16xi1>
      %get3A_1429 = arith.index_cast %scan3A_538 : i32 to index
      %get3A_1430 = arith.constant 80 : index
      %get3A_1431 = tpu.vector_load %arg5[%get3A_1429, %get3A_1430] {strides = array<i32>} : memref<128x200xi32, #tpu.memory_space<vmem>>, vector<16xi32>,
      %add3A_1432 = arith.constant 80 : i32
      %add3A_1433 = vector.broadcast %add3A_1432 : i32 to vector<16xi32>
      %add3A_1434 = arith.addi %iota3A, %add3A_1433 : vector<16xi32>
      %ge3A_1435 = vector.broadcast %squeeze3A_1370 : i32 to vector<16xi32>
      %ge3A_1436 = arith.cmpi sge, %add3A_1434, %ge3A_1435 : vector<16xi32>
      %lt3A_1437 = vector.broadcast %squeeze3A_1372 : i32 to vector<16xi32>
      %lt3A_1438 = arith.cmpi slt, %add3A_1434, %lt3A_1437 : vector<16xi32>
      %and3A_1439 = arith.andi %ge3A_1436, %lt3A_1438 : vector<16xi1>
      tpu.vector_store_idx %arg8[%get3A_1431], %broadcast_in_dim3A_1373 masked %and3A_1439 : memref<1008xi32, #tpu.memory_space<vmem>>[vector<16xi32>], vector<16xi32>, vector<16xi1>
      %get3A_1440 = arith.index_cast %scan3A_538 : i32 to index
      %get3A_1441 = arith.constant 96 : index
      %get3A_1442 = tpu.vector_load %arg5[%get3A_1440, %get3A_1441] {strides = array<i32>} : memref<128x200xi32, #tpu.memory_space<vmem>>, vector<16xi32>,
      %add3A_1443 = arith.constant 96 : i32
      %add3A_1444 = vector.broadcast %add3A_1443 : i32 to vector<16xi32>
      %add3A_1445 = arith.addi %iota3A, %add3A_1444 : vector<16xi32>
      %ge3A_1446 = vector.broadcast %squeeze3A_1370 : i32 to vector<16xi32>
      %ge3A_1447 = arith.cmpi sge, %add3A_1445, %ge3A_1446 : vector<16xi32>
      %lt3A_1448 = vector.broadcast %squeeze3A_1372 : i32 to vector<16xi32>
      %lt3A_1449 = arith.cmpi slt, %add3A_1445, %lt3A_1448 : vector<16xi32>
      %and3A_1450 = arith.andi %ge3A_1447, %lt3A_1449 : vector<16xi1>
      tpu.vector_store_idx %arg8[%get3A_1442], %broadcast_in_dim3A_1373 masked %and3A_1450 : memref<1008xi32, #tpu.memory_space<vmem>>[vector<16xi32>], vector<16xi32>, vector<16xi1>
      %get3A_1451 = arith.index_cast %scan3A_538 : i32 to index
      %get3A_1452 = arith.constant 112 : index
      %get3A_1453 = tpu.vector_load %arg5[%get3A_1451, %get3A_1452] {strides = array<i32>} : memref<128x200xi32, #tpu.memory_space<vmem>>, vector<16xi32>,
      %add3A_1454 = arith.constant 112 : i32
      %add3A_1455 = vector.broadcast %add3A_1454 : i32 to vector<16xi32>
      %add3A_1456 = arith.addi %iota3A, %add3A_1455 : vector<16xi32>
      %ge3A_1457 = vector.broadcast %squeeze3A_1370 : i32 to vector<16xi32>
      %ge3A_1458 = arith.cmpi sge, %add3A_1456, %ge3A_1457 : vector<16xi32>
      %lt3A_1459 = vector.broadcast %squeeze3A_1372 : i32 to vector<16xi32>
      %lt3A_1460 = arith.cmpi slt, %add3A_1456, %lt3A_1459 : vector<16xi32>
      %and3A_1461 = arith.andi %ge3A_1458, %lt3A_1460 : vector<16xi1>
      tpu.vector_store_idx %arg8[%get3A_1453], %broadcast_in_dim3A_1373 masked %and3A_1461 : memref<1008xi32, #tpu.memory_space<vmem>>[vector<16xi32>], vector<16xi32>, vector<16xi1>
      %get3A_1462 = arith.index_cast %scan3A_538 : i32 to index
      %get3A_1463 = arith.constant 128 : index
      %get3A_1464 = tpu.vector_load %arg5[%get3A_1462, %get3A_1463] {strides = array<i32>} : memref<128x200xi32, #tpu.memory_space<vmem>>, vector<16xi32>,
      %add3A_1465 = arith.constant 128 : i32
      %add3A_1466 = vector.broadcast %add3A_1465 : i32 to vector<16xi32>
      %add3A_1467 = arith.addi %iota3A, %add3A_1466 : vector<16xi32>
      %ge3A_1468 = vector.broadcast %squeeze3A_1370 : i32 to vector<16xi32>
      %ge3A_1469 = arith.cmpi sge, %add3A_1467, %ge3A_1468 : vector<16xi32>
      %lt3A_1470 = vector.broadcast %squeeze3A_1372 : i32 to vector<16xi32>
      %lt3A_1471 = arith.cmpi slt, %add3A_1467, %lt3A_1470 : vector<16xi32>
      %and3A_1472 = arith.andi %ge3A_1469, %lt3A_1471 : vector<16xi1>
      tpu.vector_store_idx %arg8[%get3A_1464], %broadcast_in_dim3A_1373 masked %and3A_1472 : memref<1008xi32, #tpu.memory_space<vmem>>[vector<16xi32>], vector<16xi32>, vector<16xi1>
      %get3A_1473 = arith.index_cast %scan3A_538 : i32 to index
      %get3A_1474 = arith.constant 144 : index
      %get3A_1475 = tpu.vector_load %arg5[%get3A_1473, %get3A_1474] {strides = array<i32>} : memref<128x200xi32, #tpu.memory_space<vmem>>, vector<16xi32>,
      %add3A_1476 = arith.constant 144 : i32
      %add3A_1477 = vector.broadcast %add3A_1476 : i32 to vector<16xi32>
      %add3A_1478 = arith.addi %iota3A, %add3A_1477 : vector<16xi32>
      %ge3A_1479 = vector.broadcast %squeeze3A_1370 : i32 to vector<16xi32>
      %ge3A_1480 = arith.cmpi sge, %add3A_1478, %ge3A_1479 : vector<16xi32>
      %lt3A_1481 = vector.broadcast %squeeze3A_1372 : i32 to vector<16xi32>
      %lt3A_1482 = arith.cmpi slt, %add3A_1478, %lt3A_1481 : vector<16xi32>
      %and3A_1483 = arith.andi %ge3A_1480, %lt3A_1482 : vector<16xi1>
      tpu.vector_store_idx %arg8[%get3A_1475], %broadcast_in_dim3A_1373 masked %and3A_1483 : memref<1008xi32, #tpu.memory_space<vmem>>[vector<16xi32>], vector<16xi32>, vector<16xi1>
      %get3A_1484 = arith.index_cast %scan3A_538 : i32 to index
      %get3A_1485 = arith.constant 160 : index
      %get3A_1486 = tpu.vector_load %arg5[%get3A_1484, %get3A_1485] {strides = array<i32>} : memref<128x200xi32, #tpu.memory_space<vmem>>, vector<16xi32>,
      %add3A_1487 = arith.constant 160 : i32
      %add3A_1488 = vector.broadcast %add3A_1487 : i32 to vector<16xi32>
      %add3A_1489 = arith.addi %iota3A, %add3A_1488 : vector<16xi32>
      %ge3A_1490 = vector.broadcast %squeeze3A_1370 : i32 to vector<16xi32>
      %ge3A_1491 = arith.cmpi sge, %add3A_1489, %ge3A_1490 : vector<16xi32>
      %lt3A_1492 = vector.broadcast %squeeze3A_1372 : i32 to vector<16xi32>
      %lt3A_1493 = arith.cmpi slt, %add3A_1489, %lt3A_1492 : vector<16xi32>
      %and3A_1494 = arith.andi %ge3A_1491, %lt3A_1493 : vector<16xi1>
      tpu.vector_store_idx %arg8[%get3A_1486], %broadcast_in_dim3A_1373 masked %and3A_1494 : memref<1008xi32, #tpu.memory_space<vmem>>[vector<16xi32>], vector<16xi32>, vector<16xi1>
      %get3A_1495 = arith.index_cast %scan3A_538 : i32 to index
      %get3A_1496 = arith.constant 176 : index
      %get3A_1497 = tpu.vector_load %arg5[%get3A_1495, %get3A_1496] {strides = array<i32>} : memref<128x200xi32, #tpu.memory_space<vmem>>, vector<16xi32>,
      %add3A_1498 = arith.constant 176 : i32
      %add3A_1499 = vector.broadcast %add3A_1498 : i32 to vector<16xi32>
      %add3A_1500 = arith.addi %iota3A, %add3A_1499 : vector<16xi32>
      %ge3A_1501 = vector.broadcast %squeeze3A_1370 : i32 to vector<16xi32>
      %ge3A_1502 = arith.cmpi sge, %add3A_1500, %ge3A_1501 : vector<16xi32>
      %lt3A_1503 = vector.broadcast %squeeze3A_1372 : i32 to vector<16xi32>
      %lt3A_1504 = arith.cmpi slt, %add3A_1500, %lt3A_1503 : vector<16xi32>
      %and3A_1505 = arith.andi %ge3A_1502, %lt3A_1504 : vector<16xi1>
      tpu.vector_store_idx %arg8[%get3A_1497], %broadcast_in_dim3A_1373 masked %and3A_1505 : memref<1008xi32, #tpu.memory_space<vmem>>[vector<16xi32>], vector<16xi32>, vector<16xi1>
      %get3A_1506 = arith.index_cast %scan3A_538 : i32 to index
      %get3A_1507 = arith.constant 184 : index
      %get3A_1508 = tpu.vector_load %arg5[%get3A_1506, %get3A_1507] {strides = array<i32>} : memref<128x200xi32, #tpu.memory_space<vmem>>, vector<16xi32>,
      %add3A_1509 = arith.constant 184 : i32
      %add3A_1510 = vector.broadcast %add3A_1509 : i32 to vector<16xi32>
      %add3A_1511 = arith.addi %iota3A, %add3A_1510 : vector<16xi32>
      %ge3A_1512 = vector.broadcast %squeeze3A_1370 : i32 to vector<16xi32>
      %ge3A_1513 = arith.cmpi sge, %add3A_1511, %ge3A_1512 : vector<16xi32>
      %lt3A_1514 = vector.broadcast %squeeze3A_1372 : i32 to vector<16xi32>
      %lt3A_1515 = arith.cmpi slt, %add3A_1511, %lt3A_1514 : vector<16xi32>
      %and3A_1516 = arith.andi %ge3A_1513, %lt3A_1515 : vector<16xi1>
      tpu.vector_store_idx %arg8[%get3A_1508], %broadcast_in_dim3A_1373 masked %and3A_1516 : memref<1008xi32, #tpu.memory_space<vmem>>[vector<16xi32>], vector<16xi32>, vector<16xi1>
      %dma_start3A_1517 = arith.constant 0 : i32
      %dma_start3A_1518 = tpu.memref_slice %arg4[%add3A_1361, %dma_start3A_1517] : memref<65536x1008xi32, #tpu.memory_space<hbm>> -> memref<1x1008xi32, #tpu.memory_space<hbm>>
      %dma_start3A_1519 = tpu.memref_squeeze %dma_start3A_1518 : memref<1x1008xi32, #tpu.memory_space<hbm>> -> memref<1008xi32, #tpu.memory_space<hbm>>
      %dma_start3A_1520 = arith.constant 0 : i32
      %dma_start3A_1521 = tpu.memref_slice %arg4[%add3A_1361, %dma_start3A_1520] : memref<65536x1008xi32, #tpu.memory_space<hbm>> -> memref<1x1008xi32, #tpu.memory_space<hbm>>
      %dma_start3A_1522 = tpu.memref_squeeze %dma_start3A_1521 : memref<1x1008xi32, #tpu.memory_space<hbm>> -> memref<1008xi32, #tpu.memory_space<hbm>>
      tpu.enqueue_dma source(%arg8 : memref<1008xi32, #tpu.memory_space<vmem>>) target(%dma_start3A_1522 : memref<1008xi32, #tpu.memory_space<hbm>>) target_semaphore(%arg12 : memref<!tpu.dma_semaphore, #tpu.memory_space<semaphore_mem>>)
      %add3A_1523 = arith.addi %mul3A_2, %scan3A_538 : i32
      %mul3A_1524 = arith.constant 16 : i32
      %mul3A_1525 = arith.muli %add3A_1523, %mul3A_1524 : i32
      %add3A_1526 = arith.constant 6 : i32
      %add3A_1527 = arith.addi %mul3A_1525, %add3A_1526 : i32
      %dma_wait3A_1528 = arith.constant 0 : i32
      %dma_wait3A_1529 = arith.constant 0 : i32
      %dma_wait3A_1530 = tpu.memref_slice %arg4[%dma_wait3A_1528, %dma_wait3A_1529] : memref<65536x1008xi32, #tpu.memory_space<hbm>> -> memref<1x1008xi32, #tpu.memory_space<hbm>>
      %dma_wait3A_1531 = tpu.memref_squeeze %dma_wait3A_1530 : memref<1x1008xi32, #tpu.memory_space<hbm>> -> memref<1008xi32, #tpu.memory_space<hbm>>
      %dma_wait3A_1532 = arith.constant 0 : i32
      %dma_wait3A_1533 = tpu.memref_slice %arg4[%dma_wait3A_1528, %dma_wait3A_1532] : memref<65536x1008xi32, #tpu.memory_space<hbm>> -> memref<1x1008xi32, #tpu.memory_space<hbm>>
      %dma_wait3A_1534 = tpu.memref_squeeze %dma_wait3A_1533 : memref<1x1008xi32, #tpu.memory_space<hbm>> -> memref<1008xi32, #tpu.memory_space<hbm>>
      tpu.wait_dma2 semaphore(%arg13 : memref<!tpu.dma_semaphore, #tpu.memory_space<semaphore_mem>>) src(%arg9 : memref<1008xi32, #tpu.memory_space<vmem>>) dst(%dma_wait3A_1534 : memref<1008xi32, #tpu.memory_space<hbm>>)
      %slice3A_1535 = vector.extract_strided_slice %get3A_540 {offsets = [12], sizes = [1], strides = [1]} : vector<16xi32> to vector<1xi32>
      %squeeze3A_1536 = vector.extract %slice3A_1535[0] : i32 from vector<1xi32>
      %slice3A_1537 = vector.extract_strided_slice %get3A_540 {offsets = [13], sizes = [1], strides = [1]} : vector<16xi32> to vector<1xi32>
      %squeeze3A_1538 = vector.extract %slice3A_1537[0] : i32 from vector<1xi32>
      %broadcast_in_dim3A_1539 = vector.broadcast %add3A_1527 : i32 to vector<16xi32>
      %get3A_1540 = arith.index_cast %scan3A_538 : i32 to index
      %get3A_1541 = arith.constant 0 : index
      %get3A_1542 = tpu.vector_load %arg5[%get3A_1540, %get3A_1541] {strides = array<i32>} : memref<128x200xi32, #tpu.memory_space<vmem>>, vector<16xi32>,
      %add3A_1543 = arith.constant 0 : i32
      %add3A_1544 = vector.broadcast %add3A_1543 : i32 to vector<16xi32>
      %add3A_1545 = arith.addi %iota3A, %add3A_1544 : vector<16xi32>
      %ge3A_1546 = vector.broadcast %squeeze3A_1536 : i32 to vector<16xi32>
      %ge3A_1547 = arith.cmpi sge, %add3A_1545, %ge3A_1546 : vector<16xi32>
      %lt3A_1548 = vector.broadcast %squeeze3A_1538 : i32 to vector<16xi32>
      %lt3A_1549 = arith.cmpi slt, %add3A_1545, %lt3A_1548 : vector<16xi32>
      %and3A_1550 = arith.andi %ge3A_1547, %lt3A_1549 : vector<16xi1>
      tpu.vector_store_idx %arg9[%get3A_1542], %broadcast_in_dim3A_1539 masked %and3A_1550 : memref<1008xi32, #tpu.memory_space<vmem>>[vector<16xi32>], vector<16xi32>, vector<16xi1>
      %get3A_1551 = arith.index_cast %scan3A_538 : i32 to index
      %get3A_1552 = arith.constant 16 : index
      %get3A_1553 = tpu.vector_load %arg5[%get3A_1551, %get3A_1552] {strides = array<i32>} : memref<128x200xi32, #tpu.memory_space<vmem>>, vector<16xi32>,
      %add3A_1554 = arith.constant 16 : i32
      %add3A_1555 = vector.broadcast %add3A_1554 : i32 to vector<16xi32>
      %add3A_1556 = arith.addi %iota3A, %add3A_1555 : vector<16xi32>
      %ge3A_1557 = vector.broadcast %squeeze3A_1536 : i32 to vector<16xi32>
      %ge3A_1558 = arith.cmpi sge, %add3A_1556, %ge3A_1557 : vector<16xi32>
      %lt3A_1559 = vector.broadcast %squeeze3A_1538 : i32 to vector<16xi32>
      %lt3A_1560 = arith.cmpi slt, %add3A_1556, %lt3A_1559 : vector<16xi32>
      %and3A_1561 = arith.andi %ge3A_1558, %lt3A_1560 : vector<16xi1>
      tpu.vector_store_idx %arg9[%get3A_1553], %broadcast_in_dim3A_1539 masked %and3A_1561 : memref<1008xi32, #tpu.memory_space<vmem>>[vector<16xi32>], vector<16xi32>, vector<16xi1>
      %get3A_1562 = arith.index_cast %scan3A_538 : i32 to index
      %get3A_1563 = arith.constant 32 : index
      %get3A_1564 = tpu.vector_load %arg5[%get3A_1562, %get3A_1563] {strides = array<i32>} : memref<128x200xi32, #tpu.memory_space<vmem>>, vector<16xi32>,
      %add3A_1565 = arith.constant 32 : i32
      %add3A_1566 = vector.broadcast %add3A_1565 : i32 to vector<16xi32>
      %add3A_1567 = arith.addi %iota3A, %add3A_1566 : vector<16xi32>
      %ge3A_1568 = vector.broadcast %squeeze3A_1536 : i32 to vector<16xi32>
      %ge3A_1569 = arith.cmpi sge, %add3A_1567, %ge3A_1568 : vector<16xi32>
      %lt3A_1570 = vector.broadcast %squeeze3A_1538 : i32 to vector<16xi32>
      %lt3A_1571 = arith.cmpi slt, %add3A_1567, %lt3A_1570 : vector<16xi32>
      %and3A_1572 = arith.andi %ge3A_1569, %lt3A_1571 : vector<16xi1>
      tpu.vector_store_idx %arg9[%get3A_1564], %broadcast_in_dim3A_1539 masked %and3A_1572 : memref<1008xi32, #tpu.memory_space<vmem>>[vector<16xi32>], vector<16xi32>, vector<16xi1>
      %get3A_1573 = arith.index_cast %scan3A_538 : i32 to index
      %get3A_1574 = arith.constant 48 : index
      %get3A_1575 = tpu.vector_load %arg5[%get3A_1573, %get3A_1574] {strides = array<i32>} : memref<128x200xi32, #tpu.memory_space<vmem>>, vector<16xi32>,
      %add3A_1576 = arith.constant 48 : i32
      %add3A_1577 = vector.broadcast %add3A_1576 : i32 to vector<16xi32>
      %add3A_1578 = arith.addi %iota3A, %add3A_1577 : vector<16xi32>
      %ge3A_1579 = vector.broadcast %squeeze3A_1536 : i32 to vector<16xi32>
      %ge3A_1580 = arith.cmpi sge, %add3A_1578, %ge3A_1579 : vector<16xi32>
      %lt3A_1581 = vector.broadcast %squeeze3A_1538 : i32 to vector<16xi32>
      %lt3A_1582 = arith.cmpi slt, %add3A_1578, %lt3A_1581 : vector<16xi32>
      %and3A_1583 = arith.andi %ge3A_1580, %lt3A_1582 : vector<16xi1>
      tpu.vector_store_idx %arg9[%get3A_1575], %broadcast_in_dim3A_1539 masked %and3A_1583 : memref<1008xi32, #tpu.memory_space<vmem>>[vector<16xi32>], vector<16xi32>, vector<16xi1>
      %get3A_1584 = arith.index_cast %scan3A_538 : i32 to index
      %get3A_1585 = arith.constant 64 : index
      %get3A_1586 = tpu.vector_load %arg5[%get3A_1584, %get3A_1585] {strides = array<i32>} : memref<128x200xi32, #tpu.memory_space<vmem>>, vector<16xi32>,
      %add3A_1587 = arith.constant 64 : i32
      %add3A_1588 = vector.broadcast %add3A_1587 : i32 to vector<16xi32>
      %add3A_1589 = arith.addi %iota3A, %add3A_1588 : vector<16xi32>
      %ge3A_1590 = vector.broadcast %squeeze3A_1536 : i32 to vector<16xi32>
      %ge3A_1591 = arith.cmpi sge, %add3A_1589, %ge3A_1590 : vector<16xi32>
      %lt3A_1592 = vector.broadcast %squeeze3A_1538 : i32 to vector<16xi32>
      %lt3A_1593 = arith.cmpi slt, %add3A_1589, %lt3A_1592 : vector<16xi32>
      %and3A_1594 = arith.andi %ge3A_1591, %lt3A_1593 : vector<16xi1>
      tpu.vector_store_idx %arg9[%get3A_1586], %broadcast_in_dim3A_1539 masked %and3A_1594 : memref<1008xi32, #tpu.memory_space<vmem>>[vector<16xi32>], vector<16xi32>, vector<16xi1>
      %get3A_1595 = arith.index_cast %scan3A_538 : i32 to index
      %get3A_1596 = arith.constant 80 : index
      %get3A_1597 = tpu.vector_load %arg5[%get3A_1595, %get3A_1596] {strides = array<i32>} : memref<128x200xi32, #tpu.memory_space<vmem>>, vector<16xi32>,
      %add3A_1598 = arith.constant 80 : i32
      %add3A_1599 = vector.broadcast %add3A_1598 : i32 to vector<16xi32>
      %add3A_1600 = arith.addi %iota3A, %add3A_1599 : vector<16xi32>
      %ge3A_1601 = vector.broadcast %squeeze3A_1536 : i32 to vector<16xi32>
      %ge3A_1602 = arith.cmpi sge, %add3A_1600, %ge3A_1601 : vector<16xi32>
      %lt3A_1603 = vector.broadcast %squeeze3A_1538 : i32 to vector<16xi32>
      %lt3A_1604 = arith.cmpi slt, %add3A_1600, %lt3A_1603 : vector<16xi32>
      %and3A_1605 = arith.andi %ge3A_1602, %lt3A_1604 : vector<16xi1>
      tpu.vector_store_idx %arg9[%get3A_1597], %broadcast_in_dim3A_1539 masked %and3A_1605 : memref<1008xi32, #tpu.memory_space<vmem>>[vector<16xi32>], vector<16xi32>, vector<16xi1>
      %get3A_1606 = arith.index_cast %scan3A_538 : i32 to index
      %get3A_1607 = arith.constant 96 : index
      %get3A_1608 = tpu.vector_load %arg5[%get3A_1606, %get3A_1607] {strides = array<i32>} : memref<128x200xi32, #tpu.memory_space<vmem>>, vector<16xi32>,
      %add3A_1609 = arith.constant 96 : i32
      %add3A_1610 = vector.broadcast %add3A_1609 : i32 to vector<16xi32>
      %add3A_1611 = arith.addi %iota3A, %add3A_1610 : vector<16xi32>
      %ge3A_1612 = vector.broadcast %squeeze3A_1536 : i32 to vector<16xi32>
      %ge3A_1613 = arith.cmpi sge, %add3A_1611, %ge3A_1612 : vector<16xi32>
      %lt3A_1614 = vector.broadcast %squeeze3A_1538 : i32 to vector<16xi32>
      %lt3A_1615 = arith.cmpi slt, %add3A_1611, %lt3A_1614 : vector<16xi32>
      %and3A_1616 = arith.andi %ge3A_1613, %lt3A_1615 : vector<16xi1>
      tpu.vector_store_idx %arg9[%get3A_1608], %broadcast_in_dim3A_1539 masked %and3A_1616 : memref<1008xi32, #tpu.memory_space<vmem>>[vector<16xi32>], vector<16xi32>, vector<16xi1>
      %get3A_1617 = arith.index_cast %scan3A_538 : i32 to index
      %get3A_1618 = arith.constant 112 : index
      %get3A_1619 = tpu.vector_load %arg5[%get3A_1617, %get3A_1618] {strides = array<i32>} : memref<128x200xi32, #tpu.memory_space<vmem>>, vector<16xi32>,
      %add3A_1620 = arith.constant 112 : i32
      %add3A_1621 = vector.broadcast %add3A_1620 : i32 to vector<16xi32>
      %add3A_1622 = arith.addi %iota3A, %add3A_1621 : vector<16xi32>
      %ge3A_1623 = vector.broadcast %squeeze3A_1536 : i32 to vector<16xi32>
      %ge3A_1624 = arith.cmpi sge, %add3A_1622, %ge3A_1623 : vector<16xi32>
      %lt3A_1625 = vector.broadcast %squeeze3A_1538 : i32 to vector<16xi32>
      %lt3A_1626 = arith.cmpi slt, %add3A_1622, %lt3A_1625 : vector<16xi32>
      %and3A_1627 = arith.andi %ge3A_1624, %lt3A_1626 : vector<16xi1>
      tpu.vector_store_idx %arg9[%get3A_1619], %broadcast_in_dim3A_1539 masked %and3A_1627 : memref<1008xi32, #tpu.memory_space<vmem>>[vector<16xi32>], vector<16xi32>, vector<16xi1>
      %get3A_1628 = arith.index_cast %scan3A_538 : i32 to index
      %get3A_1629 = arith.constant 128 : index
      %get3A_1630 = tpu.vector_load %arg5[%get3A_1628, %get3A_1629] {strides = array<i32>} : memref<128x200xi32, #tpu.memory_space<vmem>>, vector<16xi32>,
      %add3A_1631 = arith.constant 128 : i32
      %add3A_1632 = vector.broadcast %add3A_1631 : i32 to vector<16xi32>
      %add3A_1633 = arith.addi %iota3A, %add3A_1632 : vector<16xi32>
      %ge3A_1634 = vector.broadcast %squeeze3A_1536 : i32 to vector<16xi32>
      %ge3A_1635 = arith.cmpi sge, %add3A_1633, %ge3A_1634 : vector<16xi32>
      %lt3A_1636 = vector.broadcast %squeeze3A_1538 : i32 to vector<16xi32>
      %lt3A_1637 = arith.cmpi slt, %add3A_1633, %lt3A_1636 : vector<16xi32>
      %and3A_1638 = arith.andi %ge3A_1635, %lt3A_1637 : vector<16xi1>
      tpu.vector_store_idx %arg9[%get3A_1630], %broadcast_in_dim3A_1539 masked %and3A_1638 : memref<1008xi32, #tpu.memory_space<vmem>>[vector<16xi32>], vector<16xi32>, vector<16xi1>
      %get3A_1639 = arith.index_cast %scan3A_538 : i32 to index
      %get3A_1640 = arith.constant 144 : index
      %get3A_1641 = tpu.vector_load %arg5[%get3A_1639, %get3A_1640] {strides = array<i32>} : memref<128x200xi32, #tpu.memory_space<vmem>>, vector<16xi32>,
      %add3A_1642 = arith.constant 144 : i32
      %add3A_1643 = vector.broadcast %add3A_1642 : i32 to vector<16xi32>
      %add3A_1644 = arith.addi %iota3A, %add3A_1643 : vector<16xi32>
      %ge3A_1645 = vector.broadcast %squeeze3A_1536 : i32 to vector<16xi32>
      %ge3A_1646 = arith.cmpi sge, %add3A_1644, %ge3A_1645 : vector<16xi32>
      %lt3A_1647 = vector.broadcast %squeeze3A_1538 : i32 to vector<16xi32>
      %lt3A_1648 = arith.cmpi slt, %add3A_1644, %lt3A_1647 : vector<16xi32>
      %and3A_1649 = arith.andi %ge3A_1646, %lt3A_1648 : vector<16xi1>
      tpu.vector_store_idx %arg9[%get3A_1641], %broadcast_in_dim3A_1539 masked %and3A_1649 : memref<1008xi32, #tpu.memory_space<vmem>>[vector<16xi32>], vector<16xi32>, vector<16xi1>
      %get3A_1650 = arith.index_cast %scan3A_538 : i32 to index
      %get3A_1651 = arith.constant 160 : index
      %get3A_1652 = tpu.vector_load %arg5[%get3A_1650, %get3A_1651] {strides = array<i32>} : memref<128x200xi32, #tpu.memory_space<vmem>>, vector<16xi32>,
      %add3A_1653 = arith.constant 160 : i32
      %add3A_1654 = vector.broadcast %add3A_1653 : i32 to vector<16xi32>
      %add3A_1655 = arith.addi %iota3A, %add3A_1654 : vector<16xi32>
      %ge3A_1656 = vector.broadcast %squeeze3A_1536 : i32 to vector<16xi32>
      %ge3A_1657 = arith.cmpi sge, %add3A_1655, %ge3A_1656 : vector<16xi32>
      %lt3A_1658 = vector.broadcast %squeeze3A_1538 : i32 to vector<16xi32>
      %lt3A_1659 = arith.cmpi slt, %add3A_1655, %lt3A_1658 : vector<16xi32>
      %and3A_1660 = arith.andi %ge3A_1657, %lt3A_1659 : vector<16xi1>
      tpu.vector_store_idx %arg9[%get3A_1652], %broadcast_in_dim3A_1539 masked %and3A_1660 : memref<1008xi32, #tpu.memory_space<vmem>>[vector<16xi32>], vector<16xi32>, vector<16xi1>
      %get3A_1661 = arith.index_cast %scan3A_538 : i32 to index
      %get3A_1662 = arith.constant 176 : index
      %get3A_1663 = tpu.vector_load %arg5[%get3A_1661, %get3A_1662] {strides = array<i32>} : memref<128x200xi32, #tpu.memory_space<vmem>>, vector<16xi32>,
      %add3A_1664 = arith.constant 176 : i32
      %add3A_1665 = vector.broadcast %add3A_1664 : i32 to vector<16xi32>
      %add3A_1666 = arith.addi %iota3A, %add3A_1665 : vector<16xi32>
      %ge3A_1667 = vector.broadcast %squeeze3A_1536 : i32 to vector<16xi32>
      %ge3A_1668 = arith.cmpi sge, %add3A_1666, %ge3A_1667 : vector<16xi32>
      %lt3A_1669 = vector.broadcast %squeeze3A_1538 : i32 to vector<16xi32>
      %lt3A_1670 = arith.cmpi slt, %add3A_1666, %lt3A_1669 : vector<16xi32>
      %and3A_1671 = arith.andi %ge3A_1668, %lt3A_1670 : vector<16xi1>
      tpu.vector_store_idx %arg9[%get3A_1663], %broadcast_in_dim3A_1539 masked %and3A_1671 : memref<1008xi32, #tpu.memory_space<vmem>>[vector<16xi32>], vector<16xi32>, vector<16xi1>
      %get3A_1672 = arith.index_cast %scan3A_538 : i32 to index
      %get3A_1673 = arith.constant 184 : index
      %get3A_1674 = tpu.vector_load %arg5[%get3A_1672, %get3A_1673] {strides = array<i32>} : memref<128x200xi32, #tpu.memory_space<vmem>>, vector<16xi32>,
      %add3A_1675 = arith.constant 184 : i32
      %add3A_1676 = vector.broadcast %add3A_1675 : i32 to vector<16xi32>
      %add3A_1677 = arith.addi %iota3A, %add3A_1676 : vector<16xi32>
      %ge3A_1678 = vector.broadcast %squeeze3A_1536 : i32 to vector<16xi32>
      %ge3A_1679 = arith.cmpi sge, %add3A_1677, %ge3A_1678 : vector<16xi32>
      %lt3A_1680 = vector.broadcast %squeeze3A_1538 : i32 to vector<16xi32>
      %lt3A_1681 = arith.cmpi slt, %add3A_1677, %lt3A_1680 : vector<16xi32>
      %and3A_1682 = arith.andi %ge3A_1679, %lt3A_1681 : vector<16xi1>
      tpu.vector_store_idx %arg9[%get3A_1674], %broadcast_in_dim3A_1539 masked %and3A_1682 : memref<1008xi32, #tpu.memory_space<vmem>>[vector<16xi32>], vector<16xi32>, vector<16xi1>
      %dma_start3A_1683 = arith.constant 0 : i32
      %dma_start3A_1684 = tpu.memref_slice %arg4[%add3A_1527, %dma_start3A_1683] : memref<65536x1008xi32, #tpu.memory_space<hbm>> -> memref<1x1008xi32, #tpu.memory_space<hbm>>
      %dma_start3A_1685 = tpu.memref_squeeze %dma_start3A_1684 : memref<1x1008xi32, #tpu.memory_space<hbm>> -> memref<1008xi32, #tpu.memory_space<hbm>>
      %dma_start3A_1686 = arith.constant 0 : i32
      %dma_start3A_1687 = tpu.memref_slice %arg4[%add3A_1527, %dma_start3A_1686] : memref<65536x1008xi32, #tpu.memory_space<hbm>> -> memref<1x1008xi32, #tpu.memory_space<hbm>>
      %dma_start3A_1688 = tpu.memref_squeeze %dma_start3A_1687 : memref<1x1008xi32, #tpu.memory_space<hbm>> -> memref<1008xi32, #tpu.memory_space<hbm>>
      tpu.enqueue_dma source(%arg9 : memref<1008xi32, #tpu.memory_space<vmem>>) target(%dma_start3A_1688 : memref<1008xi32, #tpu.memory_space<hbm>>) target_semaphore(%arg13 : memref<!tpu.dma_semaphore, #tpu.memory_space<semaphore_mem>>)
      %add3A_1689 = arith.addi %mul3A_2, %scan3A_538 : i32
      %mul3A_1690 = arith.constant 16 : i32
      %mul3A_1691 = arith.muli %add3A_1689, %mul3A_1690 : i32
      %add3A_1692 = arith.constant 7 : i32
      %add3A_1693 = arith.addi %mul3A_1691, %add3A_1692 : i32
      %dma_wait3A_1694 = arith.constant 0 : i32
      %dma_wait3A_1695 = arith.constant 0 : i32
      %dma_wait3A_1696 = tpu.memref_slice %arg4[%dma_wait3A_1694, %dma_wait3A_1695] : memref<65536x1008xi32, #tpu.memory_space<hbm>> -> memref<1x1008xi32, #tpu.memory_space<hbm>>
      %dma_wait3A_1697 = tpu.memref_squeeze %dma_wait3A_1696 : memref<1x1008xi32, #tpu.memory_space<hbm>> -> memref<1008xi32, #tpu.memory_space<hbm>>
      %dma_wait3A_1698 = arith.constant 0 : i32
      %dma_wait3A_1699 = tpu.memref_slice %arg4[%dma_wait3A_1694, %dma_wait3A_1698] : memref<65536x1008xi32, #tpu.memory_space<hbm>> -> memref<1x1008xi32, #tpu.memory_space<hbm>>
      %dma_wait3A_1700 = tpu.memref_squeeze %dma_wait3A_1699 : memref<1x1008xi32, #tpu.memory_space<hbm>> -> memref<1008xi32, #tpu.memory_space<hbm>>
      tpu.wait_dma2 semaphore(%arg14 : memref<!tpu.dma_semaphore, #tpu.memory_space<semaphore_mem>>) src(%arg10 : memref<1008xi32, #tpu.memory_space<vmem>>) dst(%dma_wait3A_1700 : memref<1008xi32, #tpu.memory_space<hbm>>)
      %slice3A_1701 = vector.extract_strided_slice %get3A_540 {offsets = [14], sizes = [1], strides = [1]} : vector<16xi32> to vector<1xi32>
      %squeeze3A_1702 = vector.extract %slice3A_1701[0] : i32 from vector<1xi32>
      %slice3A_1703 = vector.extract_strided_slice %get3A_540 {offsets = [15], sizes = [1], strides = [1]} : vector<16xi32> to vector<1xi32>
      %squeeze3A_1704 = vector.extract %slice3A_1703[0] : i32 from vector<1xi32>
      %broadcast_in_dim3A_1705 = vector.broadcast %add3A_1693 : i32 to vector<16xi32>
      %get3A_1706 = arith.index_cast %scan3A_538 : i32 to index
      %get3A_1707 = arith.constant 0 : index
      %get3A_1708 = tpu.vector_load %arg5[%get3A_1706, %get3A_1707] {strides = array<i32>} : memref<128x200xi32, #tpu.memory_space<vmem>>, vector<16xi32>,
      %add3A_1709 = arith.constant 0 : i32
      %add3A_1710 = vector.broadcast %add3A_1709 : i32 to vector<16xi32>
      %add3A_1711 = arith.addi %iota3A, %add3A_1710 : vector<16xi32>
      %ge3A_1712 = vector.broadcast %squeeze3A_1702 : i32 to vector<16xi32>
      %ge3A_1713 = arith.cmpi sge, %add3A_1711, %ge3A_1712 : vector<16xi32>
      %lt3A_1714 = vector.broadcast %squeeze3A_1704 : i32 to vector<16xi32>
      %lt3A_1715 = arith.cmpi slt, %add3A_1711, %lt3A_1714 : vector<16xi32>
      %and3A_1716 = arith.andi %ge3A_1713, %lt3A_1715 : vector<16xi1>
      tpu.vector_store_idx %arg10[%get3A_1708], %broadcast_in_dim3A_1705 masked %and3A_1716 : memref<1008xi32, #tpu.memory_space<vmem>>[vector<16xi32>], vector<16xi32>, vector<16xi1>
      %get3A_1717 = arith.index_cast %scan3A_538 : i32 to index
      %get3A_1718 = arith.constant 16 : index
      %get3A_1719 = tpu.vector_load %arg5[%get3A_1717, %get3A_1718] {strides = array<i32>} : memref<128x200xi32, #tpu.memory_space<vmem>>, vector<16xi32>,
      %add3A_1720 = arith.constant 16 : i32
      %add3A_1721 = vector.broadcast %add3A_1720 : i32 to vector<16xi32>
      %add3A_1722 = arith.addi %iota3A, %add3A_1721 : vector<16xi32>
      %ge3A_1723 = vector.broadcast %squeeze3A_1702 : i32 to vector<16xi32>
      %ge3A_1724 = arith.cmpi sge, %add3A_1722, %ge3A_1723 : vector<16xi32>
      %lt3A_1725 = vector.broadcast %squeeze3A_1704 : i32 to vector<16xi32>
      %lt3A_1726 = arith.cmpi slt, %add3A_1722, %lt3A_1725 : vector<16xi32>
      %and3A_1727 = arith.andi %ge3A_1724, %lt3A_1726 : vector<16xi1>
      tpu.vector_store_idx %arg10[%get3A_1719], %broadcast_in_dim3A_1705 masked %and3A_1727 : memref<1008xi32, #tpu.memory_space<vmem>>[vector<16xi32>], vector<16xi32>, vector<16xi1>
      %get3A_1728 = arith.index_cast %scan3A_538 : i32 to index
      %get3A_1729 = arith.constant 32 : index
      %get3A_1730 = tpu.vector_load %arg5[%get3A_1728, %get3A_1729] {strides = array<i32>} : memref<128x200xi32, #tpu.memory_space<vmem>>, vector<16xi32>,
      %add3A_1731 = arith.constant 32 : i32
      %add3A_1732 = vector.broadcast %add3A_1731 : i32 to vector<16xi32>
      %add3A_1733 = arith.addi %iota3A, %add3A_1732 : vector<16xi32>
      %ge3A_1734 = vector.broadcast %squeeze3A_1702 : i32 to vector<16xi32>
      %ge3A_1735 = arith.cmpi sge, %add3A_1733, %ge3A_1734 : vector<16xi32>
      %lt3A_1736 = vector.broadcast %squeeze3A_1704 : i32 to vector<16xi32>
      %lt3A_1737 = arith.cmpi slt, %add3A_1733, %lt3A_1736 : vector<16xi32>
      %and3A_1738 = arith.andi %ge3A_1735, %lt3A_1737 : vector<16xi1>
      tpu.vector_store_idx %arg10[%get3A_1730], %broadcast_in_dim3A_1705 masked %and3A_1738 : memref<1008xi32, #tpu.memory_space<vmem>>[vector<16xi32>], vector<16xi32>, vector<16xi1>
      %get3A_1739 = arith.index_cast %scan3A_538 : i32 to index
      %get3A_1740 = arith.constant 48 : index
      %get3A_1741 = tpu.vector_load %arg5[%get3A_1739, %get3A_1740] {strides = array<i32>} : memref<128x200xi32, #tpu.memory_space<vmem>>, vector<16xi32>,
      %add3A_1742 = arith.constant 48 : i32
      %add3A_1743 = vector.broadcast %add3A_1742 : i32 to vector<16xi32>
      %add3A_1744 = arith.addi %iota3A, %add3A_1743 : vector<16xi32>
      %ge3A_1745 = vector.broadcast %squeeze3A_1702 : i32 to vector<16xi32>
      %ge3A_1746 = arith.cmpi sge, %add3A_1744, %ge3A_1745 : vector<16xi32>
      %lt3A_1747 = vector.broadcast %squeeze3A_1704 : i32 to vector<16xi32>
      %lt3A_1748 = arith.cmpi slt, %add3A_1744, %lt3A_1747 : vector<16xi32>
      %and3A_1749 = arith.andi %ge3A_1746, %lt3A_1748 : vector<16xi1>
      tpu.vector_store_idx %arg10[%get3A_1741], %broadcast_in_dim3A_1705 masked %and3A_1749 : memref<1008xi32, #tpu.memory_space<vmem>>[vector<16xi32>], vector<16xi32>, vector<16xi1>
      %get3A_1750 = arith.index_cast %scan3A_538 : i32 to index
      %get3A_1751 = arith.constant 64 : index
      %get3A_1752 = tpu.vector_load %arg5[%get3A_1750, %get3A_1751] {strides = array<i32>} : memref<128x200xi32, #tpu.memory_space<vmem>>, vector<16xi32>,
      %add3A_1753 = arith.constant 64 : i32
      %add3A_1754 = vector.broadcast %add3A_1753 : i32 to vector<16xi32>
      %add3A_1755 = arith.addi %iota3A, %add3A_1754 : vector<16xi32>
      %ge3A_1756 = vector.broadcast %squeeze3A_1702 : i32 to vector<16xi32>
      %ge3A_1757 = arith.cmpi sge, %add3A_1755, %ge3A_1756 : vector<16xi32>
      %lt3A_1758 = vector.broadcast %squeeze3A_1704 : i32 to vector<16xi32>
      %lt3A_1759 = arith.cmpi slt, %add3A_1755, %lt3A_1758 : vector<16xi32>
      %and3A_1760 = arith.andi %ge3A_1757, %lt3A_1759 : vector<16xi1>
      tpu.vector_store_idx %arg10[%get3A_1752], %broadcast_in_dim3A_1705 masked %and3A_1760 : memref<1008xi32, #tpu.memory_space<vmem>>[vector<16xi32>], vector<16xi32>, vector<16xi1>
      %get3A_1761 = arith.index_cast %scan3A_538 : i32 to index
      %get3A_1762 = arith.constant 80 : index
      %get3A_1763 = tpu.vector_load %arg5[%get3A_1761, %get3A_1762] {strides = array<i32>} : memref<128x200xi32, #tpu.memory_space<vmem>>, vector<16xi32>,
      %add3A_1764 = arith.constant 80 : i32
      %add3A_1765 = vector.broadcast %add3A_1764 : i32 to vector<16xi32>
      %add3A_1766 = arith.addi %iota3A, %add3A_1765 : vector<16xi32>
      %ge3A_1767 = vector.broadcast %squeeze3A_1702 : i32 to vector<16xi32>
      %ge3A_1768 = arith.cmpi sge, %add3A_1766, %ge3A_1767 : vector<16xi32>
      %lt3A_1769 = vector.broadcast %squeeze3A_1704 : i32 to vector<16xi32>
      %lt3A_1770 = arith.cmpi slt, %add3A_1766, %lt3A_1769 : vector<16xi32>
      %and3A_1771 = arith.andi %ge3A_1768, %lt3A_1770 : vector<16xi1>
      tpu.vector_store_idx %arg10[%get3A_1763], %broadcast_in_dim3A_1705 masked %and3A_1771 : memref<1008xi32, #tpu.memory_space<vmem>>[vector<16xi32>], vector<16xi32>, vector<16xi1>
      %get3A_1772 = arith.index_cast %scan3A_538 : i32 to index
      %get3A_1773 = arith.constant 96 : index
      %get3A_1774 = tpu.vector_load %arg5[%get3A_1772, %get3A_1773] {strides = array<i32>} : memref<128x200xi32, #tpu.memory_space<vmem>>, vector<16xi32>,
      %add3A_1775 = arith.constant 96 : i32
      %add3A_1776 = vector.broadcast %add3A_1775 : i32 to vector<16xi32>
      %add3A_1777 = arith.addi %iota3A, %add3A_1776 : vector<16xi32>
      %ge3A_1778 = vector.broadcast %squeeze3A_1702 : i32 to vector<16xi32>
      %ge3A_1779 = arith.cmpi sge, %add3A_1777, %ge3A_1778 : vector<16xi32>
      %lt3A_1780 = vector.broadcast %squeeze3A_1704 : i32 to vector<16xi32>
      %lt3A_1781 = arith.cmpi slt, %add3A_1777, %lt3A_1780 : vector<16xi32>
      %and3A_1782 = arith.andi %ge3A_1779, %lt3A_1781 : vector<16xi1>
      tpu.vector_store_idx %arg10[%get3A_1774], %broadcast_in_dim3A_1705 masked %and3A_1782 : memref<1008xi32, #tpu.memory_space<vmem>>[vector<16xi32>], vector<16xi32>, vector<16xi1>
      %get3A_1783 = arith.index_cast %scan3A_538 : i32 to index
      %get3A_1784 = arith.constant 112 : index
      %get3A_1785 = tpu.vector_load %arg5[%get3A_1783, %get3A_1784] {strides = array<i32>} : memref<128x200xi32, #tpu.memory_space<vmem>>, vector<16xi32>,
      %add3A_1786 = arith.constant 112 : i32
      %add3A_1787 = vector.broadcast %add3A_1786 : i32 to vector<16xi32>
      %add3A_1788 = arith.addi %iota3A, %add3A_1787 : vector<16xi32>
      %ge3A_1789 = vector.broadcast %squeeze3A_1702 : i32 to vector<16xi32>
      %ge3A_1790 = arith.cmpi sge, %add3A_1788, %ge3A_1789 : vector<16xi32>
      %lt3A_1791 = vector.broadcast %squeeze3A_1704 : i32 to vector<16xi32>
      %lt3A_1792 = arith.cmpi slt, %add3A_1788, %lt3A_1791 : vector<16xi32>
      %and3A_1793 = arith.andi %ge3A_1790, %lt3A_1792 : vector<16xi1>
      tpu.vector_store_idx %arg10[%get3A_1785], %broadcast_in_dim3A_1705 masked %and3A_1793 : memref<1008xi32, #tpu.memory_space<vmem>>[vector<16xi32>], vector<16xi32>, vector<16xi1>
      %get3A_1794 = arith.index_cast %scan3A_538 : i32 to index
      %get3A_1795 = arith.constant 128 : index
      %get3A_1796 = tpu.vector_load %arg5[%get3A_1794, %get3A_1795] {strides = array<i32>} : memref<128x200xi32, #tpu.memory_space<vmem>>, vector<16xi32>,
      %add3A_1797 = arith.constant 128 : i32
      %add3A_1798 = vector.broadcast %add3A_1797 : i32 to vector<16xi32>
      %add3A_1799 = arith.addi %iota3A, %add3A_1798 : vector<16xi32>
      %ge3A_1800 = vector.broadcast %squeeze3A_1702 : i32 to vector<16xi32>
      %ge3A_1801 = arith.cmpi sge, %add3A_1799, %ge3A_1800 : vector<16xi32>
      %lt3A_1802 = vector.broadcast %squeeze3A_1704 : i32 to vector<16xi32>
      %lt3A_1803 = arith.cmpi slt, %add3A_1799, %lt3A_1802 : vector<16xi32>
      %and3A_1804 = arith.andi %ge3A_1801, %lt3A_1803 : vector<16xi1>
      tpu.vector_store_idx %arg10[%get3A_1796], %broadcast_in_dim3A_1705 masked %and3A_1804 : memref<1008xi32, #tpu.memory_space<vmem>>[vector<16xi32>], vector<16xi32>, vector<16xi1>
      %get3A_1805 = arith.index_cast %scan3A_538 : i32 to index
      %get3A_1806 = arith.constant 144 : index
      %get3A_1807 = tpu.vector_load %arg5[%get3A_1805, %get3A_1806] {strides = array<i32>} : memref<128x200xi32, #tpu.memory_space<vmem>>, vector<16xi32>,
      %add3A_1808 = arith.constant 144 : i32
      %add3A_1809 = vector.broadcast %add3A_1808 : i32 to vector<16xi32>
      %add3A_1810 = arith.addi %iota3A, %add3A_1809 : vector<16xi32>
      %ge3A_1811 = vector.broadcast %squeeze3A_1702 : i32 to vector<16xi32>
      %ge3A_1812 = arith.cmpi sge, %add3A_1810, %ge3A_1811 : vector<16xi32>
      %lt3A_1813 = vector.broadcast %squeeze3A_1704 : i32 to vector<16xi32>
      %lt3A_1814 = arith.cmpi slt, %add3A_1810, %lt3A_1813 : vector<16xi32>
      %and3A_1815 = arith.andi %ge3A_1812, %lt3A_1814 : vector<16xi1>
      tpu.vector_store_idx %arg10[%get3A_1807], %broadcast_in_dim3A_1705 masked %and3A_1815 : memref<1008xi32, #tpu.memory_space<vmem>>[vector<16xi32>], vector<16xi32>, vector<16xi1>
      %get3A_1816 = arith.index_cast %scan3A_538 : i32 to index
      %get3A_1817 = arith.constant 160 : index
      %get3A_1818 = tpu.vector_load %arg5[%get3A_1816, %get3A_1817] {strides = array<i32>} : memref<128x200xi32, #tpu.memory_space<vmem>>, vector<16xi32>,
      %add3A_1819 = arith.constant 160 : i32
      %add3A_1820 = vector.broadcast %add3A_1819 : i32 to vector<16xi32>
      %add3A_1821 = arith.addi %iota3A, %add3A_1820 : vector<16xi32>
      %ge3A_1822 = vector.broadcast %squeeze3A_1702 : i32 to vector<16xi32>
      %ge3A_1823 = arith.cmpi sge, %add3A_1821, %ge3A_1822 : vector<16xi32>
      %lt3A_1824 = vector.broadcast %squeeze3A_1704 : i32 to vector<16xi32>
      %lt3A_1825 = arith.cmpi slt, %add3A_1821, %lt3A_1824 : vector<16xi32>
      %and3A_1826 = arith.andi %ge3A_1823, %lt3A_1825 : vector<16xi1>
      tpu.vector_store_idx %arg10[%get3A_1818], %broadcast_in_dim3A_1705 masked %and3A_1826 : memref<1008xi32, #tpu.memory_space<vmem>>[vector<16xi32>], vector<16xi32>, vector<16xi1>
      %get3A_1827 = arith.index_cast %scan3A_538 : i32 to index
      %get3A_1828 = arith.constant 176 : index
      %get3A_1829 = tpu.vector_load %arg5[%get3A_1827, %get3A_1828] {strides = array<i32>} : memref<128x200xi32, #tpu.memory_space<vmem>>, vector<16xi32>,
      %add3A_1830 = arith.constant 176 : i32
      %add3A_1831 = vector.broadcast %add3A_1830 : i32 to vector<16xi32>
      %add3A_1832 = arith.addi %iota3A, %add3A_1831 : vector<16xi32>
      %ge3A_1833 = vector.broadcast %squeeze3A_1702 : i32 to vector<16xi32>
      %ge3A_1834 = arith.cmpi sge, %add3A_1832, %ge3A_1833 : vector<16xi32>
      %lt3A_1835 = vector.broadcast %squeeze3A_1704 : i32 to vector<16xi32>
      %lt3A_1836 = arith.cmpi slt, %add3A_1832, %lt3A_1835 : vector<16xi32>
      %and3A_1837 = arith.andi %ge3A_1834, %lt3A_1836 : vector<16xi1>
      tpu.vector_store_idx %arg10[%get3A_1829], %broadcast_in_dim3A_1705 masked %and3A_1837 : memref<1008xi32, #tpu.memory_space<vmem>>[vector<16xi32>], vector<16xi32>, vector<16xi1>
      %get3A_1838 = arith.index_cast %scan3A_538 : i32 to index
      %get3A_1839 = arith.constant 184 : index
      %get3A_1840 = tpu.vector_load %arg5[%get3A_1838, %get3A_1839] {strides = array<i32>} : memref<128x200xi32, #tpu.memory_space<vmem>>, vector<16xi32>,
      %add3A_1841 = arith.constant 184 : i32
      %add3A_1842 = vector.broadcast %add3A_1841 : i32 to vector<16xi32>
      %add3A_1843 = arith.addi %iota3A, %add3A_1842 : vector<16xi32>
      %ge3A_1844 = vector.broadcast %squeeze3A_1702 : i32 to vector<16xi32>
      %ge3A_1845 = arith.cmpi sge, %add3A_1843, %ge3A_1844 : vector<16xi32>
      %lt3A_1846 = vector.broadcast %squeeze3A_1704 : i32 to vector<16xi32>
      %lt3A_1847 = arith.cmpi slt, %add3A_1843, %lt3A_1846 : vector<16xi32>
      %and3A_1848 = arith.andi %ge3A_1845, %lt3A_1847 : vector<16xi1>
      tpu.vector_store_idx %arg10[%get3A_1840], %broadcast_in_dim3A_1705 masked %and3A_1848 : memref<1008xi32, #tpu.memory_space<vmem>>[vector<16xi32>], vector<16xi32>, vector<16xi1>
      %dma_start3A_1849 = arith.constant 0 : i32
      %dma_start3A_1850 = tpu.memref_slice %arg4[%add3A_1693, %dma_start3A_1849] : memref<65536x1008xi32, #tpu.memory_space<hbm>> -> memref<1x1008xi32, #tpu.memory_space<hbm>>
      %dma_start3A_1851 = tpu.memref_squeeze %dma_start3A_1850 : memref<1x1008xi32, #tpu.memory_space<hbm>> -> memref<1008xi32, #tpu.memory_space<hbm>>
      %dma_start3A_1852 = arith.constant 0 : i32
      %dma_start3A_1853 = tpu.memref_slice %arg4[%add3A_1693, %dma_start3A_1852] : memref<65536x1008xi32, #tpu.memory_space<hbm>> -> memref<1x1008xi32, #tpu.memory_space<hbm>>
      %dma_start3A_1854 = tpu.memref_squeeze %dma_start3A_1853 : memref<1x1008xi32, #tpu.memory_space<hbm>> -> memref<1008xi32, #tpu.memory_space<hbm>>
      tpu.enqueue_dma source(%arg10 : memref<1008xi32, #tpu.memory_space<vmem>>) target(%dma_start3A_1854 : memref<1008xi32, #tpu.memory_space<hbm>>) target_semaphore(%arg14 : memref<!tpu.dma_semaphore, #tpu.memory_space<semaphore_mem>>)
      %add3A_1855 = arith.addi %mul3A_2, %scan3A_538 : i32
      %mul3A_1856 = arith.constant 16 : i32
      %mul3A_1857 = arith.muli %add3A_1855, %mul3A_1856 : i32
      %add3A_1858 = arith.constant 8 : i32
      %add3A_1859 = arith.addi %mul3A_1857, %add3A_1858 : i32
      %dma_wait3A_1860 = arith.constant 0 : i32
      %dma_wait3A_1861 = arith.constant 0 : i32
      %dma_wait3A_1862 = tpu.memref_slice %arg4[%dma_wait3A_1860, %dma_wait3A_1861] : memref<65536x1008xi32, #tpu.memory_space<hbm>> -> memref<1x1008xi32, #tpu.memory_space<hbm>>
      %dma_wait3A_1863 = tpu.memref_squeeze %dma_wait3A_1862 : memref<1x1008xi32, #tpu.memory_space<hbm>> -> memref<1008xi32, #tpu.memory_space<hbm>>
      %dma_wait3A_1864 = arith.constant 0 : i32
      %dma_wait3A_1865 = tpu.memref_slice %arg4[%dma_wait3A_1860, %dma_wait3A_1864] : memref<65536x1008xi32, #tpu.memory_space<hbm>> -> memref<1x1008xi32, #tpu.memory_space<hbm>>
      %dma_wait3A_1866 = tpu.memref_squeeze %dma_wait3A_1865 : memref<1x1008xi32, #tpu.memory_space<hbm>> -> memref<1008xi32, #tpu.memory_space<hbm>>
      tpu.wait_dma2 semaphore(%arg11 : memref<!tpu.dma_semaphore, #tpu.memory_space<semaphore_mem>>) src(%arg7 : memref<1008xi32, #tpu.memory_space<vmem>>) dst(%dma_wait3A_1866 : memref<1008xi32, #tpu.memory_space<hbm>>)
      %slice3A_1867 = vector.extract_strided_slice %get3A_543 {offsets = [0], sizes = [1], strides = [1]} : vector<16xi32> to vector<1xi32>
      %squeeze3A_1868 = vector.extract %slice3A_1867[0] : i32 from vector<1xi32>
      %slice3A_1869 = vector.extract_strided_slice %get3A_543 {offsets = [1], sizes = [1], strides = [1]} : vector<16xi32> to vector<1xi32>
      %squeeze3A_1870 = vector.extract %slice3A_1869[0] : i32 from vector<1xi32>
      %broadcast_in_dim3A_1871 = vector.broadcast %add3A_1859 : i32 to vector<16xi32>
      %get3A_1872 = arith.index_cast %scan3A_538 : i32 to index
      %get3A_1873 = arith.constant 0 : index
      %get3A_1874 = tpu.vector_load %arg5[%get3A_1872, %get3A_1873] {strides = array<i32>} : memref<128x200xi32, #tpu.memory_space<vmem>>, vector<16xi32>,
      %add3A_1875 = arith.constant 0 : i32
      %add3A_1876 = vector.broadcast %add3A_1875 : i32 to vector<16xi32>
      %add3A_1877 = arith.addi %iota3A, %add3A_1876 : vector<16xi32>
      %ge3A_1878 = vector.broadcast %squeeze3A_1868 : i32 to vector<16xi32>
      %ge3A_1879 = arith.cmpi sge, %add3A_1877, %ge3A_1878 : vector<16xi32>
      %lt3A_1880 = vector.broadcast %squeeze3A_1870 : i32 to vector<16xi32>
      %lt3A_1881 = arith.cmpi slt, %add3A_1877, %lt3A_1880 : vector<16xi32>
      %and3A_1882 = arith.andi %ge3A_1879, %lt3A_1881 : vector<16xi1>
      tpu.vector_store_idx %arg7[%get3A_1874], %broadcast_in_dim3A_1871 masked %and3A_1882 : memref<1008xi32, #tpu.memory_space<vmem>>[vector<16xi32>], vector<16xi32>, vector<16xi1>
      %get3A_1883 = arith.index_cast %scan3A_538 : i32 to index
      %get3A_1884 = arith.constant 16 : index
      %get3A_1885 = tpu.vector_load %arg5[%get3A_1883, %get3A_1884] {strides = array<i32>} : memref<128x200xi32, #tpu.memory_space<vmem>>, vector<16xi32>,
      %add3A_1886 = arith.constant 16 : i32
      %add3A_1887 = vector.broadcast %add3A_1886 : i32 to vector<16xi32>
      %add3A_1888 = arith.addi %iota3A, %add3A_1887 : vector<16xi32>
      %ge3A_1889 = vector.broadcast %squeeze3A_1868 : i32 to vector<16xi32>
      %ge3A_1890 = arith.cmpi sge, %add3A_1888, %ge3A_1889 : vector<16xi32>
      %lt3A_1891 = vector.broadcast %squeeze3A_1870 : i32 to vector<16xi32>
      %lt3A_1892 = arith.cmpi slt, %add3A_1888, %lt3A_1891 : vector<16xi32>
      %and3A_1893 = arith.andi %ge3A_1890, %lt3A_1892 : vector<16xi1>
      tpu.vector_store_idx %arg7[%get3A_1885], %broadcast_in_dim3A_1871 masked %and3A_1893 : memref<1008xi32, #tpu.memory_space<vmem>>[vector<16xi32>], vector<16xi32>, vector<16xi1>
      %get3A_1894 = arith.index_cast %scan3A_538 : i32 to index
      %get3A_1895 = arith.constant 32 : index
      %get3A_1896 = tpu.vector_load %arg5[%get3A_1894, %get3A_1895] {strides = array<i32>} : memref<128x200xi32, #tpu.memory_space<vmem>>, vector<16xi32>,
      %add3A_1897 = arith.constant 32 : i32
      %add3A_1898 = vector.broadcast %add3A_1897 : i32 to vector<16xi32>
      %add3A_1899 = arith.addi %iota3A, %add3A_1898 : vector<16xi32>
      %ge3A_1900 = vector.broadcast %squeeze3A_1868 : i32 to vector<16xi32>
      %ge3A_1901 = arith.cmpi sge, %add3A_1899, %ge3A_1900 : vector<16xi32>
      %lt3A_1902 = vector.broadcast %squeeze3A_1870 : i32 to vector<16xi32>
      %lt3A_1903 = arith.cmpi slt, %add3A_1899, %lt3A_1902 : vector<16xi32>
      %and3A_1904 = arith.andi %ge3A_1901, %lt3A_1903 : vector<16xi1>
      tpu.vector_store_idx %arg7[%get3A_1896], %broadcast_in_dim3A_1871 masked %and3A_1904 : memref<1008xi32, #tpu.memory_space<vmem>>[vector<16xi32>], vector<16xi32>, vector<16xi1>
      %get3A_1905 = arith.index_cast %scan3A_538 : i32 to index
      %get3A_1906 = arith.constant 48 : index
      %get3A_1907 = tpu.vector_load %arg5[%get3A_1905, %get3A_1906] {strides = array<i32>} : memref<128x200xi32, #tpu.memory_space<vmem>>, vector<16xi32>,
      %add3A_1908 = arith.constant 48 : i32
      %add3A_1909 = vector.broadcast %add3A_1908 : i32 to vector<16xi32>
      %add3A_1910 = arith.addi %iota3A, %add3A_1909 : vector<16xi32>
      %ge3A_1911 = vector.broadcast %squeeze3A_1868 : i32 to vector<16xi32>
      %ge3A_1912 = arith.cmpi sge, %add3A_1910, %ge3A_1911 : vector<16xi32>
      %lt3A_1913 = vector.broadcast %squeeze3A_1870 : i32 to vector<16xi32>
      %lt3A_1914 = arith.cmpi slt, %add3A_1910, %lt3A_1913 : vector<16xi32>
      %and3A_1915 = arith.andi %ge3A_1912, %lt3A_1914 : vector<16xi1>
      tpu.vector_store_idx %arg7[%get3A_1907], %broadcast_in_dim3A_1871 masked %and3A_1915 : memref<1008xi32, #tpu.memory_space<vmem>>[vector<16xi32>], vector<16xi32>, vector<16xi1>
      %get3A_1916 = arith.index_cast %scan3A_538 : i32 to index
      %get3A_1917 = arith.constant 64 : index
      %get3A_1918 = tpu.vector_load %arg5[%get3A_1916, %get3A_1917] {strides = array<i32>} : memref<128x200xi32, #tpu.memory_space<vmem>>, vector<16xi32>,
      %add3A_1919 = arith.constant 64 : i32
      %add3A_1920 = vector.broadcast %add3A_1919 : i32 to vector<16xi32>
      %add3A_1921 = arith.addi %iota3A, %add3A_1920 : vector<16xi32>
      %ge3A_1922 = vector.broadcast %squeeze3A_1868 : i32 to vector<16xi32>
      %ge3A_1923 = arith.cmpi sge, %add3A_1921, %ge3A_1922 : vector<16xi32>
      %lt3A_1924 = vector.broadcast %squeeze3A_1870 : i32 to vector<16xi32>
      %lt3A_1925 = arith.cmpi slt, %add3A_1921, %lt3A_1924 : vector<16xi32>
      %and3A_1926 = arith.andi %ge3A_1923, %lt3A_1925 : vector<16xi1>
      tpu.vector_store_idx %arg7[%get3A_1918], %broadcast_in_dim3A_1871 masked %and3A_1926 : memref<1008xi32, #tpu.memory_space<vmem>>[vector<16xi32>], vector<16xi32>, vector<16xi1>
      %get3A_1927 = arith.index_cast %scan3A_538 : i32 to index
      %get3A_1928 = arith.constant 80 : index
      %get3A_1929 = tpu.vector_load %arg5[%get3A_1927, %get3A_1928] {strides = array<i32>} : memref<128x200xi32, #tpu.memory_space<vmem>>, vector<16xi32>,
      %add3A_1930 = arith.constant 80 : i32
      %add3A_1931 = vector.broadcast %add3A_1930 : i32 to vector<16xi32>
      %add3A_1932 = arith.addi %iota3A, %add3A_1931 : vector<16xi32>
      %ge3A_1933 = vector.broadcast %squeeze3A_1868 : i32 to vector<16xi32>
      %ge3A_1934 = arith.cmpi sge, %add3A_1932, %ge3A_1933 : vector<16xi32>
      %lt3A_1935 = vector.broadcast %squeeze3A_1870 : i32 to vector<16xi32>
      %lt3A_1936 = arith.cmpi slt, %add3A_1932, %lt3A_1935 : vector<16xi32>
      %and3A_1937 = arith.andi %ge3A_1934, %lt3A_1936 : vector<16xi1>
      tpu.vector_store_idx %arg7[%get3A_1929], %broadcast_in_dim3A_1871 masked %and3A_1937 : memref<1008xi32, #tpu.memory_space<vmem>>[vector<16xi32>], vector<16xi32>, vector<16xi1>
      %get3A_1938 = arith.index_cast %scan3A_538 : i32 to index
      %get3A_1939 = arith.constant 96 : index
      %get3A_1940 = tpu.vector_load %arg5[%get3A_1938, %get3A_1939] {strides = array<i32>} : memref<128x200xi32, #tpu.memory_space<vmem>>, vector<16xi32>,
      %add3A_1941 = arith.constant 96 : i32
      %add3A_1942 = vector.broadcast %add3A_1941 : i32 to vector<16xi32>
      %add3A_1943 = arith.addi %iota3A, %add3A_1942 : vector<16xi32>
      %ge3A_1944 = vector.broadcast %squeeze3A_1868 : i32 to vector<16xi32>
      %ge3A_1945 = arith.cmpi sge, %add3A_1943, %ge3A_1944 : vector<16xi32>
      %lt3A_1946 = vector.broadcast %squeeze3A_1870 : i32 to vector<16xi32>
      %lt3A_1947 = arith.cmpi slt, %add3A_1943, %lt3A_1946 : vector<16xi32>
      %and3A_1948 = arith.andi %ge3A_1945, %lt3A_1947 : vector<16xi1>
      tpu.vector_store_idx %arg7[%get3A_1940], %broadcast_in_dim3A_1871 masked %and3A_1948 : memref<1008xi32, #tpu.memory_space<vmem>>[vector<16xi32>], vector<16xi32>, vector<16xi1>
      %get3A_1949 = arith.index_cast %scan3A_538 : i32 to index
      %get3A_1950 = arith.constant 112 : index
      %get3A_1951 = tpu.vector_load %arg5[%get3A_1949, %get3A_1950] {strides = array<i32>} : memref<128x200xi32, #tpu.memory_space<vmem>>, vector<16xi32>,
      %add3A_1952 = arith.constant 112 : i32
      %add3A_1953 = vector.broadcast %add3A_1952 : i32 to vector<16xi32>
      %add3A_1954 = arith.addi %iota3A, %add3A_1953 : vector<16xi32>
      %ge3A_1955 = vector.broadcast %squeeze3A_1868 : i32 to vector<16xi32>
      %ge3A_1956 = arith.cmpi sge, %add3A_1954, %ge3A_1955 : vector<16xi32>
      %lt3A_1957 = vector.broadcast %squeeze3A_1870 : i32 to vector<16xi32>
      %lt3A_1958 = arith.cmpi slt, %add3A_1954, %lt3A_1957 : vector<16xi32>
      %and3A_1959 = arith.andi %ge3A_1956, %lt3A_1958 : vector<16xi1>
      tpu.vector_store_idx %arg7[%get3A_1951], %broadcast_in_dim3A_1871 masked %and3A_1959 : memref<1008xi32, #tpu.memory_space<vmem>>[vector<16xi32>], vector<16xi32>, vector<16xi1>
      %get3A_1960 = arith.index_cast %scan3A_538 : i32 to index
      %get3A_1961 = arith.constant 128 : index
      %get3A_1962 = tpu.vector_load %arg5[%get3A_1960, %get3A_1961] {strides = array<i32>} : memref<128x200xi32, #tpu.memory_space<vmem>>, vector<16xi32>,
      %add3A_1963 = arith.constant 128 : i32
      %add3A_1964 = vector.broadcast %add3A_1963 : i32 to vector<16xi32>
      %add3A_1965 = arith.addi %iota3A, %add3A_1964 : vector<16xi32>
      %ge3A_1966 = vector.broadcast %squeeze3A_1868 : i32 to vector<16xi32>
      %ge3A_1967 = arith.cmpi sge, %add3A_1965, %ge3A_1966 : vector<16xi32>
      %lt3A_1968 = vector.broadcast %squeeze3A_1870 : i32 to vector<16xi32>
      %lt3A_1969 = arith.cmpi slt, %add3A_1965, %lt3A_1968 : vector<16xi32>
      %and3A_1970 = arith.andi %ge3A_1967, %lt3A_1969 : vector<16xi1>
      tpu.vector_store_idx %arg7[%get3A_1962], %broadcast_in_dim3A_1871 masked %and3A_1970 : memref<1008xi32, #tpu.memory_space<vmem>>[vector<16xi32>], vector<16xi32>, vector<16xi1>
      %get3A_1971 = arith.index_cast %scan3A_538 : i32 to index
      %get3A_1972 = arith.constant 144 : index
      %get3A_1973 = tpu.vector_load %arg5[%get3A_1971, %get3A_1972] {strides = array<i32>} : memref<128x200xi32, #tpu.memory_space<vmem>>, vector<16xi32>,
      %add3A_1974 = arith.constant 144 : i32
      %add3A_1975 = vector.broadcast %add3A_1974 : i32 to vector<16xi32>
      %add3A_1976 = arith.addi %iota3A, %add3A_1975 : vector<16xi32>
      %ge3A_1977 = vector.broadcast %squeeze3A_1868 : i32 to vector<16xi32>
      %ge3A_1978 = arith.cmpi sge, %add3A_1976, %ge3A_1977 : vector<16xi32>
      %lt3A_1979 = vector.broadcast %squeeze3A_1870 : i32 to vector<16xi32>
      %lt3A_1980 = arith.cmpi slt, %add3A_1976, %lt3A_1979 : vector<16xi32>
      %and3A_1981 = arith.andi %ge3A_1978, %lt3A_1980 : vector<16xi1>
      tpu.vector_store_idx %arg7[%get3A_1973], %broadcast_in_dim3A_1871 masked %and3A_1981 : memref<1008xi32, #tpu.memory_space<vmem>>[vector<16xi32>], vector<16xi32>, vector<16xi1>
      %get3A_1982 = arith.index_cast %scan3A_538 : i32 to index
      %get3A_1983 = arith.constant 160 : index
      %get3A_1984 = tpu.vector_load %arg5[%get3A_1982, %get3A_1983] {strides = array<i32>} : memref<128x200xi32, #tpu.memory_space<vmem>>, vector<16xi32>,
      %add3A_1985 = arith.constant 160 : i32
      %add3A_1986 = vector.broadcast %add3A_1985 : i32 to vector<16xi32>
      %add3A_1987 = arith.addi %iota3A, %add3A_1986 : vector<16xi32>
      %ge3A_1988 = vector.broadcast %squeeze3A_1868 : i32 to vector<16xi32>
      %ge3A_1989 = arith.cmpi sge, %add3A_1987, %ge3A_1988 : vector<16xi32>
      %lt3A_1990 = vector.broadcast %squeeze3A_1870 : i32 to vector<16xi32>
      %lt3A_1991 = arith.cmpi slt, %add3A_1987, %lt3A_1990 : vector<16xi32>
      %and3A_1992 = arith.andi %ge3A_1989, %lt3A_1991 : vector<16xi1>
      tpu.vector_store_idx %arg7[%get3A_1984], %broadcast_in_dim3A_1871 masked %and3A_1992 : memref<1008xi32, #tpu.memory_space<vmem>>[vector<16xi32>], vector<16xi32>, vector<16xi1>
      %get3A_1993 = arith.index_cast %scan3A_538 : i32 to index
      %get3A_1994 = arith.constant 176 : index
      %get3A_1995 = tpu.vector_load %arg5[%get3A_1993, %get3A_1994] {strides = array<i32>} : memref<128x200xi32, #tpu.memory_space<vmem>>, vector<16xi32>,
      %add3A_1996 = arith.constant 176 : i32
      %add3A_1997 = vector.broadcast %add3A_1996 : i32 to vector<16xi32>
      %add3A_1998 = arith.addi %iota3A, %add3A_1997 : vector<16xi32>
      %ge3A_1999 = vector.broadcast %squeeze3A_1868 : i32 to vector<16xi32>
      %ge3A_2000 = arith.cmpi sge, %add3A_1998, %ge3A_1999 : vector<16xi32>
      %lt3A_2001 = vector.broadcast %squeeze3A_1870 : i32 to vector<16xi32>
      %lt3A_2002 = arith.cmpi slt, %add3A_1998, %lt3A_2001 : vector<16xi32>
      %and3A_2003 = arith.andi %ge3A_2000, %lt3A_2002 : vector<16xi1>
      tpu.vector_store_idx %arg7[%get3A_1995], %broadcast_in_dim3A_1871 masked %and3A_2003 : memref<1008xi32, #tpu.memory_space<vmem>>[vector<16xi32>], vector<16xi32>, vector<16xi1>
      %get3A_2004 = arith.index_cast %scan3A_538 : i32 to index
      %get3A_2005 = arith.constant 184 : index
      %get3A_2006 = tpu.vector_load %arg5[%get3A_2004, %get3A_2005] {strides = array<i32>} : memref<128x200xi32, #tpu.memory_space<vmem>>, vector<16xi32>,
      %add3A_2007 = arith.constant 184 : i32
      %add3A_2008 = vector.broadcast %add3A_2007 : i32 to vector<16xi32>
      %add3A_2009 = arith.addi %iota3A, %add3A_2008 : vector<16xi32>
      %ge3A_2010 = vector.broadcast %squeeze3A_1868 : i32 to vector<16xi32>
      %ge3A_2011 = arith.cmpi sge, %add3A_2009, %ge3A_2010 : vector<16xi32>
      %lt3A_2012 = vector.broadcast %squeeze3A_1870 : i32 to vector<16xi32>
      %lt3A_2013 = arith.cmpi slt, %add3A_2009, %lt3A_2012 : vector<16xi32>
      %and3A_2014 = arith.andi %ge3A_2011, %lt3A_2013 : vector<16xi1>
      tpu.vector_store_idx %arg7[%get3A_2006], %broadcast_in_dim3A_1871 masked %and3A_2014 : memref<1008xi32, #tpu.memory_space<vmem>>[vector<16xi32>], vector<16xi32>, vector<16xi1>
      %dma_start3A_2015 = arith.constant 0 : i32
      %dma_start3A_2016 = tpu.memref_slice %arg4[%add3A_1859, %dma_start3A_2015] : memref<65536x1008xi32, #tpu.memory_space<hbm>> -> memref<1x1008xi32, #tpu.memory_space<hbm>>
      %dma_start3A_2017 = tpu.memref_squeeze %dma_start3A_2016 : memref<1x1008xi32, #tpu.memory_space<hbm>> -> memref<1008xi32, #tpu.memory_space<hbm>>
      %dma_start3A_2018 = arith.constant 0 : i32
      %dma_start3A_2019 = tpu.memref_slice %arg4[%add3A_1859, %dma_start3A_2018] : memref<65536x1008xi32, #tpu.memory_space<hbm>> -> memref<1x1008xi32, #tpu.memory_space<hbm>>
      %dma_start3A_2020 = tpu.memref_squeeze %dma_start3A_2019 : memref<1x1008xi32, #tpu.memory_space<hbm>> -> memref<1008xi32, #tpu.memory_space<hbm>>
      tpu.enqueue_dma source(%arg7 : memref<1008xi32, #tpu.memory_space<vmem>>) target(%dma_start3A_2020 : memref<1008xi32, #tpu.memory_space<hbm>>) target_semaphore(%arg11 : memref<!tpu.dma_semaphore, #tpu.memory_space<semaphore_mem>>)
      %add3A_2021 = arith.addi %mul3A_2, %scan3A_538 : i32
      %mul3A_2022 = arith.constant 16 : i32
      %mul3A_2023 = arith.muli %add3A_2021, %mul3A_2022 : i32
      %add3A_2024 = arith.constant 9 : i32
      %add3A_2025 = arith.addi %mul3A_2023, %add3A_2024 : i32
      %dma_wait3A_2026 = arith.constant 0 : i32
      %dma_wait3A_2027 = arith.constant 0 : i32
      %dma_wait3A_2028 = tpu.memref_slice %arg4[%dma_wait3A_2026, %dma_wait3A_2027] : memref<65536x1008xi32, #tpu.memory_space<hbm>> -> memref<1x1008xi32, #tpu.memory_space<hbm>>
      %dma_wait3A_2029 = tpu.memref_squeeze %dma_wait3A_2028 : memref<1x1008xi32, #tpu.memory_space<hbm>> -> memref<1008xi32, #tpu.memory_space<hbm>>
      %dma_wait3A_2030 = arith.constant 0 : i32
      %dma_wait3A_2031 = tpu.memref_slice %arg4[%dma_wait3A_2026, %dma_wait3A_2030] : memref<65536x1008xi32, #tpu.memory_space<hbm>> -> memref<1x1008xi32, #tpu.memory_space<hbm>>
      %dma_wait3A_2032 = tpu.memref_squeeze %dma_wait3A_2031 : memref<1x1008xi32, #tpu.memory_space<hbm>> -> memref<1008xi32, #tpu.memory_space<hbm>>
      tpu.wait_dma2 semaphore(%arg12 : memref<!tpu.dma_semaphore, #tpu.memory_space<semaphore_mem>>) src(%arg8 : memref<1008xi32, #tpu.memory_space<vmem>>) dst(%dma_wait3A_2032 : memref<1008xi32, #tpu.memory_space<hbm>>)
      %slice3A_2033 = vector.extract_strided_slice %get3A_543 {offsets = [2], sizes = [1], strides = [1]} : vector<16xi32> to vector<1xi32>
      %squeeze3A_2034 = vector.extract %slice3A_2033[0] : i32 from vector<1xi32>
      %slice3A_2035 = vector.extract_strided_slice %get3A_543 {offsets = [3], sizes = [1], strides = [1]} : vector<16xi32> to vector<1xi32>
      %squeeze3A_2036 = vector.extract %slice3A_2035[0] : i32 from vector<1xi32>
      %broadcast_in_dim3A_2037 = vector.broadcast %add3A_2025 : i32 to vector<16xi32>
      %get3A_2038 = arith.index_cast %scan3A_538 : i32 to index
      %get3A_2039 = arith.constant 0 : index
      %get3A_2040 = tpu.vector_load %arg5[%get3A_2038, %get3A_2039] {strides = array<i32>} : memref<128x200xi32, #tpu.memory_space<vmem>>, vector<16xi32>,
      %add3A_2041 = arith.constant 0 : i32
      %add3A_2042 = vector.broadcast %add3A_2041 : i32 to vector<16xi32>
      %add3A_2043 = arith.addi %iota3A, %add3A_2042 : vector<16xi32>
      %ge3A_2044 = vector.broadcast %squeeze3A_2034 : i32 to vector<16xi32>
      %ge3A_2045 = arith.cmpi sge, %add3A_2043, %ge3A_2044 : vector<16xi32>
      %lt3A_2046 = vector.broadcast %squeeze3A_2036 : i32 to vector<16xi32>
      %lt3A_2047 = arith.cmpi slt, %add3A_2043, %lt3A_2046 : vector<16xi32>
      %and3A_2048 = arith.andi %ge3A_2045, %lt3A_2047 : vector<16xi1>
      tpu.vector_store_idx %arg8[%get3A_2040], %broadcast_in_dim3A_2037 masked %and3A_2048 : memref<1008xi32, #tpu.memory_space<vmem>>[vector<16xi32>], vector<16xi32>, vector<16xi1>
      %get3A_2049 = arith.index_cast %scan3A_538 : i32 to index
      %get3A_2050 = arith.constant 16 : index
      %get3A_2051 = tpu.vector_load %arg5[%get3A_2049, %get3A_2050] {strides = array<i32>} : memref<128x200xi32, #tpu.memory_space<vmem>>, vector<16xi32>,
      %add3A_2052 = arith.constant 16 : i32
      %add3A_2053 = vector.broadcast %add3A_2052 : i32 to vector<16xi32>
      %add3A_2054 = arith.addi %iota3A, %add3A_2053 : vector<16xi32>
      %ge3A_2055 = vector.broadcast %squeeze3A_2034 : i32 to vector<16xi32>
      %ge3A_2056 = arith.cmpi sge, %add3A_2054, %ge3A_2055 : vector<16xi32>
      %lt3A_2057 = vector.broadcast %squeeze3A_2036 : i32 to vector<16xi32>
      %lt3A_2058 = arith.cmpi slt, %add3A_2054, %lt3A_2057 : vector<16xi32>
      %and3A_2059 = arith.andi %ge3A_2056, %lt3A_2058 : vector<16xi1>
      tpu.vector_store_idx %arg8[%get3A_2051], %broadcast_in_dim3A_2037 masked %and3A_2059 : memref<1008xi32, #tpu.memory_space<vmem>>[vector<16xi32>], vector<16xi32>, vector<16xi1>
      %get3A_2060 = arith.index_cast %scan3A_538 : i32 to index
      %get3A_2061 = arith.constant 32 : index
      %get3A_2062 = tpu.vector_load %arg5[%get3A_2060, %get3A_2061] {strides = array<i32>} : memref<128x200xi32, #tpu.memory_space<vmem>>, vector<16xi32>,
      %add3A_2063 = arith.constant 32 : i32
      %add3A_2064 = vector.broadcast %add3A_2063 : i32 to vector<16xi32>
      %add3A_2065 = arith.addi %iota3A, %add3A_2064 : vector<16xi32>
      %ge3A_2066 = vector.broadcast %squeeze3A_2034 : i32 to vector<16xi32>
      %ge3A_2067 = arith.cmpi sge, %add3A_2065, %ge3A_2066 : vector<16xi32>
      %lt3A_2068 = vector.broadcast %squeeze3A_2036 : i32 to vector<16xi32>
      %lt3A_2069 = arith.cmpi slt, %add3A_2065, %lt3A_2068 : vector<16xi32>
      %and3A_2070 = arith.andi %ge3A_2067, %lt3A_2069 : vector<16xi1>
      tpu.vector_store_idx %arg8[%get3A_2062], %broadcast_in_dim3A_2037 masked %and3A_2070 : memref<1008xi32, #tpu.memory_space<vmem>>[vector<16xi32>], vector<16xi32>, vector<16xi1>
      %get3A_2071 = arith.index_cast %scan3A_538 : i32 to index
      %get3A_2072 = arith.constant 48 : index
      %get3A_2073 = tpu.vector_load %arg5[%get3A_2071, %get3A_2072] {strides = array<i32>} : memref<128x200xi32, #tpu.memory_space<vmem>>, vector<16xi32>,
      %add3A_2074 = arith.constant 48 : i32
      %add3A_2075 = vector.broadcast %add3A_2074 : i32 to vector<16xi32>
      %add3A_2076 = arith.addi %iota3A, %add3A_2075 : vector<16xi32>
      %ge3A_2077 = vector.broadcast %squeeze3A_2034 : i32 to vector<16xi32>
      %ge3A_2078 = arith.cmpi sge, %add3A_2076, %ge3A_2077 : vector<16xi32>
      %lt3A_2079 = vector.broadcast %squeeze3A_2036 : i32 to vector<16xi32>
      %lt3A_2080 = arith.cmpi slt, %add3A_2076, %lt3A_2079 : vector<16xi32>
      %and3A_2081 = arith.andi %ge3A_2078, %lt3A_2080 : vector<16xi1>
      tpu.vector_store_idx %arg8[%get3A_2073], %broadcast_in_dim3A_2037 masked %and3A_2081 : memref<1008xi32, #tpu.memory_space<vmem>>[vector<16xi32>], vector<16xi32>, vector<16xi1>
      %get3A_2082 = arith.index_cast %scan3A_538 : i32 to index
      %get3A_2083 = arith.constant 64 : index
      %get3A_2084 = tpu.vector_load %arg5[%get3A_2082, %get3A_2083] {strides = array<i32>} : memref<128x200xi32, #tpu.memory_space<vmem>>, vector<16xi32>,
      %add3A_2085 = arith.constant 64 : i32
      %add3A_2086 = vector.broadcast %add3A_2085 : i32 to vector<16xi32>
      %add3A_2087 = arith.addi %iota3A, %add3A_2086 : vector<16xi32>
      %ge3A_2088 = vector.broadcast %squeeze3A_2034 : i32 to vector<16xi32>
      %ge3A_2089 = arith.cmpi sge, %add3A_2087, %ge3A_2088 : vector<16xi32>
      %lt3A_2090 = vector.broadcast %squeeze3A_2036 : i32 to vector<16xi32>
      %lt3A_2091 = arith.cmpi slt, %add3A_2087, %lt3A_2090 : vector<16xi32>
      %and3A_2092 = arith.andi %ge3A_2089, %lt3A_2091 : vector<16xi1>
      tpu.vector_store_idx %arg8[%get3A_2084], %broadcast_in_dim3A_2037 masked %and3A_2092 : memref<1008xi32, #tpu.memory_space<vmem>>[vector<16xi32>], vector<16xi32>, vector<16xi1>
      %get3A_2093 = arith.index_cast %scan3A_538 : i32 to index
      %get3A_2094 = arith.constant 80 : index
      %get3A_2095 = tpu.vector_load %arg5[%get3A_2093, %get3A_2094] {strides = array<i32>} : memref<128x200xi32, #tpu.memory_space<vmem>>, vector<16xi32>,
      %add3A_2096 = arith.constant 80 : i32
      %add3A_2097 = vector.broadcast %add3A_2096 : i32 to vector<16xi32>
      %add3A_2098 = arith.addi %iota3A, %add3A_2097 : vector<16xi32>
      %ge3A_2099 = vector.broadcast %squeeze3A_2034 : i32 to vector<16xi32>
      %ge3A_2100 = arith.cmpi sge, %add3A_2098, %ge3A_2099 : vector<16xi32>
      %lt3A_2101 = vector.broadcast %squeeze3A_2036 : i32 to vector<16xi32>
      %lt3A_2102 = arith.cmpi slt, %add3A_2098, %lt3A_2101 : vector<16xi32>
      %and3A_2103 = arith.andi %ge3A_2100, %lt3A_2102 : vector<16xi1>
      tpu.vector_store_idx %arg8[%get3A_2095], %broadcast_in_dim3A_2037 masked %and3A_2103 : memref<1008xi32, #tpu.memory_space<vmem>>[vector<16xi32>], vector<16xi32>, vector<16xi1>
      %get3A_2104 = arith.index_cast %scan3A_538 : i32 to index
      %get3A_2105 = arith.constant 96 : index
      %get3A_2106 = tpu.vector_load %arg5[%get3A_2104, %get3A_2105] {strides = array<i32>} : memref<128x200xi32, #tpu.memory_space<vmem>>, vector<16xi32>,
      %add3A_2107 = arith.constant 96 : i32
      %add3A_2108 = vector.broadcast %add3A_2107 : i32 to vector<16xi32>
      %add3A_2109 = arith.addi %iota3A, %add3A_2108 : vector<16xi32>
      %ge3A_2110 = vector.broadcast %squeeze3A_2034 : i32 to vector<16xi32>
      %ge3A_2111 = arith.cmpi sge, %add3A_2109, %ge3A_2110 : vector<16xi32>
      %lt3A_2112 = vector.broadcast %squeeze3A_2036 : i32 to vector<16xi32>
      %lt3A_2113 = arith.cmpi slt, %add3A_2109, %lt3A_2112 : vector<16xi32>
      %and3A_2114 = arith.andi %ge3A_2111, %lt3A_2113 : vector<16xi1>
      tpu.vector_store_idx %arg8[%get3A_2106], %broadcast_in_dim3A_2037 masked %and3A_2114 : memref<1008xi32, #tpu.memory_space<vmem>>[vector<16xi32>], vector<16xi32>, vector<16xi1>
      %get3A_2115 = arith.index_cast %scan3A_538 : i32 to index
      %get3A_2116 = arith.constant 112 : index
      %get3A_2117 = tpu.vector_load %arg5[%get3A_2115, %get3A_2116] {strides = array<i32>} : memref<128x200xi32, #tpu.memory_space<vmem>>, vector<16xi32>,
      %add3A_2118 = arith.constant 112 : i32
      %add3A_2119 = vector.broadcast %add3A_2118 : i32 to vector<16xi32>
      %add3A_2120 = arith.addi %iota3A, %add3A_2119 : vector<16xi32>
      %ge3A_2121 = vector.broadcast %squeeze3A_2034 : i32 to vector<16xi32>
      %ge3A_2122 = arith.cmpi sge, %add3A_2120, %ge3A_2121 : vector<16xi32>
      %lt3A_2123 = vector.broadcast %squeeze3A_2036 : i32 to vector<16xi32>
      %lt3A_2124 = arith.cmpi slt, %add3A_2120, %lt3A_2123 : vector<16xi32>
      %and3A_2125 = arith.andi %ge3A_2122, %lt3A_2124 : vector<16xi1>
      tpu.vector_store_idx %arg8[%get3A_2117], %broadcast_in_dim3A_2037 masked %and3A_2125 : memref<1008xi32, #tpu.memory_space<vmem>>[vector<16xi32>], vector<16xi32>, vector<16xi1>
      %get3A_2126 = arith.index_cast %scan3A_538 : i32 to index
      %get3A_2127 = arith.constant 128 : index
      %get3A_2128 = tpu.vector_load %arg5[%get3A_2126, %get3A_2127] {strides = array<i32>} : memref<128x200xi32, #tpu.memory_space<vmem>>, vector<16xi32>,
      %add3A_2129 = arith.constant 128 : i32
      %add3A_2130 = vector.broadcast %add3A_2129 : i32 to vector<16xi32>
      %add3A_2131 = arith.addi %iota3A, %add3A_2130 : vector<16xi32>
      %ge3A_2132 = vector.broadcast %squeeze3A_2034 : i32 to vector<16xi32>
      %ge3A_2133 = arith.cmpi sge, %add3A_2131, %ge3A_2132 : vector<16xi32>
      %lt3A_2134 = vector.broadcast %squeeze3A_2036 : i32 to vector<16xi32>
      %lt3A_2135 = arith.cmpi slt, %add3A_2131, %lt3A_2134 : vector<16xi32>
      %and3A_2136 = arith.andi %ge3A_2133, %lt3A_2135 : vector<16xi1>
      tpu.vector_store_idx %arg8[%get3A_2128], %broadcast_in_dim3A_2037 masked %and3A_2136 : memref<1008xi32, #tpu.memory_space<vmem>>[vector<16xi32>], vector<16xi32>, vector<16xi1>
      %get3A_2137 = arith.index_cast %scan3A_538 : i32 to index
      %get3A_2138 = arith.constant 144 : index
      %get3A_2139 = tpu.vector_load %arg5[%get3A_2137, %get3A_2138] {strides = array<i32>} : memref<128x200xi32, #tpu.memory_space<vmem>>, vector<16xi32>,
      %add3A_2140 = arith.constant 144 : i32
      %add3A_2141 = vector.broadcast %add3A_2140 : i32 to vector<16xi32>
      %add3A_2142 = arith.addi %iota3A, %add3A_2141 : vector<16xi32>
      %ge3A_2143 = vector.broadcast %squeeze3A_2034 : i32 to vector<16xi32>
      %ge3A_2144 = arith.cmpi sge, %add3A_2142, %ge3A_2143 : vector<16xi32>
      %lt3A_2145 = vector.broadcast %squeeze3A_2036 : i32 to vector<16xi32>
      %lt3A_2146 = arith.cmpi slt, %add3A_2142, %lt3A_2145 : vector<16xi32>
      %and3A_2147 = arith.andi %ge3A_2144, %lt3A_2146 : vector<16xi1>
      tpu.vector_store_idx %arg8[%get3A_2139], %broadcast_in_dim3A_2037 masked %and3A_2147 : memref<1008xi32, #tpu.memory_space<vmem>>[vector<16xi32>], vector<16xi32>, vector<16xi1>
      %get3A_2148 = arith.index_cast %scan3A_538 : i32 to index
      %get3A_2149 = arith.constant 160 : index
      %get3A_2150 = tpu.vector_load %arg5[%get3A_2148, %get3A_2149] {strides = array<i32>} : memref<128x200xi32, #tpu.memory_space<vmem>>, vector<16xi32>,
      %add3A_2151 = arith.constant 160 : i32
      %add3A_2152 = vector.broadcast %add3A_2151 : i32 to vector<16xi32>
      %add3A_2153 = arith.addi %iota3A, %add3A_2152 : vector<16xi32>
      %ge3A_2154 = vector.broadcast %squeeze3A_2034 : i32 to vector<16xi32>
      %ge3A_2155 = arith.cmpi sge, %add3A_2153, %ge3A_2154 : vector<16xi32>
      %lt3A_2156 = vector.broadcast %squeeze3A_2036 : i32 to vector<16xi32>
      %lt3A_2157 = arith.cmpi slt, %add3A_2153, %lt3A_2156 : vector<16xi32>
      %and3A_2158 = arith.andi %ge3A_2155, %lt3A_2157 : vector<16xi1>
      tpu.vector_store_idx %arg8[%get3A_2150], %broadcast_in_dim3A_2037 masked %and3A_2158 : memref<1008xi32, #tpu.memory_space<vmem>>[vector<16xi32>], vector<16xi32>, vector<16xi1>
      %get3A_2159 = arith.index_cast %scan3A_538 : i32 to index
      %get3A_2160 = arith.constant 176 : index
      %get3A_2161 = tpu.vector_load %arg5[%get3A_2159, %get3A_2160] {strides = array<i32>} : memref<128x200xi32, #tpu.memory_space<vmem>>, vector<16xi32>,
      %add3A_2162 = arith.constant 176 : i32
      %add3A_2163 = vector.broadcast %add3A_2162 : i32 to vector<16xi32>
      %add3A_2164 = arith.addi %iota3A, %add3A_2163 : vector<16xi32>
      %ge3A_2165 = vector.broadcast %squeeze3A_2034 : i32 to vector<16xi32>
      %ge3A_2166 = arith.cmpi sge, %add3A_2164, %ge3A_2165 : vector<16xi32>
      %lt3A_2167 = vector.broadcast %squeeze3A_2036 : i32 to vector<16xi32>
      %lt3A_2168 = arith.cmpi slt, %add3A_2164, %lt3A_2167 : vector<16xi32>
      %and3A_2169 = arith.andi %ge3A_2166, %lt3A_2168 : vector<16xi1>
      tpu.vector_store_idx %arg8[%get3A_2161], %broadcast_in_dim3A_2037 masked %and3A_2169 : memref<1008xi32, #tpu.memory_space<vmem>>[vector<16xi32>], vector<16xi32>, vector<16xi1>
      %get3A_2170 = arith.index_cast %scan3A_538 : i32 to index
      %get3A_2171 = arith.constant 184 : index
      %get3A_2172 = tpu.vector_load %arg5[%get3A_2170, %get3A_2171] {strides = array<i32>} : memref<128x200xi32, #tpu.memory_space<vmem>>, vector<16xi32>,
      %add3A_2173 = arith.constant 184 : i32
      %add3A_2174 = vector.broadcast %add3A_2173 : i32 to vector<16xi32>
      %add3A_2175 = arith.addi %iota3A, %add3A_2174 : vector<16xi32>
      %ge3A_2176 = vector.broadcast %squeeze3A_2034 : i32 to vector<16xi32>
      %ge3A_2177 = arith.cmpi sge, %add3A_2175, %ge3A_2176 : vector<16xi32>
      %lt3A_2178 = vector.broadcast %squeeze3A_2036 : i32 to vector<16xi32>
      %lt3A_2179 = arith.cmpi slt, %add3A_2175, %lt3A_2178 : vector<16xi32>
      %and3A_2180 = arith.andi %ge3A_2177, %lt3A_2179 : vector<16xi1>
      tpu.vector_store_idx %arg8[%get3A_2172], %broadcast_in_dim3A_2037 masked %and3A_2180 : memref<1008xi32, #tpu.memory_space<vmem>>[vector<16xi32>], vector<16xi32>, vector<16xi1>
      %dma_start3A_2181 = arith.constant 0 : i32
      %dma_start3A_2182 = tpu.memref_slice %arg4[%add3A_2025, %dma_start3A_2181] : memref<65536x1008xi32, #tpu.memory_space<hbm>> -> memref<1x1008xi32, #tpu.memory_space<hbm>>
      %dma_start3A_2183 = tpu.memref_squeeze %dma_start3A_2182 : memref<1x1008xi32, #tpu.memory_space<hbm>> -> memref<1008xi32, #tpu.memory_space<hbm>>
      %dma_start3A_2184 = arith.constant 0 : i32
      %dma_start3A_2185 = tpu.memref_slice %arg4[%add3A_2025, %dma_start3A_2184] : memref<65536x1008xi32, #tpu.memory_space<hbm>> -> memref<1x1008xi32, #tpu.memory_space<hbm>>
      %dma_start3A_2186 = tpu.memref_squeeze %dma_start3A_2185 : memref<1x1008xi32, #tpu.memory_space<hbm>> -> memref<1008xi32, #tpu.memory_space<hbm>>
      tpu.enqueue_dma source(%arg8 : memref<1008xi32, #tpu.memory_space<vmem>>) target(%dma_start3A_2186 : memref<1008xi32, #tpu.memory_space<hbm>>) target_semaphore(%arg12 : memref<!tpu.dma_semaphore, #tpu.memory_space<semaphore_mem>>)
      %add3A_2187 = arith.addi %mul3A_2, %scan3A_538 : i32
      %mul3A_2188 = arith.constant 16 : i32
      %mul3A_2189 = arith.muli %add3A_2187, %mul3A_2188 : i32
      %add3A_2190 = arith.constant 10 : i32
      %add3A_2191 = arith.addi %mul3A_2189, %add3A_2190 : i32
      %dma_wait3A_2192 = arith.constant 0 : i32
      %dma_wait3A_2193 = arith.constant 0 : i32
      %dma_wait3A_2194 = tpu.memref_slice %arg4[%dma_wait3A_2192, %dma_wait3A_2193] : memref<65536x1008xi32, #tpu.memory_space<hbm>> -> memref<1x1008xi32, #tpu.memory_space<hbm>>
      %dma_wait3A_2195 = tpu.memref_squeeze %dma_wait3A_2194 : memref<1x1008xi32, #tpu.memory_space<hbm>> -> memref<1008xi32, #tpu.memory_space<hbm>>
      %dma_wait3A_2196 = arith.constant 0 : i32
      %dma_wait3A_2197 = tpu.memref_slice %arg4[%dma_wait3A_2192, %dma_wait3A_2196] : memref<65536x1008xi32, #tpu.memory_space<hbm>> -> memref<1x1008xi32, #tpu.memory_space<hbm>>
      %dma_wait3A_2198 = tpu.memref_squeeze %dma_wait3A_2197 : memref<1x1008xi32, #tpu.memory_space<hbm>> -> memref<1008xi32, #tpu.memory_space<hbm>>
      tpu.wait_dma2 semaphore(%arg13 : memref<!tpu.dma_semaphore, #tpu.memory_space<semaphore_mem>>) src(%arg9 : memref<1008xi32, #tpu.memory_space<vmem>>) dst(%dma_wait3A_2198 : memref<1008xi32, #tpu.memory_space<hbm>>)
      %slice3A_2199 = vector.extract_strided_slice %get3A_543 {offsets = [4], sizes = [1], strides = [1]} : vector<16xi32> to vector<1xi32>
      %squeeze3A_2200 = vector.extract %slice3A_2199[0] : i32 from vector<1xi32>
      %slice3A_2201 = vector.extract_strided_slice %get3A_543 {offsets = [5], sizes = [1], strides = [1]} : vector<16xi32> to vector<1xi32>
      %squeeze3A_2202 = vector.extract %slice3A_2201[0] : i32 from vector<1xi32>
      %broadcast_in_dim3A_2203 = vector.broadcast %add3A_2191 : i32 to vector<16xi32>
      %get3A_2204 = arith.index_cast %scan3A_538 : i32 to index
      %get3A_2205 = arith.constant 0 : index
      %get3A_2206 = tpu.vector_load %arg5[%get3A_2204, %get3A_2205] {strides = array<i32>} : memref<128x200xi32, #tpu.memory_space<vmem>>, vector<16xi32>,
      %add3A_2207 = arith.constant 0 : i32
      %add3A_2208 = vector.broadcast %add3A_2207 : i32 to vector<16xi32>
      %add3A_2209 = arith.addi %iota3A, %add3A_2208 : vector<16xi32>
      %ge3A_2210 = vector.broadcast %squeeze3A_2200 : i32 to vector<16xi32>
      %ge3A_2211 = arith.cmpi sge, %add3A_2209, %ge3A_2210 : vector<16xi32>
      %lt3A_2212 = vector.broadcast %squeeze3A_2202 : i32 to vector<16xi32>
      %lt3A_2213 = arith.cmpi slt, %add3A_2209, %lt3A_2212 : vector<16xi32>
      %and3A_2214 = arith.andi %ge3A_2211, %lt3A_2213 : vector<16xi1>
      tpu.vector_store_idx %arg9[%get3A_2206], %broadcast_in_dim3A_2203 masked %and3A_2214 : memref<1008xi32, #tpu.memory_space<vmem>>[vector<16xi32>], vector<16xi32>, vector<16xi1>
      %get3A_2215 = arith.index_cast %scan3A_538 : i32 to index
      %get3A_2216 = arith.constant 16 : index
      %get3A_2217 = tpu.vector_load %arg5[%get3A_2215, %get3A_2216] {strides = array<i32>} : memref<128x200xi32, #tpu.memory_space<vmem>>, vector<16xi32>,
      %add3A_2218 = arith.constant 16 : i32
      %add3A_2219 = vector.broadcast %add3A_2218 : i32 to vector<16xi32>
      %add3A_2220 = arith.addi %iota3A, %add3A_2219 : vector<16xi32>
      %ge3A_2221 = vector.broadcast %squeeze3A_2200 : i32 to vector<16xi32>
      %ge3A_2222 = arith.cmpi sge, %add3A_2220, %ge3A_2221 : vector<16xi32>
      %lt3A_2223 = vector.broadcast %squeeze3A_2202 : i32 to vector<16xi32>
      %lt3A_2224 = arith.cmpi slt, %add3A_2220, %lt3A_2223 : vector<16xi32>
      %and3A_2225 = arith.andi %ge3A_2222, %lt3A_2224 : vector<16xi1>
      tpu.vector_store_idx %arg9[%get3A_2217], %broadcast_in_dim3A_2203 masked %and3A_2225 : memref<1008xi32, #tpu.memory_space<vmem>>[vector<16xi32>], vector<16xi32>, vector<16xi1>
      %get3A_2226 = arith.index_cast %scan3A_538 : i32 to index
      %get3A_2227 = arith.constant 32 : index
      %get3A_2228 = tpu.vector_load %arg5[%get3A_2226, %get3A_2227] {strides = array<i32>} : memref<128x200xi32, #tpu.memory_space<vmem>>, vector<16xi32>,
      %add3A_2229 = arith.constant 32 : i32
      %add3A_2230 = vector.broadcast %add3A_2229 : i32 to vector<16xi32>
      %add3A_2231 = arith.addi %iota3A, %add3A_2230 : vector<16xi32>
      %ge3A_2232 = vector.broadcast %squeeze3A_2200 : i32 to vector<16xi32>
      %ge3A_2233 = arith.cmpi sge, %add3A_2231, %ge3A_2232 : vector<16xi32>
      %lt3A_2234 = vector.broadcast %squeeze3A_2202 : i32 to vector<16xi32>
      %lt3A_2235 = arith.cmpi slt, %add3A_2231, %lt3A_2234 : vector<16xi32>
      %and3A_2236 = arith.andi %ge3A_2233, %lt3A_2235 : vector<16xi1>
      tpu.vector_store_idx %arg9[%get3A_2228], %broadcast_in_dim3A_2203 masked %and3A_2236 : memref<1008xi32, #tpu.memory_space<vmem>>[vector<16xi32>], vector<16xi32>, vector<16xi1>
      %get3A_2237 = arith.index_cast %scan3A_538 : i32 to index
      %get3A_2238 = arith.constant 48 : index
      %get3A_2239 = tpu.vector_load %arg5[%get3A_2237, %get3A_2238] {strides = array<i32>} : memref<128x200xi32, #tpu.memory_space<vmem>>, vector<16xi32>,
      %add3A_2240 = arith.constant 48 : i32
      %add3A_2241 = vector.broadcast %add3A_2240 : i32 to vector<16xi32>
      %add3A_2242 = arith.addi %iota3A, %add3A_2241 : vector<16xi32>
      %ge3A_2243 = vector.broadcast %squeeze3A_2200 : i32 to vector<16xi32>
      %ge3A_2244 = arith.cmpi sge, %add3A_2242, %ge3A_2243 : vector<16xi32>
      %lt3A_2245 = vector.broadcast %squeeze3A_2202 : i32 to vector<16xi32>
      %lt3A_2246 = arith.cmpi slt, %add3A_2242, %lt3A_2245 : vector<16xi32>
      %and3A_2247 = arith.andi %ge3A_2244, %lt3A_2246 : vector<16xi1>
      tpu.vector_store_idx %arg9[%get3A_2239], %broadcast_in_dim3A_2203 masked %and3A_2247 : memref<1008xi32, #tpu.memory_space<vmem>>[vector<16xi32>], vector<16xi32>, vector<16xi1>
      %get3A_2248 = arith.index_cast %scan3A_538 : i32 to index
      %get3A_2249 = arith.constant 64 : index
      %get3A_2250 = tpu.vector_load %arg5[%get3A_2248, %get3A_2249] {strides = array<i32>} : memref<128x200xi32, #tpu.memory_space<vmem>>, vector<16xi32>,
      %add3A_2251 = arith.constant 64 : i32
      %add3A_2252 = vector.broadcast %add3A_2251 : i32 to vector<16xi32>
      %add3A_2253 = arith.addi %iota3A, %add3A_2252 : vector<16xi32>
      %ge3A_2254 = vector.broadcast %squeeze3A_2200 : i32 to vector<16xi32>
      %ge3A_2255 = arith.cmpi sge, %add3A_2253, %ge3A_2254 : vector<16xi32>
      %lt3A_2256 = vector.broadcast %squeeze3A_2202 : i32 to vector<16xi32>
      %lt3A_2257 = arith.cmpi slt, %add3A_2253, %lt3A_2256 : vector<16xi32>
      %and3A_2258 = arith.andi %ge3A_2255, %lt3A_2257 : vector<16xi1>
      tpu.vector_store_idx %arg9[%get3A_2250], %broadcast_in_dim3A_2203 masked %and3A_2258 : memref<1008xi32, #tpu.memory_space<vmem>>[vector<16xi32>], vector<16xi32>, vector<16xi1>
      %get3A_2259 = arith.index_cast %scan3A_538 : i32 to index
      %get3A_2260 = arith.constant 80 : index
      %get3A_2261 = tpu.vector_load %arg5[%get3A_2259, %get3A_2260] {strides = array<i32>} : memref<128x200xi32, #tpu.memory_space<vmem>>, vector<16xi32>,
      %add3A_2262 = arith.constant 80 : i32
      %add3A_2263 = vector.broadcast %add3A_2262 : i32 to vector<16xi32>
      %add3A_2264 = arith.addi %iota3A, %add3A_2263 : vector<16xi32>
      %ge3A_2265 = vector.broadcast %squeeze3A_2200 : i32 to vector<16xi32>
      %ge3A_2266 = arith.cmpi sge, %add3A_2264, %ge3A_2265 : vector<16xi32>
      %lt3A_2267 = vector.broadcast %squeeze3A_2202 : i32 to vector<16xi32>
      %lt3A_2268 = arith.cmpi slt, %add3A_2264, %lt3A_2267 : vector<16xi32>
      %and3A_2269 = arith.andi %ge3A_2266, %lt3A_2268 : vector<16xi1>
      tpu.vector_store_idx %arg9[%get3A_2261], %broadcast_in_dim3A_2203 masked %and3A_2269 : memref<1008xi32, #tpu.memory_space<vmem>>[vector<16xi32>], vector<16xi32>, vector<16xi1>
      %get3A_2270 = arith.index_cast %scan3A_538 : i32 to index
      %get3A_2271 = arith.constant 96 : index
      %get3A_2272 = tpu.vector_load %arg5[%get3A_2270, %get3A_2271] {strides = array<i32>} : memref<128x200xi32, #tpu.memory_space<vmem>>, vector<16xi32>,
      %add3A_2273 = arith.constant 96 : i32
      %add3A_2274 = vector.broadcast %add3A_2273 : i32 to vector<16xi32>
      %add3A_2275 = arith.addi %iota3A, %add3A_2274 : vector<16xi32>
      %ge3A_2276 = vector.broadcast %squeeze3A_2200 : i32 to vector<16xi32>
      %ge3A_2277 = arith.cmpi sge, %add3A_2275, %ge3A_2276 : vector<16xi32>
      %lt3A_2278 = vector.broadcast %squeeze3A_2202 : i32 to vector<16xi32>
      %lt3A_2279 = arith.cmpi slt, %add3A_2275, %lt3A_2278 : vector<16xi32>
      %and3A_2280 = arith.andi %ge3A_2277, %lt3A_2279 : vector<16xi1>
      tpu.vector_store_idx %arg9[%get3A_2272], %broadcast_in_dim3A_2203 masked %and3A_2280 : memref<1008xi32, #tpu.memory_space<vmem>>[vector<16xi32>], vector<16xi32>, vector<16xi1>
      %get3A_2281 = arith.index_cast %scan3A_538 : i32 to index
      %get3A_2282 = arith.constant 112 : index
      %get3A_2283 = tpu.vector_load %arg5[%get3A_2281, %get3A_2282] {strides = array<i32>} : memref<128x200xi32, #tpu.memory_space<vmem>>, vector<16xi32>,
      %add3A_2284 = arith.constant 112 : i32
      %add3A_2285 = vector.broadcast %add3A_2284 : i32 to vector<16xi32>
      %add3A_2286 = arith.addi %iota3A, %add3A_2285 : vector<16xi32>
      %ge3A_2287 = vector.broadcast %squeeze3A_2200 : i32 to vector<16xi32>
      %ge3A_2288 = arith.cmpi sge, %add3A_2286, %ge3A_2287 : vector<16xi32>
      %lt3A_2289 = vector.broadcast %squeeze3A_2202 : i32 to vector<16xi32>
      %lt3A_2290 = arith.cmpi slt, %add3A_2286, %lt3A_2289 : vector<16xi32>
      %and3A_2291 = arith.andi %ge3A_2288, %lt3A_2290 : vector<16xi1>
      tpu.vector_store_idx %arg9[%get3A_2283], %broadcast_in_dim3A_2203 masked %and3A_2291 : memref<1008xi32, #tpu.memory_space<vmem>>[vector<16xi32>], vector<16xi32>, vector<16xi1>
      %get3A_2292 = arith.index_cast %scan3A_538 : i32 to index
      %get3A_2293 = arith.constant 128 : index
      %get3A_2294 = tpu.vector_load %arg5[%get3A_2292, %get3A_2293] {strides = array<i32>} : memref<128x200xi32, #tpu.memory_space<vmem>>, vector<16xi32>,
      %add3A_2295 = arith.constant 128 : i32
      %add3A_2296 = vector.broadcast %add3A_2295 : i32 to vector<16xi32>
      %add3A_2297 = arith.addi %iota3A, %add3A_2296 : vector<16xi32>
      %ge3A_2298 = vector.broadcast %squeeze3A_2200 : i32 to vector<16xi32>
      %ge3A_2299 = arith.cmpi sge, %add3A_2297, %ge3A_2298 : vector<16xi32>
      %lt3A_2300 = vector.broadcast %squeeze3A_2202 : i32 to vector<16xi32>
      %lt3A_2301 = arith.cmpi slt, %add3A_2297, %lt3A_2300 : vector<16xi32>
      %and3A_2302 = arith.andi %ge3A_2299, %lt3A_2301 : vector<16xi1>
      tpu.vector_store_idx %arg9[%get3A_2294], %broadcast_in_dim3A_2203 masked %and3A_2302 : memref<1008xi32, #tpu.memory_space<vmem>>[vector<16xi32>], vector<16xi32>, vector<16xi1>
      %get3A_2303 = arith.index_cast %scan3A_538 : i32 to index
      %get3A_2304 = arith.constant 144 : index
      %get3A_2305 = tpu.vector_load %arg5[%get3A_2303, %get3A_2304] {strides = array<i32>} : memref<128x200xi32, #tpu.memory_space<vmem>>, vector<16xi32>,
      %add3A_2306 = arith.constant 144 : i32
      %add3A_2307 = vector.broadcast %add3A_2306 : i32 to vector<16xi32>
      %add3A_2308 = arith.addi %iota3A, %add3A_2307 : vector<16xi32>
      %ge3A_2309 = vector.broadcast %squeeze3A_2200 : i32 to vector<16xi32>
      %ge3A_2310 = arith.cmpi sge, %add3A_2308, %ge3A_2309 : vector<16xi32>
      %lt3A_2311 = vector.broadcast %squeeze3A_2202 : i32 to vector<16xi32>
      %lt3A_2312 = arith.cmpi slt, %add3A_2308, %lt3A_2311 : vector<16xi32>
      %and3A_2313 = arith.andi %ge3A_2310, %lt3A_2312 : vector<16xi1>
      tpu.vector_store_idx %arg9[%get3A_2305], %broadcast_in_dim3A_2203 masked %and3A_2313 : memref<1008xi32, #tpu.memory_space<vmem>>[vector<16xi32>], vector<16xi32>, vector<16xi1>
      %get3A_2314 = arith.index_cast %scan3A_538 : i32 to index
      %get3A_2315 = arith.constant 160 : index
      %get3A_2316 = tpu.vector_load %arg5[%get3A_2314, %get3A_2315] {strides = array<i32>} : memref<128x200xi32, #tpu.memory_space<vmem>>, vector<16xi32>,
      %add3A_2317 = arith.constant 160 : i32
      %add3A_2318 = vector.broadcast %add3A_2317 : i32 to vector<16xi32>
      %add3A_2319 = arith.addi %iota3A, %add3A_2318 : vector<16xi32>
      %ge3A_2320 = vector.broadcast %squeeze3A_2200 : i32 to vector<16xi32>
      %ge3A_2321 = arith.cmpi sge, %add3A_2319, %ge3A_2320 : vector<16xi32>
      %lt3A_2322 = vector.broadcast %squeeze3A_2202 : i32 to vector<16xi32>
      %lt3A_2323 = arith.cmpi slt, %add3A_2319, %lt3A_2322 : vector<16xi32>
      %and3A_2324 = arith.andi %ge3A_2321, %lt3A_2323 : vector<16xi1>
      tpu.vector_store_idx %arg9[%get3A_2316], %broadcast_in_dim3A_2203 masked %and3A_2324 : memref<1008xi32, #tpu.memory_space<vmem>>[vector<16xi32>], vector<16xi32>, vector<16xi1>
      %get3A_2325 = arith.index_cast %scan3A_538 : i32 to index
      %get3A_2326 = arith.constant 176 : index
      %get3A_2327 = tpu.vector_load %arg5[%get3A_2325, %get3A_2326] {strides = array<i32>} : memref<128x200xi32, #tpu.memory_space<vmem>>, vector<16xi32>,
      %add3A_2328 = arith.constant 176 : i32
      %add3A_2329 = vector.broadcast %add3A_2328 : i32 to vector<16xi32>
      %add3A_2330 = arith.addi %iota3A, %add3A_2329 : vector<16xi32>
      %ge3A_2331 = vector.broadcast %squeeze3A_2200 : i32 to vector<16xi32>
      %ge3A_2332 = arith.cmpi sge, %add3A_2330, %ge3A_2331 : vector<16xi32>
      %lt3A_2333 = vector.broadcast %squeeze3A_2202 : i32 to vector<16xi32>
      %lt3A_2334 = arith.cmpi slt, %add3A_2330, %lt3A_2333 : vector<16xi32>
      %and3A_2335 = arith.andi %ge3A_2332, %lt3A_2334 : vector<16xi1>
      tpu.vector_store_idx %arg9[%get3A_2327], %broadcast_in_dim3A_2203 masked %and3A_2335 : memref<1008xi32, #tpu.memory_space<vmem>>[vector<16xi32>], vector<16xi32>, vector<16xi1>
      %get3A_2336 = arith.index_cast %scan3A_538 : i32 to index
      %get3A_2337 = arith.constant 184 : index
      %get3A_2338 = tpu.vector_load %arg5[%get3A_2336, %get3A_2337] {strides = array<i32>} : memref<128x200xi32, #tpu.memory_space<vmem>>, vector<16xi32>,
      %add3A_2339 = arith.constant 184 : i32
      %add3A_2340 = vector.broadcast %add3A_2339 : i32 to vector<16xi32>
      %add3A_2341 = arith.addi %iota3A, %add3A_2340 : vector<16xi32>
      %ge3A_2342 = vector.broadcast %squeeze3A_2200 : i32 to vector<16xi32>
      %ge3A_2343 = arith.cmpi sge, %add3A_2341, %ge3A_2342 : vector<16xi32>
      %lt3A_2344 = vector.broadcast %squeeze3A_2202 : i32 to vector<16xi32>
      %lt3A_2345 = arith.cmpi slt, %add3A_2341, %lt3A_2344 : vector<16xi32>
      %and3A_2346 = arith.andi %ge3A_2343, %lt3A_2345 : vector<16xi1>
      tpu.vector_store_idx %arg9[%get3A_2338], %broadcast_in_dim3A_2203 masked %and3A_2346 : memref<1008xi32, #tpu.memory_space<vmem>>[vector<16xi32>], vector<16xi32>, vector<16xi1>
      %dma_start3A_2347 = arith.constant 0 : i32
      %dma_start3A_2348 = tpu.memref_slice %arg4[%add3A_2191, %dma_start3A_2347] : memref<65536x1008xi32, #tpu.memory_space<hbm>> -> memref<1x1008xi32, #tpu.memory_space<hbm>>
      %dma_start3A_2349 = tpu.memref_squeeze %dma_start3A_2348 : memref<1x1008xi32, #tpu.memory_space<hbm>> -> memref<1008xi32, #tpu.memory_space<hbm>>
      %dma_start3A_2350 = arith.constant 0 : i32
      %dma_start3A_2351 = tpu.memref_slice %arg4[%add3A_2191, %dma_start3A_2350] : memref<65536x1008xi32, #tpu.memory_space<hbm>> -> memref<1x1008xi32, #tpu.memory_space<hbm>>
      %dma_start3A_2352 = tpu.memref_squeeze %dma_start3A_2351 : memref<1x1008xi32, #tpu.memory_space<hbm>> -> memref<1008xi32, #tpu.memory_space<hbm>>
      tpu.enqueue_dma source(%arg9 : memref<1008xi32, #tpu.memory_space<vmem>>) target(%dma_start3A_2352 : memref<1008xi32, #tpu.memory_space<hbm>>) target_semaphore(%arg13 : memref<!tpu.dma_semaphore, #tpu.memory_space<semaphore_mem>>)
      %add3A_2353 = arith.addi %mul3A_2, %scan3A_538 : i32
      %mul3A_2354 = arith.constant 16 : i32
      %mul3A_2355 = arith.muli %add3A_2353, %mul3A_2354 : i32
      %add3A_2356 = arith.constant 11 : i32
      %add3A_2357 = arith.addi %mul3A_2355, %add3A_2356 : i32
      %dma_wait3A_2358 = arith.constant 0 : i32
      %dma_wait3A_2359 = arith.constant 0 : i32
      %dma_wait3A_2360 = tpu.memref_slice %arg4[%dma_wait3A_2358, %dma_wait3A_2359] : memref<65536x1008xi32, #tpu.memory_space<hbm>> -> memref<1x1008xi32, #tpu.memory_space<hbm>>
      %dma_wait3A_2361 = tpu.memref_squeeze %dma_wait3A_2360 : memref<1x1008xi32, #tpu.memory_space<hbm>> -> memref<1008xi32, #tpu.memory_space<hbm>>
      %dma_wait3A_2362 = arith.constant 0 : i32
      %dma_wait3A_2363 = tpu.memref_slice %arg4[%dma_wait3A_2358, %dma_wait3A_2362] : memref<65536x1008xi32, #tpu.memory_space<hbm>> -> memref<1x1008xi32, #tpu.memory_space<hbm>>
      %dma_wait3A_2364 = tpu.memref_squeeze %dma_wait3A_2363 : memref<1x1008xi32, #tpu.memory_space<hbm>> -> memref<1008xi32, #tpu.memory_space<hbm>>
      tpu.wait_dma2 semaphore(%arg14 : memref<!tpu.dma_semaphore, #tpu.memory_space<semaphore_mem>>) src(%arg10 : memref<1008xi32, #tpu.memory_space<vmem>>) dst(%dma_wait3A_2364 : memref<1008xi32, #tpu.memory_space<hbm>>)
      %slice3A_2365 = vector.extract_strided_slice %get3A_543 {offsets = [6], sizes = [1], strides = [1]} : vector<16xi32> to vector<1xi32>
      %squeeze3A_2366 = vector.extract %slice3A_2365[0] : i32 from vector<1xi32>
      %slice3A_2367 = vector.extract_strided_slice %get3A_543 {offsets = [7], sizes = [1], strides = [1]} : vector<16xi32> to vector<1xi32>
      %squeeze3A_2368 = vector.extract %slice3A_2367[0] : i32 from vector<1xi32>
      %broadcast_in_dim3A_2369 = vector.broadcast %add3A_2357 : i32 to vector<16xi32>
      %get3A_2370 = arith.index_cast %scan3A_538 : i32 to index
      %get3A_2371 = arith.constant 0 : index
      %get3A_2372 = tpu.vector_load %arg5[%get3A_2370, %get3A_2371] {strides = array<i32>} : memref<128x200xi32, #tpu.memory_space<vmem>>, vector<16xi32>,
      %add3A_2373 = arith.constant 0 : i32
      %add3A_2374 = vector.broadcast %add3A_2373 : i32 to vector<16xi32>
      %add3A_2375 = arith.addi %iota3A, %add3A_2374 : vector<16xi32>
      %ge3A_2376 = vector.broadcast %squeeze3A_2366 : i32 to vector<16xi32>
      %ge3A_2377 = arith.cmpi sge, %add3A_2375, %ge3A_2376 : vector<16xi32>
      %lt3A_2378 = vector.broadcast %squeeze3A_2368 : i32 to vector<16xi32>
      %lt3A_2379 = arith.cmpi slt, %add3A_2375, %lt3A_2378 : vector<16xi32>
      %and3A_2380 = arith.andi %ge3A_2377, %lt3A_2379 : vector<16xi1>
      tpu.vector_store_idx %arg10[%get3A_2372], %broadcast_in_dim3A_2369 masked %and3A_2380 : memref<1008xi32, #tpu.memory_space<vmem>>[vector<16xi32>], vector<16xi32>, vector<16xi1>
      %get3A_2381 = arith.index_cast %scan3A_538 : i32 to index
      %get3A_2382 = arith.constant 16 : index
      %get3A_2383 = tpu.vector_load %arg5[%get3A_2381, %get3A_2382] {strides = array<i32>} : memref<128x200xi32, #tpu.memory_space<vmem>>, vector<16xi32>,
      %add3A_2384 = arith.constant 16 : i32
      %add3A_2385 = vector.broadcast %add3A_2384 : i32 to vector<16xi32>
      %add3A_2386 = arith.addi %iota3A, %add3A_2385 : vector<16xi32>
      %ge3A_2387 = vector.broadcast %squeeze3A_2366 : i32 to vector<16xi32>
      %ge3A_2388 = arith.cmpi sge, %add3A_2386, %ge3A_2387 : vector<16xi32>
      %lt3A_2389 = vector.broadcast %squeeze3A_2368 : i32 to vector<16xi32>
      %lt3A_2390 = arith.cmpi slt, %add3A_2386, %lt3A_2389 : vector<16xi32>
      %and3A_2391 = arith.andi %ge3A_2388, %lt3A_2390 : vector<16xi1>
      tpu.vector_store_idx %arg10[%get3A_2383], %broadcast_in_dim3A_2369 masked %and3A_2391 : memref<1008xi32, #tpu.memory_space<vmem>>[vector<16xi32>], vector<16xi32>, vector<16xi1>
      %get3A_2392 = arith.index_cast %scan3A_538 : i32 to index
      %get3A_2393 = arith.constant 32 : index
      %get3A_2394 = tpu.vector_load %arg5[%get3A_2392, %get3A_2393] {strides = array<i32>} : memref<128x200xi32, #tpu.memory_space<vmem>>, vector<16xi32>,
      %add3A_2395 = arith.constant 32 : i32
      %add3A_2396 = vector.broadcast %add3A_2395 : i32 to vector<16xi32>
      %add3A_2397 = arith.addi %iota3A, %add3A_2396 : vector<16xi32>
      %ge3A_2398 = vector.broadcast %squeeze3A_2366 : i32 to vector<16xi32>
      %ge3A_2399 = arith.cmpi sge, %add3A_2397, %ge3A_2398 : vector<16xi32>
      %lt3A_2400 = vector.broadcast %squeeze3A_2368 : i32 to vector<16xi32>
      %lt3A_2401 = arith.cmpi slt, %add3A_2397, %lt3A_2400 : vector<16xi32>
      %and3A_2402 = arith.andi %ge3A_2399, %lt3A_2401 : vector<16xi1>
      tpu.vector_store_idx %arg10[%get3A_2394], %broadcast_in_dim3A_2369 masked %and3A_2402 : memref<1008xi32, #tpu.memory_space<vmem>>[vector<16xi32>], vector<16xi32>, vector<16xi1>
      %get3A_2403 = arith.index_cast %scan3A_538 : i32 to index
      %get3A_2404 = arith.constant 48 : index
      %get3A_2405 = tpu.vector_load %arg5[%get3A_2403, %get3A_2404] {strides = array<i32>} : memref<128x200xi32, #tpu.memory_space<vmem>>, vector<16xi32>,
      %add3A_2406 = arith.constant 48 : i32
      %add3A_2407 = vector.broadcast %add3A_2406 : i32 to vector<16xi32>
      %add3A_2408 = arith.addi %iota3A, %add3A_2407 : vector<16xi32>
      %ge3A_2409 = vector.broadcast %squeeze3A_2366 : i32 to vector<16xi32>
      %ge3A_2410 = arith.cmpi sge, %add3A_2408, %ge3A_2409 : vector<16xi32>
      %lt3A_2411 = vector.broadcast %squeeze3A_2368 : i32 to vector<16xi32>
      %lt3A_2412 = arith.cmpi slt, %add3A_2408, %lt3A_2411 : vector<16xi32>
      %and3A_2413 = arith.andi %ge3A_2410, %lt3A_2412 : vector<16xi1>
      tpu.vector_store_idx %arg10[%get3A_2405], %broadcast_in_dim3A_2369 masked %and3A_2413 : memref<1008xi32, #tpu.memory_space<vmem>>[vector<16xi32>], vector<16xi32>, vector<16xi1>
      %get3A_2414 = arith.index_cast %scan3A_538 : i32 to index
      %get3A_2415 = arith.constant 64 : index
      %get3A_2416 = tpu.vector_load %arg5[%get3A_2414, %get3A_2415] {strides = array<i32>} : memref<128x200xi32, #tpu.memory_space<vmem>>, vector<16xi32>,
      %add3A_2417 = arith.constant 64 : i32
      %add3A_2418 = vector.broadcast %add3A_2417 : i32 to vector<16xi32>
      %add3A_2419 = arith.addi %iota3A, %add3A_2418 : vector<16xi32>
      %ge3A_2420 = vector.broadcast %squeeze3A_2366 : i32 to vector<16xi32>
      %ge3A_2421 = arith.cmpi sge, %add3A_2419, %ge3A_2420 : vector<16xi32>
      %lt3A_2422 = vector.broadcast %squeeze3A_2368 : i32 to vector<16xi32>
      %lt3A_2423 = arith.cmpi slt, %add3A_2419, %lt3A_2422 : vector<16xi32>
      %and3A_2424 = arith.andi %ge3A_2421, %lt3A_2423 : vector<16xi1>
      tpu.vector_store_idx %arg10[%get3A_2416], %broadcast_in_dim3A_2369 masked %and3A_2424 : memref<1008xi32, #tpu.memory_space<vmem>>[vector<16xi32>], vector<16xi32>, vector<16xi1>
      %get3A_2425 = arith.index_cast %scan3A_538 : i32 to index
      %get3A_2426 = arith.constant 80 : index
      %get3A_2427 = tpu.vector_load %arg5[%get3A_2425, %get3A_2426] {strides = array<i32>} : memref<128x200xi32, #tpu.memory_space<vmem>>, vector<16xi32>,
      %add3A_2428 = arith.constant 80 : i32
      %add3A_2429 = vector.broadcast %add3A_2428 : i32 to vector<16xi32>
      %add3A_2430 = arith.addi %iota3A, %add3A_2429 : vector<16xi32>
      %ge3A_2431 = vector.broadcast %squeeze3A_2366 : i32 to vector<16xi32>
      %ge3A_2432 = arith.cmpi sge, %add3A_2430, %ge3A_2431 : vector<16xi32>
      %lt3A_2433 = vector.broadcast %squeeze3A_2368 : i32 to vector<16xi32>
      %lt3A_2434 = arith.cmpi slt, %add3A_2430, %lt3A_2433 : vector<16xi32>
      %and3A_2435 = arith.andi %ge3A_2432, %lt3A_2434 : vector<16xi1>
      tpu.vector_store_idx %arg10[%get3A_2427], %broadcast_in_dim3A_2369 masked %and3A_2435 : memref<1008xi32, #tpu.memory_space<vmem>>[vector<16xi32>], vector<16xi32>, vector<16xi1>
      %get3A_2436 = arith.index_cast %scan3A_538 : i32 to index
      %get3A_2437 = arith.constant 96 : index
      %get3A_2438 = tpu.vector_load %arg5[%get3A_2436, %get3A_2437] {strides = array<i32>} : memref<128x200xi32, #tpu.memory_space<vmem>>, vector<16xi32>,
      %add3A_2439 = arith.constant 96 : i32
      %add3A_2440 = vector.broadcast %add3A_2439 : i32 to vector<16xi32>
      %add3A_2441 = arith.addi %iota3A, %add3A_2440 : vector<16xi32>
      %ge3A_2442 = vector.broadcast %squeeze3A_2366 : i32 to vector<16xi32>
      %ge3A_2443 = arith.cmpi sge, %add3A_2441, %ge3A_2442 : vector<16xi32>
      %lt3A_2444 = vector.broadcast %squeeze3A_2368 : i32 to vector<16xi32>
      %lt3A_2445 = arith.cmpi slt, %add3A_2441, %lt3A_2444 : vector<16xi32>
      %and3A_2446 = arith.andi %ge3A_2443, %lt3A_2445 : vector<16xi1>
      tpu.vector_store_idx %arg10[%get3A_2438], %broadcast_in_dim3A_2369 masked %and3A_2446 : memref<1008xi32, #tpu.memory_space<vmem>>[vector<16xi32>], vector<16xi32>, vector<16xi1>
      %get3A_2447 = arith.index_cast %scan3A_538 : i32 to index
      %get3A_2448 = arith.constant 112 : index
      %get3A_2449 = tpu.vector_load %arg5[%get3A_2447, %get3A_2448] {strides = array<i32>} : memref<128x200xi32, #tpu.memory_space<vmem>>, vector<16xi32>,
      %add3A_2450 = arith.constant 112 : i32
      %add3A_2451 = vector.broadcast %add3A_2450 : i32 to vector<16xi32>
      %add3A_2452 = arith.addi %iota3A, %add3A_2451 : vector<16xi32>
      %ge3A_2453 = vector.broadcast %squeeze3A_2366 : i32 to vector<16xi32>
      %ge3A_2454 = arith.cmpi sge, %add3A_2452, %ge3A_2453 : vector<16xi32>
      %lt3A_2455 = vector.broadcast %squeeze3A_2368 : i32 to vector<16xi32>
      %lt3A_2456 = arith.cmpi slt, %add3A_2452, %lt3A_2455 : vector<16xi32>
      %and3A_2457 = arith.andi %ge3A_2454, %lt3A_2456 : vector<16xi1>
      tpu.vector_store_idx %arg10[%get3A_2449], %broadcast_in_dim3A_2369 masked %and3A_2457 : memref<1008xi32, #tpu.memory_space<vmem>>[vector<16xi32>], vector<16xi32>, vector<16xi1>
      %get3A_2458 = arith.index_cast %scan3A_538 : i32 to index
      %get3A_2459 = arith.constant 128 : index
      %get3A_2460 = tpu.vector_load %arg5[%get3A_2458, %get3A_2459] {strides = array<i32>} : memref<128x200xi32, #tpu.memory_space<vmem>>, vector<16xi32>,
      %add3A_2461 = arith.constant 128 : i32
      %add3A_2462 = vector.broadcast %add3A_2461 : i32 to vector<16xi32>
      %add3A_2463 = arith.addi %iota3A, %add3A_2462 : vector<16xi32>
      %ge3A_2464 = vector.broadcast %squeeze3A_2366 : i32 to vector<16xi32>
      %ge3A_2465 = arith.cmpi sge, %add3A_2463, %ge3A_2464 : vector<16xi32>
      %lt3A_2466 = vector.broadcast %squeeze3A_2368 : i32 to vector<16xi32>
      %lt3A_2467 = arith.cmpi slt, %add3A_2463, %lt3A_2466 : vector<16xi32>
      %and3A_2468 = arith.andi %ge3A_2465, %lt3A_2467 : vector<16xi1>
      tpu.vector_store_idx %arg10[%get3A_2460], %broadcast_in_dim3A_2369 masked %and3A_2468 : memref<1008xi32, #tpu.memory_space<vmem>>[vector<16xi32>], vector<16xi32>, vector<16xi1>
      %get3A_2469 = arith.index_cast %scan3A_538 : i32 to index
      %get3A_2470 = arith.constant 144 : index
      %get3A_2471 = tpu.vector_load %arg5[%get3A_2469, %get3A_2470] {strides = array<i32>} : memref<128x200xi32, #tpu.memory_space<vmem>>, vector<16xi32>,
      %add3A_2472 = arith.constant 144 : i32
      %add3A_2473 = vector.broadcast %add3A_2472 : i32 to vector<16xi32>
      %add3A_2474 = arith.addi %iota3A, %add3A_2473 : vector<16xi32>
      %ge3A_2475 = vector.broadcast %squeeze3A_2366 : i32 to vector<16xi32>
      %ge3A_2476 = arith.cmpi sge, %add3A_2474, %ge3A_2475 : vector<16xi32>
      %lt3A_2477 = vector.broadcast %squeeze3A_2368 : i32 to vector<16xi32>
      %lt3A_2478 = arith.cmpi slt, %add3A_2474, %lt3A_2477 : vector<16xi32>
      %and3A_2479 = arith.andi %ge3A_2476, %lt3A_2478 : vector<16xi1>
      tpu.vector_store_idx %arg10[%get3A_2471], %broadcast_in_dim3A_2369 masked %and3A_2479 : memref<1008xi32, #tpu.memory_space<vmem>>[vector<16xi32>], vector<16xi32>, vector<16xi1>
      %get3A_2480 = arith.index_cast %scan3A_538 : i32 to index
      %get3A_2481 = arith.constant 160 : index
      %get3A_2482 = tpu.vector_load %arg5[%get3A_2480, %get3A_2481] {strides = array<i32>} : memref<128x200xi32, #tpu.memory_space<vmem>>, vector<16xi32>,
      %add3A_2483 = arith.constant 160 : i32
      %add3A_2484 = vector.broadcast %add3A_2483 : i32 to vector<16xi32>
      %add3A_2485 = arith.addi %iota3A, %add3A_2484 : vector<16xi32>
      %ge3A_2486 = vector.broadcast %squeeze3A_2366 : i32 to vector<16xi32>
      %ge3A_2487 = arith.cmpi sge, %add3A_2485, %ge3A_2486 : vector<16xi32>
      %lt3A_2488 = vector.broadcast %squeeze3A_2368 : i32 to vector<16xi32>
      %lt3A_2489 = arith.cmpi slt, %add3A_2485, %lt3A_2488 : vector<16xi32>
      %and3A_2490 = arith.andi %ge3A_2487, %lt3A_2489 : vector<16xi1>
      tpu.vector_store_idx %arg10[%get3A_2482], %broadcast_in_dim3A_2369 masked %and3A_2490 : memref<1008xi32, #tpu.memory_space<vmem>>[vector<16xi32>], vector<16xi32>, vector<16xi1>
      %get3A_2491 = arith.index_cast %scan3A_538 : i32 to index
      %get3A_2492 = arith.constant 176 : index
      %get3A_2493 = tpu.vector_load %arg5[%get3A_2491, %get3A_2492] {strides = array<i32>} : memref<128x200xi32, #tpu.memory_space<vmem>>, vector<16xi32>,
      %add3A_2494 = arith.constant 176 : i32
      %add3A_2495 = vector.broadcast %add3A_2494 : i32 to vector<16xi32>
      %add3A_2496 = arith.addi %iota3A, %add3A_2495 : vector<16xi32>
      %ge3A_2497 = vector.broadcast %squeeze3A_2366 : i32 to vector<16xi32>
      %ge3A_2498 = arith.cmpi sge, %add3A_2496, %ge3A_2497 : vector<16xi32>
      %lt3A_2499 = vector.broadcast %squeeze3A_2368 : i32 to vector<16xi32>
      %lt3A_2500 = arith.cmpi slt, %add3A_2496, %lt3A_2499 : vector<16xi32>
      %and3A_2501 = arith.andi %ge3A_2498, %lt3A_2500 : vector<16xi1>
      tpu.vector_store_idx %arg10[%get3A_2493], %broadcast_in_dim3A_2369 masked %and3A_2501 : memref<1008xi32, #tpu.memory_space<vmem>>[vector<16xi32>], vector<16xi32>, vector<16xi1>
      %get3A_2502 = arith.index_cast %scan3A_538 : i32 to index
      %get3A_2503 = arith.constant 184 : index
      %get3A_2504 = tpu.vector_load %arg5[%get3A_2502, %get3A_2503] {strides = array<i32>} : memref<128x200xi32, #tpu.memory_space<vmem>>, vector<16xi32>,
      %add3A_2505 = arith.constant 184 : i32
      %add3A_2506 = vector.broadcast %add3A_2505 : i32 to vector<16xi32>
      %add3A_2507 = arith.addi %iota3A, %add3A_2506 : vector<16xi32>
      %ge3A_2508 = vector.broadcast %squeeze3A_2366 : i32 to vector<16xi32>
      %ge3A_2509 = arith.cmpi sge, %add3A_2507, %ge3A_2508 : vector<16xi32>
      %lt3A_2510 = vector.broadcast %squeeze3A_2368 : i32 to vector<16xi32>
      %lt3A_2511 = arith.cmpi slt, %add3A_2507, %lt3A_2510 : vector<16xi32>
      %and3A_2512 = arith.andi %ge3A_2509, %lt3A_2511 : vector<16xi1>
      tpu.vector_store_idx %arg10[%get3A_2504], %broadcast_in_dim3A_2369 masked %and3A_2512 : memref<1008xi32, #tpu.memory_space<vmem>>[vector<16xi32>], vector<16xi32>, vector<16xi1>
      %dma_start3A_2513 = arith.constant 0 : i32
      %dma_start3A_2514 = tpu.memref_slice %arg4[%add3A_2357, %dma_start3A_2513] : memref<65536x1008xi32, #tpu.memory_space<hbm>> -> memref<1x1008xi32, #tpu.memory_space<hbm>>
      %dma_start3A_2515 = tpu.memref_squeeze %dma_start3A_2514 : memref<1x1008xi32, #tpu.memory_space<hbm>> -> memref<1008xi32, #tpu.memory_space<hbm>>
      %dma_start3A_2516 = arith.constant 0 : i32
      %dma_start3A_2517 = tpu.memref_slice %arg4[%add3A_2357, %dma_start3A_2516] : memref<65536x1008xi32, #tpu.memory_space<hbm>> -> memref<1x1008xi32, #tpu.memory_space<hbm>>
      %dma_start3A_2518 = tpu.memref_squeeze %dma_start3A_2517 : memref<1x1008xi32, #tpu.memory_space<hbm>> -> memref<1008xi32, #tpu.memory_space<hbm>>
      tpu.enqueue_dma source(%arg10 : memref<1008xi32, #tpu.memory_space<vmem>>) target(%dma_start3A_2518 : memref<1008xi32, #tpu.memory_space<hbm>>) target_semaphore(%arg14 : memref<!tpu.dma_semaphore, #tpu.memory_space<semaphore_mem>>)
      %add3A_2519 = arith.addi %mul3A_2, %scan3A_538 : i32
      %mul3A_2520 = arith.constant 16 : i32
      %mul3A_2521 = arith.muli %add3A_2519, %mul3A_2520 : i32
      %add3A_2522 = arith.constant 12 : i32
      %add3A_2523 = arith.addi %mul3A_2521, %add3A_2522 : i32
      %dma_wait3A_2524 = arith.constant 0 : i32
      %dma_wait3A_2525 = arith.constant 0 : i32
      %dma_wait3A_2526 = tpu.memref_slice %arg4[%dma_wait3A_2524, %dma_wait3A_2525] : memref<65536x1008xi32, #tpu.memory_space<hbm>> -> memref<1x1008xi32, #tpu.memory_space<hbm>>
      %dma_wait3A_2527 = tpu.memref_squeeze %dma_wait3A_2526 : memref<1x1008xi32, #tpu.memory_space<hbm>> -> memref<1008xi32, #tpu.memory_space<hbm>>
      %dma_wait3A_2528 = arith.constant 0 : i32
      %dma_wait3A_2529 = tpu.memref_slice %arg4[%dma_wait3A_2524, %dma_wait3A_2528] : memref<65536x1008xi32, #tpu.memory_space<hbm>> -> memref<1x1008xi32, #tpu.memory_space<hbm>>
      %dma_wait3A_2530 = tpu.memref_squeeze %dma_wait3A_2529 : memref<1x1008xi32, #tpu.memory_space<hbm>> -> memref<1008xi32, #tpu.memory_space<hbm>>
      tpu.wait_dma2 semaphore(%arg11 : memref<!tpu.dma_semaphore, #tpu.memory_space<semaphore_mem>>) src(%arg7 : memref<1008xi32, #tpu.memory_space<vmem>>) dst(%dma_wait3A_2530 : memref<1008xi32, #tpu.memory_space<hbm>>)
      %slice3A_2531 = vector.extract_strided_slice %get3A_543 {offsets = [8], sizes = [1], strides = [1]} : vector<16xi32> to vector<1xi32>
      %squeeze3A_2532 = vector.extract %slice3A_2531[0] : i32 from vector<1xi32>
      %slice3A_2533 = vector.extract_strided_slice %get3A_543 {offsets = [9], sizes = [1], strides = [1]} : vector<16xi32> to vector<1xi32>
      %squeeze3A_2534 = vector.extract %slice3A_2533[0] : i32 from vector<1xi32>
      %broadcast_in_dim3A_2535 = vector.broadcast %add3A_2523 : i32 to vector<16xi32>
      %get3A_2536 = arith.index_cast %scan3A_538 : i32 to index
      %get3A_2537 = arith.constant 0 : index
      %get3A_2538 = tpu.vector_load %arg5[%get3A_2536, %get3A_2537] {strides = array<i32>} : memref<128x200xi32, #tpu.memory_space<vmem>>, vector<16xi32>,
      %add3A_2539 = arith.constant 0 : i32
      %add3A_2540 = vector.broadcast %add3A_2539 : i32 to vector<16xi32>
      %add3A_2541 = arith.addi %iota3A, %add3A_2540 : vector<16xi32>
      %ge3A_2542 = vector.broadcast %squeeze3A_2532 : i32 to vector<16xi32>
      %ge3A_2543 = arith.cmpi sge, %add3A_2541, %ge3A_2542 : vector<16xi32>
      %lt3A_2544 = vector.broadcast %squeeze3A_2534 : i32 to vector<16xi32>
      %lt3A_2545 = arith.cmpi slt, %add3A_2541, %lt3A_2544 : vector<16xi32>
      %and3A_2546 = arith.andi %ge3A_2543, %lt3A_2545 : vector<16xi1>
      tpu.vector_store_idx %arg7[%get3A_2538], %broadcast_in_dim3A_2535 masked %and3A_2546 : memref<1008xi32, #tpu.memory_space<vmem>>[vector<16xi32>], vector<16xi32>, vector<16xi1>
      %get3A_2547 = arith.index_cast %scan3A_538 : i32 to index
      %get3A_2548 = arith.constant 16 : index
      %get3A_2549 = tpu.vector_load %arg5[%get3A_2547, %get3A_2548] {strides = array<i32>} : memref<128x200xi32, #tpu.memory_space<vmem>>, vector<16xi32>,
      %add3A_2550 = arith.constant 16 : i32
      %add3A_2551 = vector.broadcast %add3A_2550 : i32 to vector<16xi32>
      %add3A_2552 = arith.addi %iota3A, %add3A_2551 : vector<16xi32>
      %ge3A_2553 = vector.broadcast %squeeze3A_2532 : i32 to vector<16xi32>
      %ge3A_2554 = arith.cmpi sge, %add3A_2552, %ge3A_2553 : vector<16xi32>
      %lt3A_2555 = vector.broadcast %squeeze3A_2534 : i32 to vector<16xi32>
      %lt3A_2556 = arith.cmpi slt, %add3A_2552, %lt3A_2555 : vector<16xi32>
      %and3A_2557 = arith.andi %ge3A_2554, %lt3A_2556 : vector<16xi1>
      tpu.vector_store_idx %arg7[%get3A_2549], %broadcast_in_dim3A_2535 masked %and3A_2557 : memref<1008xi32, #tpu.memory_space<vmem>>[vector<16xi32>], vector<16xi32>, vector<16xi1>
      %get3A_2558 = arith.index_cast %scan3A_538 : i32 to index
      %get3A_2559 = arith.constant 32 : index
      %get3A_2560 = tpu.vector_load %arg5[%get3A_2558, %get3A_2559] {strides = array<i32>} : memref<128x200xi32, #tpu.memory_space<vmem>>, vector<16xi32>,
      %add3A_2561 = arith.constant 32 : i32
      %add3A_2562 = vector.broadcast %add3A_2561 : i32 to vector<16xi32>
      %add3A_2563 = arith.addi %iota3A, %add3A_2562 : vector<16xi32>
      %ge3A_2564 = vector.broadcast %squeeze3A_2532 : i32 to vector<16xi32>
      %ge3A_2565 = arith.cmpi sge, %add3A_2563, %ge3A_2564 : vector<16xi32>
      %lt3A_2566 = vector.broadcast %squeeze3A_2534 : i32 to vector<16xi32>
      %lt3A_2567 = arith.cmpi slt, %add3A_2563, %lt3A_2566 : vector<16xi32>
      %and3A_2568 = arith.andi %ge3A_2565, %lt3A_2567 : vector<16xi1>
      tpu.vector_store_idx %arg7[%get3A_2560], %broadcast_in_dim3A_2535 masked %and3A_2568 : memref<1008xi32, #tpu.memory_space<vmem>>[vector<16xi32>], vector<16xi32>, vector<16xi1>
      %get3A_2569 = arith.index_cast %scan3A_538 : i32 to index
      %get3A_2570 = arith.constant 48 : index
      %get3A_2571 = tpu.vector_load %arg5[%get3A_2569, %get3A_2570] {strides = array<i32>} : memref<128x200xi32, #tpu.memory_space<vmem>>, vector<16xi32>,
      %add3A_2572 = arith.constant 48 : i32
      %add3A_2573 = vector.broadcast %add3A_2572 : i32 to vector<16xi32>
      %add3A_2574 = arith.addi %iota3A, %add3A_2573 : vector<16xi32>
      %ge3A_2575 = vector.broadcast %squeeze3A_2532 : i32 to vector<16xi32>
      %ge3A_2576 = arith.cmpi sge, %add3A_2574, %ge3A_2575 : vector<16xi32>
      %lt3A_2577 = vector.broadcast %squeeze3A_2534 : i32 to vector<16xi32>
      %lt3A_2578 = arith.cmpi slt, %add3A_2574, %lt3A_2577 : vector<16xi32>
      %and3A_2579 = arith.andi %ge3A_2576, %lt3A_2578 : vector<16xi1>
      tpu.vector_store_idx %arg7[%get3A_2571], %broadcast_in_dim3A_2535 masked %and3A_2579 : memref<1008xi32, #tpu.memory_space<vmem>>[vector<16xi32>], vector<16xi32>, vector<16xi1>
      %get3A_2580 = arith.index_cast %scan3A_538 : i32 to index
      %get3A_2581 = arith.constant 64 : index
      %get3A_2582 = tpu.vector_load %arg5[%get3A_2580, %get3A_2581] {strides = array<i32>} : memref<128x200xi32, #tpu.memory_space<vmem>>, vector<16xi32>,
      %add3A_2583 = arith.constant 64 : i32
      %add3A_2584 = vector.broadcast %add3A_2583 : i32 to vector<16xi32>
      %add3A_2585 = arith.addi %iota3A, %add3A_2584 : vector<16xi32>
      %ge3A_2586 = vector.broadcast %squeeze3A_2532 : i32 to vector<16xi32>
      %ge3A_2587 = arith.cmpi sge, %add3A_2585, %ge3A_2586 : vector<16xi32>
      %lt3A_2588 = vector.broadcast %squeeze3A_2534 : i32 to vector<16xi32>
      %lt3A_2589 = arith.cmpi slt, %add3A_2585, %lt3A_2588 : vector<16xi32>
      %and3A_2590 = arith.andi %ge3A_2587, %lt3A_2589 : vector<16xi1>
      tpu.vector_store_idx %arg7[%get3A_2582], %broadcast_in_dim3A_2535 masked %and3A_2590 : memref<1008xi32, #tpu.memory_space<vmem>>[vector<16xi32>], vector<16xi32>, vector<16xi1>
      %get3A_2591 = arith.index_cast %scan3A_538 : i32 to index
      %get3A_2592 = arith.constant 80 : index
      %get3A_2593 = tpu.vector_load %arg5[%get3A_2591, %get3A_2592] {strides = array<i32>} : memref<128x200xi32, #tpu.memory_space<vmem>>, vector<16xi32>,
      %add3A_2594 = arith.constant 80 : i32
      %add3A_2595 = vector.broadcast %add3A_2594 : i32 to vector<16xi32>
      %add3A_2596 = arith.addi %iota3A, %add3A_2595 : vector<16xi32>
      %ge3A_2597 = vector.broadcast %squeeze3A_2532 : i32 to vector<16xi32>
      %ge3A_2598 = arith.cmpi sge, %add3A_2596, %ge3A_2597 : vector<16xi32>
      %lt3A_2599 = vector.broadcast %squeeze3A_2534 : i32 to vector<16xi32>
      %lt3A_2600 = arith.cmpi slt, %add3A_2596, %lt3A_2599 : vector<16xi32>
      %and3A_2601 = arith.andi %ge3A_2598, %lt3A_2600 : vector<16xi1>
      tpu.vector_store_idx %arg7[%get3A_2593], %broadcast_in_dim3A_2535 masked %and3A_2601 : memref<1008xi32, #tpu.memory_space<vmem>>[vector<16xi32>], vector<16xi32>, vector<16xi1>
      %get3A_2602 = arith.index_cast %scan3A_538 : i32 to index
      %get3A_2603 = arith.constant 96 : index
      %get3A_2604 = tpu.vector_load %arg5[%get3A_2602, %get3A_2603] {strides = array<i32>} : memref<128x200xi32, #tpu.memory_space<vmem>>, vector<16xi32>,
      %add3A_2605 = arith.constant 96 : i32
      %add3A_2606 = vector.broadcast %add3A_2605 : i32 to vector<16xi32>
      %add3A_2607 = arith.addi %iota3A, %add3A_2606 : vector<16xi32>
      %ge3A_2608 = vector.broadcast %squeeze3A_2532 : i32 to vector<16xi32>
      %ge3A_2609 = arith.cmpi sge, %add3A_2607, %ge3A_2608 : vector<16xi32>
      %lt3A_2610 = vector.broadcast %squeeze3A_2534 : i32 to vector<16xi32>
      %lt3A_2611 = arith.cmpi slt, %add3A_2607, %lt3A_2610 : vector<16xi32>
      %and3A_2612 = arith.andi %ge3A_2609, %lt3A_2611 : vector<16xi1>
      tpu.vector_store_idx %arg7[%get3A_2604], %broadcast_in_dim3A_2535 masked %and3A_2612 : memref<1008xi32, #tpu.memory_space<vmem>>[vector<16xi32>], vector<16xi32>, vector<16xi1>
      %get3A_2613 = arith.index_cast %scan3A_538 : i32 to index
      %get3A_2614 = arith.constant 112 : index
      %get3A_2615 = tpu.vector_load %arg5[%get3A_2613, %get3A_2614] {strides = array<i32>} : memref<128x200xi32, #tpu.memory_space<vmem>>, vector<16xi32>,
      %add3A_2616 = arith.constant 112 : i32
      %add3A_2617 = vector.broadcast %add3A_2616 : i32 to vector<16xi32>
      %add3A_2618 = arith.addi %iota3A, %add3A_2617 : vector<16xi32>
      %ge3A_2619 = vector.broadcast %squeeze3A_2532 : i32 to vector<16xi32>
      %ge3A_2620 = arith.cmpi sge, %add3A_2618, %ge3A_2619 : vector<16xi32>
      %lt3A_2621 = vector.broadcast %squeeze3A_2534 : i32 to vector<16xi32>
      %lt3A_2622 = arith.cmpi slt, %add3A_2618, %lt3A_2621 : vector<16xi32>
      %and3A_2623 = arith.andi %ge3A_2620, %lt3A_2622 : vector<16xi1>
      tpu.vector_store_idx %arg7[%get3A_2615], %broadcast_in_dim3A_2535 masked %and3A_2623 : memref<1008xi32, #tpu.memory_space<vmem>>[vector<16xi32>], vector<16xi32>, vector<16xi1>
      %get3A_2624 = arith.index_cast %scan3A_538 : i32 to index
      %get3A_2625 = arith.constant 128 : index
      %get3A_2626 = tpu.vector_load %arg5[%get3A_2624, %get3A_2625] {strides = array<i32>} : memref<128x200xi32, #tpu.memory_space<vmem>>, vector<16xi32>,
      %add3A_2627 = arith.constant 128 : i32
      %add3A_2628 = vector.broadcast %add3A_2627 : i32 to vector<16xi32>
      %add3A_2629 = arith.addi %iota3A, %add3A_2628 : vector<16xi32>
      %ge3A_2630 = vector.broadcast %squeeze3A_2532 : i32 to vector<16xi32>
      %ge3A_2631 = arith.cmpi sge, %add3A_2629, %ge3A_2630 : vector<16xi32>
      %lt3A_2632 = vector.broadcast %squeeze3A_2534 : i32 to vector<16xi32>
      %lt3A_2633 = arith.cmpi slt, %add3A_2629, %lt3A_2632 : vector<16xi32>
      %and3A_2634 = arith.andi %ge3A_2631, %lt3A_2633 : vector<16xi1>
      tpu.vector_store_idx %arg7[%get3A_2626], %broadcast_in_dim3A_2535 masked %and3A_2634 : memref<1008xi32, #tpu.memory_space<vmem>>[vector<16xi32>], vector<16xi32>, vector<16xi1>
      %get3A_2635 = arith.index_cast %scan3A_538 : i32 to index
      %get3A_2636 = arith.constant 144 : index
      %get3A_2637 = tpu.vector_load %arg5[%get3A_2635, %get3A_2636] {strides = array<i32>} : memref<128x200xi32, #tpu.memory_space<vmem>>, vector<16xi32>,
      %add3A_2638 = arith.constant 144 : i32
      %add3A_2639 = vector.broadcast %add3A_2638 : i32 to vector<16xi32>
      %add3A_2640 = arith.addi %iota3A, %add3A_2639 : vector<16xi32>
      %ge3A_2641 = vector.broadcast %squeeze3A_2532 : i32 to vector<16xi32>
      %ge3A_2642 = arith.cmpi sge, %add3A_2640, %ge3A_2641 : vector<16xi32>
      %lt3A_2643 = vector.broadcast %squeeze3A_2534 : i32 to vector<16xi32>
      %lt3A_2644 = arith.cmpi slt, %add3A_2640, %lt3A_2643 : vector<16xi32>
      %and3A_2645 = arith.andi %ge3A_2642, %lt3A_2644 : vector<16xi1>
      tpu.vector_store_idx %arg7[%get3A_2637], %broadcast_in_dim3A_2535 masked %and3A_2645 : memref<1008xi32, #tpu.memory_space<vmem>>[vector<16xi32>], vector<16xi32>, vector<16xi1>
      %get3A_2646 = arith.index_cast %scan3A_538 : i32 to index
      %get3A_2647 = arith.constant 160 : index
      %get3A_2648 = tpu.vector_load %arg5[%get3A_2646, %get3A_2647] {strides = array<i32>} : memref<128x200xi32, #tpu.memory_space<vmem>>, vector<16xi32>,
      %add3A_2649 = arith.constant 160 : i32
      %add3A_2650 = vector.broadcast %add3A_2649 : i32 to vector<16xi32>
      %add3A_2651 = arith.addi %iota3A, %add3A_2650 : vector<16xi32>
      %ge3A_2652 = vector.broadcast %squeeze3A_2532 : i32 to vector<16xi32>
      %ge3A_2653 = arith.cmpi sge, %add3A_2651, %ge3A_2652 : vector<16xi32>
      %lt3A_2654 = vector.broadcast %squeeze3A_2534 : i32 to vector<16xi32>
      %lt3A_2655 = arith.cmpi slt, %add3A_2651, %lt3A_2654 : vector<16xi32>
      %and3A_2656 = arith.andi %ge3A_2653, %lt3A_2655 : vector<16xi1>
      tpu.vector_store_idx %arg7[%get3A_2648], %broadcast_in_dim3A_2535 masked %and3A_2656 : memref<1008xi32, #tpu.memory_space<vmem>>[vector<16xi32>], vector<16xi32>, vector<16xi1>
      %get3A_2657 = arith.index_cast %scan3A_538 : i32 to index
      %get3A_2658 = arith.constant 176 : index
      %get3A_2659 = tpu.vector_load %arg5[%get3A_2657, %get3A_2658] {strides = array<i32>} : memref<128x200xi32, #tpu.memory_space<vmem>>, vector<16xi32>,
      %add3A_2660 = arith.constant 176 : i32
      %add3A_2661 = vector.broadcast %add3A_2660 : i32 to vector<16xi32>
      %add3A_2662 = arith.addi %iota3A, %add3A_2661 : vector<16xi32>
      %ge3A_2663 = vector.broadcast %squeeze3A_2532 : i32 to vector<16xi32>
      %ge3A_2664 = arith.cmpi sge, %add3A_2662, %ge3A_2663 : vector<16xi32>
      %lt3A_2665 = vector.broadcast %squeeze3A_2534 : i32 to vector<16xi32>
      %lt3A_2666 = arith.cmpi slt, %add3A_2662, %lt3A_2665 : vector<16xi32>
      %and3A_2667 = arith.andi %ge3A_2664, %lt3A_2666 : vector<16xi1>
      tpu.vector_store_idx %arg7[%get3A_2659], %broadcast_in_dim3A_2535 masked %and3A_2667 : memref<1008xi32, #tpu.memory_space<vmem>>[vector<16xi32>], vector<16xi32>, vector<16xi1>
      %get3A_2668 = arith.index_cast %scan3A_538 : i32 to index
      %get3A_2669 = arith.constant 184 : index
      %get3A_2670 = tpu.vector_load %arg5[%get3A_2668, %get3A_2669] {strides = array<i32>} : memref<128x200xi32, #tpu.memory_space<vmem>>, vector<16xi32>,
      %add3A_2671 = arith.constant 184 : i32
      %add3A_2672 = vector.broadcast %add3A_2671 : i32 to vector<16xi32>
      %add3A_2673 = arith.addi %iota3A, %add3A_2672 : vector<16xi32>
      %ge3A_2674 = vector.broadcast %squeeze3A_2532 : i32 to vector<16xi32>
      %ge3A_2675 = arith.cmpi sge, %add3A_2673, %ge3A_2674 : vector<16xi32>
      %lt3A_2676 = vector.broadcast %squeeze3A_2534 : i32 to vector<16xi32>
      %lt3A_2677 = arith.cmpi slt, %add3A_2673, %lt3A_2676 : vector<16xi32>
      %and3A_2678 = arith.andi %ge3A_2675, %lt3A_2677 : vector<16xi1>
      tpu.vector_store_idx %arg7[%get3A_2670], %broadcast_in_dim3A_2535 masked %and3A_2678 : memref<1008xi32, #tpu.memory_space<vmem>>[vector<16xi32>], vector<16xi32>, vector<16xi1>
      %dma_start3A_2679 = arith.constant 0 : i32
      %dma_start3A_2680 = tpu.memref_slice %arg4[%add3A_2523, %dma_start3A_2679] : memref<65536x1008xi32, #tpu.memory_space<hbm>> -> memref<1x1008xi32, #tpu.memory_space<hbm>>
      %dma_start3A_2681 = tpu.memref_squeeze %dma_start3A_2680 : memref<1x1008xi32, #tpu.memory_space<hbm>> -> memref<1008xi32, #tpu.memory_space<hbm>>
      %dma_start3A_2682 = arith.constant 0 : i32
      %dma_start3A_2683 = tpu.memref_slice %arg4[%add3A_2523, %dma_start3A_2682] : memref<65536x1008xi32, #tpu.memory_space<hbm>> -> memref<1x1008xi32, #tpu.memory_space<hbm>>
      %dma_start3A_2684 = tpu.memref_squeeze %dma_start3A_2683 : memref<1x1008xi32, #tpu.memory_space<hbm>> -> memref<1008xi32, #tpu.memory_space<hbm>>
      tpu.enqueue_dma source(%arg7 : memref<1008xi32, #tpu.memory_space<vmem>>) target(%dma_start3A_2684 : memref<1008xi32, #tpu.memory_space<hbm>>) target_semaphore(%arg11 : memref<!tpu.dma_semaphore, #tpu.memory_space<semaphore_mem>>)
      %add3A_2685 = arith.addi %mul3A_2, %scan3A_538 : i32
      %mul3A_2686 = arith.constant 16 : i32
      %mul3A_2687 = arith.muli %add3A_2685, %mul3A_2686 : i32
      %add3A_2688 = arith.constant 13 : i32
      %add3A_2689 = arith.addi %mul3A_2687, %add3A_2688 : i32
      %dma_wait3A_2690 = arith.constant 0 : i32
      %dma_wait3A_2691 = arith.constant 0 : i32
      %dma_wait3A_2692 = tpu.memref_slice %arg4[%dma_wait3A_2690, %dma_wait3A_2691] : memref<65536x1008xi32, #tpu.memory_space<hbm>> -> memref<1x1008xi32, #tpu.memory_space<hbm>>
      %dma_wait3A_2693 = tpu.memref_squeeze %dma_wait3A_2692 : memref<1x1008xi32, #tpu.memory_space<hbm>> -> memref<1008xi32, #tpu.memory_space<hbm>>
      %dma_wait3A_2694 = arith.constant 0 : i32
      %dma_wait3A_2695 = tpu.memref_slice %arg4[%dma_wait3A_2690, %dma_wait3A_2694] : memref<65536x1008xi32, #tpu.memory_space<hbm>> -> memref<1x1008xi32, #tpu.memory_space<hbm>>
      %dma_wait3A_2696 = tpu.memref_squeeze %dma_wait3A_2695 : memref<1x1008xi32, #tpu.memory_space<hbm>> -> memref<1008xi32, #tpu.memory_space<hbm>>
      tpu.wait_dma2 semaphore(%arg12 : memref<!tpu.dma_semaphore, #tpu.memory_space<semaphore_mem>>) src(%arg8 : memref<1008xi32, #tpu.memory_space<vmem>>) dst(%dma_wait3A_2696 : memref<1008xi32, #tpu.memory_space<hbm>>)
      %slice3A_2697 = vector.extract_strided_slice %get3A_543 {offsets = [10], sizes = [1], strides = [1]} : vector<16xi32> to vector<1xi32>
      %squeeze3A_2698 = vector.extract %slice3A_2697[0] : i32 from vector<1xi32>
      %slice3A_2699 = vector.extract_strided_slice %get3A_543 {offsets = [11], sizes = [1], strides = [1]} : vector<16xi32> to vector<1xi32>
      %squeeze3A_2700 = vector.extract %slice3A_2699[0] : i32 from vector<1xi32>
      %broadcast_in_dim3A_2701 = vector.broadcast %add3A_2689 : i32 to vector<16xi32>
      %get3A_2702 = arith.index_cast %scan3A_538 : i32 to index
      %get3A_2703 = arith.constant 0 : index
      %get3A_2704 = tpu.vector_load %arg5[%get3A_2702, %get3A_2703] {strides = array<i32>} : memref<128x200xi32, #tpu.memory_space<vmem>>, vector<16xi32>,
      %add3A_2705 = arith.constant 0 : i32
      %add3A_2706 = vector.broadcast %add3A_2705 : i32 to vector<16xi32>
      %add3A_2707 = arith.addi %iota3A, %add3A_2706 : vector<16xi32>
      %ge3A_2708 = vector.broadcast %squeeze3A_2698 : i32 to vector<16xi32>
      %ge3A_2709 = arith.cmpi sge, %add3A_2707, %ge3A_2708 : vector<16xi32>
      %lt3A_2710 = vector.broadcast %squeeze3A_2700 : i32 to vector<16xi32>
      %lt3A_2711 = arith.cmpi slt, %add3A_2707, %lt3A_2710 : vector<16xi32>
      %and3A_2712 = arith.andi %ge3A_2709, %lt3A_2711 : vector<16xi1>
      tpu.vector_store_idx %arg8[%get3A_2704], %broadcast_in_dim3A_2701 masked %and3A_2712 : memref<1008xi32, #tpu.memory_space<vmem>>[vector<16xi32>], vector<16xi32>, vector<16xi1>
      %get3A_2713 = arith.index_cast %scan3A_538 : i32 to index
      %get3A_2714 = arith.constant 16 : index
      %get3A_2715 = tpu.vector_load %arg5[%get3A_2713, %get3A_2714] {strides = array<i32>} : memref<128x200xi32, #tpu.memory_space<vmem>>, vector<16xi32>,
      %add3A_2716 = arith.constant 16 : i32
      %add3A_2717 = vector.broadcast %add3A_2716 : i32 to vector<16xi32>
      %add3A_2718 = arith.addi %iota3A, %add3A_2717 : vector<16xi32>
      %ge3A_2719 = vector.broadcast %squeeze3A_2698 : i32 to vector<16xi32>
      %ge3A_2720 = arith.cmpi sge, %add3A_2718, %ge3A_2719 : vector<16xi32>
      %lt3A_2721 = vector.broadcast %squeeze3A_2700 : i32 to vector<16xi32>
      %lt3A_2722 = arith.cmpi slt, %add3A_2718, %lt3A_2721 : vector<16xi32>
      %and3A_2723 = arith.andi %ge3A_2720, %lt3A_2722 : vector<16xi1>
      tpu.vector_store_idx %arg8[%get3A_2715], %broadcast_in_dim3A_2701 masked %and3A_2723 : memref<1008xi32, #tpu.memory_space<vmem>>[vector<16xi32>], vector<16xi32>, vector<16xi1>
      %get3A_2724 = arith.index_cast %scan3A_538 : i32 to index
      %get3A_2725 = arith.constant 32 : index
      %get3A_2726 = tpu.vector_load %arg5[%get3A_2724, %get3A_2725] {strides = array<i32>} : memref<128x200xi32, #tpu.memory_space<vmem>>, vector<16xi32>,
      %add3A_2727 = arith.constant 32 : i32
      %add3A_2728 = vector.broadcast %add3A_2727 : i32 to vector<16xi32>
      %add3A_2729 = arith.addi %iota3A, %add3A_2728 : vector<16xi32>
      %ge3A_2730 = vector.broadcast %squeeze3A_2698 : i32 to vector<16xi32>
      %ge3A_2731 = arith.cmpi sge, %add3A_2729, %ge3A_2730 : vector<16xi32>
      %lt3A_2732 = vector.broadcast %squeeze3A_2700 : i32 to vector<16xi32>
      %lt3A_2733 = arith.cmpi slt, %add3A_2729, %lt3A_2732 : vector<16xi32>
      %and3A_2734 = arith.andi %ge3A_2731, %lt3A_2733 : vector<16xi1>
      tpu.vector_store_idx %arg8[%get3A_2726], %broadcast_in_dim3A_2701 masked %and3A_2734 : memref<1008xi32, #tpu.memory_space<vmem>>[vector<16xi32>], vector<16xi32>, vector<16xi1>
      %get3A_2735 = arith.index_cast %scan3A_538 : i32 to index
      %get3A_2736 = arith.constant 48 : index
      %get3A_2737 = tpu.vector_load %arg5[%get3A_2735, %get3A_2736] {strides = array<i32>} : memref<128x200xi32, #tpu.memory_space<vmem>>, vector<16xi32>,
      %add3A_2738 = arith.constant 48 : i32
      %add3A_2739 = vector.broadcast %add3A_2738 : i32 to vector<16xi32>
      %add3A_2740 = arith.addi %iota3A, %add3A_2739 : vector<16xi32>
      %ge3A_2741 = vector.broadcast %squeeze3A_2698 : i32 to vector<16xi32>
      %ge3A_2742 = arith.cmpi sge, %add3A_2740, %ge3A_2741 : vector<16xi32>
      %lt3A_2743 = vector.broadcast %squeeze3A_2700 : i32 to vector<16xi32>
      %lt3A_2744 = arith.cmpi slt, %add3A_2740, %lt3A_2743 : vector<16xi32>
      %and3A_2745 = arith.andi %ge3A_2742, %lt3A_2744 : vector<16xi1>
      tpu.vector_store_idx %arg8[%get3A_2737], %broadcast_in_dim3A_2701 masked %and3A_2745 : memref<1008xi32, #tpu.memory_space<vmem>>[vector<16xi32>], vector<16xi32>, vector<16xi1>
      %get3A_2746 = arith.index_cast %scan3A_538 : i32 to index
      %get3A_2747 = arith.constant 64 : index
      %get3A_2748 = tpu.vector_load %arg5[%get3A_2746, %get3A_2747] {strides = array<i32>} : memref<128x200xi32, #tpu.memory_space<vmem>>, vector<16xi32>,
      %add3A_2749 = arith.constant 64 : i32
      %add3A_2750 = vector.broadcast %add3A_2749 : i32 to vector<16xi32>
      %add3A_2751 = arith.addi %iota3A, %add3A_2750 : vector<16xi32>
      %ge3A_2752 = vector.broadcast %squeeze3A_2698 : i32 to vector<16xi32>
      %ge3A_2753 = arith.cmpi sge, %add3A_2751, %ge3A_2752 : vector<16xi32>
      %lt3A_2754 = vector.broadcast %squeeze3A_2700 : i32 to vector<16xi32>
      %lt3A_2755 = arith.cmpi slt, %add3A_2751, %lt3A_2754 : vector<16xi32>
      %and3A_2756 = arith.andi %ge3A_2753, %lt3A_2755 : vector<16xi1>
      tpu.vector_store_idx %arg8[%get3A_2748], %broadcast_in_dim3A_2701 masked %and3A_2756 : memref<1008xi32, #tpu.memory_space<vmem>>[vector<16xi32>], vector<16xi32>, vector<16xi1>
      %get3A_2757 = arith.index_cast %scan3A_538 : i32 to index
      %get3A_2758 = arith.constant 80 : index
      %get3A_2759 = tpu.vector_load %arg5[%get3A_2757, %get3A_2758] {strides = array<i32>} : memref<128x200xi32, #tpu.memory_space<vmem>>, vector<16xi32>,
      %add3A_2760 = arith.constant 80 : i32
      %add3A_2761 = vector.broadcast %add3A_2760 : i32 to vector<16xi32>
      %add3A_2762 = arith.addi %iota3A, %add3A_2761 : vector<16xi32>
      %ge3A_2763 = vector.broadcast %squeeze3A_2698 : i32 to vector<16xi32>
      %ge3A_2764 = arith.cmpi sge, %add3A_2762, %ge3A_2763 : vector<16xi32>
      %lt3A_2765 = vector.broadcast %squeeze3A_2700 : i32 to vector<16xi32>
      %lt3A_2766 = arith.cmpi slt, %add3A_2762, %lt3A_2765 : vector<16xi32>
      %and3A_2767 = arith.andi %ge3A_2764, %lt3A_2766 : vector<16xi1>
      tpu.vector_store_idx %arg8[%get3A_2759], %broadcast_in_dim3A_2701 masked %and3A_2767 : memref<1008xi32, #tpu.memory_space<vmem>>[vector<16xi32>], vector<16xi32>, vector<16xi1>
      %get3A_2768 = arith.index_cast %scan3A_538 : i32 to index
      %get3A_2769 = arith.constant 96 : index
      %get3A_2770 = tpu.vector_load %arg5[%get3A_2768, %get3A_2769] {strides = array<i32>} : memref<128x200xi32, #tpu.memory_space<vmem>>, vector<16xi32>,
      %add3A_2771 = arith.constant 96 : i32
      %add3A_2772 = vector.broadcast %add3A_2771 : i32 to vector<16xi32>
      %add3A_2773 = arith.addi %iota3A, %add3A_2772 : vector<16xi32>
      %ge3A_2774 = vector.broadcast %squeeze3A_2698 : i32 to vector<16xi32>
      %ge3A_2775 = arith.cmpi sge, %add3A_2773, %ge3A_2774 : vector<16xi32>
      %lt3A_2776 = vector.broadcast %squeeze3A_2700 : i32 to vector<16xi32>
      %lt3A_2777 = arith.cmpi slt, %add3A_2773, %lt3A_2776 : vector<16xi32>
      %and3A_2778 = arith.andi %ge3A_2775, %lt3A_2777 : vector<16xi1>
      tpu.vector_store_idx %arg8[%get3A_2770], %broadcast_in_dim3A_2701 masked %and3A_2778 : memref<1008xi32, #tpu.memory_space<vmem>>[vector<16xi32>], vector<16xi32>, vector<16xi1>
      %get3A_2779 = arith.index_cast %scan3A_538 : i32 to index
      %get3A_2780 = arith.constant 112 : index
      %get3A_2781 = tpu.vector_load %arg5[%get3A_2779, %get3A_2780] {strides = array<i32>} : memref<128x200xi32, #tpu.memory_space<vmem>>, vector<16xi32>,
      %add3A_2782 = arith.constant 112 : i32
      %add3A_2783 = vector.broadcast %add3A_2782 : i32 to vector<16xi32>
      %add3A_2784 = arith.addi %iota3A, %add3A_2783 : vector<16xi32>
      %ge3A_2785 = vector.broadcast %squeeze3A_2698 : i32 to vector<16xi32>
      %ge3A_2786 = arith.cmpi sge, %add3A_2784, %ge3A_2785 : vector<16xi32>
      %lt3A_2787 = vector.broadcast %squeeze3A_2700 : i32 to vector<16xi32>
      %lt3A_2788 = arith.cmpi slt, %add3A_2784, %lt3A_2787 : vector<16xi32>
      %and3A_2789 = arith.andi %ge3A_2786, %lt3A_2788 : vector<16xi1>
      tpu.vector_store_idx %arg8[%get3A_2781], %broadcast_in_dim3A_2701 masked %and3A_2789 : memref<1008xi32, #tpu.memory_space<vmem>>[vector<16xi32>], vector<16xi32>, vector<16xi1>
      %get3A_2790 = arith.index_cast %scan3A_538 : i32 to index
      %get3A_2791 = arith.constant 128 : index
      %get3A_2792 = tpu.vector_load %arg5[%get3A_2790, %get3A_2791] {strides = array<i32>} : memref<128x200xi32, #tpu.memory_space<vmem>>, vector<16xi32>,
      %add3A_2793 = arith.constant 128 : i32
      %add3A_2794 = vector.broadcast %add3A_2793 : i32 to vector<16xi32>
      %add3A_2795 = arith.addi %iota3A, %add3A_2794 : vector<16xi32>
      %ge3A_2796 = vector.broadcast %squeeze3A_2698 : i32 to vector<16xi32>
      %ge3A_2797 = arith.cmpi sge, %add3A_2795, %ge3A_2796 : vector<16xi32>
      %lt3A_2798 = vector.broadcast %squeeze3A_2700 : i32 to vector<16xi32>
      %lt3A_2799 = arith.cmpi slt, %add3A_2795, %lt3A_2798 : vector<16xi32>
      %and3A_2800 = arith.andi %ge3A_2797, %lt3A_2799 : vector<16xi1>
      tpu.vector_store_idx %arg8[%get3A_2792], %broadcast_in_dim3A_2701 masked %and3A_2800 : memref<1008xi32, #tpu.memory_space<vmem>>[vector<16xi32>], vector<16xi32>, vector<16xi1>
      %get3A_2801 = arith.index_cast %scan3A_538 : i32 to index
      %get3A_2802 = arith.constant 144 : index
      %get3A_2803 = tpu.vector_load %arg5[%get3A_2801, %get3A_2802] {strides = array<i32>} : memref<128x200xi32, #tpu.memory_space<vmem>>, vector<16xi32>,
      %add3A_2804 = arith.constant 144 : i32
      %add3A_2805 = vector.broadcast %add3A_2804 : i32 to vector<16xi32>
      %add3A_2806 = arith.addi %iota3A, %add3A_2805 : vector<16xi32>
      %ge3A_2807 = vector.broadcast %squeeze3A_2698 : i32 to vector<16xi32>
      %ge3A_2808 = arith.cmpi sge, %add3A_2806, %ge3A_2807 : vector<16xi32>
      %lt3A_2809 = vector.broadcast %squeeze3A_2700 : i32 to vector<16xi32>
      %lt3A_2810 = arith.cmpi slt, %add3A_2806, %lt3A_2809 : vector<16xi32>
      %and3A_2811 = arith.andi %ge3A_2808, %lt3A_2810 : vector<16xi1>
      tpu.vector_store_idx %arg8[%get3A_2803], %broadcast_in_dim3A_2701 masked %and3A_2811 : memref<1008xi32, #tpu.memory_space<vmem>>[vector<16xi32>], vector<16xi32>, vector<16xi1>
      %get3A_2812 = arith.index_cast %scan3A_538 : i32 to index
      %get3A_2813 = arith.constant 160 : index
      %get3A_2814 = tpu.vector_load %arg5[%get3A_2812, %get3A_2813] {strides = array<i32>} : memref<128x200xi32, #tpu.memory_space<vmem>>, vector<16xi32>,
      %add3A_2815 = arith.constant 160 : i32
      %add3A_2816 = vector.broadcast %add3A_2815 : i32 to vector<16xi32>
      %add3A_2817 = arith.addi %iota3A, %add3A_2816 : vector<16xi32>
      %ge3A_2818 = vector.broadcast %squeeze3A_2698 : i32 to vector<16xi32>
      %ge3A_2819 = arith.cmpi sge, %add3A_2817, %ge3A_2818 : vector<16xi32>
      %lt3A_2820 = vector.broadcast %squeeze3A_2700 : i32 to vector<16xi32>
      %lt3A_2821 = arith.cmpi slt, %add3A_2817, %lt3A_2820 : vector<16xi32>
      %and3A_2822 = arith.andi %ge3A_2819, %lt3A_2821 : vector<16xi1>
      tpu.vector_store_idx %arg8[%get3A_2814], %broadcast_in_dim3A_2701 masked %and3A_2822 : memref<1008xi32, #tpu.memory_space<vmem>>[vector<16xi32>], vector<16xi32>, vector<16xi1>
      %get3A_2823 = arith.index_cast %scan3A_538 : i32 to index
      %get3A_2824 = arith.constant 176 : index
      %get3A_2825 = tpu.vector_load %arg5[%get3A_2823, %get3A_2824] {strides = array<i32>} : memref<128x200xi32, #tpu.memory_space<vmem>>, vector<16xi32>,
      %add3A_2826 = arith.constant 176 : i32
      %add3A_2827 = vector.broadcast %add3A_2826 : i32 to vector<16xi32>
      %add3A_2828 = arith.addi %iota3A, %add3A_2827 : vector<16xi32>
      %ge3A_2829 = vector.broadcast %squeeze3A_2698 : i32 to vector<16xi32>
      %ge3A_2830 = arith.cmpi sge, %add3A_2828, %ge3A_2829 : vector<16xi32>
      %lt3A_2831 = vector.broadcast %squeeze3A_2700 : i32 to vector<16xi32>
      %lt3A_2832 = arith.cmpi slt, %add3A_2828, %lt3A_2831 : vector<16xi32>
      %and3A_2833 = arith.andi %ge3A_2830, %lt3A_2832 : vector<16xi1>
      tpu.vector_store_idx %arg8[%get3A_2825], %broadcast_in_dim3A_2701 masked %and3A_2833 : memref<1008xi32, #tpu.memory_space<vmem>>[vector<16xi32>], vector<16xi32>, vector<16xi1>
      %get3A_2834 = arith.index_cast %scan3A_538 : i32 to index
      %get3A_2835 = arith.constant 184 : index
      %get3A_2836 = tpu.vector_load %arg5[%get3A_2834, %get3A_2835] {strides = array<i32>} : memref<128x200xi32, #tpu.memory_space<vmem>>, vector<16xi32>,
      %add3A_2837 = arith.constant 184 : i32
      %add3A_2838 = vector.broadcast %add3A_2837 : i32 to vector<16xi32>
      %add3A_2839 = arith.addi %iota3A, %add3A_2838 : vector<16xi32>
      %ge3A_2840 = vector.broadcast %squeeze3A_2698 : i32 to vector<16xi32>
      %ge3A_2841 = arith.cmpi sge, %add3A_2839, %ge3A_2840 : vector<16xi32>
      %lt3A_2842 = vector.broadcast %squeeze3A_2700 : i32 to vector<16xi32>
      %lt3A_2843 = arith.cmpi slt, %add3A_2839, %lt3A_2842 : vector<16xi32>
      %and3A_2844 = arith.andi %ge3A_2841, %lt3A_2843 : vector<16xi1>
      tpu.vector_store_idx %arg8[%get3A_2836], %broadcast_in_dim3A_2701 masked %and3A_2844 : memref<1008xi32, #tpu.memory_space<vmem>>[vector<16xi32>], vector<16xi32>, vector<16xi1>
      %dma_start3A_2845 = arith.constant 0 : i32
      %dma_start3A_2846 = tpu.memref_slice %arg4[%add3A_2689, %dma_start3A_2845] : memref<65536x1008xi32, #tpu.memory_space<hbm>> -> memref<1x1008xi32, #tpu.memory_space<hbm>>
      %dma_start3A_2847 = tpu.memref_squeeze %dma_start3A_2846 : memref<1x1008xi32, #tpu.memory_space<hbm>> -> memref<1008xi32, #tpu.memory_space<hbm>>
      %dma_start3A_2848 = arith.constant 0 : i32
      %dma_start3A_2849 = tpu.memref_slice %arg4[%add3A_2689, %dma_start3A_2848] : memref<65536x1008xi32, #tpu.memory_space<hbm>> -> memref<1x1008xi32, #tpu.memory_space<hbm>>
      %dma_start3A_2850 = tpu.memref_squeeze %dma_start3A_2849 : memref<1x1008xi32, #tpu.memory_space<hbm>> -> memref<1008xi32, #tpu.memory_space<hbm>>
      tpu.enqueue_dma source(%arg8 : memref<1008xi32, #tpu.memory_space<vmem>>) target(%dma_start3A_2850 : memref<1008xi32, #tpu.memory_space<hbm>>) target_semaphore(%arg12 : memref<!tpu.dma_semaphore, #tpu.memory_space<semaphore_mem>>)
      %add3A_2851 = arith.addi %mul3A_2, %scan3A_538 : i32
      %mul3A_2852 = arith.constant 16 : i32
      %mul3A_2853 = arith.muli %add3A_2851, %mul3A_2852 : i32
      %add3A_2854 = arith.constant 14 : i32
      %add3A_2855 = arith.addi %mul3A_2853, %add3A_2854 : i32
      %dma_wait3A_2856 = arith.constant 0 : i32
      %dma_wait3A_2857 = arith.constant 0 : i32
      %dma_wait3A_2858 = tpu.memref_slice %arg4[%dma_wait3A_2856, %dma_wait3A_2857] : memref<65536x1008xi32, #tpu.memory_space<hbm>> -> memref<1x1008xi32, #tpu.memory_space<hbm>>
      %dma_wait3A_2859 = tpu.memref_squeeze %dma_wait3A_2858 : memref<1x1008xi32, #tpu.memory_space<hbm>> -> memref<1008xi32, #tpu.memory_space<hbm>>
      %dma_wait3A_2860 = arith.constant 0 : i32
      %dma_wait3A_2861 = tpu.memref_slice %arg4[%dma_wait3A_2856, %dma_wait3A_2860] : memref<65536x1008xi32, #tpu.memory_space<hbm>> -> memref<1x1008xi32, #tpu.memory_space<hbm>>
      %dma_wait3A_2862 = tpu.memref_squeeze %dma_wait3A_2861 : memref<1x1008xi32, #tpu.memory_space<hbm>> -> memref<1008xi32, #tpu.memory_space<hbm>>
      tpu.wait_dma2 semaphore(%arg13 : memref<!tpu.dma_semaphore, #tpu.memory_space<semaphore_mem>>) src(%arg9 : memref<1008xi32, #tpu.memory_space<vmem>>) dst(%dma_wait3A_2862 : memref<1008xi32, #tpu.memory_space<hbm>>)
      %slice3A_2863 = vector.extract_strided_slice %get3A_543 {offsets = [12], sizes = [1], strides = [1]} : vector<16xi32> to vector<1xi32>
      %squeeze3A_2864 = vector.extract %slice3A_2863[0] : i32 from vector<1xi32>
      %slice3A_2865 = vector.extract_strided_slice %get3A_543 {offsets = [13], sizes = [1], strides = [1]} : vector<16xi32> to vector<1xi32>
      %squeeze3A_2866 = vector.extract %slice3A_2865[0] : i32 from vector<1xi32>
      %broadcast_in_dim3A_2867 = vector.broadcast %add3A_2855 : i32 to vector<16xi32>
      %get3A_2868 = arith.index_cast %scan3A_538 : i32 to index
      %get3A_2869 = arith.constant 0 : index
      %get3A_2870 = tpu.vector_load %arg5[%get3A_2868, %get3A_2869] {strides = array<i32>} : memref<128x200xi32, #tpu.memory_space<vmem>>, vector<16xi32>,
      %add3A_2871 = arith.constant 0 : i32
      %add3A_2872 = vector.broadcast %add3A_2871 : i32 to vector<16xi32>
      %add3A_2873 = arith.addi %iota3A, %add3A_2872 : vector<16xi32>
      %ge3A_2874 = vector.broadcast %squeeze3A_2864 : i32 to vector<16xi32>
      %ge3A_2875 = arith.cmpi sge, %add3A_2873, %ge3A_2874 : vector<16xi32>
      %lt3A_2876 = vector.broadcast %squeeze3A_2866 : i32 to vector<16xi32>
      %lt3A_2877 = arith.cmpi slt, %add3A_2873, %lt3A_2876 : vector<16xi32>
      %and3A_2878 = arith.andi %ge3A_2875, %lt3A_2877 : vector<16xi1>
      tpu.vector_store_idx %arg9[%get3A_2870], %broadcast_in_dim3A_2867 masked %and3A_2878 : memref<1008xi32, #tpu.memory_space<vmem>>[vector<16xi32>], vector<16xi32>, vector<16xi1>
      %get3A_2879 = arith.index_cast %scan3A_538 : i32 to index
      %get3A_2880 = arith.constant 16 : index
      %get3A_2881 = tpu.vector_load %arg5[%get3A_2879, %get3A_2880] {strides = array<i32>} : memref<128x200xi32, #tpu.memory_space<vmem>>, vector<16xi32>,
      %add3A_2882 = arith.constant 16 : i32
      %add3A_2883 = vector.broadcast %add3A_2882 : i32 to vector<16xi32>
      %add3A_2884 = arith.addi %iota3A, %add3A_2883 : vector<16xi32>
      %ge3A_2885 = vector.broadcast %squeeze3A_2864 : i32 to vector<16xi32>
      %ge3A_2886 = arith.cmpi sge, %add3A_2884, %ge3A_2885 : vector<16xi32>
      %lt3A_2887 = vector.broadcast %squeeze3A_2866 : i32 to vector<16xi32>
      %lt3A_2888 = arith.cmpi slt, %add3A_2884, %lt3A_2887 : vector<16xi32>
      %and3A_2889 = arith.andi %ge3A_2886, %lt3A_2888 : vector<16xi1>
      tpu.vector_store_idx %arg9[%get3A_2881], %broadcast_in_dim3A_2867 masked %and3A_2889 : memref<1008xi32, #tpu.memory_space<vmem>>[vector<16xi32>], vector<16xi32>, vector<16xi1>
      %get3A_2890 = arith.index_cast %scan3A_538 : i32 to index
      %get3A_2891 = arith.constant 32 : index
      %get3A_2892 = tpu.vector_load %arg5[%get3A_2890, %get3A_2891] {strides = array<i32>} : memref<128x200xi32, #tpu.memory_space<vmem>>, vector<16xi32>,
      %add3A_2893 = arith.constant 32 : i32
      %add3A_2894 = vector.broadcast %add3A_2893 : i32 to vector<16xi32>
      %add3A_2895 = arith.addi %iota3A, %add3A_2894 : vector<16xi32>
      %ge3A_2896 = vector.broadcast %squeeze3A_2864 : i32 to vector<16xi32>
      %ge3A_2897 = arith.cmpi sge, %add3A_2895, %ge3A_2896 : vector<16xi32>
      %lt3A_2898 = vector.broadcast %squeeze3A_2866 : i32 to vector<16xi32>
      %lt3A_2899 = arith.cmpi slt, %add3A_2895, %lt3A_2898 : vector<16xi32>
      %and3A_2900 = arith.andi %ge3A_2897, %lt3A_2899 : vector<16xi1>
      tpu.vector_store_idx %arg9[%get3A_2892], %broadcast_in_dim3A_2867 masked %and3A_2900 : memref<1008xi32, #tpu.memory_space<vmem>>[vector<16xi32>], vector<16xi32>, vector<16xi1>
      %get3A_2901 = arith.index_cast %scan3A_538 : i32 to index
      %get3A_2902 = arith.constant 48 : index
      %get3A_2903 = tpu.vector_load %arg5[%get3A_2901, %get3A_2902] {strides = array<i32>} : memref<128x200xi32, #tpu.memory_space<vmem>>, vector<16xi32>,
      %add3A_2904 = arith.constant 48 : i32
      %add3A_2905 = vector.broadcast %add3A_2904 : i32 to vector<16xi32>
      %add3A_2906 = arith.addi %iota3A, %add3A_2905 : vector<16xi32>
      %ge3A_2907 = vector.broadcast %squeeze3A_2864 : i32 to vector<16xi32>
      %ge3A_2908 = arith.cmpi sge, %add3A_2906, %ge3A_2907 : vector<16xi32>
      %lt3A_2909 = vector.broadcast %squeeze3A_2866 : i32 to vector<16xi32>
      %lt3A_2910 = arith.cmpi slt, %add3A_2906, %lt3A_2909 : vector<16xi32>
      %and3A_2911 = arith.andi %ge3A_2908, %lt3A_2910 : vector<16xi1>
      tpu.vector_store_idx %arg9[%get3A_2903], %broadcast_in_dim3A_2867 masked %and3A_2911 : memref<1008xi32, #tpu.memory_space<vmem>>[vector<16xi32>], vector<16xi32>, vector<16xi1>
      %get3A_2912 = arith.index_cast %scan3A_538 : i32 to index
      %get3A_2913 = arith.constant 64 : index
      %get3A_2914 = tpu.vector_load %arg5[%get3A_2912, %get3A_2913] {strides = array<i32>} : memref<128x200xi32, #tpu.memory_space<vmem>>, vector<16xi32>,
      %add3A_2915 = arith.constant 64 : i32
      %add3A_2916 = vector.broadcast %add3A_2915 : i32 to vector<16xi32>
      %add3A_2917 = arith.addi %iota3A, %add3A_2916 : vector<16xi32>
      %ge3A_2918 = vector.broadcast %squeeze3A_2864 : i32 to vector<16xi32>
      %ge3A_2919 = arith.cmpi sge, %add3A_2917, %ge3A_2918 : vector<16xi32>
      %lt3A_2920 = vector.broadcast %squeeze3A_2866 : i32 to vector<16xi32>
      %lt3A_2921 = arith.cmpi slt, %add3A_2917, %lt3A_2920 : vector<16xi32>
      %and3A_2922 = arith.andi %ge3A_2919, %lt3A_2921 : vector<16xi1>
      tpu.vector_store_idx %arg9[%get3A_2914], %broadcast_in_dim3A_2867 masked %and3A_2922 : memref<1008xi32, #tpu.memory_space<vmem>>[vector<16xi32>], vector<16xi32>, vector<16xi1>
      %get3A_2923 = arith.index_cast %scan3A_538 : i32 to index
      %get3A_2924 = arith.constant 80 : index
      %get3A_2925 = tpu.vector_load %arg5[%get3A_2923, %get3A_2924] {strides = array<i32>} : memref<128x200xi32, #tpu.memory_space<vmem>>, vector<16xi32>,
      %add3A_2926 = arith.constant 80 : i32
      %add3A_2927 = vector.broadcast %add3A_2926 : i32 to vector<16xi32>
      %add3A_2928 = arith.addi %iota3A, %add3A_2927 : vector<16xi32>
      %ge3A_2929 = vector.broadcast %squeeze3A_2864 : i32 to vector<16xi32>
      %ge3A_2930 = arith.cmpi sge, %add3A_2928, %ge3A_2929 : vector<16xi32>
      %lt3A_2931 = vector.broadcast %squeeze3A_2866 : i32 to vector<16xi32>
      %lt3A_2932 = arith.cmpi slt, %add3A_2928, %lt3A_2931 : vector<16xi32>
      %and3A_2933 = arith.andi %ge3A_2930, %lt3A_2932 : vector<16xi1>
      tpu.vector_store_idx %arg9[%get3A_2925], %broadcast_in_dim3A_2867 masked %and3A_2933 : memref<1008xi32, #tpu.memory_space<vmem>>[vector<16xi32>], vector<16xi32>, vector<16xi1>
      %get3A_2934 = arith.index_cast %scan3A_538 : i32 to index
      %get3A_2935 = arith.constant 96 : index
      %get3A_2936 = tpu.vector_load %arg5[%get3A_2934, %get3A_2935] {strides = array<i32>} : memref<128x200xi32, #tpu.memory_space<vmem>>, vector<16xi32>,
      %add3A_2937 = arith.constant 96 : i32
      %add3A_2938 = vector.broadcast %add3A_2937 : i32 to vector<16xi32>
      %add3A_2939 = arith.addi %iota3A, %add3A_2938 : vector<16xi32>
      %ge3A_2940 = vector.broadcast %squeeze3A_2864 : i32 to vector<16xi32>
      %ge3A_2941 = arith.cmpi sge, %add3A_2939, %ge3A_2940 : vector<16xi32>
      %lt3A_2942 = vector.broadcast %squeeze3A_2866 : i32 to vector<16xi32>
      %lt3A_2943 = arith.cmpi slt, %add3A_2939, %lt3A_2942 : vector<16xi32>
      %and3A_2944 = arith.andi %ge3A_2941, %lt3A_2943 : vector<16xi1>
      tpu.vector_store_idx %arg9[%get3A_2936], %broadcast_in_dim3A_2867 masked %and3A_2944 : memref<1008xi32, #tpu.memory_space<vmem>>[vector<16xi32>], vector<16xi32>, vector<16xi1>
      %get3A_2945 = arith.index_cast %scan3A_538 : i32 to index
      %get3A_2946 = arith.constant 112 : index
      %get3A_2947 = tpu.vector_load %arg5[%get3A_2945, %get3A_2946] {strides = array<i32>} : memref<128x200xi32, #tpu.memory_space<vmem>>, vector<16xi32>,
      %add3A_2948 = arith.constant 112 : i32
      %add3A_2949 = vector.broadcast %add3A_2948 : i32 to vector<16xi32>
      %add3A_2950 = arith.addi %iota3A, %add3A_2949 : vector<16xi32>
      %ge3A_2951 = vector.broadcast %squeeze3A_2864 : i32 to vector<16xi32>
      %ge3A_2952 = arith.cmpi sge, %add3A_2950, %ge3A_2951 : vector<16xi32>
      %lt3A_2953 = vector.broadcast %squeeze3A_2866 : i32 to vector<16xi32>
      %lt3A_2954 = arith.cmpi slt, %add3A_2950, %lt3A_2953 : vector<16xi32>
      %and3A_2955 = arith.andi %ge3A_2952, %lt3A_2954 : vector<16xi1>
      tpu.vector_store_idx %arg9[%get3A_2947], %broadcast_in_dim3A_2867 masked %and3A_2955 : memref<1008xi32, #tpu.memory_space<vmem>>[vector<16xi32>], vector<16xi32>, vector<16xi1>
      %get3A_2956 = arith.index_cast %scan3A_538 : i32 to index
      %get3A_2957 = arith.constant 128 : index
      %get3A_2958 = tpu.vector_load %arg5[%get3A_2956, %get3A_2957] {strides = array<i32>} : memref<128x200xi32, #tpu.memory_space<vmem>>, vector<16xi32>,
      %add3A_2959 = arith.constant 128 : i32
      %add3A_2960 = vector.broadcast %add3A_2959 : i32 to vector<16xi32>
      %add3A_2961 = arith.addi %iota3A, %add3A_2960 : vector<16xi32>
      %ge3A_2962 = vector.broadcast %squeeze3A_2864 : i32 to vector<16xi32>
      %ge3A_2963 = arith.cmpi sge, %add3A_2961, %ge3A_2962 : vector<16xi32>
      %lt3A_2964 = vector.broadcast %squeeze3A_2866 : i32 to vector<16xi32>
      %lt3A_2965 = arith.cmpi slt, %add3A_2961, %lt3A_2964 : vector<16xi32>
      %and3A_2966 = arith.andi %ge3A_2963, %lt3A_2965 : vector<16xi1>
      tpu.vector_store_idx %arg9[%get3A_2958], %broadcast_in_dim3A_2867 masked %and3A_2966 : memref<1008xi32, #tpu.memory_space<vmem>>[vector<16xi32>], vector<16xi32>, vector<16xi1>
      %get3A_2967 = arith.index_cast %scan3A_538 : i32 to index
      %get3A_2968 = arith.constant 144 : index
      %get3A_2969 = tpu.vector_load %arg5[%get3A_2967, %get3A_2968] {strides = array<i32>} : memref<128x200xi32, #tpu.memory_space<vmem>>, vector<16xi32>,
      %add3A_2970 = arith.constant 144 : i32
      %add3A_2971 = vector.broadcast %add3A_2970 : i32 to vector<16xi32>
      %add3A_2972 = arith.addi %iota3A, %add3A_2971 : vector<16xi32>
      %ge3A_2973 = vector.broadcast %squeeze3A_2864 : i32 to vector<16xi32>
      %ge3A_2974 = arith.cmpi sge, %add3A_2972, %ge3A_2973 : vector<16xi32>
      %lt3A_2975 = vector.broadcast %squeeze3A_2866 : i32 to vector<16xi32>
      %lt3A_2976 = arith.cmpi slt, %add3A_2972, %lt3A_2975 : vector<16xi32>
      %and3A_2977 = arith.andi %ge3A_2974, %lt3A_2976 : vector<16xi1>
      tpu.vector_store_idx %arg9[%get3A_2969], %broadcast_in_dim3A_2867 masked %and3A_2977 : memref<1008xi32, #tpu.memory_space<vmem>>[vector<16xi32>], vector<16xi32>, vector<16xi1>
      %get3A_2978 = arith.index_cast %scan3A_538 : i32 to index
      %get3A_2979 = arith.constant 160 : index
      %get3A_2980 = tpu.vector_load %arg5[%get3A_2978, %get3A_2979] {strides = array<i32>} : memref<128x200xi32, #tpu.memory_space<vmem>>, vector<16xi32>,
      %add3A_2981 = arith.constant 160 : i32
      %add3A_2982 = vector.broadcast %add3A_2981 : i32 to vector<16xi32>
      %add3A_2983 = arith.addi %iota3A, %add3A_2982 : vector<16xi32>
      %ge3A_2984 = vector.broadcast %squeeze3A_2864 : i32 to vector<16xi32>
      %ge3A_2985 = arith.cmpi sge, %add3A_2983, %ge3A_2984 : vector<16xi32>
      %lt3A_2986 = vector.broadcast %squeeze3A_2866 : i32 to vector<16xi32>
      %lt3A_2987 = arith.cmpi slt, %add3A_2983, %lt3A_2986 : vector<16xi32>
      %and3A_2988 = arith.andi %ge3A_2985, %lt3A_2987 : vector<16xi1>
      tpu.vector_store_idx %arg9[%get3A_2980], %broadcast_in_dim3A_2867 masked %and3A_2988 : memref<1008xi32, #tpu.memory_space<vmem>>[vector<16xi32>], vector<16xi32>, vector<16xi1>
      %get3A_2989 = arith.index_cast %scan3A_538 : i32 to index
      %get3A_2990 = arith.constant 176 : index
      %get3A_2991 = tpu.vector_load %arg5[%get3A_2989, %get3A_2990] {strides = array<i32>} : memref<128x200xi32, #tpu.memory_space<vmem>>, vector<16xi32>,
      %add3A_2992 = arith.constant 176 : i32
      %add3A_2993 = vector.broadcast %add3A_2992 : i32 to vector<16xi32>
      %add3A_2994 = arith.addi %iota3A, %add3A_2993 : vector<16xi32>
      %ge3A_2995 = vector.broadcast %squeeze3A_2864 : i32 to vector<16xi32>
      %ge3A_2996 = arith.cmpi sge, %add3A_2994, %ge3A_2995 : vector<16xi32>
      %lt3A_2997 = vector.broadcast %squeeze3A_2866 : i32 to vector<16xi32>
      %lt3A_2998 = arith.cmpi slt, %add3A_2994, %lt3A_2997 : vector<16xi32>
      %and3A_2999 = arith.andi %ge3A_2996, %lt3A_2998 : vector<16xi1>
      tpu.vector_store_idx %arg9[%get3A_2991], %broadcast_in_dim3A_2867 masked %and3A_2999 : memref<1008xi32, #tpu.memory_space<vmem>>[vector<16xi32>], vector<16xi32>, vector<16xi1>
      %get3A_3000 = arith.index_cast %scan3A_538 : i32 to index
      %get3A_3001 = arith.constant 184 : index
      %get3A_3002 = tpu.vector_load %arg5[%get3A_3000, %get3A_3001] {strides = array<i32>} : memref<128x200xi32, #tpu.memory_space<vmem>>, vector<16xi32>,
      %add3A_3003 = arith.constant 184 : i32
      %add3A_3004 = vector.broadcast %add3A_3003 : i32 to vector<16xi32>
      %add3A_3005 = arith.addi %iota3A, %add3A_3004 : vector<16xi32>
      %ge3A_3006 = vector.broadcast %squeeze3A_2864 : i32 to vector<16xi32>
      %ge3A_3007 = arith.cmpi sge, %add3A_3005, %ge3A_3006 : vector<16xi32>
      %lt3A_3008 = vector.broadcast %squeeze3A_2866 : i32 to vector<16xi32>
      %lt3A_3009 = arith.cmpi slt, %add3A_3005, %lt3A_3008 : vector<16xi32>
      %and3A_3010 = arith.andi %ge3A_3007, %lt3A_3009 : vector<16xi1>
      tpu.vector_store_idx %arg9[%get3A_3002], %broadcast_in_dim3A_2867 masked %and3A_3010 : memref<1008xi32, #tpu.memory_space<vmem>>[vector<16xi32>], vector<16xi32>, vector<16xi1>
      %dma_start3A_3011 = arith.constant 0 : i32
      %dma_start3A_3012 = tpu.memref_slice %arg4[%add3A_2855, %dma_start3A_3011] : memref<65536x1008xi32, #tpu.memory_space<hbm>> -> memref<1x1008xi32, #tpu.memory_space<hbm>>
      %dma_start3A_3013 = tpu.memref_squeeze %dma_start3A_3012 : memref<1x1008xi32, #tpu.memory_space<hbm>> -> memref<1008xi32, #tpu.memory_space<hbm>>
      %dma_start3A_3014 = arith.constant 0 : i32
      %dma_start3A_3015 = tpu.memref_slice %arg4[%add3A_2855, %dma_start3A_3014] : memref<65536x1008xi32, #tpu.memory_space<hbm>> -> memref<1x1008xi32, #tpu.memory_space<hbm>>
      %dma_start3A_3016 = tpu.memref_squeeze %dma_start3A_3015 : memref<1x1008xi32, #tpu.memory_space<hbm>> -> memref<1008xi32, #tpu.memory_space<hbm>>
      tpu.enqueue_dma source(%arg9 : memref<1008xi32, #tpu.memory_space<vmem>>) target(%dma_start3A_3016 : memref<1008xi32, #tpu.memory_space<hbm>>) target_semaphore(%arg13 : memref<!tpu.dma_semaphore, #tpu.memory_space<semaphore_mem>>)
      %add3A_3017 = arith.addi %mul3A_2, %scan3A_538 : i32
      %mul3A_3018 = arith.constant 16 : i32
      %mul3A_3019 = arith.muli %add3A_3017, %mul3A_3018 : i32
      %add3A_3020 = arith.constant 15 : i32
      %add3A_3021 = arith.addi %mul3A_3019, %add3A_3020 : i32
      %dma_wait3A_3022 = arith.constant 0 : i32
      %dma_wait3A_3023 = arith.constant 0 : i32
      %dma_wait3A_3024 = tpu.memref_slice %arg4[%dma_wait3A_3022, %dma_wait3A_3023] : memref<65536x1008xi32, #tpu.memory_space<hbm>> -> memref<1x1008xi32, #tpu.memory_space<hbm>>
      %dma_wait3A_3025 = tpu.memref_squeeze %dma_wait3A_3024 : memref<1x1008xi32, #tpu.memory_space<hbm>> -> memref<1008xi32, #tpu.memory_space<hbm>>
      %dma_wait3A_3026 = arith.constant 0 : i32
      %dma_wait3A_3027 = tpu.memref_slice %arg4[%dma_wait3A_3022, %dma_wait3A_3026] : memref<65536x1008xi32, #tpu.memory_space<hbm>> -> memref<1x1008xi32, #tpu.memory_space<hbm>>
      %dma_wait3A_3028 = tpu.memref_squeeze %dma_wait3A_3027 : memref<1x1008xi32, #tpu.memory_space<hbm>> -> memref<1008xi32, #tpu.memory_space<hbm>>
      tpu.wait_dma2 semaphore(%arg14 : memref<!tpu.dma_semaphore, #tpu.memory_space<semaphore_mem>>) src(%arg10 : memref<1008xi32, #tpu.memory_space<vmem>>) dst(%dma_wait3A_3028 : memref<1008xi32, #tpu.memory_space<hbm>>)
      %slice3A_3029 = vector.extract_strided_slice %get3A_543 {offsets = [14], sizes = [1], strides = [1]} : vector<16xi32> to vector<1xi32>
      %squeeze3A_3030 = vector.extract %slice3A_3029[0] : i32 from vector<1xi32>
      %slice3A_3031 = vector.extract_strided_slice %get3A_543 {offsets = [15], sizes = [1], strides = [1]} : vector<16xi32> to vector<1xi32>
      %squeeze3A_3032 = vector.extract %slice3A_3031[0] : i32 from vector<1xi32>
      %broadcast_in_dim3A_3033 = vector.broadcast %add3A_3021 : i32 to vector<16xi32>
      %get3A_3034 = arith.index_cast %scan3A_538 : i32 to index
      %get3A_3035 = arith.constant 0 : index
      %get3A_3036 = tpu.vector_load %arg5[%get3A_3034, %get3A_3035] {strides = array<i32>} : memref<128x200xi32, #tpu.memory_space<vmem>>, vector<16xi32>,
      %add3A_3037 = arith.constant 0 : i32
      %add3A_3038 = vector.broadcast %add3A_3037 : i32 to vector<16xi32>
      %add3A_3039 = arith.addi %iota3A, %add3A_3038 : vector<16xi32>
      %ge3A_3040 = vector.broadcast %squeeze3A_3030 : i32 to vector<16xi32>
      %ge3A_3041 = arith.cmpi sge, %add3A_3039, %ge3A_3040 : vector<16xi32>
      %lt3A_3042 = vector.broadcast %squeeze3A_3032 : i32 to vector<16xi32>
      %lt3A_3043 = arith.cmpi slt, %add3A_3039, %lt3A_3042 : vector<16xi32>
      %and3A_3044 = arith.andi %ge3A_3041, %lt3A_3043 : vector<16xi1>
      tpu.vector_store_idx %arg10[%get3A_3036], %broadcast_in_dim3A_3033 masked %and3A_3044 : memref<1008xi32, #tpu.memory_space<vmem>>[vector<16xi32>], vector<16xi32>, vector<16xi1>
      %get3A_3045 = arith.index_cast %scan3A_538 : i32 to index
      %get3A_3046 = arith.constant 16 : index
      %get3A_3047 = tpu.vector_load %arg5[%get3A_3045, %get3A_3046] {strides = array<i32>} : memref<128x200xi32, #tpu.memory_space<vmem>>, vector<16xi32>,
      %add3A_3048 = arith.constant 16 : i32
      %add3A_3049 = vector.broadcast %add3A_3048 : i32 to vector<16xi32>
      %add3A_3050 = arith.addi %iota3A, %add3A_3049 : vector<16xi32>
      %ge3A_3051 = vector.broadcast %squeeze3A_3030 : i32 to vector<16xi32>
      %ge3A_3052 = arith.cmpi sge, %add3A_3050, %ge3A_3051 : vector<16xi32>
      %lt3A_3053 = vector.broadcast %squeeze3A_3032 : i32 to vector<16xi32>
      %lt3A_3054 = arith.cmpi slt, %add3A_3050, %lt3A_3053 : vector<16xi32>
      %and3A_3055 = arith.andi %ge3A_3052, %lt3A_3054 : vector<16xi1>
      tpu.vector_store_idx %arg10[%get3A_3047], %broadcast_in_dim3A_3033 masked %and3A_3055 : memref<1008xi32, #tpu.memory_space<vmem>>[vector<16xi32>], vector<16xi32>, vector<16xi1>
      %get3A_3056 = arith.index_cast %scan3A_538 : i32 to index
      %get3A_3057 = arith.constant 32 : index
      %get3A_3058 = tpu.vector_load %arg5[%get3A_3056, %get3A_3057] {strides = array<i32>} : memref<128x200xi32, #tpu.memory_space<vmem>>, vector<16xi32>,
      %add3A_3059 = arith.constant 32 : i32
      %add3A_3060 = vector.broadcast %add3A_3059 : i32 to vector<16xi32>
      %add3A_3061 = arith.addi %iota3A, %add3A_3060 : vector<16xi32>
      %ge3A_3062 = vector.broadcast %squeeze3A_3030 : i32 to vector<16xi32>
      %ge3A_3063 = arith.cmpi sge, %add3A_3061, %ge3A_3062 : vector<16xi32>
      %lt3A_3064 = vector.broadcast %squeeze3A_3032 : i32 to vector<16xi32>
      %lt3A_3065 = arith.cmpi slt, %add3A_3061, %lt3A_3064 : vector<16xi32>
      %and3A_3066 = arith.andi %ge3A_3063, %lt3A_3065 : vector<16xi1>
      tpu.vector_store_idx %arg10[%get3A_3058], %broadcast_in_dim3A_3033 masked %and3A_3066 : memref<1008xi32, #tpu.memory_space<vmem>>[vector<16xi32>], vector<16xi32>, vector<16xi1>
      %get3A_3067 = arith.index_cast %scan3A_538 : i32 to index
      %get3A_3068 = arith.constant 48 : index
      %get3A_3069 = tpu.vector_load %arg5[%get3A_3067, %get3A_3068] {strides = array<i32>} : memref<128x200xi32, #tpu.memory_space<vmem>>, vector<16xi32>,
      %add3A_3070 = arith.constant 48 : i32
      %add3A_3071 = vector.broadcast %add3A_3070 : i32 to vector<16xi32>
      %add3A_3072 = arith.addi %iota3A, %add3A_3071 : vector<16xi32>
      %ge3A_3073 = vector.broadcast %squeeze3A_3030 : i32 to vector<16xi32>
      %ge3A_3074 = arith.cmpi sge, %add3A_3072, %ge3A_3073 : vector<16xi32>
      %lt3A_3075 = vector.broadcast %squeeze3A_3032 : i32 to vector<16xi32>
      %lt3A_3076 = arith.cmpi slt, %add3A_3072, %lt3A_3075 : vector<16xi32>
      %and3A_3077 = arith.andi %ge3A_3074, %lt3A_3076 : vector<16xi1>
      tpu.vector_store_idx %arg10[%get3A_3069], %broadcast_in_dim3A_3033 masked %and3A_3077 : memref<1008xi32, #tpu.memory_space<vmem>>[vector<16xi32>], vector<16xi32>, vector<16xi1>
      %get3A_3078 = arith.index_cast %scan3A_538 : i32 to index
      %get3A_3079 = arith.constant 64 : index
      %get3A_3080 = tpu.vector_load %arg5[%get3A_3078, %get3A_3079] {strides = array<i32>} : memref<128x200xi32, #tpu.memory_space<vmem>>, vector<16xi32>,
      %add3A_3081 = arith.constant 64 : i32
      %add3A_3082 = vector.broadcast %add3A_3081 : i32 to vector<16xi32>
      %add3A_3083 = arith.addi %iota3A, %add3A_3082 : vector<16xi32>
      %ge3A_3084 = vector.broadcast %squeeze3A_3030 : i32 to vector<16xi32>
      %ge3A_3085 = arith.cmpi sge, %add3A_3083, %ge3A_3084 : vector<16xi32>
      %lt3A_3086 = vector.broadcast %squeeze3A_3032 : i32 to vector<16xi32>
      %lt3A_3087 = arith.cmpi slt, %add3A_3083, %lt3A_3086 : vector<16xi32>
      %and3A_3088 = arith.andi %ge3A_3085, %lt3A_3087 : vector<16xi1>
      tpu.vector_store_idx %arg10[%get3A_3080], %broadcast_in_dim3A_3033 masked %and3A_3088 : memref<1008xi32, #tpu.memory_space<vmem>>[vector<16xi32>], vector<16xi32>, vector<16xi1>
      %get3A_3089 = arith.index_cast %scan3A_538 : i32 to index
      %get3A_3090 = arith.constant 80 : index
      %get3A_3091 = tpu.vector_load %arg5[%get3A_3089, %get3A_3090] {strides = array<i32>} : memref<128x200xi32, #tpu.memory_space<vmem>>, vector<16xi32>,
      %add3A_3092 = arith.constant 80 : i32
      %add3A_3093 = vector.broadcast %add3A_3092 : i32 to vector<16xi32>
      %add3A_3094 = arith.addi %iota3A, %add3A_3093 : vector<16xi32>
      %ge3A_3095 = vector.broadcast %squeeze3A_3030 : i32 to vector<16xi32>
      %ge3A_3096 = arith.cmpi sge, %add3A_3094, %ge3A_3095 : vector<16xi32>
      %lt3A_3097 = vector.broadcast %squeeze3A_3032 : i32 to vector<16xi32>
      %lt3A_3098 = arith.cmpi slt, %add3A_3094, %lt3A_3097 : vector<16xi32>
      %and3A_3099 = arith.andi %ge3A_3096, %lt3A_3098 : vector<16xi1>
      tpu.vector_store_idx %arg10[%get3A_3091], %broadcast_in_dim3A_3033 masked %and3A_3099 : memref<1008xi32, #tpu.memory_space<vmem>>[vector<16xi32>], vector<16xi32>, vector<16xi1>
      %get3A_3100 = arith.index_cast %scan3A_538 : i32 to index
      %get3A_3101 = arith.constant 96 : index
      %get3A_3102 = tpu.vector_load %arg5[%get3A_3100, %get3A_3101] {strides = array<i32>} : memref<128x200xi32, #tpu.memory_space<vmem>>, vector<16xi32>,
      %add3A_3103 = arith.constant 96 : i32
      %add3A_3104 = vector.broadcast %add3A_3103 : i32 to vector<16xi32>
      %add3A_3105 = arith.addi %iota3A, %add3A_3104 : vector<16xi32>
      %ge3A_3106 = vector.broadcast %squeeze3A_3030 : i32 to vector<16xi32>
      %ge3A_3107 = arith.cmpi sge, %add3A_3105, %ge3A_3106 : vector<16xi32>
      %lt3A_3108 = vector.broadcast %squeeze3A_3032 : i32 to vector<16xi32>
      %lt3A_3109 = arith.cmpi slt, %add3A_3105, %lt3A_3108 : vector<16xi32>
      %and3A_3110 = arith.andi %ge3A_3107, %lt3A_3109 : vector<16xi1>
      tpu.vector_store_idx %arg10[%get3A_3102], %broadcast_in_dim3A_3033 masked %and3A_3110 : memref<1008xi32, #tpu.memory_space<vmem>>[vector<16xi32>], vector<16xi32>, vector<16xi1>
      %get3A_3111 = arith.index_cast %scan3A_538 : i32 to index
      %get3A_3112 = arith.constant 112 : index
      %get3A_3113 = tpu.vector_load %arg5[%get3A_3111, %get3A_3112] {strides = array<i32>} : memref<128x200xi32, #tpu.memory_space<vmem>>, vector<16xi32>,
      %add3A_3114 = arith.constant 112 : i32
      %add3A_3115 = vector.broadcast %add3A_3114 : i32 to vector<16xi32>
      %add3A_3116 = arith.addi %iota3A, %add3A_3115 : vector<16xi32>
      %ge3A_3117 = vector.broadcast %squeeze3A_3030 : i32 to vector<16xi32>
      %ge3A_3118 = arith.cmpi sge, %add3A_3116, %ge3A_3117 : vector<16xi32>
      %lt3A_3119 = vector.broadcast %squeeze3A_3032 : i32 to vector<16xi32>
      %lt3A_3120 = arith.cmpi slt, %add3A_3116, %lt3A_3119 : vector<16xi32>
      %and3A_3121 = arith.andi %ge3A_3118, %lt3A_3120 : vector<16xi1>
      tpu.vector_store_idx %arg10[%get3A_3113], %broadcast_in_dim3A_3033 masked %and3A_3121 : memref<1008xi32, #tpu.memory_space<vmem>>[vector<16xi32>], vector<16xi32>, vector<16xi1>
      %get3A_3122 = arith.index_cast %scan3A_538 : i32 to index
      %get3A_3123 = arith.constant 128 : index
      %get3A_3124 = tpu.vector_load %arg5[%get3A_3122, %get3A_3123] {strides = array<i32>} : memref<128x200xi32, #tpu.memory_space<vmem>>, vector<16xi32>,
      %add3A_3125 = arith.constant 128 : i32
      %add3A_3126 = vector.broadcast %add3A_3125 : i32 to vector<16xi32>
      %add3A_3127 = arith.addi %iota3A, %add3A_3126 : vector<16xi32>
      %ge3A_3128 = vector.broadcast %squeeze3A_3030 : i32 to vector<16xi32>
      %ge3A_3129 = arith.cmpi sge, %add3A_3127, %ge3A_3128 : vector<16xi32>
      %lt3A_3130 = vector.broadcast %squeeze3A_3032 : i32 to vector<16xi32>
      %lt3A_3131 = arith.cmpi slt, %add3A_3127, %lt3A_3130 : vector<16xi32>
      %and3A_3132 = arith.andi %ge3A_3129, %lt3A_3131 : vector<16xi1>
      tpu.vector_store_idx %arg10[%get3A_3124], %broadcast_in_dim3A_3033 masked %and3A_3132 : memref<1008xi32, #tpu.memory_space<vmem>>[vector<16xi32>], vector<16xi32>, vector<16xi1>
      %get3A_3133 = arith.index_cast %scan3A_538 : i32 to index
      %get3A_3134 = arith.constant 144 : index
      %get3A_3135 = tpu.vector_load %arg5[%get3A_3133, %get3A_3134] {strides = array<i32>} : memref<128x200xi32, #tpu.memory_space<vmem>>, vector<16xi32>,
      %add3A_3136 = arith.constant 144 : i32
      %add3A_3137 = vector.broadcast %add3A_3136 : i32 to vector<16xi32>
      %add3A_3138 = arith.addi %iota3A, %add3A_3137 : vector<16xi32>
      %ge3A_3139 = vector.broadcast %squeeze3A_3030 : i32 to vector<16xi32>
      %ge3A_3140 = arith.cmpi sge, %add3A_3138, %ge3A_3139 : vector<16xi32>
      %lt3A_3141 = vector.broadcast %squeeze3A_3032 : i32 to vector<16xi32>
      %lt3A_3142 = arith.cmpi slt, %add3A_3138, %lt3A_3141 : vector<16xi32>
      %and3A_3143 = arith.andi %ge3A_3140, %lt3A_3142 : vector<16xi1>
      tpu.vector_store_idx %arg10[%get3A_3135], %broadcast_in_dim3A_3033 masked %and3A_3143 : memref<1008xi32, #tpu.memory_space<vmem>>[vector<16xi32>], vector<16xi32>, vector<16xi1>
      %get3A_3144 = arith.index_cast %scan3A_538 : i32 to index
      %get3A_3145 = arith.constant 160 : index
      %get3A_3146 = tpu.vector_load %arg5[%get3A_3144, %get3A_3145] {strides = array<i32>} : memref<128x200xi32, #tpu.memory_space<vmem>>, vector<16xi32>,
      %add3A_3147 = arith.constant 160 : i32
      %add3A_3148 = vector.broadcast %add3A_3147 : i32 to vector<16xi32>
      %add3A_3149 = arith.addi %iota3A, %add3A_3148 : vector<16xi32>
      %ge3A_3150 = vector.broadcast %squeeze3A_3030 : i32 to vector<16xi32>
      %ge3A_3151 = arith.cmpi sge, %add3A_3149, %ge3A_3150 : vector<16xi32>
      %lt3A_3152 = vector.broadcast %squeeze3A_3032 : i32 to vector<16xi32>
      %lt3A_3153 = arith.cmpi slt, %add3A_3149, %lt3A_3152 : vector<16xi32>
      %and3A_3154 = arith.andi %ge3A_3151, %lt3A_3153 : vector<16xi1>
      tpu.vector_store_idx %arg10[%get3A_3146], %broadcast_in_dim3A_3033 masked %and3A_3154 : memref<1008xi32, #tpu.memory_space<vmem>>[vector<16xi32>], vector<16xi32>, vector<16xi1>
      %get3A_3155 = arith.index_cast %scan3A_538 : i32 to index
      %get3A_3156 = arith.constant 176 : index
      %get3A_3157 = tpu.vector_load %arg5[%get3A_3155, %get3A_3156] {strides = array<i32>} : memref<128x200xi32, #tpu.memory_space<vmem>>, vector<16xi32>,
      %add3A_3158 = arith.constant 176 : i32
      %add3A_3159 = vector.broadcast %add3A_3158 : i32 to vector<16xi32>
      %add3A_3160 = arith.addi %iota3A, %add3A_3159 : vector<16xi32>
      %ge3A_3161 = vector.broadcast %squeeze3A_3030 : i32 to vector<16xi32>
      %ge3A_3162 = arith.cmpi sge, %add3A_3160, %ge3A_3161 : vector<16xi32>
      %lt3A_3163 = vector.broadcast %squeeze3A_3032 : i32 to vector<16xi32>
      %lt3A_3164 = arith.cmpi slt, %add3A_3160, %lt3A_3163 : vector<16xi32>
      %and3A_3165 = arith.andi %ge3A_3162, %lt3A_3164 : vector<16xi1>
      tpu.vector_store_idx %arg10[%get3A_3157], %broadcast_in_dim3A_3033 masked %and3A_3165 : memref<1008xi32, #tpu.memory_space<vmem>>[vector<16xi32>], vector<16xi32>, vector<16xi1>
      %get3A_3166 = arith.index_cast %scan3A_538 : i32 to index
      %get3A_3167 = arith.constant 184 : index
      %get3A_3168 = tpu.vector_load %arg5[%get3A_3166, %get3A_3167] {strides = array<i32>} : memref<128x200xi32, #tpu.memory_space<vmem>>, vector<16xi32>,
      %add3A_3169 = arith.constant 184 : i32
      %add3A_3170 = vector.broadcast %add3A_3169 : i32 to vector<16xi32>
      %add3A_3171 = arith.addi %iota3A, %add3A_3170 : vector<16xi32>
      %ge3A_3172 = vector.broadcast %squeeze3A_3030 : i32 to vector<16xi32>
      %ge3A_3173 = arith.cmpi sge, %add3A_3171, %ge3A_3172 : vector<16xi32>
      %lt3A_3174 = vector.broadcast %squeeze3A_3032 : i32 to vector<16xi32>
      %lt3A_3175 = arith.cmpi slt, %add3A_3171, %lt3A_3174 : vector<16xi32>
      %and3A_3176 = arith.andi %ge3A_3173, %lt3A_3175 : vector<16xi1>
      tpu.vector_store_idx %arg10[%get3A_3168], %broadcast_in_dim3A_3033 masked %and3A_3176 : memref<1008xi32, #tpu.memory_space<vmem>>[vector<16xi32>], vector<16xi32>, vector<16xi1>
      %dma_start3A_3177 = arith.constant 0 : i32
      %dma_start3A_3178 = tpu.memref_slice %arg4[%add3A_3021, %dma_start3A_3177] : memref<65536x1008xi32, #tpu.memory_space<hbm>> -> memref<1x1008xi32, #tpu.memory_space<hbm>>
      %dma_start3A_3179 = tpu.memref_squeeze %dma_start3A_3178 : memref<1x1008xi32, #tpu.memory_space<hbm>> -> memref<1008xi32, #tpu.memory_space<hbm>>
      %dma_start3A_3180 = arith.constant 0 : i32
      %dma_start3A_3181 = tpu.memref_slice %arg4[%add3A_3021, %dma_start3A_3180] : memref<65536x1008xi32, #tpu.memory_space<hbm>> -> memref<1x1008xi32, #tpu.memory_space<hbm>>
      %dma_start3A_3182 = tpu.memref_squeeze %dma_start3A_3181 : memref<1x1008xi32, #tpu.memory_space<hbm>> -> memref<1008xi32, #tpu.memory_space<hbm>>
      tpu.enqueue_dma source(%arg10 : memref<1008xi32, #tpu.memory_space<vmem>>) target(%dma_start3A_3182 : memref<1008xi32, #tpu.memory_space<hbm>>) target_semaphore(%arg14 : memref<!tpu.dma_semaphore, #tpu.memory_space<semaphore_mem>>)
    }
    %scan3A_510 = arith.constant 128 : i32
    %dma_wait3A = arith.constant 0 : i32
    %dma_wait3A_511 = arith.constant 0 : i32
    %dma_wait3A_512 = tpu.memref_slice %arg4[%dma_wait3A, %dma_wait3A_511] : memref<65536x1008xi32, #tpu.memory_space<hbm>> -> memref<1x1008xi32, #tpu.memory_space<hbm>>
    %dma_wait3A_513 = tpu.memref_squeeze %dma_wait3A_512 : memref<1x1008xi32, #tpu.memory_space<hbm>> -> memref<1008xi32, #tpu.memory_space<hbm>>
    %dma_wait3A_514 = arith.constant 0 : i32
    %dma_wait3A_515 = tpu.memref_slice %arg4[%dma_wait3A, %dma_wait3A_514] : memref<65536x1008xi32, #tpu.memory_space<hbm>> -> memref<1x1008xi32, #tpu.memory_space<hbm>>
    %dma_wait3A_516 = tpu.memref_squeeze %dma_wait3A_515 : memref<1x1008xi32, #tpu.memory_space<hbm>> -> memref<1008xi32, #tpu.memory_space<hbm>>
    tpu.wait_dma2 semaphore(%arg11 : memref<!tpu.dma_semaphore, #tpu.memory_space<semaphore_mem>>) src(%arg7 : memref<1008xi32, #tpu.memory_space<vmem>>) dst(%dma_wait3A_516 : memref<1008xi32, #tpu.memory_space<hbm>>)
    %dma_wait3A_517 = arith.constant 0 : i32
    %dma_wait3A_518 = arith.constant 0 : i32
    %dma_wait3A_519 = tpu.memref_slice %arg4[%dma_wait3A_517, %dma_wait3A_518] : memref<65536x1008xi32, #tpu.memory_space<hbm>> -> memref<1x1008xi32, #tpu.memory_space<hbm>>
    %dma_wait3A_520 = tpu.memref_squeeze %dma_wait3A_519 : memref<1x1008xi32, #tpu.memory_space<hbm>> -> memref<1008xi32, #tpu.memory_space<hbm>>
    %dma_wait3A_521 = arith.constant 0 : i32
    %dma_wait3A_522 = tpu.memref_slice %arg4[%dma_wait3A_517, %dma_wait3A_521] : memref<65536x1008xi32, #tpu.memory_space<hbm>> -> memref<1x1008xi32, #tpu.memory_space<hbm>>
    %dma_wait3A_523 = tpu.memref_squeeze %dma_wait3A_522 : memref<1x1008xi32, #tpu.memory_space<hbm>> -> memref<1008xi32, #tpu.memory_space<hbm>>
    tpu.wait_dma2 semaphore(%arg12 : memref<!tpu.dma_semaphore, #tpu.memory_space<semaphore_mem>>) src(%arg8 : memref<1008xi32, #tpu.memory_space<vmem>>) dst(%dma_wait3A_523 : memref<1008xi32, #tpu.memory_space<hbm>>)
    %dma_wait3A_524 = arith.constant 0 : i32
    %dma_wait3A_525 = arith.constant 0 : i32
    %dma_wait3A_526 = tpu.memref_slice %arg4[%dma_wait3A_524, %dma_wait3A_525] : memref<65536x1008xi32, #tpu.memory_space<hbm>> -> memref<1x1008xi32, #tpu.memory_space<hbm>>
    %dma_wait3A_527 = tpu.memref_squeeze %dma_wait3A_526 : memref<1x1008xi32, #tpu.memory_space<hbm>> -> memref<1008xi32, #tpu.memory_space<hbm>>
    %dma_wait3A_528 = arith.constant 0 : i32
    %dma_wait3A_529 = tpu.memref_slice %arg4[%dma_wait3A_524, %dma_wait3A_528] : memref<65536x1008xi32, #tpu.memory_space<hbm>> -> memref<1x1008xi32, #tpu.memory_space<hbm>>
    %dma_wait3A_530 = tpu.memref_squeeze %dma_wait3A_529 : memref<1x1008xi32, #tpu.memory_space<hbm>> -> memref<1008xi32, #tpu.memory_space<hbm>>
    tpu.wait_dma2 semaphore(%arg13 : memref<!tpu.dma_semaphore, #tpu.memory_space<semaphore_mem>>) src(%arg9 : memref<1008xi32, #tpu.memory_space<vmem>>) dst(%dma_wait3A_530 : memref<1008xi32, #tpu.memory_space<hbm>>)
    %dma_wait3A_531 = arith.constant 0 : i32
    %dma_wait3A_532 = arith.constant 0 : i32
    %dma_wait3A_533 = tpu.memref_slice %arg4[%dma_wait3A_531, %dma_wait3A_532] : memref<65536x1008xi32, #tpu.memory_space<hbm>> -> memref<1x1008xi32, #tpu.memory_space<hbm>>
    %dma_wait3A_534 = tpu.memref_squeeze %dma_wait3A_533 : memref<1x1008xi32, #tpu.memory_space<hbm>> -> memref<1008xi32, #tpu.memory_space<hbm>>
    %dma_wait3A_535 = arith.constant 0 : i32
    %dma_wait3A_536 = tpu.memref_slice %arg4[%dma_wait3A_531, %dma_wait3A_535] : memref<65536x1008xi32, #tpu.memory_space<hbm>> -> memref<1x1008xi32, #tpu.memory_space<hbm>>
    %dma_wait3A_537 = tpu.memref_squeeze %dma_wait3A_536 : memref<1x1008xi32, #tpu.memory_space<hbm>> -> memref<1008xi32, #tpu.memory_space<hbm>>
    tpu.wait_dma2 semaphore(%arg14 : memref<!tpu.dma_semaphore, #tpu.memory_space<semaphore_mem>>) src(%arg10 : memref<1008xi32, #tpu.memory_space<vmem>>) dst(%dma_wait3A_537 : memref<1008xi32, #tpu.memory_space<hbm>>)
    return
  }
}

</mosaic_0001>

<sc_bundles>
// kernel: _sc_scatter.3.cloned.1.call-start
scs
__scs_entry_jumppad:
0x0: {  	(pc) =	sbr.rel $0x88, $3  }
0x1: {  	(tag) =	ssettag $0x0;
	lr =	simm.s32 $0x1  }
0x2: {  	[smem:$0x3F9F] =	sst lr;
	_ =	strace $0xD0000000  }
0x3: {  	_ = 	snop  }
0x4: {  	_ = 	snop  }
0x5: {  	_ = 	snop  }
0x6: {  	_ = 	snop  }
0x7: {  	_ = 	snop  }
__scs_overlays_trampoline_lowered:
0x8: {  	[smem:$0x3FAE] =	sst s0  }
0x9: {  	[smem:$0x3FAF] =	sst s1  }
0xa: {  	[smem:$0x3FB0] =	sst s2  }
0xb: {  	[smem:$0x3FB1] =	sst s3  }
0xc: {  	[smem:$0x3FB2] =	sst s4  }
0xd: {  	[smem:$0x3FB3] =	sst s5  }
0xe: {  	[smem:$0x3FB4] =	sst s6  }
0xf: {  	[smem:$0x3FB5] =	sst s7  }
0x10: {  	[smem:$0x3FB6] =	sst s8  }
0x11: {  	[smem:$0x3FB7] =	sst s9;
	s0 =	simm.s32 @!p0 $0x0  }
0x12: {  	s1 =	sld [smem:$0x3F9D];
	s0 =	simm.s32 @p0 $0x1  }
0x13: {  	[smem:$0x3FB8] =	sst s0;
	s0 =	simm.s32 @!p1 $0x0  }
0x14: {  	s2 =	sld [smem:$0x3F9C];
	s0 =	simm.s32 @p1 $0x1  }
0x15: {  	[smem:$0x3FB9] =	sst s0;
	s0 =	simm.s32 @!p2 $0x0  }
0x16: {  	s3 =	sld [smem:$0x3FDB];
	s0 =	simm.s32 @p2 $0x1  }
0x17: {  	s4 =	simm.s32 $0x1BF5;
	[smem:$0x3FBB] =	sst s0  }
0x18: {  	s0 =	sld [smem:$0x3F9E];
	_ =	swait.ge [sflag:s4], $0x0  }
0x19: {  	s7 =	sld [smem:$0x3F9F]  }
0x1a: {  	s8 =	sadd.s32 $0xFFFFE003, lr  }
0x1b: {  	s9 =	sadd.s32 $0xFFFFFEF7, lr;
	s5 =	simm.s32 $0xFFFFFFFF;
	p2 =	slt.u32 s8, $0xFFFFF086  }
0x1c: {  	p1 =	slt.u32 s9, $0xF7A;
	s5 =	simm.s32 @!p2 $0x0  }
0x1d: {  	s5 =	simm.s32 @p1 $0x1;
	p0 =	seq.s32 s7, s2  }
0x1e: {  	s7 =	smul.u32 @!p0 $0xF7A, s2;
	p2 =	seq.s32 @!p0 s5, $0x0  }
0x1f: {  	s9 =	smul.u32 $0xF7A, s1;
	s8 =	simm.s32 @!p0 $0x1BF5;
	p2 =	por !p2, p0  }
0x20: {  	[sflag:s8] =	ssyncset.s32 @!p0 $0xFFFFF086;
	s6 =	sadd.s32 @!p0 s3, s7;
	s7 =	simm.s32 @!p0 $0x108  }
0x21: {  	s3 =	sadd.s32 s3, s9;
	s6 =	sadd.s32 @!p0 $0x88, s6;
	s7 =	simm.s32 @p2 $0x1082  }
0x22: {  	[simem:s7], [sflag:s8] =	dma.local @!p0 [hbm:s6], $0xF7A  }
0x23: {  	s9 =	sor.u32 $0xD0000000, s2;
	s6 =	simm.s32 $0x108;
	_ =	swait.ge @!p0 [sflag:s8], $0x0  }
0x24: {  	s3 =	sadd.s32 $0x88, s3;
	s6 =	simm.s32 @!p1 $0x1082;
	[sflag:s4] =	ssyncset.s32 $0xFFFFF086  }
0x25: {  	[simem:s6], [sflag:s4] =	dma.local [hbm:s3], $0xF7A  }
0x26: {  	[smem:$0x3F9F] =	sst s1;
	(tag) =	ssettag s2;
	_ =	strace s9  }
0x27: {  	s1 =	sld [smem:$0x3FAF]  }
0x28: {  	s2 =	sld [smem:$0x3FB0]  }
0x29: {  	s4 =	sld [smem:$0x3FB2]  }
0x2a: {  	p0 =	seq.s32 s5, $0x0;
	s5 =	sld [smem:$0x3FB3]  }
0x2b: {  	s6 =	sld [smem:$0x3FB4]  }
0x2c: {  	s7 =	sld [smem:$0x3FB5]  }
0x2d: {  	s3 =	simm.s32 $0x108;
	s8 =	sld [smem:$0x3FB6]  }
0x2e: {  	s3 =	simm.s32 @!p0 $0x1082;
	s9 =	sld [smem:$0x3FB7]  }
0x2f: {  	lr =	sadd.s32 s0, s3;
	s0 =	sld [smem:$0x3FAE]  }
0x30: {  	s3 =	sld [smem:$0x3FB1]  }
0x31: {  	[smem:$0x3FBA] =	sst s10  }
0x32: {  	s10 =	sld [smem:$0x3FB8];
	_ =	sdelay $0x3  }
0x33: {  	p0 =	seq.s32 s10, $0x1;
	s10 =	sld [smem:$0x3FBA];
	_ =	sdelay $0x3  }
0x34: {  	[smem:$0x3FBA] =	sst s10  }
0x35: {  	s10 =	sld [smem:$0x3FB9];
	_ =	sdelay $0x3  }
0x36: {  	p1 =	seq.s32 s10, $0x1;
	s10 =	sld [smem:$0x3FBA];
	_ =	sdelay $0x3  }
0x37: {  	[smem:$0x3FBA] =	sst s10  }
0x38: {  	s10 =	sld [smem:$0x3FBB]  }
0x39: {  	_ = 	snop;
	(pc) =	sbr.ind lr, $3  }
0x3a: {  	_ = 	snop  }
0x3b: {  	_ = 	snop  }
0x3c: {  	p2 =	seq.s32 s10, $0x1;
	s10 =	sld [smem:$0x3FBA]  }
0x3d: {  	_ =	shalt  }
0x3e: {  	_ =	shalt  }
0x3f: {  	_ =	shalt  }
0x40: {  	_ =	shalt  }
0x41: {  	_ =	shalt  }
0x42: {  	_ =	shalt  }
0x43: {  	_ =	shalt  }
0x44: {  	_ =	shalt  }
0x45: {  	_ =	shalt  }
0x46: {  	_ =	shalt  }
0x47: {  	_ =	shalt  }
0x48: {  	_ =	shalt  }
0x49: {  	_ =	shalt  }
0x4a: {  	_ =	shalt  }
0x4b: {  	_ =	shalt  }
0x4c: {  	_ =	shalt  }
0x4d: {  	_ =	shalt  }
0x4e: {  	_ =	shalt  }
0x4f: {  	_ =	shalt  }
0x50: {  	_ =	shalt  }
0x51: {  	_ =	shalt  }
0x52: {  	_ =	shalt  }
0x53: {  	_ =	shalt  }
0x54: {  	_ =	shalt  }
0x55: {  	_ =	shalt  }
0x56: {  	_ =	shalt  }
0x57: {  	_ =	shalt  }
0x58: {  	_ =	shalt  }
0x59: {  	_ =	shalt  }
0x5a: {  	_ =	shalt  }
0x5b: {  	_ =	shalt  }
0x5c: {  	_ =	shalt  }
0x5d: {  	_ =	shalt  }
0x5e: {  	_ =	shalt  }
0x5f: {  	_ =	shalt  }
0x60: {  	_ =	shalt  }
0x61: {  	_ =	shalt  }
0x62: {  	_ =	shalt  }
0x63: {  	_ =	shalt  }
0x64: {  	_ =	shalt  }
0x65: {  	_ =	shalt  }
0x66: {  	_ =	shalt  }
0x67: {  	_ =	shalt  }
0x68: {  	_ =	shalt  }
0x69: {  	_ =	shalt  }
0x6a: {  	_ =	shalt  }
0x6b: {  	_ =	shalt  }
0x6c: {  	_ =	shalt  }
0x6d: {  	_ =	shalt  }
0x6e: {  	_ =	shalt  }
0x6f: {  	_ =	shalt  }
0x70: {  	_ =	shalt  }
0x71: {  	_ =	shalt  }
0x72: {  	_ =	shalt  }
0x73: {  	_ =	shalt  }
0x74: {  	_ =	shalt  }
0x75: {  	_ =	shalt  }
0x76: {  	_ =	shalt  }
0x77: {  	_ =	shalt  }
0x78: {  	_ =	shalt  }
0x79: {  	_ =	shalt  }
0x7a: {  	_ =	shalt  }
0x7b: {  	_ =	shalt  }
0x7c: {  	_ =	shalt  }
0x7d: {  	_ =	shalt  }
0x7e: {  	_ =	shalt  }
0x7f: {  	_ =	shalt  }
0x80: {  	_ =	shalt  }
0x81: {  	_ =	shalt  }
0x82: {  	_ =	shalt  }
0x83: {  	_ =	shalt  }
0x84: {  	_ =	shalt  }
0x85: {  	_ =	shalt  }
0x86: {  	_ =	shalt  }
0x87: {  	_ =	shalt  }
.Lfunc_end0:
.L_simem_size_0:
called_computation_lowered:
.L_overlay_start_0:
0x88: {  	s2 =	sld [smem:$0x3FD9]  }
0x89: {  	s3 =	sld [smem:$0x3FFE];
	_ =	sdelay $0x1  }
0x8a: {  	s1 =	srdreg.scid  }
0x8b: {  	s0 =	sand.u32 $0x1, s1  }
0x8c: {  	s17 =	sshll.u32 s0, $0xA;
	s2 =	sadd.s32 s3, s2  }
0x8d: {  	s2 =	sadd.s32 s2, s17  }
0x8e: {  	[smem:$0x3FC6] =	sst s2  }
0x8f: {  	_ = 	snop  }
0x90: {  	s2 =	sld [smem:$0x3FD0];
	(tm) =	ssettm $0x1  }
0x91: {  	s18 =	sld [smem:$0x3FFB];
	_ =	sdelay $0x3  }
0x92: {  	_ =	strace s18  }
0x93: {  	s3 =	sld [smem:$0x3FFC];
	_ =	sdelay $0x3  }
0x94: {  	_ =	strace s3  }
0x95: {  	s3 =	sld [smem:$0x3FFD];
	_ =	sdelay $0x3  }
0x96: {  	_ =	strace s3  }
0x97: {  	_ =	strace $0x8FFFFFFF  }
0x98: {  	s19 =	sld [smem:$0x3FDB];
	_ =	sdelay $0x1  }
0x99: {  	s4 =	simm.s32 $_scs_section_size  }
0x9a: {  	s5 =	simm.s32 $_size__tile_overlayer_lowered;
	s6 =	simm.s32 $_tile_overlayer_lowered  }
0x9b: {  	s22 =	simm.s32 $0x1BFF;
	s21 =	sshll.u32 s6, $0x1;
	s3 =	sadd.s32 s4, s19  }
0x9c: {  	s7 =	simm.s32 $0x0;
	s20 =	sshll.u32 s5, $0x1;
	s5 =	sadd.s32 s21, s3  }
0x9d: {  	[timem:s7], [sflag:s22] =	dma.local [hbm:s5], s20  }
0x9e: {  	_ =	swait.ge [sflag:s22], s20  }
0x9f: {  	s4 =	ssub.s32 $0x0, s20;
	[sflag:s22] =	ssyncset.done $0x0  }
0xa0: {  	[sflag:s22] =	ssyncadd.s32 s4;
	_ =	sdelay $0x1  }
0xa1: {  	s23 =	simm.s32 $0x1B8B  }
0xa2: {  	_ =	swait.ge [sflag:s23], $0x1  }
0xa3: {  	[sflag:s23] =	ssyncset.done $0x0  }
0xa4: {  	s25 =	simm.s32 $0x1B8E;
	s24 =	sld [smem:$0x3FFE];
	[sflag:s23] =	ssyncadd.s32 $0xFFFFFFFF  }
0xa5: {  	s26 =	simm.s32 $execute0_lowered;
	[smem:$0x3FD2] =	sst s25  }
0xa6: {  	s5 =	sshll.u32 s26, $0x1;
	_ =	strace $0x80000046;
	[dreg:$0x1] =	wrdreg $0xFFFFFFFF  }
0xa7: {  	s28 =	simm.s32 $_size_execute0_lowered;
	s3 =	sadd.s32 s3, s5;
	[dreg:$0x0] =	wrdreg $0x0  }
0xa8: {  	s5 =	sshll.u32 s28, $0x1;
	[dreg:$0x2] =	wrdreg s3  }
0xa9: {  	[dreg:$0x3] =	wrdreg s5  }
0xaa: {  	[dreg:$0x4] =	wrdreg $0xC0  }
0xab: {  	_ =	task [dreg:s7], $0x5FFFF  }
0xac: {  	[dreg:$0x1] =	wrdreg $0xFFFFFFFF  }
0xad: {  	[dreg:$0x0] =	wrdreg $0x60  }
0xae: {  	[dreg:$0x2] =	wrdreg s2  }
0xaf: {  	[dreg:$0x3] =	wrdreg s24  }
0xb0: {  	[dreg:$0x4] =	wrdreg $0x9  }
0xb1: {  	_ =	task.clear_ibuf [dreg:s7], $0x5FFFF;
	_ =	strace $0x90000046  }
0xb2: {  	s29 =	simm.s32 $0x9;
	_ =	strace $0x80000048  }
0xb3: {  	_ =	swait.ge [sflag:s29], $0x1  }
0xb4: {  	[sflag:s29] =	ssyncadd.s32 $0xFFFFFFFF  }
0xb5: {  	_ =	strace $0x90000048  }
0xb6: {  	_ =	sfence  }
0xb7: {  	s30 =	sld [smem:$0x0];
	_ =	sdelay $0x2  }
0xb8: {  	s31 =	sshll.u32 s1, $0xD;
	s1 =	sshrl.u32 s1, $0x2  }
0xb9: {  	s3 =	sand.u32 $0x4000, s31;
	s1 =	sadd.s32 s1, s30  }
0xba: {  	s0 =	sor.u32 s3, s0;
	s1 =	sshll.u32 s1, $0x11  }
0xbb: {  	s0 =	sor.u32 s1, s0  }
0xbc: {  	s0 =	sadd.s32 $0x8F2B, s0  }
0xbd: {  	[sflag:s0] =	ssyncadd.remote.s32 $0x1  }
0xbe: {  	_ =	sfence.sel $0xFFFF  }
0xbf: {  	[dreg:$0x0] =	wrdreg $0xFFFFFFFF;
	(pc) =	sbr.abs _section_cstart, $3  }
0xc0: {  	[dreg:$0x1] =	wrdreg $0xFFFFFFFF  }
0xc1: {  	_ =	task.clear_ibuf [dreg:s7], $0x2FFFF;
	_ =	strace $0x9FFFFFFF  }
0xc2: {  	(tm) =	ssettm $0x7FFFFFFF  }
0xc3: {  	_ =	shalt  }
tec
execute0_lowered:
.L_overlay_start_1:
0x0: {  	(tag) =	ssettag $0x1  }
0x1: {  	s1 =	srdreg.scid;
	s4 =	rddreg [dreg:$0x0]  }
0x2: {  	s0 =	stileid.u32;
	s6 =	rddreg [dreg:$0x1];
	s2 =	simm.s32 $0x0  }
0x3: {  	s13 =	simm.s32 $0xC800;
	s14 =	simm.s32 $0xCC00;
	s15 =	simm.s32 $0x1  }
0x4: {  	s16 =	simm.s32 $0x2;
	s17 =	simm.s32 $0x3;
	s18 =	simm.s32 $0x4  }
0x5: {  	s19 =	simm.s32 $0x0;
	s5 =	sand.u32 $0x1, s1;
	s1 =	rddreg [dreg:$0x2]  }
0x6: {  	s3 =	sshll.u32 s0, $0xC;
	[smem:$0x7FF] =	sst s2;
	s9 =	sshll.u32 s0, $0x8  }
0x7: {  	s10 =	sadd.s32 $0x10400, s6;
	s29 =	sshll.u32 s0, $0x13;
	s7 =	sshll.u32 s5, $0xB  }
0x8: {  	_ =	strace $0x80000047;
	s11 =	sshll.u32 s5, $0x7;
	s23 =	ssub.s32 $0x2, s5  }
0x9: {  	s30 =	sshll.u32 s5, $0x12;
	s7 =	sor.u32 s7, s3;
	s9 =	sor.u32 s11, s9  }
0xa: {  	s12 =	sshrl.u32 s23, $0x1;
	s3 =	sor.u32 $0xF, s7;
	s7 =	sshll.u32 s7, $0x7  }
0xb: {  	s11 =	sshll.u32 s9, $0x4;
	s9 =	sshll.u32 s9, $0x5;
	s8 =	sshll.u32 s3, $0x7  }
0xc: {  	s7 =	sadd.s32 s7, s10;
	s6 =	sadd.s32 s11, s6;
	s11 =	ssub.s32 s23, s12  }
0xd: {  	v0 =	vlaneseq.u32;
	s4 =	sadd.s32 s4, s9;
	s9 =	simm.s32 $0xC000;
	s21 =	sadd.s32 $0x460, s7  }
0xe: {  	v1 =	vimm.s32 $0xFFFFFFFF;
	v2 =	vadd.s32 $0x1, v0;
	s12 =	simm.s32 $0xC400;
	s22 =	sadd.s32 $0x450, s7;
	[dreg:$0x4] =	wrdreg s21  }
0xf: {  	v3 =	vadd.s32 $0x11, v0;
	v4 =	vor.u32 $0x10, v0;
	v5 =	vadd.s32 $0x21, v0;
	s8 =	sand.u32 $0x7C0400, s8;
	s24 =	sadd.s32 $0x440, s7;
	[dreg:$0x5] =	wrdreg s22  }
0x10: {  	v6 =	vor.u32 $0x20, v0;
	v7 =	vadd.s32 $0x31, v0;
	v8 =	vor.u32 $0x30, v0;
	s25 =	sadd.s32 $0x430, s7;
	s26 =	sadd.s32 $0x420, s7;
	[dreg:$0x6] =	wrdreg s24  }
0x11: {  	v9 =	vadd.s32 $0x41, v0;
	v10 =	vor.u32 $0x40, v0;
	v11 =	vadd.s32 $0x51, v0;
	s28 =	sadd.s32 $0x410, s7;
	s7 =	sadd.s32 $0x400, s7;
	[dreg:$0x7] =	wrdreg s25  }
0x12: {  	v12 =	vor.u32 $0x50, v0;
	v13 =	vadd.s32 $0x61, v0;
	v14 =	vor.u32 $0x60, v0;
	s5 =	sadd.s32 $0x400, s6;
	s8 =	sadd.s32 s8, s10;
	[dreg:$0x8] =	wrdreg s26  }
0x13: {  	v15 =	vadd.s32 $0x71, v0;
	v16 =	vor.u32 $0x70, v0;
	v17 =	vadd.s32 $0x81, v0;
	s6 =	smax.u32 s11, $0x1;
	[dreg:$0x9] =	wrdreg s28;
	s8 =	sadd.s32 $0x70, s8  }
0x14: {  	v18 =	vor.u32 $0x80, v0;
	v19 =	vadd.s32 $0x91, v0;
	v20 =	vor.u32 $0x90, v0;
	s11 =	simm.s32 $0x400;
	[dreg:$0x3] =	wrdreg s8;
	s8 =	sadd.s32 s29, s10  }
0x15: {  	v21 =	vadd.s32 $0xA1, v0;
	v22 =	vor.u32 $0xA0, v0;
	v23 =	vadd.s32 $0xB1, v0;
	[dreg:$0xa] =	wrdreg s7;
	s7 =	simm.s32 $0x5;
	s31 =	sadd.s32 s30, s8  }
0x16: {  	v24 =	vor.u32 $0xB0, v0;
	v25 =	vadd.s32 $0xB9, v0;
	v26 =	vadd.s32 $0xB8, v0;
	s10 =	simm.s32 $0x80;
	s8 =	simm.s32 $0x8000;
	[dreg:$0xb] =	wrdreg s31  }
.LBB2_1:
0x17: {  	[tilespmem:s2], [sflag:$0x5] =	stream.linear.gather [hbm4b:s4+s2], $0x8000, $0x38;
	[tilespmem:$0xD000] =	vst v63  }
0x18: {  	_ =	swait.ge [sflag:s7], $0x8000  }
0x19: {  	[sflag:s7] =	ssyncset.done $0x0  }
0x1a: {  	[sflag:s7] =	ssyncadd.s32 $0xFFFF8000  }
0x1b: {  	[tilespmem:s8], [sflag:$0x5] =	stream.linear.gather [hbm4b:s5+s2], $0x4000, $0x38;
	[tilespmem:$0xD000] =	vst v63  }
0x1c: {  	_ =	swait.ge [sflag:s7], $0x4000  }
0x1d: {  	[sflag:s7] =	ssyncset.done $0x0  }
0x1e: {  	[sflag:s7] =	ssyncadd.s32 $0xFFFFC000  }
0x1f: {  	[tilespmem:$0xC000] =	vst v1  }
0x20: {  	[tilespmem:$0xC010] =	vst v1  }
0x21: {  	[tilespmem:$0xC020] =	vst v1  }
0x22: {  	[tilespmem:$0xC030] =	vst v1  }
0x23: {  	[tilespmem:$0xC040] =	vst v1  }
0x24: {  	[tilespmem:$0xC050] =	vst v1  }
0x25: {  	[tilespmem:$0xC060] =	vst v1  }
0x26: {  	[tilespmem:$0xC070] =	vst v1  }
0x27: {  	[tilespmem:$0xC080] =	vst v1  }
0x28: {  	[tilespmem:$0xC090] =	vst v1  }
0x29: {  	[tilespmem:$0xC0A0] =	vst v1  }
0x2a: {  	[tilespmem:$0xC0B0] =	vst v1  }
0x2b: {  	[tilespmem:$0xC0C0] =	vst v1  }
0x2c: {  	[tilespmem:$0xC0D0] =	vst v1  }
0x2d: {  	[tilespmem:$0xC0E0] =	vst v1  }
0x2e: {  	[tilespmem:$0xC0F0] =	vst v1  }
0x2f: {  	[tilespmem:$0xC100] =	vst v1  }
0x30: {  	[tilespmem:$0xC110] =	vst v1  }
0x31: {  	[tilespmem:$0xC120] =	vst v1  }
0x32: {  	[tilespmem:$0xC130] =	vst v1  }
0x33: {  	[tilespmem:$0xC140] =	vst v1  }
0x34: {  	[tilespmem:$0xC150] =	vst v1  }
0x35: {  	[tilespmem:$0xC160] =	vst v1  }
0x36: {  	[tilespmem:$0xC170] =	vst v1  }
0x37: {  	[tilespmem:$0xC180] =	vst v1  }
0x38: {  	[tilespmem:$0xC190] =	vst v1  }
0x39: {  	[tilespmem:$0xC1A0] =	vst v1  }
0x3a: {  	[tilespmem:$0xC1B0] =	vst v1  }
0x3b: {  	[tilespmem:$0xC1C0] =	vst v1  }
0x3c: {  	[tilespmem:$0xC1D0] =	vst v1  }
0x3d: {  	[tilespmem:$0xC1E0] =	vst v1  }
0x3e: {  	[tilespmem:$0xC1F0] =	vst v1  }
0x3f: {  	[tilespmem:$0xC200] =	vst v1  }
0x40: {  	[tilespmem:$0xC210] =	vst v1  }
0x41: {  	[tilespmem:$0xC220] =	vst v1  }
0x42: {  	[tilespmem:$0xC230] =	vst v1  }
0x43: {  	[tilespmem:$0xC240] =	vst v1  }
0x44: {  	[tilespmem:$0xC250] =	vst v1  }
0x45: {  	[tilespmem:$0xC260] =	vst v1  }
0x46: {  	[tilespmem:$0xC270] =	vst v1  }
0x47: {  	[tilespmem:$0xC280] =	vst v1  }
0x48: {  	[tilespmem:$0xC290] =	vst v1  }
0x49: {  	[tilespmem:$0xC2A0] =	vst v1  }
0x4a: {  	[tilespmem:$0xC2B0] =	vst v1  }
0x4b: {  	[tilespmem:$0xC2C0] =	vst v1  }
0x4c: {  	[tilespmem:$0xC2D0] =	vst v1  }
0x4d: {  	[tilespmem:$0xC2E0] =	vst v1  }
0x4e: {  	[tilespmem:$0xC2F0] =	vst v1  }
0x4f: {  	[tilespmem:$0xC300] =	vst v1  }
0x50: {  	[tilespmem:$0xC310] =	vst v1  }
0x51: {  	[tilespmem:$0xC320] =	vst v1  }
0x52: {  	[tilespmem:$0xC330] =	vst v1  }
0x53: {  	[tilespmem:$0xC340] =	vst v1  }
0x54: {  	[tilespmem:$0xC350] =	vst v1  }
0x55: {  	[tilespmem:$0xC360] =	vst v1  }
0x56: {  	[tilespmem:$0xC370] =	vst v1  }
0x57: {  	[tilespmem:$0xC380] =	vst v1  }
0x58: {  	[tilespmem:$0xC390] =	vst v1  }
0x59: {  	[tilespmem:$0xC3A0] =	vst v1  }
0x5a: {  	[tilespmem:$0xC3B0] =	vst v1  }
0x5b: {  	[tilespmem:$0xC3C0] =	vst v1  }
0x5c: {  	[tilespmem:$0xC3D0] =	vst v1  }
0x5d: {  	[tilespmem:$0xC3E0] =	vst v1  }
0x5e: {  	[tilespmem:$0xC400] =	vst v1  }
0x5f: {  	[tilespmem:$0xC410] =	vst v1  }
0x60: {  	[tilespmem:$0xC420] =	vst v1  }
0x61: {  	[tilespmem:$0xC430] =	vst v1  }
0x62: {  	[tilespmem:$0xC440] =	vst v1  }
0x63: {  	[tilespmem:$0xC450] =	vst v1  }
0x64: {  	[tilespmem:$0xC460] =	vst v1  }
0x65: {  	[tilespmem:$0xC470] =	vst v1  }
0x66: {  	[tilespmem:$0xC480] =	vst v1  }
0x67: {  	[tilespmem:$0xC490] =	vst v1  }
0x68: {  	[tilespmem:$0xC4A0] =	vst v1  }
0x69: {  	[tilespmem:$0xC4B0] =	vst v1  }
0x6a: {  	[tilespmem:$0xC4C0] =	vst v1  }
0x6b: {  	[tilespmem:$0xC4D0] =	vst v1  }
0x6c: {  	[tilespmem:$0xC4E0] =	vst v1  }
0x6d: {  	[tilespmem:$0xC4F0] =	vst v1  }
0x6e: {  	[tilespmem:$0xC500] =	vst v1  }
0x6f: {  	[tilespmem:$0xC510] =	vst v1  }
0x70: {  	[tilespmem:$0xC520] =	vst v1  }
0x71: {  	[tilespmem:$0xC530] =	vst v1  }
0x72: {  	[tilespmem:$0xC540] =	vst v1  }
0x73: {  	[tilespmem:$0xC550] =	vst v1  }
0x74: {  	[tilespmem:$0xC560] =	vst v1  }
0x75: {  	[tilespmem:$0xC570] =	vst v1  }
0x76: {  	[tilespmem:$0xC580] =	vst v1  }
0x77: {  	[tilespmem:$0xC590] =	vst v1  }
0x78: {  	[tilespmem:$0xC5A0] =	vst v1  }
0x79: {  	[tilespmem:$0xC5B0] =	vst v1  }
0x7a: {  	[tilespmem:$0xC5C0] =	vst v1  }
0x7b: {  	[tilespmem:$0xC5D0] =	vst v1  }
0x7c: {  	[tilespmem:$0xC5E0] =	vst v1  }
0x7d: {  	[tilespmem:$0xC5F0] =	vst v1  }
0x7e: {  	[tilespmem:$0xC600] =	vst v1  }
0x7f: {  	[tilespmem:$0xC610] =	vst v1  }
0x80: {  	[tilespmem:$0xC620] =	vst v1  }
0x81: {  	[tilespmem:$0xC630] =	vst v1  }
0x82: {  	[tilespmem:$0xC640] =	vst v1  }
0x83: {  	[tilespmem:$0xC650] =	vst v1  }
0x84: {  	[tilespmem:$0xC660] =	vst v1  }
0x85: {  	[tilespmem:$0xC670] =	vst v1  }
0x86: {  	[tilespmem:$0xC680] =	vst v1  }
0x87: {  	[tilespmem:$0xC690] =	vst v1  }
0x88: {  	[tilespmem:$0xC6A0] =	vst v1  }
0x89: {  	[tilespmem:$0xC6B0] =	vst v1  }
0x8a: {  	[tilespmem:$0xC6C0] =	vst v1  }
0x8b: {  	[tilespmem:$0xC6D0] =	vst v1  }
0x8c: {  	[tilespmem:$0xC6E0] =	vst v1  }
0x8d: {  	[tilespmem:$0xC6F0] =	vst v1  }
0x8e: {  	[tilespmem:$0xC700] =	vst v1  }
0x8f: {  	[tilespmem:$0xC710] =	vst v1  }
0x90: {  	[tilespmem:$0xC720] =	vst v1  }
0x91: {  	[tilespmem:$0xC730] =	vst v1  }
0x92: {  	[tilespmem:$0xC740] =	vst v1  }
0x93: {  	[tilespmem:$0xC750] =	vst v1  }
0x94: {  	[tilespmem:$0xC760] =	vst v1  }
0x95: {  	[tilespmem:$0xC770] =	vst v1  }
0x96: {  	[tilespmem:$0xC780] =	vst v1  }
0x97: {  	[tilespmem:$0xC790] =	vst v1  }
0x98: {  	[tilespmem:$0xC7A0] =	vst v1  }
0x99: {  	[tilespmem:$0xC7B0] =	vst v1  }
0x9a: {  	[tilespmem:$0xC7C0] =	vst v1  }
0x9b: {  	[tilespmem:$0xC7D0] =	vst v1  }
0x9c: {  	[tilespmem:$0xC7E0] =	vst v1  }
0x9d: {  	[tilespmem:$0xC800] =	vst v1  }
0x9e: {  	[tilespmem:$0xC810] =	vst v1  }
0x9f: {  	[tilespmem:$0xC820] =	vst v1  }
0xa0: {  	[tilespmem:$0xC830] =	vst v1  }
0xa1: {  	[tilespmem:$0xC840] =	vst v1  }
0xa2: {  	[tilespmem:$0xC850] =	vst v1  }
0xa3: {  	[tilespmem:$0xC860] =	vst v1  }
0xa4: {  	[tilespmem:$0xC870] =	vst v1  }
0xa5: {  	[tilespmem:$0xC880] =	vst v1  }
0xa6: {  	[tilespmem:$0xC890] =	vst v1  }
0xa7: {  	[tilespmem:$0xC8A0] =	vst v1  }
0xa8: {  	[tilespmem:$0xC8B0] =	vst v1  }
0xa9: {  	[tilespmem:$0xC8C0] =	vst v1  }
0xaa: {  	[tilespmem:$0xC8D0] =	vst v1  }
0xab: {  	[tilespmem:$0xC8E0] =	vst v1  }
0xac: {  	[tilespmem:$0xC8F0] =	vst v1  }
0xad: {  	[tilespmem:$0xC900] =	vst v1  }
0xae: {  	[tilespmem:$0xC910] =	vst v1  }
0xaf: {  	[tilespmem:$0xC920] =	vst v1  }
0xb0: {  	[tilespmem:$0xC930] =	vst v1  }
0xb1: {  	[tilespmem:$0xC940] =	vst v1  }
0xb2: {  	[tilespmem:$0xC950] =	vst v1  }
0xb3: {  	[tilespmem:$0xC960] =	vst v1  }
0xb4: {  	[tilespmem:$0xC970] =	vst v1  }
0xb5: {  	[tilespmem:$0xC980] =	vst v1  }
0xb6: {  	[tilespmem:$0xC990] =	vst v1  }
0xb7: {  	[tilespmem:$0xC9A0] =	vst v1  }
0xb8: {  	[tilespmem:$0xC9B0] =	vst v1  }
0xb9: {  	[tilespmem:$0xC9C0] =	vst v1  }
0xba: {  	[tilespmem:$0xC9D0] =	vst v1  }
0xbb: {  	[tilespmem:$0xC9E0] =	vst v1  }
0xbc: {  	[tilespmem:$0xC9F0] =	vst v1  }
0xbd: {  	[tilespmem:$0xCA00] =	vst v1  }
0xbe: {  	[tilespmem:$0xCA10] =	vst v1  }
0xbf: {  	[tilespmem:$0xCA20] =	vst v1  }
0xc0: {  	[tilespmem:$0xCA30] =	vst v1  }
0xc1: {  	[tilespmem:$0xCA40] =	vst v1  }
0xc2: {  	[tilespmem:$0xCA50] =	vst v1  }
0xc3: {  	[tilespmem:$0xCA60] =	vst v1  }
0xc4: {  	[tilespmem:$0xCA70] =	vst v1  }
0xc5: {  	[tilespmem:$0xCA80] =	vst v1  }
0xc6: {  	[tilespmem:$0xCA90] =	vst v1  }
0xc7: {  	[tilespmem:$0xCAA0] =	vst v1  }
0xc8: {  	[tilespmem:$0xCAB0] =	vst v1  }
0xc9: {  	[tilespmem:$0xCAC0] =	vst v1  }
0xca: {  	[tilespmem:$0xCAD0] =	vst v1  }
0xcb: {  	[tilespmem:$0xCAE0] =	vst v1  }
0xcc: {  	[tilespmem:$0xCAF0] =	vst v1  }
0xcd: {  	[tilespmem:$0xCB00] =	vst v1  }
0xce: {  	[tilespmem:$0xCB10] =	vst v1  }
0xcf: {  	[tilespmem:$0xCB20] =	vst v1  }
0xd0: {  	[tilespmem:$0xCB30] =	vst v1  }
0xd1: {  	[tilespmem:$0xCB40] =	vst v1  }
0xd2: {  	[tilespmem:$0xCB50] =	vst v1  }
0xd3: {  	[tilespmem:$0xCB60] =	vst v1  }
0xd4: {  	[tilespmem:$0xCB70] =	vst v1  }
0xd5: {  	[tilespmem:$0xCB80] =	vst v1  }
0xd6: {  	[tilespmem:$0xCB90] =	vst v1  }
0xd7: {  	[tilespmem:$0xCBA0] =	vst v1  }
0xd8: {  	[tilespmem:$0xCBB0] =	vst v1  }
0xd9: {  	[tilespmem:$0xCBC0] =	vst v1  }
0xda: {  	[tilespmem:$0xCBD0] =	vst v1  }
0xdb: {  	[tilespmem:$0xCBE0] =	vst v1  }
0xdc: {  	[tilespmem:$0xCC00] =	vst v1  }
0xdd: {  	[tilespmem:$0xCC10] =	vst v1  }
0xde: {  	[tilespmem:$0xCC20] =	vst v1  }
0xdf: {  	[tilespmem:$0xCC30] =	vst v1  }
0xe0: {  	[tilespmem:$0xCC40] =	vst v1  }
0xe1: {  	[tilespmem:$0xCC50] =	vst v1  }
0xe2: {  	[tilespmem:$0xCC60] =	vst v1  }
0xe3: {  	[tilespmem:$0xCC70] =	vst v1  }
0xe4: {  	[tilespmem:$0xCC80] =	vst v1  }
0xe5: {  	[tilespmem:$0xCC90] =	vst v1  }
0xe6: {  	[tilespmem:$0xCCA0] =	vst v1  }
0xe7: {  	[tilespmem:$0xCCB0] =	vst v1  }
0xe8: {  	[tilespmem:$0xCCC0] =	vst v1  }
0xe9: {  	[tilespmem:$0xCCD0] =	vst v1  }
0xea: {  	[tilespmem:$0xCCE0] =	vst v1  }
0xeb: {  	[tilespmem:$0xCCF0] =	vst v1  }
0xec: {  	[tilespmem:$0xCD00] =	vst v1  }
0xed: {  	[tilespmem:$0xCD10] =	vst v1  }
0xee: {  	[tilespmem:$0xCD20] =	vst v1  }
0xef: {  	[tilespmem:$0xCD30] =	vst v1  }
0xf0: {  	[tilespmem:$0xCD40] =	vst v1  }
0xf1: {  	[tilespmem:$0xCD50] =	vst v1  }
0xf2: {  	[tilespmem:$0xCD60] =	vst v1  }
0xf3: {  	[tilespmem:$0xCD70] =	vst v1  }
0xf4: {  	[tilespmem:$0xCD80] =	vst v1  }
0xf5: {  	[tilespmem:$0xCD90] =	vst v1  }
0xf6: {  	[tilespmem:$0xCDA0] =	vst v1  }
0xf7: {  	[tilespmem:$0xCDB0] =	vst v1  }
0xf8: {  	[tilespmem:$0xCDC0] =	vst v1  }
0xf9: {  	[tilespmem:$0xCDD0] =	vst v1  }
0xfa: {  	[tilespmem:$0xCDE0] =	vst v1  }
0xfb: {  	[tilespmem:$0xCDF0] =	vst v1  }
0xfc: {  	[tilespmem:$0xCE00] =	vst v1  }
0xfd: {  	[tilespmem:$0xCE10] =	vst v1  }
0xfe: {  	[tilespmem:$0xCE20] =	vst v1  }
0xff: {  	[tilespmem:$0xCE30] =	vst v1  }
0x100: {  	[tilespmem:$0xCE40] =	vst v1  }
0x101: {  	[tilespmem:$0xCE50] =	vst v1  }
0x102: {  	[tilespmem:$0xCE60] =	vst v1  }
0x103: {  	[tilespmem:$0xCE70] =	vst v1  }
0x104: {  	[tilespmem:$0xCE80] =	vst v1  }
0x105: {  	[tilespmem:$0xCE90] =	vst v1  }
0x106: {  	[tilespmem:$0xCEA0] =	vst v1  }
0x107: {  	[tilespmem:$0xCEB0] =	vst v1  }
0x108: {  	[tilespmem:$0xCEC0] =	vst v1  }
0x109: {  	[tilespmem:$0xCED0] =	vst v1  }
0x10a: {  	[tilespmem:$0xCEE0] =	vst v1  }
0x10b: {  	[tilespmem:$0xCEF0] =	vst v1  }
0x10c: {  	[tilespmem:$0xCF00] =	vst v1  }
0x10d: {  	[tilespmem:$0xCF10] =	vst v1  }
0x10e: {  	[tilespmem:$0xCF20] =	vst v1  }
0x10f: {  	[tilespmem:$0xCF30] =	vst v1  }
0x110: {  	[tilespmem:$0xCF40] =	vst v1  }
0x111: {  	[tilespmem:$0xCF50] =	vst v1  }
0x112: {  	[tilespmem:$0xCF60] =	vst v1  }
0x113: {  	[tilespmem:$0xCF70] =	vst v1  }
0x114: {  	[tilespmem:$0xCF80] =	vst v1  }
0x115: {  	[tilespmem:$0xCF90] =	vst v1  }
0x116: {  	[tilespmem:$0xCFA0] =	vst v1  }
0x117: {  	[tilespmem:$0xCFB0] =	vst v1  }
0x118: {  	[tilespmem:$0xCFC0] =	vst v1  }
0x119: {  	s20 =	simm.s32 $0x8010;
	s21 =	smov.u32 s3;
	[tilespmem:$0xCFD0] =	vst v1  }
0x11a: {  	s22 =	simm.s32 $0x0;
	s23 =	simm.s32 $0x0;
	s24 =	simm.s32 $0x0;
	[tilespmem:$0xCFE0] =	vst v1  }
.LBB2_2:
0x11b: {  	v28 =	vld [tilespmem:s20+$0xFFFFFFF0]  }
0x11c: {  	p0 =	seq.s32 s24, $0x0  }
0x11d: {  	s25 =	simm.s32 @!p0 $0x1  }
0x11e: {  	v27 =	vld [tilespmem:s20+$0x0];
	_ =	swait.ge @!p0 [sflag:s25], $0x400  }
0x11f: {  	s26 =	sand.u32 $0x7800, s23;
	s28 =	sand.u32 $0x380, s22;
	[sflag:s25] =	ssyncset.done @!p0 $0x0  }
0x120: {  	[sflag:s25] =	ssyncadd.s32 @!p0 $0xFFFFFC00;
	s25 =	sor.u32 s28, s26;
	v29 =	vbroadcast v28, $0x0;
	v30 =	vbroadcast v28, $0x1  }
0x121: {  	v31 =	vld [tilespmem:s25+$0x0]  }
0x122: {  	vm0 =	vlt.s32 v29, v2;
	vm1 =	vgt.s32 v30, v0  }
0x123: {  	vm0 =	vmand vm0, vm1;
	_ =	sdelay $0x3  }
0x124: {  	s29 =	sadd.s32 $0xFFFFFFF1, s21  }
0x125: {  	v32 =	vmov s29  }
0x126: {  	[tilespmem:v31+s9+$0x0] =	vst.idx.msk vm0, v32  }
0x127: {  	v31 =	vld [tilespmem:s25+$0x10]  }
0x128: {  	vm10 =	vlt.s32 v29, v3;
	vm11 =	vgt.s32 v30, v4  }
0x129: {  	vm0 =	vmand vm10, vm11;
	_ =	sdelay $0x5  }
0x12a: {  	[tilespmem:v31+s9+$0x0] =	vst.idx.msk vm0, v32  }
0x12b: {  	v31 =	vld [tilespmem:s25+$0x20]  }
0x12c: {  	vm12 =	vlt.s32 v29, v5;
	vm13 =	vgt.s32 v30, v6  }
0x12d: {  	vm0 =	vmand vm12, vm13;
	_ =	sdelay $0x5  }
0x12e: {  	[tilespmem:v31+s9+$0x0] =	vst.idx.msk vm0, v32  }
0x12f: {  	v31 =	vld [tilespmem:s25+$0x30]  }
0x130: {  	vm14 =	vlt.s32 v29, v7;
	vm15 =	vgt.s32 v30, v8  }
0x131: {  	vm0 =	vmand vm14, vm15;
	_ =	sdelay $0x5  }
0x132: {  	[tilespmem:v31+s9+$0x0] =	vst.idx.msk vm0, v32  }
0x133: {  	v31 =	vld [tilespmem:s25+$0x40]  }
0x134: {  	vm4 =	vlt.s32 v29, v9;
	vm5 =	vgt.s32 v30, v10  }
0x135: {  	vm0 =	vmand vm4, vm5;
	_ =	sdelay $0x5  }
0x136: {  	[tilespmem:v31+s9+$0x0] =	vst.idx.msk vm0, v32  }
0x137: {  	v31 =	vld [tilespmem:s25+$0x50]  }
0x138: {  	vm6 =	vlt.s32 v29, v11;
	vm7 =	vgt.s32 v30, v12  }
0x139: {  	vm0 =	vmand vm6, vm7;
	_ =	sdelay $0x5  }
0x13a: {  	[tilespmem:v31+s9+$0x0] =	vst.idx.msk vm0, v32  }
0x13b: {  	v31 =	vld [tilespmem:s25+$0x60]  }
0x13c: {  	vm8 =	vlt.s32 v29, v13;
	vm9 =	vgt.s32 v30, v14  }
0x13d: {  	vm0 =	vmand vm8, vm9;
	_ =	sdelay $0x5  }
0x13e: {  	[tilespmem:v31+s9+$0x0] =	vst.idx.msk vm0, v32  }
0x13f: {  	v31 =	vld [tilespmem:s25+$0x70]  }
0x140: {  	vm10 =	vlt.s32 v29, v15;
	vm11 =	vgt.s32 v30, v16  }
0x141: {  	vm0 =	vmand vm10, vm11;
	_ =	sdelay $0x5  }
0x142: {  	[tilespmem:v31+s9+$0x0] =	vst.idx.msk vm0, v32  }
0x143: {  	v31 =	vld [tilespmem:s25+$0x400]  }
0x144: {  	vm12 =	vlt.s32 v29, v17;
	vm13 =	vgt.s32 v30, v18  }
0x145: {  	vm0 =	vmand vm12, vm13;
	_ =	sdelay $0x5  }
0x146: {  	[tilespmem:v31+s9+$0x0] =	vst.idx.msk vm0, v32  }
0x147: {  	v31 =	vld [tilespmem:s25+$0x410]  }
0x148: {  	vm14 =	vlt.s32 v29, v19;
	vm15 =	vgt.s32 v30, v20  }
0x149: {  	vm0 =	vmand vm14, vm15;
	_ =	sdelay $0x5  }
0x14a: {  	[tilespmem:v31+s9+$0x0] =	vst.idx.msk vm0, v32  }
0x14b: {  	v31 =	vld [tilespmem:s25+$0x420]  }
0x14c: {  	vm4 =	vlt.s32 v29, v21;
	vm5 =	vgt.s32 v30, v22  }
0x14d: {  	vm0 =	vmand vm4, vm5;
	_ =	sdelay $0x5  }
0x14e: {  	[tilespmem:v31+s9+$0x0] =	vst.idx.msk vm0, v32  }
0x14f: {  	v31 =	vld [tilespmem:s25+$0x430]  }
0x150: {  	vm6 =	vlt.s32 v29, v23;
	vm7 =	vgt.s32 v30, v24  }
0x151: {  	vm0 =	vmand vm6, vm7;
	_ =	sdelay $0x5  }
0x152: {  	[tilespmem:v31+s9+$0x0] =	vst.idx.msk vm0, v32  }
0x153: {  	v31 =	vld [tilespmem:s25+$0x438]  }
0x154: {  	vm8 =	vlt.s32 v29, v25;
	vm9 =	vgt.s32 v30, v26  }
0x155: {  	vm0 =	vmand vm8, vm9;
	_ =	sdelay $0x4  }
0x156: {  	s30 =	rddreg [dreg:$0xb]  }
0x157: {  	s26 =	sadd.s32 s24, s30;
	s28 =	simm.s32 @!p0 $0x2;
	[tilespmem:v31+s9+$0x0] =	vst.idx.msk vm0, v32  }
0x158: {  	[hbm4b:s26+s10] =	stream.strided.scatter [tilespmem:s9], [sflag:$0x1], $0x400, s11, s10, $0x38;
	[tilespmem:$0xD000] =	vst v63  }
0x159: {  	_ =	swait.ge @!p0 [sflag:s28], $0x400  }
0x15a: {  	[sflag:s28] =	ssyncset.done @!p0 $0x0  }
0x15b: {  	v37 =	vbroadcast v28, $0x2;
	v38 =	vbroadcast v28, $0x3;
	[sflag:s28] =	ssyncadd.s32 @!p0 $0xFFFFFC00  }
0x15c: {  	v39 =	vld [tilespmem:s25+$0x0]  }
0x15d: {  	vm10 =	vlt.s32 v37, v2;
	vm11 =	vgt.s32 v38, v0  }
0x15e: {  	vm0 =	vmand vm10, vm11;
	_ =	sdelay $0x3  }
0x15f: {  	s31 =	sadd.s32 $0xFFFFFFF2, s21  }
0x160: {  	v40 =	vmov s31  }
0x161: {  	[tilespmem:v39+s12+$0x0] =	vst.idx.msk vm0, v40  }
0x162: {  	v31 =	vld [tilespmem:s25+$0x10]  }
0x163: {  	vm12 =	vlt.s32 v37, v3;
	vm13 =	vgt.s32 v38, v4  }
0x164: {  	vm0 =	vmand vm12, vm13;
	_ =	sdelay $0x5  }
0x165: {  	[tilespmem:v31+s12+$0x0] =	vst.idx.msk vm0, v40  }
0x166: {  	v31 =	vld [tilespmem:s25+$0x20]  }
0x167: {  	vm14 =	vlt.s32 v37, v5;
	vm15 =	vgt.s32 v38, v6  }
0x168: {  	vm0 =	vmand vm14, vm15;
	_ =	sdelay $0x5  }
0x169: {  	[tilespmem:v31+s12+$0x0] =	vst.idx.msk vm0, v40  }
0x16a: {  	v31 =	vld [tilespmem:s25+$0x30]  }
0x16b: {  	vm4 =	vlt.s32 v37, v7;
	vm5 =	vgt.s32 v38, v8  }
0x16c: {  	vm0 =	vmand vm4, vm5;
	_ =	sdelay $0x5  }
0x16d: {  	[tilespmem:v31+s12+$0x0] =	vst.idx.msk vm0, v40  }
0x16e: {  	v31 =	vld [tilespmem:s25+$0x40]  }
0x16f: {  	vm6 =	vlt.s32 v37, v9;
	vm7 =	vgt.s32 v38, v10  }
0x170: {  	vm0 =	vmand vm6, vm7;
	_ =	sdelay $0x5  }
0x171: {  	[tilespmem:v31+s12+$0x0] =	vst.idx.msk vm0, v40  }
0x172: {  	v31 =	vld [tilespmem:s25+$0x50]  }
0x173: {  	vm8 =	vlt.s32 v37, v11;
	vm9 =	vgt.s32 v38, v12  }
0x174: {  	vm0 =	vmand vm8, vm9;
	_ =	sdelay $0x5  }
0x175: {  	[tilespmem:v31+s12+$0x0] =	vst.idx.msk vm0, v40  }
0x176: {  	v31 =	vld [tilespmem:s25+$0x60]  }
0x177: {  	vm10 =	vlt.s32 v37, v13;
	vm11 =	vgt.s32 v38, v14  }
0x178: {  	vm0 =	vmand vm10, vm11;
	_ =	sdelay $0x5  }
0x179: {  	[tilespmem:v31+s12+$0x0] =	vst.idx.msk vm0, v40  }
0x17a: {  	v31 =	vld [tilespmem:s25+$0x70]  }
0x17b: {  	vm12 =	vlt.s32 v37, v15;
	vm13 =	vgt.s32 v38, v16  }
0x17c: {  	vm0 =	vmand vm12, vm13;
	_ =	sdelay $0x5  }
0x17d: {  	[tilespmem:v31+s12+$0x0] =	vst.idx.msk vm0, v40  }
0x17e: {  	v31 =	vld [tilespmem:s25+$0x400]  }
0x17f: {  	vm14 =	vlt.s32 v37, v17;
	vm15 =	vgt.s32 v38, v18  }
0x180: {  	vm0 =	vmand vm14, vm15;
	_ =	sdelay $0x5  }
0x181: {  	[tilespmem:v31+s12+$0x0] =	vst.idx.msk vm0, v40  }
0x182: {  	v31 =	vld [tilespmem:s25+$0x410]  }
0x183: {  	vm4 =	vlt.s32 v37, v19;
	vm5 =	vgt.s32 v38, v20  }
0x184: {  	vm0 =	vmand vm4, vm5;
	_ =	sdelay $0x5  }
0x185: {  	[tilespmem:v31+s12+$0x0] =	vst.idx.msk vm0, v40  }
0x186: {  	v31 =	vld [tilespmem:s25+$0x420]  }
0x187: {  	vm6 =	vlt.s32 v37, v21;
	vm7 =	vgt.s32 v38, v22  }
0x188: {  	vm0 =	vmand vm6, vm7;
	_ =	sdelay $0x5  }
0x189: {  	[tilespmem:v31+s12+$0x0] =	vst.idx.msk vm0, v40  }
0x18a: {  	v31 =	vld [tilespmem:s25+$0x430]  }
0x18b: {  	vm8 =	vlt.s32 v37, v23;
	vm9 =	vgt.s32 v38, v24  }
0x18c: {  	vm0 =	vmand vm8, vm9;
	_ =	sdelay $0x5  }
0x18d: {  	[tilespmem:v31+s12+$0x0] =	vst.idx.msk vm0, v40  }
0x18e: {  	v31 =	vld [tilespmem:s25+$0x438]  }
0x18f: {  	vm10 =	vlt.s32 v37, v25;
	vm11 =	vgt.s32 v38, v26  }
0x190: {  	vm0 =	vmand vm10, vm11;
	_ =	sdelay $0x5  }
0x191: {  	s29 =	sadd.s32 $0x10, s26;
	s28 =	simm.s32 @!p0 $0x3;
	[tilespmem:v31+s12+$0x0] =	vst.idx.msk vm0, v40  }
0x192: {  	[hbm4b:s29+s10] =	stream.strided.scatter [tilespmem:s12], [sflag:$0x2], $0x400, s11, s10, $0x38;
	[tilespmem:$0xD000] =	vst v63  }
0x193: {  	_ =	swait.ge @!p0 [sflag:s28], $0x400  }
0x194: {  	[sflag:s28] =	ssyncset.done @!p0 $0x0  }
0x195: {  	v41 =	vbroadcast v28, $0x4;
	v42 =	vbroadcast v28, $0x5;
	[sflag:s28] =	ssyncadd.s32 @!p0 $0xFFFFFC00  }
0x196: {  	v43 =	vld [tilespmem:s25+$0x0]  }
0x197: {  	vm12 =	vlt.s32 v41, v2;
	vm13 =	vgt.s32 v42, v0  }
0x198: {  	vm0 =	vmand vm12, vm13;
	_ =	sdelay $0x3  }
0x199: {  	s30 =	sadd.s32 $0xFFFFFFF3, s21  }
0x19a: {  	v44 =	vmov s30  }
0x19b: {  	[tilespmem:v43+s13+$0x0] =	vst.idx.msk vm0, v44  }
0x19c: {  	v31 =	vld [tilespmem:s25+$0x10]  }
0x19d: {  	vm14 =	vlt.s32 v41, v3;
	vm15 =	vgt.s32 v42, v4  }
0x19e: {  	vm0 =	vmand vm14, vm15;
	_ =	sdelay $0x5  }
0x19f: {  	[tilespmem:v31+s13+$0x0] =	vst.idx.msk vm0, v44  }
0x1a0: {  	v31 =	vld [tilespmem:s25+$0x20]  }
0x1a1: {  	vm4 =	vlt.s32 v41, v5;
	vm5 =	vgt.s32 v42, v6  }
0x1a2: {  	vm0 =	vmand vm4, vm5;
	_ =	sdelay $0x5  }
0x1a3: {  	[tilespmem:v31+s13+$0x0] =	vst.idx.msk vm0, v44  }
0x1a4: {  	v31 =	vld [tilespmem:s25+$0x30]  }
0x1a5: {  	vm6 =	vlt.s32 v41, v7;
	vm7 =	vgt.s32 v42, v8  }
0x1a6: {  	vm0 =	vmand vm6, vm7;
	_ =	sdelay $0x5  }
0x1a7: {  	[tilespmem:v31+s13+$0x0] =	vst.idx.msk vm0, v44  }
0x1a8: {  	v31 =	vld [tilespmem:s25+$0x40]  }
0x1a9: {  	vm8 =	vlt.s32 v41, v9;
	vm9 =	vgt.s32 v42, v10  }
0x1aa: {  	vm0 =	vmand vm8, vm9;
	_ =	sdelay $0x5  }
0x1ab: {  	[tilespmem:v31+s13+$0x0] =	vst.idx.msk vm0, v44  }
0x1ac: {  	v31 =	vld [tilespmem:s25+$0x50]  }
0x1ad: {  	vm10 =	vlt.s32 v41, v11;
	vm11 =	vgt.s32 v42, v12  }
0x1ae: {  	vm0 =	vmand vm10, vm11;
	_ =	sdelay $0x5  }
0x1af: {  	[tilespmem:v31+s13+$0x0] =	vst.idx.msk vm0, v44  }
0x1b0: {  	v31 =	vld [tilespmem:s25+$0x60]  }
0x1b1: {  	vm12 =	vlt.s32 v41, v13;
	vm13 =	vgt.s32 v42, v14  }
0x1b2: {  	vm0 =	vmand vm12, vm13;
	_ =	sdelay $0x5  }
0x1b3: {  	[tilespmem:v31+s13+$0x0] =	vst.idx.msk vm0, v44  }
0x1b4: {  	v31 =	vld [tilespmem:s25+$0x70]  }
0x1b5: {  	vm14 =	vlt.s32 v41, v15;
	vm15 =	vgt.s32 v42, v16  }
0x1b6: {  	vm0 =	vmand vm14, vm15;
	_ =	sdelay $0x5  }
0x1b7: {  	[tilespmem:v31+s13+$0x0] =	vst.idx.msk vm0, v44  }
0x1b8: {  	v31 =	vld [tilespmem:s25+$0x400]  }
0x1b9: {  	vm4 =	vlt.s32 v41, v17;
	vm5 =	vgt.s32 v42, v18  }
0x1ba: {  	vm0 =	vmand vm4, vm5;
	_ =	sdelay $0x5  }
0x1bb: {  	[tilespmem:v31+s13+$0x0] =	vst.idx.msk vm0, v44  }
0x1bc: {  	v31 =	vld [tilespmem:s25+$0x410]  }
0x1bd: {  	vm6 =	vlt.s32 v41, v19;
	vm7 =	vgt.s32 v42, v20  }
0x1be: {  	vm0 =	vmand vm6, vm7;
	_ =	sdelay $0x5  }
0x1bf: {  	[tilespmem:v31+s13+$0x0] =	vst.idx.msk vm0, v44  }
0x1c0: {  	v31 =	vld [tilespmem:s25+$0x420]  }
0x1c1: {  	vm8 =	vlt.s32 v41, v21;
	vm9 =	vgt.s32 v42, v22  }
0x1c2: {  	vm0 =	vmand vm8, vm9;
	_ =	sdelay $0x5  }
0x1c3: {  	[tilespmem:v31+s13+$0x0] =	vst.idx.msk vm0, v44  }
0x1c4: {  	v31 =	vld [tilespmem:s25+$0x430]  }
0x1c5: {  	vm10 =	vlt.s32 v41, v23;
	vm11 =	vgt.s32 v42, v24  }
0x1c6: {  	vm0 =	vmand vm10, vm11;
	_ =	sdelay $0x5  }
0x1c7: {  	[tilespmem:v31+s13+$0x0] =	vst.idx.msk vm0, v44  }
0x1c8: {  	v31 =	vld [tilespmem:s25+$0x438]  }
0x1c9: {  	vm12 =	vlt.s32 v41, v25;
	vm13 =	vgt.s32 v42, v26  }
0x1ca: {  	vm0 =	vmand vm12, vm13;
	_ =	sdelay $0x5  }
0x1cb: {  	s31 =	sadd.s32 $0x20, s26;
	s28 =	simm.s32 @!p0 $0x4;
	[tilespmem:v31+s13+$0x0] =	vst.idx.msk vm0, v44  }
0x1cc: {  	[hbm4b:s31+s10] =	stream.strided.scatter [tilespmem:s13], [sflag:$0x3], $0x400, s11, s10, $0x38;
	[tilespmem:$0xD000] =	vst v63  }
0x1cd: {  	_ =	swait.ge @!p0 [sflag:s28], $0x400  }
0x1ce: {  	[sflag:s28] =	ssyncset.done @!p0 $0x0  }
0x1cf: {  	v45 =	vbroadcast v28, $0x6;
	v46 =	vbroadcast v28, $0x7;
	[sflag:s28] =	ssyncadd.s32 @!p0 $0xFFFFFC00  }
0x1d0: {  	v47 =	vld [tilespmem:s25+$0x0]  }
0x1d1: {  	vm14 =	vlt.s32 v45, v2;
	vm15 =	vgt.s32 v46, v0  }
0x1d2: {  	vm0 =	vmand vm14, vm15;
	_ =	sdelay $0x3  }
0x1d3: {  	s29 =	sadd.s32 $0xFFFFFFF4, s21  }
0x1d4: {  	v48 =	vmov s29  }
0x1d5: {  	[tilespmem:v47+s14+$0x0] =	vst.idx.msk vm0, v48  }
0x1d6: {  	v31 =	vld [tilespmem:s25+$0x10]  }
0x1d7: {  	vm4 =	vlt.s32 v45, v3;
	vm5 =	vgt.s32 v46, v4  }
0x1d8: {  	vm0 =	vmand vm4, vm5;
	_ =	sdelay $0x5  }
0x1d9: {  	[tilespmem:v31+s14+$0x0] =	vst.idx.msk vm0, v48  }
0x1da: {  	v31 =	vld [tilespmem:s25+$0x20]  }
0x1db: {  	vm6 =	vlt.s32 v45, v5;
	vm7 =	vgt.s32 v46, v6  }
0x1dc: {  	vm0 =	vmand vm6, vm7;
	_ =	sdelay $0x5  }
0x1dd: {  	[tilespmem:v31+s14+$0x0] =	vst.idx.msk vm0, v48  }
0x1de: {  	v31 =	vld [tilespmem:s25+$0x30]  }
0x1df: {  	vm8 =	vlt.s32 v45, v7;
	vm9 =	vgt.s32 v46, v8  }
0x1e0: {  	vm0 =	vmand vm8, vm9;
	_ =	sdelay $0x5  }
0x1e1: {  	[tilespmem:v31+s14+$0x0] =	vst.idx.msk vm0, v48  }
0x1e2: {  	v31 =	vld [tilespmem:s25+$0x40]  }
0x1e3: {  	vm10 =	vlt.s32 v45, v9;
	vm11 =	vgt.s32 v46, v10  }
0x1e4: {  	vm0 =	vmand vm10, vm11;
	_ =	sdelay $0x5  }
0x1e5: {  	[tilespmem:v31+s14+$0x0] =	vst.idx.msk vm0, v48  }
0x1e6: {  	v31 =	vld [tilespmem:s25+$0x50]  }
0x1e7: {  	vm12 =	vlt.s32 v45, v11;
	vm13 =	vgt.s32 v46, v12  }
0x1e8: {  	vm0 =	vmand vm12, vm13;
	_ =	sdelay $0x5  }
0x1e9: {  	[tilespmem:v31+s14+$0x0] =	vst.idx.msk vm0, v48  }
0x1ea: {  	v31 =	vld [tilespmem:s25+$0x60]  }
0x1eb: {  	vm14 =	vlt.s32 v45, v13;
	vm15 =	vgt.s32 v46, v14  }
0x1ec: {  	vm0 =	vmand vm14, vm15;
	_ =	sdelay $0x5  }
0x1ed: {  	[tilespmem:v31+s14+$0x0] =	vst.idx.msk vm0, v48  }
0x1ee: {  	v31 =	vld [tilespmem:s25+$0x70]  }
0x1ef: {  	vm4 =	vlt.s32 v45, v15;
	vm5 =	vgt.s32 v46, v16  }
0x1f0: {  	vm0 =	vmand vm4, vm5;
	_ =	sdelay $0x5  }
0x1f1: {  	[tilespmem:v31+s14+$0x0] =	vst.idx.msk vm0, v48  }
0x1f2: {  	v31 =	vld [tilespmem:s25+$0x400]  }
0x1f3: {  	vm6 =	vlt.s32 v45, v17;
	vm7 =	vgt.s32 v46, v18  }
0x1f4: {  	vm0 =	vmand vm6, vm7;
	_ =	sdelay $0x5  }
0x1f5: {  	[tilespmem:v31+s14+$0x0] =	vst.idx.msk vm0, v48  }
0x1f6: {  	v31 =	vld [tilespmem:s25+$0x410]  }
0x1f7: {  	vm8 =	vlt.s32 v45, v19;
	vm9 =	vgt.s32 v46, v20  }
0x1f8: {  	vm0 =	vmand vm8, vm9;
	_ =	sdelay $0x5  }
0x1f9: {  	[tilespmem:v31+s14+$0x0] =	vst.idx.msk vm0, v48  }
0x1fa: {  	v31 =	vld [tilespmem:s25+$0x420]  }
0x1fb: {  	vm10 =	vlt.s32 v45, v21;
	vm11 =	vgt.s32 v46, v22  }
0x1fc: {  	vm0 =	vmand vm10, vm11;
	_ =	sdelay $0x5  }
0x1fd: {  	[tilespmem:v31+s14+$0x0] =	vst.idx.msk vm0, v48  }
0x1fe: {  	v31 =	vld [tilespmem:s25+$0x430]  }
0x1ff: {  	vm12 =	vlt.s32 v45, v23;
	vm13 =	vgt.s32 v46, v24  }
0x200: {  	vm0 =	vmand vm12, vm13;
	_ =	sdelay $0x5  }
0x201: {  	[tilespmem:v31+s14+$0x0] =	vst.idx.msk vm0, v48  }
0x202: {  	v31 =	vld [tilespmem:s25+$0x438]  }
0x203: {  	vm14 =	vlt.s32 v45, v25;
	vm15 =	vgt.s32 v46, v26  }
0x204: {  	vm0 =	vmand vm14, vm15;
	_ =	sdelay $0x5  }
0x205: {  	s30 =	sadd.s32 $0x30, s26;
	[tilespmem:v31+s14+$0x0] =	vst.idx.msk vm0, v48  }
0x206: {  	[hbm4b:s30+s10] =	stream.strided.scatter [tilespmem:s14], [sflag:$0x4], $0x400, s11, s10, $0x38;
	[tilespmem:$0xD000] =	vst v63  }
0x207: {  	_ =	swait.ge [sflag:s15], $0x400  }
0x208: {  	[sflag:s15] =	ssyncset.done $0x0  }
0x209: {  	v49 =	vbroadcast v28, $0x8;
	v50 =	vbroadcast v28, $0x9;
	[sflag:s15] =	ssyncadd.s32 $0xFFFFFC00  }
0x20a: {  	v51 =	vld [tilespmem:s25+$0x0]  }
0x20b: {  	vm4 =	vlt.s32 v49, v2;
	vm5 =	vgt.s32 v50, v0  }
0x20c: {  	vm0 =	vmand vm4, vm5;
	_ =	sdelay $0x3  }
0x20d: {  	s31 =	sadd.s32 $0xFFFFFFF5, s21  }
0x20e: {  	v52 =	vmov s31  }
0x20f: {  	[tilespmem:v51+s9+$0x0] =	vst.idx.msk vm0, v52  }
0x210: {  	v31 =	vld [tilespmem:s25+$0x10]  }
0x211: {  	vm6 =	vlt.s32 v49, v3;
	vm7 =	vgt.s32 v50, v4  }
0x212: {  	vm0 =	vmand vm6, vm7;
	_ =	sdelay $0x5  }
0x213: {  	[tilespmem:v31+s9+$0x0] =	vst.idx.msk vm0, v52  }
0x214: {  	v31 =	vld [tilespmem:s25+$0x20]  }
0x215: {  	vm8 =	vlt.s32 v49, v5;
	vm9 =	vgt.s32 v50, v6  }
0x216: {  	vm0 =	vmand vm8, vm9;
	_ =	sdelay $0x5  }
0x217: {  	[tilespmem:v31+s9+$0x0] =	vst.idx.msk vm0, v52  }
0x218: {  	v31 =	vld [tilespmem:s25+$0x30]  }
0x219: {  	vm10 =	vlt.s32 v49, v7;
	vm11 =	vgt.s32 v50, v8  }
0x21a: {  	vm0 =	vmand vm10, vm11;
	_ =	sdelay $0x5  }
0x21b: {  	[tilespmem:v31+s9+$0x0] =	vst.idx.msk vm0, v52  }
0x21c: {  	v31 =	vld [tilespmem:s25+$0x40]  }
0x21d: {  	vm12 =	vlt.s32 v49, v9;
	vm13 =	vgt.s32 v50, v10  }
0x21e: {  	vm0 =	vmand vm12, vm13;
	_ =	sdelay $0x5  }
0x21f: {  	[tilespmem:v31+s9+$0x0] =	vst.idx.msk vm0, v52  }
0x220: {  	v31 =	vld [tilespmem:s25+$0x50]  }
0x221: {  	vm14 =	vlt.s32 v49, v11;
	vm15 =	vgt.s32 v50, v12  }
0x222: {  	vm0 =	vmand vm14, vm15;
	_ =	sdelay $0x5  }
0x223: {  	[tilespmem:v31+s9+$0x0] =	vst.idx.msk vm0, v52  }
0x224: {  	v31 =	vld [tilespmem:s25+$0x60]  }
0x225: {  	vm4 =	vlt.s32 v49, v13;
	vm5 =	vgt.s32 v50, v14  }
0x226: {  	vm0 =	vmand vm4, vm5;
	_ =	sdelay $0x5  }
0x227: {  	[tilespmem:v31+s9+$0x0] =	vst.idx.msk vm0, v52  }
0x228: {  	v31 =	vld [tilespmem:s25+$0x70]  }
0x229: {  	vm6 =	vlt.s32 v49, v15;
	vm7 =	vgt.s32 v50, v16  }
0x22a: {  	vm0 =	vmand vm6, vm7;
	_ =	sdelay $0x5  }
0x22b: {  	[tilespmem:v31+s9+$0x0] =	vst.idx.msk vm0, v52  }
0x22c: {  	v31 =	vld [tilespmem:s25+$0x400]  }
0x22d: {  	vm8 =	vlt.s32 v49, v17;
	vm9 =	vgt.s32 v50, v18  }
0x22e: {  	vm0 =	vmand vm8, vm9;
	_ =	sdelay $0x5  }
0x22f: {  	[tilespmem:v31+s9+$0x0] =	vst.idx.msk vm0, v52  }
0x230: {  	v31 =	vld [tilespmem:s25+$0x410]  }
0x231: {  	vm10 =	vlt.s32 v49, v19;
	vm11 =	vgt.s32 v50, v20  }
0x232: {  	vm0 =	vmand vm10, vm11;
	_ =	sdelay $0x5  }
0x233: {  	[tilespmem:v31+s9+$0x0] =	vst.idx.msk vm0, v52  }
0x234: {  	v31 =	vld [tilespmem:s25+$0x420]  }
0x235: {  	vm12 =	vlt.s32 v49, v21;
	vm13 =	vgt.s32 v50, v22  }
0x236: {  	vm0 =	vmand vm12, vm13;
	_ =	sdelay $0x5  }
0x237: {  	[tilespmem:v31+s9+$0x0] =	vst.idx.msk vm0, v52  }
0x238: {  	v31 =	vld [tilespmem:s25+$0x430]  }
0x239: {  	vm14 =	vlt.s32 v49, v23;
	vm15 =	vgt.s32 v50, v24  }
0x23a: {  	vm0 =	vmand vm14, vm15;
	_ =	sdelay $0x5  }
0x23b: {  	[tilespmem:v31+s9+$0x0] =	vst.idx.msk vm0, v52  }
0x23c: {  	v31 =	vld [tilespmem:s25+$0x438]  }
0x23d: {  	vm4 =	vlt.s32 v49, v25;
	vm5 =	vgt.s32 v50, v26  }
0x23e: {  	vm0 =	vmand vm4, vm5;
	_ =	sdelay $0x5  }
0x23f: {  	s29 =	sadd.s32 $0x40, s26;
	[tilespmem:v31+s9+$0x0] =	vst.idx.msk vm0, v52  }
0x240: {  	[hbm4b:s29+s10] =	stream.strided.scatter [tilespmem:s9], [sflag:$0x1], $0x400, s11, s10, $0x38;
	[tilespmem:$0xD000] =	vst v63  }
0x241: {  	_ =	swait.ge [sflag:s16], $0x400  }
0x242: {  	[sflag:s16] =	ssyncset.done $0x0  }
0x243: {  	v53 =	vbroadcast v28, $0xA;
	v54 =	vbroadcast v28, $0xB;
	[sflag:s16] =	ssyncadd.s32 $0xFFFFFC00  }
0x244: {  	v55 =	vld [tilespmem:s25+$0x0]  }
0x245: {  	vm6 =	vlt.s32 v53, v2;
	vm7 =	vgt.s32 v54, v0  }
0x246: {  	vm0 =	vmand vm6, vm7;
	_ =	sdelay $0x3  }
0x247: {  	s30 =	sadd.s32 $0xFFFFFFF6, s21  }
0x248: {  	v56 =	vmov s30  }
0x249: {  	[tilespmem:v55+s12+$0x0] =	vst.idx.msk vm0, v56  }
0x24a: {  	v31 =	vld [tilespmem:s25+$0x10]  }
0x24b: {  	vm8 =	vlt.s32 v53, v3;
	vm9 =	vgt.s32 v54, v4  }
0x24c: {  	vm0 =	vmand vm8, vm9;
	_ =	sdelay $0x5  }
0x24d: {  	[tilespmem:v31+s12+$0x0] =	vst.idx.msk vm0, v56  }
0x24e: {  	v31 =	vld [tilespmem:s25+$0x20]  }
0x24f: {  	vm10 =	vlt.s32 v53, v5;
	vm11 =	vgt.s32 v54, v6  }
0x250: {  	vm0 =	vmand vm10, vm11;
	_ =	sdelay $0x5  }
0x251: {  	[tilespmem:v31+s12+$0x0] =	vst.idx.msk vm0, v56  }
0x252: {  	v31 =	vld [tilespmem:s25+$0x30]  }
0x253: {  	vm12 =	vlt.s32 v53, v7;
	vm13 =	vgt.s32 v54, v8  }
0x254: {  	vm0 =	vmand vm12, vm13;
	_ =	sdelay $0x5  }
0x255: {  	[tilespmem:v31+s12+$0x0] =	vst.idx.msk vm0, v56  }
0x256: {  	v31 =	vld [tilespmem:s25+$0x40]  }
0x257: {  	vm14 =	vlt.s32 v53, v9;
	vm15 =	vgt.s32 v54, v10  }
0x258: {  	vm0 =	vmand vm14, vm15;
	_ =	sdelay $0x5  }
0x259: {  	[tilespmem:v31+s12+$0x0] =	vst.idx.msk vm0, v56  }
0x25a: {  	v31 =	vld [tilespmem:s25+$0x50]  }
0x25b: {  	vm4 =	vlt.s32 v53, v11;
	vm5 =	vgt.s32 v54, v12  }
0x25c: {  	vm0 =	vmand vm4, vm5;
	_ =	sdelay $0x5  }
0x25d: {  	[tilespmem:v31+s12+$0x0] =	vst.idx.msk vm0, v56  }
0x25e: {  	v31 =	vld [tilespmem:s25+$0x60]  }
0x25f: {  	vm6 =	vlt.s32 v53, v13;
	vm7 =	vgt.s32 v54, v14  }
0x260: {  	vm0 =	vmand vm6, vm7;
	_ =	sdelay $0x5  }
0x261: {  	[tilespmem:v31+s12+$0x0] =	vst.idx.msk vm0, v56  }
0x262: {  	v31 =	vld [tilespmem:s25+$0x70]  }
0x263: {  	vm8 =	vlt.s32 v53, v15;
	vm9 =	vgt.s32 v54, v16  }
0x264: {  	vm0 =	vmand vm8, vm9;
	_ =	sdelay $0x5  }
0x265: {  	[tilespmem:v31+s12+$0x0] =	vst.idx.msk vm0, v56  }
0x266: {  	v31 =	vld [tilespmem:s25+$0x400]  }
0x267: {  	vm10 =	vlt.s32 v53, v17;
	vm11 =	vgt.s32 v54, v18  }
0x268: {  	vm0 =	vmand vm10, vm11;
	_ =	sdelay $0x5  }
0x269: {  	[tilespmem:v31+s12+$0x0] =	vst.idx.msk vm0, v56  }
0x26a: {  	v31 =	vld [tilespmem:s25+$0x410]  }
0x26b: {  	vm12 =	vlt.s32 v53, v19;
	vm13 =	vgt.s32 v54, v20  }
0x26c: {  	vm0 =	vmand vm12, vm13;
	_ =	sdelay $0x5  }
0x26d: {  	[tilespmem:v31+s12+$0x0] =	vst.idx.msk vm0, v56  }
0x26e: {  	v31 =	vld [tilespmem:s25+$0x420]  }
0x26f: {  	vm14 =	vlt.s32 v53, v21;
	vm15 =	vgt.s32 v54, v22  }
0x270: {  	vm0 =	vmand vm14, vm15;
	_ =	sdelay $0x5  }
0x271: {  	[tilespmem:v31+s12+$0x0] =	vst.idx.msk vm0, v56  }
0x272: {  	v31 =	vld [tilespmem:s25+$0x430]  }
0x273: {  	vm4 =	vlt.s32 v53, v23;
	vm5 =	vgt.s32 v54, v24  }
0x274: {  	vm0 =	vmand vm4, vm5;
	_ =	sdelay $0x5  }
0x275: {  	[tilespmem:v31+s12+$0x0] =	vst.idx.msk vm0, v56  }
0x276: {  	v31 =	vld [tilespmem:s25+$0x438]  }
0x277: {  	vm6 =	vlt.s32 v53, v25;
	vm7 =	vgt.s32 v54, v26  }
0x278: {  	vm0 =	vmand vm6, vm7;
	_ =	sdelay $0x5  }
0x279: {  	s31 =	sadd.s32 $0x50, s26;
	[tilespmem:v31+s12+$0x0] =	vst.idx.msk vm0, v56  }
0x27a: {  	[hbm4b:s31+s10] =	stream.strided.scatter [tilespmem:s12], [sflag:$0x2], $0x400, s11, s10, $0x38;
	[tilespmem:$0xD000] =	vst v63  }
0x27b: {  	_ =	swait.ge [sflag:s17], $0x400  }
0x27c: {  	[sflag:s17] =	ssyncset.done $0x0  }
0x27d: {  	v57 =	vbroadcast v28, $0xC;
	v58 =	vbroadcast v28, $0xD;
	[sflag:s17] =	ssyncadd.s32 $0xFFFFFC00  }
0x27e: {  	v59 =	vld [tilespmem:s25+$0x0]  }
0x27f: {  	vm8 =	vlt.s32 v57, v2;
	vm9 =	vgt.s32 v58, v0  }
0x280: {  	vm0 =	vmand vm8, vm9;
	_ =	sdelay $0x3  }
0x281: {  	s29 =	sadd.s32 $0xFFFFFFF7, s21  }
0x282: {  	v60 =	vmov s29  }
0x283: {  	[tilespmem:v59+s13+$0x0] =	vst.idx.msk vm0, v60  }
0x284: {  	v31 =	vld [tilespmem:s25+$0x10]  }
0x285: {  	vm10 =	vlt.s32 v57, v3;
	vm11 =	vgt.s32 v58, v4  }
0x286: {  	vm0 =	vmand vm10, vm11;
	_ =	sdelay $0x5  }
0x287: {  	[tilespmem:v31+s13+$0x0] =	vst.idx.msk vm0, v60  }
0x288: {  	v31 =	vld [tilespmem:s25+$0x20]  }
0x289: {  	vm12 =	vlt.s32 v57, v5;
	vm13 =	vgt.s32 v58, v6  }
0x28a: {  	vm0 =	vmand vm12, vm13;
	_ =	sdelay $0x5  }
0x28b: {  	[tilespmem:v31+s13+$0x0] =	vst.idx.msk vm0, v60  }
0x28c: {  	v31 =	vld [tilespmem:s25+$0x30]  }
0x28d: {  	vm14 =	vlt.s32 v57, v7;
	vm15 =	vgt.s32 v58, v8  }
0x28e: {  	vm0 =	vmand vm14, vm15;
	_ =	sdelay $0x5  }
0x28f: {  	[tilespmem:v31+s13+$0x0] =	vst.idx.msk vm0, v60  }
0x290: {  	v31 =	vld [tilespmem:s25+$0x40]  }
0x291: {  	vm4 =	vlt.s32 v57, v9;
	vm5 =	vgt.s32 v58, v10  }
0x292: {  	vm0 =	vmand vm4, vm5;
	_ =	sdelay $0x5  }
0x293: {  	[tilespmem:v31+s13+$0x0] =	vst.idx.msk vm0, v60  }
0x294: {  	v31 =	vld [tilespmem:s25+$0x50]  }
0x295: {  	vm6 =	vlt.s32 v57, v11;
	vm7 =	vgt.s32 v58, v12  }
0x296: {  	vm0 =	vmand vm6, vm7;
	_ =	sdelay $0x5  }
0x297: {  	[tilespmem:v31+s13+$0x0] =	vst.idx.msk vm0, v60  }
0x298: {  	v31 =	vld [tilespmem:s25+$0x60]  }
0x299: {  	vm8 =	vlt.s32 v57, v13;
	vm9 =	vgt.s32 v58, v14  }
0x29a: {  	vm0 =	vmand vm8, vm9;
	_ =	sdelay $0x5  }
0x29b: {  	[tilespmem:v31+s13+$0x0] =	vst.idx.msk vm0, v60  }
0x29c: {  	v31 =	vld [tilespmem:s25+$0x70]  }
0x29d: {  	vm10 =	vlt.s32 v57, v15;
	vm11 =	vgt.s32 v58, v16  }
0x29e: {  	vm0 =	vmand vm10, vm11;
	_ =	sdelay $0x5  }
0x29f: {  	[tilespmem:v31+s13+$0x0] =	vst.idx.msk vm0, v60  }
0x2a0: {  	v31 =	vld [tilespmem:s25+$0x400]  }
0x2a1: {  	vm12 =	vlt.s32 v57, v17;
	vm13 =	vgt.s32 v58, v18  }
0x2a2: {  	vm0 =	vmand vm12, vm13;
	_ =	sdelay $0x5  }
0x2a3: {  	[tilespmem:v31+s13+$0x0] =	vst.idx.msk vm0, v60  }
0x2a4: {  	v31 =	vld [tilespmem:s25+$0x410]  }
0x2a5: {  	vm14 =	vlt.s32 v57, v19;
	vm15 =	vgt.s32 v58, v20  }
0x2a6: {  	vm0 =	vmand vm14, vm15;
	_ =	sdelay $0x5  }
0x2a7: {  	[tilespmem:v31+s13+$0x0] =	vst.idx.msk vm0, v60  }
0x2a8: {  	v31 =	vld [tilespmem:s25+$0x420]  }
0x2a9: {  	vm4 =	vlt.s32 v57, v21;
	vm5 =	vgt.s32 v58, v22  }
0x2aa: {  	vm0 =	vmand vm4, vm5;
	_ =	sdelay $0x5  }
0x2ab: {  	[tilespmem:v31+s13+$0x0] =	vst.idx.msk vm0, v60  }
0x2ac: {  	v31 =	vld [tilespmem:s25+$0x430]  }
0x2ad: {  	vm6 =	vlt.s32 v57, v23;
	vm7 =	vgt.s32 v58, v24  }
0x2ae: {  	vm0 =	vmand vm6, vm7;
	_ =	sdelay $0x5  }
0x2af: {  	[tilespmem:v31+s13+$0x0] =	vst.idx.msk vm0, v60  }
0x2b0: {  	v31 =	vld [tilespmem:s25+$0x438]  }
0x2b1: {  	vm8 =	vlt.s32 v57, v25;
	vm9 =	vgt.s32 v58, v26  }
0x2b2: {  	vm0 =	vmand vm8, vm9;
	_ =	sdelay $0x5  }
0x2b3: {  	s30 =	sadd.s32 $0x60, s26;
	[tilespmem:v31+s13+$0x0] =	vst.idx.msk vm0, v60  }
0x2b4: {  	[hbm4b:s30+s10] =	stream.strided.scatter [tilespmem:s13], [sflag:$0x3], $0x400, s11, s10, $0x38;
	[tilespmem:$0xD000] =	vst v63  }
0x2b5: {  	_ =	swait.ge [sflag:s18], $0x400  }
0x2b6: {  	[sflag:s18] =	ssyncset.done $0x0  }
0x2b7: {  	v61 =	vbroadcast v28, $0xE;
	v28 =	vbroadcast v28, $0xF;
	[sflag:s18] =	ssyncadd.s32 $0xFFFFFC00  }
0x2b8: {  	v62 =	vld [tilespmem:s25+$0x0]  }
0x2b9: {  	vm10 =	vlt.s32 v61, v2;
	vm11 =	vgt.s32 v28, v0  }
0x2ba: {  	vm0 =	vmand vm10, vm11;
	_ =	sdelay $0x3  }
0x2bb: {  	s31 =	sadd.s32 $0xFFFFFFF8, s21  }
0x2bc: {  	v63 =	vmov s31  }
0x2bd: {  	[tilespmem:v62+s14+$0x0] =	vst.idx.msk vm0, v63  }
0x2be: {  	v30 =	vld [tilespmem:s25+$0x10]  }
0x2bf: {  	vm12 =	vlt.s32 v61, v3;
	vm13 =	vgt.s32 v28, v4  }
0x2c0: {  	vm0 =	vmand vm12, vm13;
	_ =	sdelay $0x5  }
0x2c1: {  	[tilespmem:v30+s14+$0x0] =	vst.idx.msk vm0, v63  }
0x2c2: {  	v30 =	vld [tilespmem:s25+$0x20]  }
0x2c3: {  	vm14 =	vlt.s32 v61, v5;
	vm15 =	vgt.s32 v28, v6  }
0x2c4: {  	vm0 =	vmand vm14, vm15;
	_ =	sdelay $0x5  }
0x2c5: {  	[tilespmem:v30+s14+$0x0] =	vst.idx.msk vm0, v63  }
0x2c6: {  	v30 =	vld [tilespmem:s25+$0x30]  }
0x2c7: {  	vm4 =	vlt.s32 v61, v7;
	vm5 =	vgt.s32 v28, v8  }
0x2c8: {  	vm0 =	vmand vm4, vm5;
	_ =	sdelay $0x5  }
0x2c9: {  	[tilespmem:v30+s14+$0x0] =	vst.idx.msk vm0, v63  }
0x2ca: {  	v30 =	vld [tilespmem:s25+$0x40]  }
0x2cb: {  	vm6 =	vlt.s32 v61, v9;
	vm7 =	vgt.s32 v28, v10  }
0x2cc: {  	vm0 =	vmand vm6, vm7;
	_ =	sdelay $0x5  }
0x2cd: {  	[tilespmem:v30+s14+$0x0] =	vst.idx.msk vm0, v63  }
0x2ce: {  	v30 =	vld [tilespmem:s25+$0x50]  }
0x2cf: {  	vm8 =	vlt.s32 v61, v11;
	vm9 =	vgt.s32 v28, v12  }
0x2d0: {  	vm0 =	vmand vm8, vm9;
	_ =	sdelay $0x5  }
0x2d1: {  	[tilespmem:v30+s14+$0x0] =	vst.idx.msk vm0, v63  }
0x2d2: {  	v30 =	vld [tilespmem:s25+$0x60]  }
0x2d3: {  	vm10 =	vlt.s32 v61, v13;
	vm11 =	vgt.s32 v28, v14  }
0x2d4: {  	vm0 =	vmand vm10, vm11;
	_ =	sdelay $0x5  }
0x2d5: {  	[tilespmem:v30+s14+$0x0] =	vst.idx.msk vm0, v63  }
0x2d6: {  	v30 =	vld [tilespmem:s25+$0x70]  }
0x2d7: {  	vm12 =	vlt.s32 v61, v15;
	vm13 =	vgt.s32 v28, v16  }
0x2d8: {  	vm0 =	vmand vm12, vm13;
	_ =	sdelay $0x5  }
0x2d9: {  	[tilespmem:v30+s14+$0x0] =	vst.idx.msk vm0, v63  }
0x2da: {  	v30 =	vld [tilespmem:s25+$0x400]  }
0x2db: {  	vm14 =	vlt.s32 v61, v17;
	vm15 =	vgt.s32 v28, v18  }
0x2dc: {  	vm0 =	vmand vm14, vm15;
	_ =	sdelay $0x5  }
0x2dd: {  	[tilespmem:v30+s14+$0x0] =	vst.idx.msk vm0, v63  }
0x2de: {  	v30 =	vld [tilespmem:s25+$0x410]  }
0x2df: {  	vm4 =	vlt.s32 v61, v19;
	vm5 =	vgt.s32 v28, v20  }
0x2e0: {  	vm0 =	vmand vm4, vm5;
	_ =	sdelay $0x5  }
0x2e1: {  	[tilespmem:v30+s14+$0x0] =	vst.idx.msk vm0, v63  }
0x2e2: {  	v30 =	vld [tilespmem:s25+$0x420]  }
0x2e3: {  	vm6 =	vlt.s32 v61, v21;
	vm7 =	vgt.s32 v28, v22  }
0x2e4: {  	vm0 =	vmand vm6, vm7;
	_ =	sdelay $0x5  }
0x2e5: {  	[tilespmem:v30+s14+$0x0] =	vst.idx.msk vm0, v63  }
0x2e6: {  	v30 =	vld [tilespmem:s25+$0x430]  }
0x2e7: {  	vm8 =	vlt.s32 v61, v23;
	vm9 =	vgt.s32 v28, v24  }
0x2e8: {  	vm0 =	vmand vm8, vm9;
	_ =	sdelay $0x5  }
0x2e9: {  	[tilespmem:v30+s14+$0x0] =	vst.idx.msk vm0, v63  }
0x2ea: {  	v30 =	vld [tilespmem:s25+$0x438]  }
0x2eb: {  	vm10 =	vlt.s32 v61, v25;
	vm11 =	vgt.s32 v28, v26  }
0x2ec: {  	vm0 =	vmand vm10, vm11;
	_ =	sdelay $0x5  }
0x2ed: {  	s26 =	sadd.s32 $0x70, s26;
	[tilespmem:v30+s14+$0x0] =	vst.idx.msk vm0, v63  }
0x2ee: {  	[hbm4b:s26+s10] =	stream.strided.scatter [tilespmem:s14], [sflag:$0x4], $0x400, s11, s10, $0x38;
	[tilespmem:$0xD000] =	vst v63  }
0x2ef: {  	_ =	swait.ge [sflag:s15], $0x400  }
0x2f0: {  	[sflag:s15] =	ssyncset.done $0x0  }
0x2f1: {  	v33 =	vbroadcast v27, $0x0;
	v34 =	vbroadcast v27, $0x1;
	[sflag:s15] =	ssyncadd.s32 $0xFFFFFC00  }
0x2f2: {  	v35 =	vld [tilespmem:s25+$0x0]  }
0x2f3: {  	vm12 =	vlt.s32 v33, v2;
	vm13 =	vgt.s32 v34, v0  }
0x2f4: {  	vm0 =	vmand vm12, vm13;
	_ =	sdelay $0x3  }
0x2f5: {  	s29 =	sadd.s32 $0xFFFFFFF9, s21  }
0x2f6: {  	v36 =	vmov s29  }
0x2f7: {  	[tilespmem:v35+s9+$0x0] =	vst.idx.msk vm0, v36  }
0x2f8: {  	v30 =	vld [tilespmem:s25+$0x10]  }
0x2f9: {  	vm14 =	vlt.s32 v33, v3;
	vm15 =	vgt.s32 v34, v4  }
0x2fa: {  	vm0 =	vmand vm14, vm15;
	_ =	sdelay $0x5  }
0x2fb: {  	[tilespmem:v30+s9+$0x0] =	vst.idx.msk vm0, v36  }
0x2fc: {  	v30 =	vld [tilespmem:s25+$0x20]  }
0x2fd: {  	vm4 =	vlt.s32 v33, v5;
	vm5 =	vgt.s32 v34, v6  }
0x2fe: {  	vm0 =	vmand vm4, vm5;
	_ =	sdelay $0x5  }
0x2ff: {  	[tilespmem:v30+s9+$0x0] =	vst.idx.msk vm0, v36  }
0x300: {  	v30 =	vld [tilespmem:s25+$0x30]  }
0x301: {  	vm6 =	vlt.s32 v33, v7;
	vm7 =	vgt.s32 v34, v8  }
0x302: {  	vm0 =	vmand vm6, vm7;
	_ =	sdelay $0x5  }
0x303: {  	[tilespmem:v30+s9+$0x0] =	vst.idx.msk vm0, v36  }
0x304: {  	v30 =	vld [tilespmem:s25+$0x40]  }
0x305: {  	vm8 =	vlt.s32 v33, v9;
	vm9 =	vgt.s32 v34, v10  }
0x306: {  	vm0 =	vmand vm8, vm9;
	_ =	sdelay $0x5  }
0x307: {  	[tilespmem:v30+s9+$0x0] =	vst.idx.msk vm0, v36  }
0x308: {  	v30 =	vld [tilespmem:s25+$0x50]  }
0x309: {  	vm10 =	vlt.s32 v33, v11;
	vm11 =	vgt.s32 v34, v12  }
0x30a: {  	vm0 =	vmand vm10, vm11;
	_ =	sdelay $0x5  }
0x30b: {  	[tilespmem:v30+s9+$0x0] =	vst.idx.msk vm0, v36  }
0x30c: {  	v30 =	vld [tilespmem:s25+$0x60]  }
0x30d: {  	vm12 =	vlt.s32 v33, v13;
	vm13 =	vgt.s32 v34, v14  }
0x30e: {  	vm0 =	vmand vm12, vm13;
	_ =	sdelay $0x5  }
0x30f: {  	[tilespmem:v30+s9+$0x0] =	vst.idx.msk vm0, v36  }
0x310: {  	v30 =	vld [tilespmem:s25+$0x70]  }
0x311: {  	vm14 =	vlt.s32 v33, v15;
	vm15 =	vgt.s32 v34, v16  }
0x312: {  	vm0 =	vmand vm14, vm15;
	_ =	sdelay $0x5  }
0x313: {  	[tilespmem:v30+s9+$0x0] =	vst.idx.msk vm0, v36  }
0x314: {  	v30 =	vld [tilespmem:s25+$0x400]  }
0x315: {  	vm4 =	vlt.s32 v33, v17;
	vm5 =	vgt.s32 v34, v18  }
0x316: {  	vm0 =	vmand vm4, vm5;
	_ =	sdelay $0x5  }
0x317: {  	[tilespmem:v30+s9+$0x0] =	vst.idx.msk vm0, v36  }
0x318: {  	v30 =	vld [tilespmem:s25+$0x410]  }
0x319: {  	vm6 =	vlt.s32 v33, v19;
	vm7 =	vgt.s32 v34, v20  }
0x31a: {  	vm0 =	vmand vm6, vm7;
	_ =	sdelay $0x5  }
0x31b: {  	[tilespmem:v30+s9+$0x0] =	vst.idx.msk vm0, v36  }
0x31c: {  	v30 =	vld [tilespmem:s25+$0x420]  }
0x31d: {  	vm8 =	vlt.s32 v33, v21;
	vm9 =	vgt.s32 v34, v22  }
0x31e: {  	vm0 =	vmand vm8, vm9;
	_ =	sdelay $0x5  }
0x31f: {  	[tilespmem:v30+s9+$0x0] =	vst.idx.msk vm0, v36  }
0x320: {  	v30 =	vld [tilespmem:s25+$0x430]  }
0x321: {  	vm10 =	vlt.s32 v33, v23;
	vm11 =	vgt.s32 v34, v24  }
0x322: {  	vm0 =	vmand vm10, vm11;
	_ =	sdelay $0x5  }
0x323: {  	[tilespmem:v30+s9+$0x0] =	vst.idx.msk vm0, v36  }
0x324: {  	v30 =	vld [tilespmem:s25+$0x438]  }
0x325: {  	vm12 =	vlt.s32 v33, v25;
	vm13 =	vgt.s32 v34, v26  }
0x326: {  	vm0 =	vmand vm12, vm13;
	_ =	sdelay $0x4  }
0x327: {  	s30 =	rddreg [dreg:$0xa]  }
0x328: {  	s26 =	sadd.s32 s24, s30;
	[tilespmem:v30+s9+$0x0] =	vst.idx.msk vm0, v36  }
0x329: {  	[hbm4b:s26+s10] =	stream.strided.scatter [tilespmem:s9], [sflag:$0x1], $0x400, s11, s10, $0x38;
	[tilespmem:$0xD000] =	vst v63  }
0x32a: {  	_ =	swait.ge [sflag:s16], $0x400  }
0x32b: {  	[sflag:s16] =	ssyncset.done $0x0  }
0x32c: {  	v37 =	vbroadcast v27, $0x2;
	v38 =	vbroadcast v27, $0x3;
	[sflag:s16] =	ssyncadd.s32 $0xFFFFFC00  }
0x32d: {  	v39 =	vld [tilespmem:s25+$0x0]  }
0x32e: {  	vm14 =	vlt.s32 v37, v2;
	vm15 =	vgt.s32 v38, v0  }
0x32f: {  	vm0 =	vmand vm14, vm15;
	_ =	sdelay $0x3  }
0x330: {  	s31 =	sadd.s32 $0xFFFFFFFA, s21  }
0x331: {  	v40 =	vmov s31  }
0x332: {  	[tilespmem:v39+s12+$0x0] =	vst.idx.msk vm0, v40  }
0x333: {  	v30 =	vld [tilespmem:s25+$0x10]  }
0x334: {  	vm4 =	vlt.s32 v37, v3;
	vm5 =	vgt.s32 v38, v4  }
0x335: {  	vm0 =	vmand vm4, vm5;
	_ =	sdelay $0x5  }
0x336: {  	[tilespmem:v30+s12+$0x0] =	vst.idx.msk vm0, v40  }
0x337: {  	v30 =	vld [tilespmem:s25+$0x20]  }
0x338: {  	vm6 =	vlt.s32 v37, v5;
	vm7 =	vgt.s32 v38, v6  }
0x339: {  	vm0 =	vmand vm6, vm7;
	_ =	sdelay $0x5  }
0x33a: {  	[tilespmem:v30+s12+$0x0] =	vst.idx.msk vm0, v40  }
0x33b: {  	v30 =	vld [tilespmem:s25+$0x30]  }
0x33c: {  	vm8 =	vlt.s32 v37, v7;
	vm9 =	vgt.s32 v38, v8  }
0x33d: {  	vm0 =	vmand vm8, vm9;
	_ =	sdelay $0x5  }
0x33e: {  	[tilespmem:v30+s12+$0x0] =	vst.idx.msk vm0, v40  }
0x33f: {  	v30 =	vld [tilespmem:s25+$0x40]  }
0x340: {  	vm10 =	vlt.s32 v37, v9;
	vm11 =	vgt.s32 v38, v10  }
0x341: {  	vm0 =	vmand vm10, vm11;
	_ =	sdelay $0x5  }
0x342: {  	[tilespmem:v30+s12+$0x0] =	vst.idx.msk vm0, v40  }
0x343: {  	v30 =	vld [tilespmem:s25+$0x50]  }
0x344: {  	vm12 =	vlt.s32 v37, v11;
	vm13 =	vgt.s32 v38, v12  }
0x345: {  	vm0 =	vmand vm12, vm13;
	_ =	sdelay $0x5  }
0x346: {  	[tilespmem:v30+s12+$0x0] =	vst.idx.msk vm0, v40  }
0x347: {  	v30 =	vld [tilespmem:s25+$0x60]  }
0x348: {  	vm14 =	vlt.s32 v37, v13;
	vm15 =	vgt.s32 v38, v14  }
0x349: {  	vm0 =	vmand vm14, vm15;
	_ =	sdelay $0x5  }
0x34a: {  	[tilespmem:v30+s12+$0x0] =	vst.idx.msk vm0, v40  }
0x34b: {  	v30 =	vld [tilespmem:s25+$0x70]  }
0x34c: {  	vm4 =	vlt.s32 v37, v15;
	vm5 =	vgt.s32 v38, v16  }
0x34d: {  	vm0 =	vmand vm4, vm5;
	_ =	sdelay $0x5  }
0x34e: {  	[tilespmem:v30+s12+$0x0] =	vst.idx.msk vm0, v40  }
0x34f: {  	v30 =	vld [tilespmem:s25+$0x400]  }
0x350: {  	vm6 =	vlt.s32 v37, v17;
	vm7 =	vgt.s32 v38, v18  }
0x351: {  	vm0 =	vmand vm6, vm7;
	_ =	sdelay $0x5  }
0x352: {  	[tilespmem:v30+s12+$0x0] =	vst.idx.msk vm0, v40  }
0x353: {  	v30 =	vld [tilespmem:s25+$0x410]  }
0x354: {  	vm8 =	vlt.s32 v37, v19;
	vm9 =	vgt.s32 v38, v20  }
0x355: {  	vm0 =	vmand vm8, vm9;
	_ =	sdelay $0x5  }
0x356: {  	[tilespmem:v30+s12+$0x0] =	vst.idx.msk vm0, v40  }
0x357: {  	v30 =	vld [tilespmem:s25+$0x420]  }
0x358: {  	vm10 =	vlt.s32 v37, v21;
	vm11 =	vgt.s32 v38, v22  }
0x359: {  	vm0 =	vmand vm10, vm11;
	_ =	sdelay $0x5  }
0x35a: {  	[tilespmem:v30+s12+$0x0] =	vst.idx.msk vm0, v40  }
0x35b: {  	v30 =	vld [tilespmem:s25+$0x430]  }
0x35c: {  	vm12 =	vlt.s32 v37, v23;
	vm13 =	vgt.s32 v38, v24  }
0x35d: {  	vm0 =	vmand vm12, vm13;
	_ =	sdelay $0x5  }
0x35e: {  	[tilespmem:v30+s12+$0x0] =	vst.idx.msk vm0, v40  }
0x35f: {  	v30 =	vld [tilespmem:s25+$0x438]  }
0x360: {  	vm14 =	vlt.s32 v37, v25;
	vm15 =	vgt.s32 v38, v26  }
0x361: {  	vm0 =	vmand vm14, vm15;
	_ =	sdelay $0x4  }
0x362: {  	s28 =	rddreg [dreg:$0x9]  }
0x363: {  	s26 =	sadd.s32 s24, s28;
	[tilespmem:v30+s12+$0x0] =	vst.idx.msk vm0, v40  }
0x364: {  	[hbm4b:s26+s10] =	stream.strided.scatter [tilespmem:s12], [sflag:$0x2], $0x400, s11, s10, $0x38;
	[tilespmem:$0xD000] =	vst v63  }
0x365: {  	_ =	swait.ge [sflag:s17], $0x400  }
0x366: {  	[sflag:s17] =	ssyncset.done $0x0  }
0x367: {  	v41 =	vbroadcast v27, $0x4;
	v42 =	vbroadcast v27, $0x5;
	[sflag:s17] =	ssyncadd.s32 $0xFFFFFC00  }
0x368: {  	v43 =	vld [tilespmem:s25+$0x0]  }
0x369: {  	vm4 =	vlt.s32 v41, v2;
	vm5 =	vgt.s32 v42, v0  }
0x36a: {  	vm0 =	vmand vm4, vm5;
	_ =	sdelay $0x3  }
0x36b: {  	s29 =	sadd.s32 $0xFFFFFFFB, s21  }
0x36c: {  	v44 =	vmov s29  }
0x36d: {  	[tilespmem:v43+s13+$0x0] =	vst.idx.msk vm0, v44  }
0x36e: {  	v30 =	vld [tilespmem:s25+$0x10]  }
0x36f: {  	vm6 =	vlt.s32 v41, v3;
	vm7 =	vgt.s32 v42, v4  }
0x370: {  	vm0 =	vmand vm6, vm7;
	_ =	sdelay $0x5  }
0x371: {  	[tilespmem:v30+s13+$0x0] =	vst.idx.msk vm0, v44  }
0x372: {  	v30 =	vld [tilespmem:s25+$0x20]  }
0x373: {  	vm8 =	vlt.s32 v41, v5;
	vm9 =	vgt.s32 v42, v6  }
0x374: {  	vm0 =	vmand vm8, vm9;
	_ =	sdelay $0x5  }
0x375: {  	[tilespmem:v30+s13+$0x0] =	vst.idx.msk vm0, v44  }
0x376: {  	v30 =	vld [tilespmem:s25+$0x30]  }
0x377: {  	vm10 =	vlt.s32 v41, v7;
	vm11 =	vgt.s32 v42, v8  }
0x378: {  	vm0 =	vmand vm10, vm11;
	_ =	sdelay $0x5  }
0x379: {  	[tilespmem:v30+s13+$0x0] =	vst.idx.msk vm0, v44  }
0x37a: {  	v30 =	vld [tilespmem:s25+$0x40]  }
0x37b: {  	vm12 =	vlt.s32 v41, v9;
	vm13 =	vgt.s32 v42, v10  }
0x37c: {  	vm0 =	vmand vm12, vm13;
	_ =	sdelay $0x5  }
0x37d: {  	[tilespmem:v30+s13+$0x0] =	vst.idx.msk vm0, v44  }
0x37e: {  	v30 =	vld [tilespmem:s25+$0x50]  }
0x37f: {  	vm14 =	vlt.s32 v41, v11;
	vm15 =	vgt.s32 v42, v12  }
0x380: {  	vm0 =	vmand vm14, vm15;
	_ =	sdelay $0x5  }
0x381: {  	[tilespmem:v30+s13+$0x0] =	vst.idx.msk vm0, v44  }
0x382: {  	v30 =	vld [tilespmem:s25+$0x60]  }
0x383: {  	vm4 =	vlt.s32 v41, v13;
	vm5 =	vgt.s32 v42, v14  }
0x384: {  	vm0 =	vmand vm4, vm5;
	_ =	sdelay $0x5  }
0x385: {  	[tilespmem:v30+s13+$0x0] =	vst.idx.msk vm0, v44  }
0x386: {  	v30 =	vld [tilespmem:s25+$0x70]  }
0x387: {  	vm6 =	vlt.s32 v41, v15;
	vm7 =	vgt.s32 v42, v16  }
0x388: {  	vm0 =	vmand vm6, vm7;
	_ =	sdelay $0x5  }
0x389: {  	[tilespmem:v30+s13+$0x0] =	vst.idx.msk vm0, v44  }
0x38a: {  	v30 =	vld [tilespmem:s25+$0x400]  }
0x38b: {  	vm8 =	vlt.s32 v41, v17;
	vm9 =	vgt.s32 v42, v18  }
0x38c: {  	vm0 =	vmand vm8, vm9;
	_ =	sdelay $0x5  }
0x38d: {  	[tilespmem:v30+s13+$0x0] =	vst.idx.msk vm0, v44  }
0x38e: {  	v30 =	vld [tilespmem:s25+$0x410]  }
0x38f: {  	vm10 =	vlt.s32 v41, v19;
	vm11 =	vgt.s32 v42, v20  }
0x390: {  	vm0 =	vmand vm10, vm11;
	_ =	sdelay $0x5  }
0x391: {  	[tilespmem:v30+s13+$0x0] =	vst.idx.msk vm0, v44  }
0x392: {  	v30 =	vld [tilespmem:s25+$0x420]  }
0x393: {  	vm12 =	vlt.s32 v41, v21;
	vm13 =	vgt.s32 v42, v22  }
0x394: {  	vm0 =	vmand vm12, vm13;
	_ =	sdelay $0x5  }
0x395: {  	[tilespmem:v30+s13+$0x0] =	vst.idx.msk vm0, v44  }
0x396: {  	v30 =	vld [tilespmem:s25+$0x430]  }
0x397: {  	vm14 =	vlt.s32 v41, v23;
	vm15 =	vgt.s32 v42, v24  }
0x398: {  	vm0 =	vmand vm14, vm15;
	_ =	sdelay $0x5  }
0x399: {  	[tilespmem:v30+s13+$0x0] =	vst.idx.msk vm0, v44  }
0x39a: {  	v30 =	vld [tilespmem:s25+$0x438]  }
0x39b: {  	vm4 =	vlt.s32 v41, v25;
	vm5 =	vgt.s32 v42, v26  }
0x39c: {  	vm0 =	vmand vm4, vm5;
	_ =	sdelay $0x4  }
0x39d: {  	s30 =	rddreg [dreg:$0x8]  }
0x39e: {  	s26 =	sadd.s32 s24, s30;
	[tilespmem:v30+s13+$0x0] =	vst.idx.msk vm0, v44  }
0x39f: {  	[hbm4b:s26+s10] =	stream.strided.scatter [tilespmem:s13], [sflag:$0x3], $0x400, s11, s10, $0x38;
	[tilespmem:$0xD000] =	vst v63  }
0x3a0: {  	_ =	swait.ge [sflag:s18], $0x400  }
0x3a1: {  	[sflag:s18] =	ssyncset.done $0x0  }
0x3a2: {  	v45 =	vbroadcast v27, $0x6;
	v46 =	vbroadcast v27, $0x7;
	[sflag:s18] =	ssyncadd.s32 $0xFFFFFC00  }
0x3a3: {  	v47 =	vld [tilespmem:s25+$0x0]  }
0x3a4: {  	vm6 =	vlt.s32 v45, v2;
	vm7 =	vgt.s32 v46, v0  }
0x3a5: {  	vm0 =	vmand vm6, vm7;
	_ =	sdelay $0x3  }
0x3a6: {  	s31 =	sadd.s32 $0xFFFFFFFC, s21  }
0x3a7: {  	v48 =	vmov s31  }
0x3a8: {  	[tilespmem:v47+s14+$0x0] =	vst.idx.msk vm0, v48  }
0x3a9: {  	v30 =	vld [tilespmem:s25+$0x10]  }
0x3aa: {  	vm8 =	vlt.s32 v45, v3;
	vm9 =	vgt.s32 v46, v4  }
0x3ab: {  	vm0 =	vmand vm8, vm9;
	_ =	sdelay $0x5  }
0x3ac: {  	[tilespmem:v30+s14+$0x0] =	vst.idx.msk vm0, v48  }
0x3ad: {  	v30 =	vld [tilespmem:s25+$0x20]  }
0x3ae: {  	vm10 =	vlt.s32 v45, v5;
	vm11 =	vgt.s32 v46, v6  }
0x3af: {  	vm0 =	vmand vm10, vm11;
	_ =	sdelay $0x5  }
0x3b0: {  	[tilespmem:v30+s14+$0x0] =	vst.idx.msk vm0, v48  }
0x3b1: {  	v30 =	vld [tilespmem:s25+$0x30]  }
0x3b2: {  	vm12 =	vlt.s32 v45, v7;
	vm13 =	vgt.s32 v46, v8  }
0x3b3: {  	vm0 =	vmand vm12, vm13;
	_ =	sdelay $0x5  }
0x3b4: {  	[tilespmem:v30+s14+$0x0] =	vst.idx.msk vm0, v48  }
0x3b5: {  	v30 =	vld [tilespmem:s25+$0x40]  }
0x3b6: {  	vm14 =	vlt.s32 v45, v9;
	vm15 =	vgt.s32 v46, v10  }
0x3b7: {  	vm0 =	vmand vm14, vm15;
	_ =	sdelay $0x5  }
0x3b8: {  	[tilespmem:v30+s14+$0x0] =	vst.idx.msk vm0, v48  }
0x3b9: {  	v30 =	vld [tilespmem:s25+$0x50]  }
0x3ba: {  	vm4 =	vlt.s32 v45, v11;
	vm5 =	vgt.s32 v46, v12  }
0x3bb: {  	vm0 =	vmand vm4, vm5;
	_ =	sdelay $0x5  }
0x3bc: {  	[tilespmem:v30+s14+$0x0] =	vst.idx.msk vm0, v48  }
0x3bd: {  	v30 =	vld [tilespmem:s25+$0x60]  }
0x3be: {  	vm6 =	vlt.s32 v45, v13;
	vm7 =	vgt.s32 v46, v14  }
0x3bf: {  	vm0 =	vmand vm6, vm7;
	_ =	sdelay $0x5  }
0x3c0: {  	[tilespmem:v30+s14+$0x0] =	vst.idx.msk vm0, v48  }
0x3c1: {  	v30 =	vld [tilespmem:s25+$0x70]  }
0x3c2: {  	vm8 =	vlt.s32 v45, v15;
	vm9 =	vgt.s32 v46, v16  }
0x3c3: {  	vm0 =	vmand vm8, vm9;
	_ =	sdelay $0x5  }
0x3c4: {  	[tilespmem:v30+s14+$0x0] =	vst.idx.msk vm0, v48  }
0x3c5: {  	v30 =	vld [tilespmem:s25+$0x400]  }
0x3c6: {  	vm10 =	vlt.s32 v45, v17;
	vm11 =	vgt.s32 v46, v18  }
0x3c7: {  	vm0 =	vmand vm10, vm11;
	_ =	sdelay $0x5  }
0x3c8: {  	[tilespmem:v30+s14+$0x0] =	vst.idx.msk vm0, v48  }
0x3c9: {  	v30 =	vld [tilespmem:s25+$0x410]  }
0x3ca: {  	vm12 =	vlt.s32 v45, v19;
	vm13 =	vgt.s32 v46, v20  }
0x3cb: {  	vm0 =	vmand vm12, vm13;
	_ =	sdelay $0x5  }
0x3cc: {  	[tilespmem:v30+s14+$0x0] =	vst.idx.msk vm0, v48  }
0x3cd: {  	v30 =	vld [tilespmem:s25+$0x420]  }
0x3ce: {  	vm14 =	vlt.s32 v45, v21;
	vm15 =	vgt.s32 v46, v22  }
0x3cf: {  	vm0 =	vmand vm14, vm15;
	_ =	sdelay $0x5  }
0x3d0: {  	[tilespmem:v30+s14+$0x0] =	vst.idx.msk vm0, v48  }
0x3d1: {  	v30 =	vld [tilespmem:s25+$0x430]  }
0x3d2: {  	vm4 =	vlt.s32 v45, v23;
	vm5 =	vgt.s32 v46, v24  }
0x3d3: {  	vm0 =	vmand vm4, vm5;
	_ =	sdelay $0x5  }
0x3d4: {  	[tilespmem:v30+s14+$0x0] =	vst.idx.msk vm0, v48  }
0x3d5: {  	v30 =	vld [tilespmem:s25+$0x438]  }
0x3d6: {  	vm6 =	vlt.s32 v45, v25;
	vm7 =	vgt.s32 v46, v26  }
0x3d7: {  	vm0 =	vmand vm6, vm7;
	_ =	sdelay $0x4  }
0x3d8: {  	s28 =	rddreg [dreg:$0x7]  }
0x3d9: {  	s26 =	sadd.s32 s24, s28;
	[tilespmem:v30+s14+$0x0] =	vst.idx.msk vm0, v48  }
0x3da: {  	[hbm4b:s26+s10] =	stream.strided.scatter [tilespmem:s14], [sflag:$0x4], $0x400, s11, s10, $0x38;
	[tilespmem:$0xD000] =	vst v63  }
0x3db: {  	_ =	swait.ge [sflag:s15], $0x400  }
0x3dc: {  	[sflag:s15] =	ssyncset.done $0x0  }
0x3dd: {  	v49 =	vbroadcast v27, $0x8;
	v50 =	vbroadcast v27, $0x9;
	[sflag:s15] =	ssyncadd.s32 $0xFFFFFC00  }
0x3de: {  	v51 =	vld [tilespmem:s25+$0x0]  }
0x3df: {  	vm8 =	vlt.s32 v49, v2;
	vm9 =	vgt.s32 v50, v0  }
0x3e0: {  	vm0 =	vmand vm8, vm9;
	_ =	sdelay $0x3  }
0x3e1: {  	s29 =	sadd.s32 $0xFFFFFFFD, s21  }
0x3e2: {  	v52 =	vmov s29  }
0x3e3: {  	[tilespmem:v51+s9+$0x0] =	vst.idx.msk vm0, v52  }
0x3e4: {  	v30 =	vld [tilespmem:s25+$0x10]  }
0x3e5: {  	vm10 =	vlt.s32 v49, v3;
	vm11 =	vgt.s32 v50, v4  }
0x3e6: {  	vm0 =	vmand vm10, vm11;
	_ =	sdelay $0x5  }
0x3e7: {  	[tilespmem:v30+s9+$0x0] =	vst.idx.msk vm0, v52  }
0x3e8: {  	v30 =	vld [tilespmem:s25+$0x20]  }
0x3e9: {  	vm12 =	vlt.s32 v49, v5;
	vm13 =	vgt.s32 v50, v6  }
0x3ea: {  	vm0 =	vmand vm12, vm13;
	_ =	sdelay $0x5  }
0x3eb: {  	[tilespmem:v30+s9+$0x0] =	vst.idx.msk vm0, v52  }
0x3ec: {  	v30 =	vld [tilespmem:s25+$0x30]  }
0x3ed: {  	vm14 =	vlt.s32 v49, v7;
	vm15 =	vgt.s32 v50, v8  }
0x3ee: {  	vm0 =	vmand vm14, vm15;
	_ =	sdelay $0x5  }
0x3ef: {  	[tilespmem:v30+s9+$0x0] =	vst.idx.msk vm0, v52  }
0x3f0: {  	v30 =	vld [tilespmem:s25+$0x40]  }
0x3f1: {  	vm4 =	vlt.s32 v49, v9;
	vm5 =	vgt.s32 v50, v10  }
0x3f2: {  	vm0 =	vmand vm4, vm5;
	_ =	sdelay $0x5  }
0x3f3: {  	[tilespmem:v30+s9+$0x0] =	vst.idx.msk vm0, v52  }
0x3f4: {  	v30 =	vld [tilespmem:s25+$0x50]  }
0x3f5: {  	vm6 =	vlt.s32 v49, v11;
	vm7 =	vgt.s32 v50, v12  }
0x3f6: {  	vm0 =	vmand vm6, vm7;
	_ =	sdelay $0x5  }
0x3f7: {  	[tilespmem:v30+s9+$0x0] =	vst.idx.msk vm0, v52  }
0x3f8: {  	v30 =	vld [tilespmem:s25+$0x60]  }
0x3f9: {  	vm8 =	vlt.s32 v49, v13;
	vm9 =	vgt.s32 v50, v14  }
0x3fa: {  	vm0 =	vmand vm8, vm9;
	_ =	sdelay $0x5  }
0x3fb: {  	[tilespmem:v30+s9+$0x0] =	vst.idx.msk vm0, v52  }
0x3fc: {  	v30 =	vld [tilespmem:s25+$0x70]  }
0x3fd: {  	vm10 =	vlt.s32 v49, v15;
	vm11 =	vgt.s32 v50, v16  }
0x3fe: {  	vm0 =	vmand vm10, vm11;
	_ =	sdelay $0x5  }
0x3ff: {  	[tilespmem:v30+s9+$0x0] =	vst.idx.msk vm0, v52  }
0x400: {  	v30 =	vld [tilespmem:s25+$0x400]  }
0x401: {  	vm12 =	vlt.s32 v49, v17;
	vm13 =	vgt.s32 v50, v18  }
0x402: {  	vm0 =	vmand vm12, vm13;
	_ =	sdelay $0x5  }
0x403: {  	[tilespmem:v30+s9+$0x0] =	vst.idx.msk vm0, v52  }
0x404: {  	v30 =	vld [tilespmem:s25+$0x410]  }
0x405: {  	vm14 =	vlt.s32 v49, v19;
	vm15 =	vgt.s32 v50, v20  }
0x406: {  	vm0 =	vmand vm14, vm15;
	_ =	sdelay $0x5  }
0x407: {  	[tilespmem:v30+s9+$0x0] =	vst.idx.msk vm0, v52  }
0x408: {  	v30 =	vld [tilespmem:s25+$0x420]  }
0x409: {  	vm4 =	vlt.s32 v49, v21;
	vm5 =	vgt.s32 v50, v22  }
0x40a: {  	vm0 =	vmand vm4, vm5;
	_ =	sdelay $0x5  }
0x40b: {  	[tilespmem:v30+s9+$0x0] =	vst.idx.msk vm0, v52  }
0x40c: {  	v30 =	vld [tilespmem:s25+$0x430]  }
0x40d: {  	vm6 =	vlt.s32 v49, v23;
	vm7 =	vgt.s32 v50, v24  }
0x40e: {  	vm0 =	vmand vm6, vm7;
	_ =	sdelay $0x5  }
0x40f: {  	[tilespmem:v30+s9+$0x0] =	vst.idx.msk vm0, v52  }
0x410: {  	v30 =	vld [tilespmem:s25+$0x438]  }
0x411: {  	vm8 =	vlt.s32 v49, v25;
	vm9 =	vgt.s32 v50, v26  }
0x412: {  	vm0 =	vmand vm8, vm9;
	_ =	sdelay $0x4  }
0x413: {  	s30 =	rddreg [dreg:$0x6]  }
0x414: {  	s26 =	sadd.s32 s24, s30;
	[tilespmem:v30+s9+$0x0] =	vst.idx.msk vm0, v52  }
0x415: {  	[hbm4b:s26+s10] =	stream.strided.scatter [tilespmem:s9], [sflag:$0x1], $0x400, s11, s10, $0x38;
	[tilespmem:$0xD000] =	vst v63  }
0x416: {  	_ =	swait.ge [sflag:s16], $0x400  }
0x417: {  	[sflag:s16] =	ssyncset.done $0x0  }
0x418: {  	v53 =	vbroadcast v27, $0xA;
	v54 =	vbroadcast v27, $0xB;
	[sflag:s16] =	ssyncadd.s32 $0xFFFFFC00  }
0x419: {  	v55 =	vld [tilespmem:s25+$0x0]  }
0x41a: {  	vm10 =	vlt.s32 v53, v2;
	vm11 =	vgt.s32 v54, v0  }
0x41b: {  	vm0 =	vmand vm10, vm11;
	_ =	sdelay $0x3  }
0x41c: {  	s31 =	sadd.s32 $0xFFFFFFFE, s21  }
0x41d: {  	v56 =	vmov s31  }
0x41e: {  	[tilespmem:v55+s12+$0x0] =	vst.idx.msk vm0, v56  }
0x41f: {  	v30 =	vld [tilespmem:s25+$0x10]  }
0x420: {  	vm12 =	vlt.s32 v53, v3;
	vm13 =	vgt.s32 v54, v4  }
0x421: {  	vm0 =	vmand vm12, vm13;
	_ =	sdelay $0x5  }
0x422: {  	[tilespmem:v30+s12+$0x0] =	vst.idx.msk vm0, v56  }
0x423: {  	v30 =	vld [tilespmem:s25+$0x20]  }
0x424: {  	vm14 =	vlt.s32 v53, v5;
	vm15 =	vgt.s32 v54, v6  }
0x425: {  	vm0 =	vmand vm14, vm15;
	_ =	sdelay $0x5  }
0x426: {  	[tilespmem:v30+s12+$0x0] =	vst.idx.msk vm0, v56  }
0x427: {  	v30 =	vld [tilespmem:s25+$0x30]  }
0x428: {  	vm4 =	vlt.s32 v53, v7;
	vm5 =	vgt.s32 v54, v8  }
0x429: {  	vm0 =	vmand vm4, vm5;
	_ =	sdelay $0x5  }
0x42a: {  	[tilespmem:v30+s12+$0x0] =	vst.idx.msk vm0, v56  }
0x42b: {  	v30 =	vld [tilespmem:s25+$0x40]  }
0x42c: {  	vm6 =	vlt.s32 v53, v9;
	vm7 =	vgt.s32 v54, v10  }
0x42d: {  	vm0 =	vmand vm6, vm7;
	_ =	sdelay $0x5  }
0x42e: {  	[tilespmem:v30+s12+$0x0] =	vst.idx.msk vm0, v56  }
0x42f: {  	v30 =	vld [tilespmem:s25+$0x50]  }
0x430: {  	vm8 =	vlt.s32 v53, v11;
	vm9 =	vgt.s32 v54, v12  }
0x431: {  	vm0 =	vmand vm8, vm9;
	_ =	sdelay $0x5  }
0x432: {  	[tilespmem:v30+s12+$0x0] =	vst.idx.msk vm0, v56  }
0x433: {  	v30 =	vld [tilespmem:s25+$0x60]  }
0x434: {  	vm10 =	vlt.s32 v53, v13;
	vm11 =	vgt.s32 v54, v14  }
0x435: {  	vm0 =	vmand vm10, vm11;
	_ =	sdelay $0x5  }
0x436: {  	[tilespmem:v30+s12+$0x0] =	vst.idx.msk vm0, v56  }
0x437: {  	v30 =	vld [tilespmem:s25+$0x70]  }
0x438: {  	vm12 =	vlt.s32 v53, v15;
	vm13 =	vgt.s32 v54, v16  }
0x439: {  	vm0 =	vmand vm12, vm13;
	_ =	sdelay $0x5  }
0x43a: {  	[tilespmem:v30+s12+$0x0] =	vst.idx.msk vm0, v56  }
0x43b: {  	v30 =	vld [tilespmem:s25+$0x400]  }
0x43c: {  	vm14 =	vlt.s32 v53, v17;
	vm15 =	vgt.s32 v54, v18  }
0x43d: {  	vm0 =	vmand vm14, vm15;
	_ =	sdelay $0x5  }
0x43e: {  	[tilespmem:v30+s12+$0x0] =	vst.idx.msk vm0, v56  }
0x43f: {  	v30 =	vld [tilespmem:s25+$0x410]  }
0x440: {  	vm4 =	vlt.s32 v53, v19;
	vm5 =	vgt.s32 v54, v20  }
0x441: {  	vm0 =	vmand vm4, vm5;
	_ =	sdelay $0x5  }
0x442: {  	[tilespmem:v30+s12+$0x0] =	vst.idx.msk vm0, v56  }
0x443: {  	v30 =	vld [tilespmem:s25+$0x420]  }
0x444: {  	vm6 =	vlt.s32 v53, v21;
	vm7 =	vgt.s32 v54, v22  }
0x445: {  	vm0 =	vmand vm6, vm7;
	_ =	sdelay $0x5  }
0x446: {  	[tilespmem:v30+s12+$0x0] =	vst.idx.msk vm0, v56  }
0x447: {  	v30 =	vld [tilespmem:s25+$0x430]  }
0x448: {  	vm8 =	vlt.s32 v53, v23;
	vm9 =	vgt.s32 v54, v24  }
0x449: {  	vm0 =	vmand vm8, vm9;
	_ =	sdelay $0x5  }
0x44a: {  	[tilespmem:v30+s12+$0x0] =	vst.idx.msk vm0, v56  }
0x44b: {  	v30 =	vld [tilespmem:s25+$0x438]  }
0x44c: {  	vm10 =	vlt.s32 v53, v25;
	vm11 =	vgt.s32 v54, v26  }
0x44d: {  	vm0 =	vmand vm10, vm11;
	_ =	sdelay $0x4  }
0x44e: {  	s28 =	rddreg [dreg:$0x5]  }
0x44f: {  	s26 =	sadd.s32 s24, s28;
	[tilespmem:v30+s12+$0x0] =	vst.idx.msk vm0, v56  }
0x450: {  	[hbm4b:s26+s10] =	stream.strided.scatter [tilespmem:s12], [sflag:$0x2], $0x400, s11, s10, $0x38;
	[tilespmem:$0xD000] =	vst v63  }
0x451: {  	_ =	swait.ge [sflag:s17], $0x400  }
0x452: {  	[sflag:s17] =	ssyncset.done $0x0  }
0x453: {  	v57 =	vbroadcast v27, $0xC;
	v58 =	vbroadcast v27, $0xD;
	[sflag:s17] =	ssyncadd.s32 $0xFFFFFC00  }
0x454: {  	v59 =	vld [tilespmem:s25+$0x0]  }
0x455: {  	vm12 =	vlt.s32 v57, v2;
	vm13 =	vgt.s32 v58, v0  }
0x456: {  	vm0 =	vmand vm12, vm13;
	_ =	sdelay $0x3  }
0x457: {  	s29 =	sadd.s32 $0xFFFFFFFF, s21  }
0x458: {  	v60 =	vmov s29  }
0x459: {  	[tilespmem:v59+s13+$0x0] =	vst.idx.msk vm0, v60  }
0x45a: {  	v30 =	vld [tilespmem:s25+$0x10]  }
0x45b: {  	vm14 =	vlt.s32 v57, v3;
	vm15 =	vgt.s32 v58, v4  }
0x45c: {  	vm0 =	vmand vm14, vm15;
	_ =	sdelay $0x5  }
0x45d: {  	[tilespmem:v30+s13+$0x0] =	vst.idx.msk vm0, v60  }
0x45e: {  	v30 =	vld [tilespmem:s25+$0x20]  }
0x45f: {  	vm4 =	vlt.s32 v57, v5;
	vm5 =	vgt.s32 v58, v6  }
0x460: {  	vm0 =	vmand vm4, vm5;
	_ =	sdelay $0x5  }
0x461: {  	[tilespmem:v30+s13+$0x0] =	vst.idx.msk vm0, v60  }
0x462: {  	v30 =	vld [tilespmem:s25+$0x30]  }
0x463: {  	vm6 =	vlt.s32 v57, v7;
	vm7 =	vgt.s32 v58, v8  }
0x464: {  	vm0 =	vmand vm6, vm7;
	_ =	sdelay $0x5  }
0x465: {  	[tilespmem:v30+s13+$0x0] =	vst.idx.msk vm0, v60  }
0x466: {  	v30 =	vld [tilespmem:s25+$0x40]  }
0x467: {  	vm8 =	vlt.s32 v57, v9;
	vm9 =	vgt.s32 v58, v10  }
0x468: {  	vm0 =	vmand vm8, vm9;
	_ =	sdelay $0x5  }
0x469: {  	[tilespmem:v30+s13+$0x0] =	vst.idx.msk vm0, v60  }
0x46a: {  	v30 =	vld [tilespmem:s25+$0x50]  }
0x46b: {  	vm10 =	vlt.s32 v57, v11;
	vm11 =	vgt.s32 v58, v12  }
0x46c: {  	vm0 =	vmand vm10, vm11;
	_ =	sdelay $0x5  }
0x46d: {  	[tilespmem:v30+s13+$0x0] =	vst.idx.msk vm0, v60  }
0x46e: {  	v30 =	vld [tilespmem:s25+$0x60]  }
0x46f: {  	vm12 =	vlt.s32 v57, v13;
	vm13 =	vgt.s32 v58, v14  }
0x470: {  	vm0 =	vmand vm12, vm13;
	_ =	sdelay $0x5  }
0x471: {  	[tilespmem:v30+s13+$0x0] =	vst.idx.msk vm0, v60  }
0x472: {  	v30 =	vld [tilespmem:s25+$0x70]  }
0x473: {  	vm14 =	vlt.s32 v57, v15;
	vm15 =	vgt.s32 v58, v16  }
0x474: {  	vm0 =	vmand vm14, vm15;
	_ =	sdelay $0x5  }
0x475: {  	[tilespmem:v30+s13+$0x0] =	vst.idx.msk vm0, v60  }
0x476: {  	v30 =	vld [tilespmem:s25+$0x400]  }
0x477: {  	vm4 =	vlt.s32 v57, v17;
	vm5 =	vgt.s32 v58, v18  }
0x478: {  	vm0 =	vmand vm4, vm5;
	_ =	sdelay $0x5  }
0x479: {  	[tilespmem:v30+s13+$0x0] =	vst.idx.msk vm0, v60  }
0x47a: {  	v30 =	vld [tilespmem:s25+$0x410]  }
0x47b: {  	vm6 =	vlt.s32 v57, v19;
	vm7 =	vgt.s32 v58, v20  }
0x47c: {  	vm0 =	vmand vm6, vm7;
	_ =	sdelay $0x5  }
0x47d: {  	[tilespmem:v30+s13+$0x0] =	vst.idx.msk vm0, v60  }
0x47e: {  	v30 =	vld [tilespmem:s25+$0x420]  }
0x47f: {  	vm8 =	vlt.s32 v57, v21;
	vm9 =	vgt.s32 v58, v22  }
0x480: {  	vm0 =	vmand vm8, vm9;
	_ =	sdelay $0x5  }
0x481: {  	[tilespmem:v30+s13+$0x0] =	vst.idx.msk vm0, v60  }
0x482: {  	v30 =	vld [tilespmem:s25+$0x430]  }
0x483: {  	vm10 =	vlt.s32 v57, v23;
	vm11 =	vgt.s32 v58, v24  }
0x484: {  	vm0 =	vmand vm10, vm11;
	_ =	sdelay $0x5  }
0x485: {  	[tilespmem:v30+s13+$0x0] =	vst.idx.msk vm0, v60  }
0x486: {  	v30 =	vld [tilespmem:s25+$0x438]  }
0x487: {  	vm12 =	vlt.s32 v57, v25;
	vm13 =	vgt.s32 v58, v26  }
0x488: {  	vm0 =	vmand vm12, vm13;
	_ =	sdelay $0x4  }
0x489: {  	s30 =	rddreg [dreg:$0x4]  }
0x48a: {  	s26 =	sadd.s32 s24, s30;
	[tilespmem:v30+s13+$0x0] =	vst.idx.msk vm0, v60  }
0x48b: {  	[hbm4b:s26+s10] =	stream.strided.scatter [tilespmem:s13], [sflag:$0x3], $0x400, s11, s10, $0x38;
	[tilespmem:$0xD000] =	vst v63  }
0x48c: {  	_ =	swait.ge [sflag:s18], $0x400  }
0x48d: {  	[sflag:s18] =	ssyncset.done $0x0  }
0x48e: {  	v61 =	vbroadcast v27, $0xE;
	v27 =	vbroadcast v27, $0xF;
	[sflag:s18] =	ssyncadd.s32 $0xFFFFFC00  }
0x48f: {  	v62 =	vld [tilespmem:s25+$0x0]  }
0x490: {  	vm14 =	vlt.s32 v61, v2;
	vm15 =	vgt.s32 v27, v0  }
0x491: {  	vm0 =	vmand vm14, vm15;
	_ =	sdelay $0x4  }
0x492: {  	v63 =	vmov s21  }
0x493: {  	[tilespmem:v62+s14+$0x0] =	vst.idx.msk vm0, v63  }
0x494: {  	v29 =	vld [tilespmem:s25+$0x10]  }
0x495: {  	vm4 =	vlt.s32 v61, v3;
	vm5 =	vgt.s32 v27, v4  }
0x496: {  	vm0 =	vmand vm4, vm5;
	_ =	sdelay $0x5  }
0x497: {  	[tilespmem:v29+s14+$0x0] =	vst.idx.msk vm0, v63  }
0x498: {  	v29 =	vld [tilespmem:s25+$0x20]  }
0x499: {  	vm6 =	vlt.s32 v61, v5;
	vm7 =	vgt.s32 v27, v6  }
0x49a: {  	vm0 =	vmand vm6, vm7;
	_ =	sdelay $0x5  }
0x49b: {  	[tilespmem:v29+s14+$0x0] =	vst.idx.msk vm0, v63  }
0x49c: {  	v29 =	vld [tilespmem:s25+$0x30]  }
0x49d: {  	vm8 =	vlt.s32 v61, v7;
	vm9 =	vgt.s32 v27, v8  }
0x49e: {  	vm0 =	vmand vm8, vm9;
	_ =	sdelay $0x5  }
0x49f: {  	[tilespmem:v29+s14+$0x0] =	vst.idx.msk vm0, v63  }
0x4a0: {  	v29 =	vld [tilespmem:s25+$0x40]  }
0x4a1: {  	vm10 =	vlt.s32 v61, v9;
	vm11 =	vgt.s32 v27, v10  }
0x4a2: {  	vm0 =	vmand vm10, vm11;
	_ =	sdelay $0x5  }
0x4a3: {  	[tilespmem:v29+s14+$0x0] =	vst.idx.msk vm0, v63  }
0x4a4: {  	v29 =	vld [tilespmem:s25+$0x50]  }
0x4a5: {  	vm12 =	vlt.s32 v61, v11;
	vm13 =	vgt.s32 v27, v12  }
0x4a6: {  	vm0 =	vmand vm12, vm13;
	_ =	sdelay $0x5  }
0x4a7: {  	[tilespmem:v29+s14+$0x0] =	vst.idx.msk vm0, v63  }
0x4a8: {  	v29 =	vld [tilespmem:s25+$0x60]  }
0x4a9: {  	vm14 =	vlt.s32 v61, v13;
	vm15 =	vgt.s32 v27, v14  }
0x4aa: {  	vm0 =	vmand vm14, vm15;
	_ =	sdelay $0x5  }
0x4ab: {  	[tilespmem:v29+s14+$0x0] =	vst.idx.msk vm0, v63  }
0x4ac: {  	v29 =	vld [tilespmem:s25+$0x70]  }
0x4ad: {  	vm4 =	vlt.s32 v61, v15;
	vm5 =	vgt.s32 v27, v16  }
0x4ae: {  	vm0 =	vmand vm4, vm5;
	_ =	sdelay $0x5  }
0x4af: {  	[tilespmem:v29+s14+$0x0] =	vst.idx.msk vm0, v63  }
0x4b0: {  	v29 =	vld [tilespmem:s25+$0x400]  }
0x4b1: {  	vm6 =	vlt.s32 v61, v17;
	vm7 =	vgt.s32 v27, v18  }
0x4b2: {  	vm0 =	vmand vm6, vm7;
	_ =	sdelay $0x5  }
0x4b3: {  	[tilespmem:v29+s14+$0x0] =	vst.idx.msk vm0, v63  }
0x4b4: {  	v29 =	vld [tilespmem:s25+$0x410]  }
0x4b5: {  	vm8 =	vlt.s32 v61, v19;
	vm9 =	vgt.s32 v27, v20  }
0x4b6: {  	vm0 =	vmand vm8, vm9;
	_ =	sdelay $0x5  }
0x4b7: {  	[tilespmem:v29+s14+$0x0] =	vst.idx.msk vm0, v63  }
0x4b8: {  	v29 =	vld [tilespmem:s25+$0x420]  }
0x4b9: {  	vm10 =	vlt.s32 v61, v21;
	vm11 =	vgt.s32 v27, v22  }
0x4ba: {  	vm0 =	vmand vm10, vm11;
	_ =	sdelay $0x5  }
0x4bb: {  	[tilespmem:v29+s14+$0x0] =	vst.idx.msk vm0, v63  }
0x4bc: {  	v29 =	vld [tilespmem:s25+$0x430]  }
0x4bd: {  	vm12 =	vlt.s32 v61, v23;
	vm13 =	vgt.s32 v27, v24  }
0x4be: {  	vm0 =	vmand vm12, vm13;
	_ =	sdelay $0x5  }
0x4bf: {  	[tilespmem:v29+s14+$0x0] =	vst.idx.msk vm0, v63  }
0x4c0: {  	v29 =	vld [tilespmem:s25+$0x438]  }
0x4c1: {  	vm14 =	vlt.s32 v61, v25;
	vm15 =	vgt.s32 v27, v26  }
0x4c2: {  	s31 =	rddreg [dreg:$0x3];
	vm0 =	vmand vm14, vm15  }
0x4c3: {  	s25 =	sadd.s32 s24, s31;
	s24 =	sadd.s32 $0x800, s24  }
0x4c4: {  	p0 =	sne.s32 s24, $0x40000  }
.Ltmp0:
0x4c5: {  	_ = 	snop;
	(pc) =	sbr.rel @p0 .LBB2_2-.Ltmp0, $4  }
0x4c6: {  	_ = 	snop  }
0x4c7: {  	s23 =	sadd.s32 $0x100, s23  }
0x4c8: {  	s22 =	sadd.s32 $0x80, s22;
	s20 =	sadd.s32 $0x80, s20;
	s21 =	sadd.s32 $0x10, s21;
	[tilespmem:v29+s14+$0x0] =	vst.idx.msk vm0, v63  }
0x4c9: {  	[hbm4b:s25+s10] =	stream.strided.scatter [tilespmem:s14], [sflag:$0x4], $0x400, s11, s10, $0x38;
	[tilespmem:$0xD000] =	vst v63  }
0x4ca: {  	_ =	swait.ge [sflag:s15], $0x400  }
0x4cb: {  	[sflag:s15] =	ssyncset.done $0x0  }
0x4cc: {  	[sflag:s15] =	ssyncadd.s32 $0xFFFFFC00  }
0x4cd: {  	_ =	swait.ge [sflag:s16], $0x400  }
0x4ce: {  	[sflag:s16] =	ssyncset.done $0x0  }
0x4cf: {  	s19 =	sadd.s32 $0x1, s19;
	[sflag:s16] =	ssyncadd.s32 $0xFFFFFC00  }
0x4d0: {  	p0 =	sne.s32 s19, s6;
	_ =	swait.ge [sflag:s17], $0x400  }
.Ltmp1:
0x4d1: {  	[sflag:s17] =	ssyncset.done $0x0;
	(pc) =	sbr.rel @p0 .LBB2_1-.Ltmp1, $4  }
0x4d2: {  	[sflag:s17] =	ssyncadd.s32 $0xFFFFFC00  }
0x4d3: {  	_ =	swait.ge [sflag:s18], $0x400  }
0x4d4: {  	[sflag:s18] =	ssyncset.done $0x0  }
0x4d5: {  	[sflag:s18] =	ssyncadd.s32 $0xFFFFFC00  }
0x4d6: {  	_ =	sfence.sel $0x180000  }
0x4d7: {  	[bflag:$0x0] =	sbarrier.arrive $0xFFFF  }
0x4d8: {  	p0 =	sne.s32 s0, $0x0;
	_ =	strace $0x90000047  }
0x4d9: {  	s0 =	sadd.s32 @!p0 $0x100000, s1;
	[bflag:$0x2] =	sbarrier.arrive $0xFFFF  }
0x4da: {  	[sflag:s0] =	ssyncadd.tile.s32 @!p0 $0x1;
	_ =	shalt  }
.Lfunc_end2:
_tile_overlayer_lowered:
.L_overlay_start_2:
0x4db: {  	(tag) =	ssettag $0x2  }
0x4dc: {  	s0 =	rddreg [dreg:$0x0];
	s2 =	stileid.u32  }
0x4dd: {  	s1 =	rddreg [dreg:$0x1];
	p0 =	sne.s32 s2, $0x0  }
0x4de: {  	s3 =	rddreg [dreg:$0x2];
	[bflag:$0x3] =	sbarrier.arrive $0xFFFF;
	s2 =	simm.s32 @!p0 $0x1C05  }
0x4df: {  	[timem:s3], [sflag:s2] =	dma.local @!p0 [hbm:s0], s1  }
0x4e0: {  	s0 =	simm.s32 @!p0 $0x5  }
0x4e1: {  	_ =	swait.ge @!p0 [sflag:s0], s1  }
0x4e2: {  	s1 =	ssub.s32 @!p0 $0x0, s1;
	[sflag:s0] =	ssyncset.done @!p0 $0x0  }
0x4e3: {  	[sflag:s0] =	ssyncadd.s32 @!p0 s1  }
0x4e4: {  	[bflag:$0x3] =	sbarrier.arrive $0xFFFF  }
0x4e5: {  	_ =	shalt  }

</sc_bundles>
